<compile_context>
chip_gen: v7x
topology: tpu7x:2x2x1
jax: 0.10.2.dev20260603
libtpu: 0.0.44.dev20260713+nightly
codegen_flags: <defaults>
</compile_context>

<pallas_src>
import functools

import jax
import jax.numpy as jnp
from jax import lax
from jax.experimental import pallas as pl
from jax.experimental.pallas import tpu as pltpu
from jax.experimental.pallas import tpu_sc as plsc

N = 10000
D = 128
E = 320000
G = 256
NC = 2
NS = 16
K = 112
CH = 90
CH0 = 126
CH1 = 2 * CH - CH0
E_PAD = NC * NS * CH * K
NPAD = N + 8
RPT = 1000
RB = 2000
NRB = N // RB
EPS = 1e-5


_SC_MESH = plsc.VectorSubcoreMesh(core_axis_name="c", subcore_axis_name="s")


def _edge_pipeline(h_hbm, src_hbm, dst_hbm, n_chunks, s,
                   src_i, dst_i, rows_v, deg_l, agg_sh, gsem, ssem, isem):
    ones16 = jnp.ones((16,), jnp.float32)
    nj = n_chunks // 6

    def gather_wait(t, b):
        pltpu.make_async_copy(h_hbm.at[src_i[t]], rows_v[b], gsem[b]).wait()

    def scatter_wait(t, b):
        pltpu.make_async_copy(rows_v[b], agg_sh.at[dst_i[t]], ssem[b]).wait()

    pltpu.sync_copy(src_hbm.at[s, 0], src_i[0])
    pltpu.sync_copy(dst_hbm.at[s, 0], dst_i[0])
    pltpu.async_copy(h_hbm.at[src_i[0]], rows_v[0], gsem[0])

    def body(jj, carry):
        s_prev = None
        g_cur = None
        for u in range(6):
            j = jj * 6 + u
            b, bp = u % 2, 1 - u % 2
            t, tn = u % 3, (u + 1) % 3

            if u < 5:
                ia = pltpu.async_copy(src_hbm.at[s, j + 1], src_i[tn], isem)
                ib = pltpu.async_copy(dst_hbm.at[s, j + 1], dst_i[tn], isem)

            for k in range(K // 16):
                d16 = dst_i[t][pl.ds(k * 16, 16)]
                plsc.addupdate_scatter(deg_l, [d16], ones16)

            if g_cur is None:
                gather_wait(t, b)
            else:
                g_cur.wait()
            s_cur = pltpu.async_copy(rows_v[b], agg_sh.at[dst_i[t]], ssem[b],
                                     add=True)

            if s_prev is None:
                @pl.when(jj > 0)
                def _():
                    scatter_wait(2, 1)
            else:
                s_prev.wait()
            s_prev = s_cur

            if u < 5:
                ia.wait()
                ib.wait()
                g_cur = pltpu.async_copy(h_hbm.at[src_i[tn]], rows_v[bp],
                                         gsem[bp])
            else:
                @pl.when(jj < nj - 1)
                def _():
                    pltpu.async_copy(src_hbm.at[s, j + 1], src_i[tn],
                                     isem).wait()
                    pltpu.async_copy(dst_hbm.at[s, j + 1], dst_i[tn],
                                     isem).wait()
                    pltpu.async_copy(h_hbm.at[src_i[tn]], rows_v[bp], gsem[bp])
                g_cur = None
        return carry

    lax.fori_loop(0, nj, body, 0)
    scatter_wait(2, 1)


@functools.partial(
    pl.kernel,
    out_type=[
        jax.ShapeDtypeStruct((NC, N, D), jnp.float32),
        jax.ShapeDtypeStruct((NC * NS, NPAD), jnp.float32),
    ],
    mesh=_SC_MESH,
    scratch_types=[
        pltpu.VMEM((K,), jnp.int32),
        pltpu.VMEM((K,), jnp.int32),
        pltpu.VMEM((K,), jnp.int32),
        pltpu.VMEM((K,), jnp.int32),
        pltpu.VMEM((K,), jnp.int32),
        pltpu.VMEM((K,), jnp.int32),
        pltpu.VMEM((K, D), jnp.float32),
        pltpu.VMEM((K, D), jnp.float32),
        pltpu.VMEM((NPAD,), jnp.float32),
        pltpu.VMEM_SHARED((NPAD, D), jnp.float32),
        pltpu.SemaphoreType.DMA,
        pltpu.SemaphoreType.DMA,
        pltpu.SemaphoreType.DMA,
        pltpu.SemaphoreType.DMA,
        pltpu.SemaphoreType.DMA,
    ],
    compiler_params=pltpu.CompilerParams(needs_layout_passes=False),
)
def _sc_gather_scatter(h_hbm, src0_hbm, dst0_hbm, src1_hbm, dst1_hbm,
                       zrows_hbm, zdeg_hbm,
                       agg_out, deg_out,
                       src_i0, src_i1, src_i2, dst_i0, dst_i1, dst_i2,
                       rows_v0, rows_v1, deg_l, agg_sh,
                       gsem0, gsem1, ssem0, ssem1, isem):
    c = lax.axis_index("c")
    s = lax.axis_index("s")
    src_i = (src_i0, src_i1, src_i2)
    dst_i = (dst_i0, dst_i1, dst_i2)
    rows_v = (rows_v0, rows_v1)
    gsem = (gsem0, gsem1)
    ssem = (ssem0, ssem1)

    @pl.when(s < N // RPT)
    def _():
        pltpu.sync_copy(zrows_hbm, agg_sh.at[pl.ds(s * RPT, RPT)])

    pltpu.sync_copy(zdeg_hbm, deg_l)
    plsc.subcore_barrier()

    @pl.when(c == 0)
    def _():
        _edge_pipeline(h_hbm, src0_hbm, dst0_hbm, CH0, s,
                       src_i, dst_i, rows_v, deg_l, agg_sh, gsem, ssem, isem)

    @pl.when(c == 1)
    def _():
        _edge_pipeline(h_hbm, src1_hbm, dst1_hbm, CH1, s,
                       src_i, dst_i, rows_v, deg_l, agg_sh, gsem, ssem, isem)

    plsc.subcore_barrier()

    @pl.when(s < N // RPT)
    def _():
        pltpu.sync_copy(agg_sh.at[pl.ds(s * RPT, RPT)],
                        agg_out.at[c, pl.ds(s * RPT, RPT)])

    pltpu.sync_copy(deg_l, deg_out.at[c * NS + s])


def _proj_body(x_ref, w_ref, b_ref, o_ref):
    o_ref[...] = jnp.dot(x_ref[...], w_ref[...],
                         preferred_element_type=jnp.float32) + b_ref[...]


def _sage_block(agg_ref, deg_ref, h_ref, wl_ref, wr_ref, bl_ref, g_ref, be_ref):
    a = agg_ref[0] + agg_ref[1]
    deg = jnp.maximum(jnp.sum(deg_ref[0], axis=0), 1.0)
    a = a / deg[:, None]
    t = (jnp.dot(a, wl_ref[...], preferred_element_type=jnp.float32)
         + jnp.dot(h_ref[...], wr_ref[...], preferred_element_type=jnp.float32)
         + bl_ref[...])
    t = jnp.where(t > 0, t, jnp.exp(jnp.minimum(t, 0.0)) - 1.0)
    mu = jnp.mean(t, axis=-1, keepdims=True)
    var = jnp.mean((t - mu) ** 2, axis=-1, keepdims=True)
    return (t - mu) / jnp.sqrt(var + EPS) * g_ref[...] + be_ref[...]


def _combine_body(agg_ref, deg_ref, h_ref, wl_ref, wr_ref, bl_ref, g_ref,
                  be_ref, o_ref):
    o_ref[...] = _sage_block(agg_ref, deg_ref, h_ref, wl_ref, wr_ref, bl_ref,
                             g_ref, be_ref)


def _combine_pool_body(agg_ref, deg_ref, h_ref, wl_ref, wr_ref, bl_ref, g_ref,
                       be_ref, batch_ref, wmt_ref, bmt_ref, o_ref,
                       sum_acc, cnt_acc):
    i = pl.program_id(0)

    @pl.when(i == 0)
    def _():
        sum_acc[...] = jnp.zeros_like(sum_acc)
        cnt_acc[...] = jnp.zeros_like(cnt_acc)

    hh = _sage_block(agg_ref, deg_ref, h_ref, wl_ref, wr_ref, bl_ref, g_ref,
                     be_ref)
    gi = lax.broadcasted_iota(jnp.int32, (G, RB), 0)
    oh = (batch_ref[0, 0, :][None, :] == gi).astype(jnp.float32)
    sum_acc[...] += jnp.dot(oh, hh, preferred_element_type=jnp.float32)
    cnt_acc[...] += jnp.broadcast_to(jnp.sum(oh, axis=1, keepdims=True), (G, D))

    @pl.when(i == NRB - 1)
    def _():
        emb = sum_acc[...] / jnp.maximum(cnt_acc[...], 1.0)
        o_ref[...] = jnp.dot(emb, wmt_ref[...],
                             preferred_element_type=jnp.float32) + bmt_ref[...]


_ROW_SPECS = [
    pl.BlockSpec((2, RB, D), lambda i: (0, i, 0)),
    pl.BlockSpec((1, NC * NS, RB), lambda i: (i, 0, 0)),
    pl.BlockSpec((RB, D), lambda i: (i, 0)),
    pl.BlockSpec((D, D), lambda i: (0, 0)),
    pl.BlockSpec((D, D), lambda i: (0, 0)),
    pl.BlockSpec((1, D), lambda i: (0, 0)),
    pl.BlockSpec((1, D), lambda i: (0, 0)),
    pl.BlockSpec((1, D), lambda i: (0, 0)),
]

_proj = pl.pallas_call(
    _proj_body,
    grid=(NRB,),
    in_specs=[
        pl.BlockSpec((RB, D), lambda i: (i, 0)),
        pl.BlockSpec((D, D), lambda i: (0, 0)),
        pl.BlockSpec((1, D), lambda i: (0, 0)),
    ],
    out_specs=pl.BlockSpec((RB, D), lambda i: (i, 0)),
    out_shape=jax.ShapeDtypeStruct((N, D), jnp.float32),
)

_combine = pl.pallas_call(
    _combine_body,
    grid=(NRB,),
    in_specs=_ROW_SPECS,
    out_specs=pl.BlockSpec((RB, D), lambda i: (i, 0)),
    out_shape=jax.ShapeDtypeStruct((N, D), jnp.float32),
)

_combine_pool = pl.pallas_call(
    _combine_pool_body,
    grid=(NRB,),
    in_specs=_ROW_SPECS + [
        pl.BlockSpec((1, 1, RB), lambda i: (i, 0, 0)),
        pl.BlockSpec((D, D), lambda i: (0, 0)),
        pl.BlockSpec((1, D), lambda i: (0, 0)),
    ],
    out_specs=pl.BlockSpec((G, D), lambda i: (0, 0)),
    out_shape=jax.ShapeDtypeStruct((G, D), jnp.float32),
    scratch_shapes=[
        pltpu.VMEM((G, D), jnp.float32),
        pltpu.VMEM((G, D), jnp.float32),
    ],
)


def kernel(x_operator, edge_index_calledby, batch_operator, W_op, b_op,
           W_l, b_l, W_r, gamma, beta, W_mem, b_mem, W_time, b_time):
    src = edge_index_calledby[0].astype(jnp.int32)
    dst = edge_index_calledby[1].astype(jnp.int32)
    pad = E_PAD - E
    e0 = NS * CH0 * K
    src_p = jnp.concatenate([src, jnp.zeros((pad,), jnp.int32)])
    src0 = src_p[:e0].reshape(NS, CH0, K)
    src1 = src_p[e0:].reshape(NS, CH1, K)
    dst_p = jnp.concatenate([dst, jnp.full((pad,), N, jnp.int32)])
    dst0 = dst_p[:e0].reshape(NS, CH0, K)
    dst1 = dst_p[e0:].reshape(NS, CH1, K)
    batch3 = batch_operator.astype(jnp.int32).reshape(NRB, 1, RB)

    zrows = jnp.zeros((RPT, D), jnp.float32)
    zdeg = jnp.zeros((NPAD,), jnp.float32)

    b_op2 = b_op.reshape(1, D)
    bl2 = b_l.reshape(1, D)
    g2 = gamma.reshape(1, D)
    be2 = beta.reshape(1, D)
    wmt = jnp.zeros((D, D), jnp.float32)
    wmt = wmt.at[:, 0].set(W_mem[:, 0]).at[:, 1].set(W_time[:, 0])
    bmt = jnp.zeros((1, D), jnp.float32)
    bmt = bmt.at[0, 0].set(b_mem[0]).at[0, 1].set(b_time[0])

    h0 = _proj(x_operator, W_op, b_op2)
    aggp1, degp = _sc_gather_scatter(h0, src0, dst0, src1, dst1, zrows, zdeg)
    deg3 = degp[:, :N].reshape(NC * NS, NRB, RB).transpose(1, 0, 2)
    h1 = _combine(aggp1, deg3, h0, W_l, W_r, bl2, g2, be2)
    aggp2, _ = _sc_gather_scatter(h1, src0, dst0, src1, dst1, zrows, zdeg)
    out = _combine_pool(aggp2, deg3, h1, W_l, W_r, bl2, g2, be2,
                        batch3, wmt, bmt)
    return out[:, 0], out[:, 1]

# --- scband reference (transcript-rebuilt; emitter-appended) ---
"""Pipeline reference for scband-hetero-graph-sage-52974126629631 (READ-ONLY COPY).

The authoritative reference and input builder live on the scoring server;
editing this copy changes nothing except your own understanding.
"""

import jax, jax.numpy as jnp
import numpy as np

N_NODES = 10000
N_EDGES = 320000
D_FEAT = 128
HIDDEN = 128
OUT = 1
NUM_LAYERS = 2
NUM_GRAPHS = 256

def setup_inputs(seed: int = 0) -> dict:
    key = jax.random.key(seed)
    ks = jax.random.split(key, 16)
    x_operator = jax.random.normal(ks[0], (N_NODES, D_FEAT), dtype=jnp.float32)
    edge_index_calledby = jax.random.randint(ks[1], (2, N_EDGES), 0, N_NODES, dtype=jnp.int64)
    batch_operator = jnp.sort(jax.random.randint(ks[2], (N_NODES,), 0, NUM_GRAPHS, dtype=jnp.int64))
    s = 0.05
    W_op = jax.random.normal(ks[3], (D_FEAT, HIDDEN), dtype=jnp.float32) * s
    b_op = jnp.zeros((HIDDEN,), dtype=jnp.float32)
    W_l = jax.random.normal(ks[4], (HIDDEN, HIDDEN), dtype=jnp.float32) * s
    b_l = jnp.zeros((HIDDEN,), dtype=jnp.float32)
    W_r = jax.random.normal(ks[5], (HIDDEN, HIDDEN), dtype=jnp.float32) * s
    gamma = jnp.ones((HIDDEN,), dtype=jnp.float32)
    beta = jnp.zeros((HIDDEN,), dtype=jnp.float32)
    W_mem = jax.random.normal(ks[6], (HIDDEN, OUT), dtype=jnp.float32) * s
    b_mem = jnp.zeros((OUT,), dtype=jnp.float32)
    W_time = jax.random.normal(ks[7], (HIDDEN, OUT), dtype=jnp.float32) * s
    b_time = jnp.zeros((OUT,), dtype=jnp.float32)
    return {"x_operator": x_operator, "edge_index_calledby": edge_index_calledby,
            "batch_operator": batch_operator, "W_op": W_op, "b_op": b_op,
            "W_l": W_l, "b_l": b_l, "W_r": W_r, "gamma": gamma, "beta": beta,
            "W_mem": W_mem, "b_mem": b_mem, "W_time": W_time, "b_time": b_time}

def _layernorm(h, gamma, beta, eps=1e-5):
    mu = jnp.mean(h, axis=-1, keepdims=True)
    var = jnp.mean((h - mu) ** 2, axis=-1, keepdims=True)
    return (h - mu) / jnp.sqrt(var + eps) * gamma + beta

def reference(x_operator, edge_index_calledby, batch_operator, W_op, b_op,
              W_l, b_l, W_r, gamma, beta, W_mem, b_mem, W_time, b_time):
    # lin_operator projection
    h = x_operator @ W_op + b_op
    src = edge_index_calledby[0]
    dst = edge_index_calledby[1]
    ones_e = jnp.ones((src.shape[0],), dtype=h.dtype)
    deg = jax.ops.segment_sum(ones_e, dst, num_segments=N_NODES)
    deg = jnp.clip(deg, 1.0, None)[:, None]
    # self.conv is a single shared SAGEConv applied num_layers times
    for _ in range(NUM_LAYERS):
        msg = jnp.take(h, src, axis=0)  # gather source features
        agg = jax.ops.segment_sum(msg, dst, num_segments=N_NODES) / deg  # scatter-add mean
        h = agg @ W_l + b_l + h @ W_r  # SAGEConv: lin_l(aggr) + lin_r(x)
        h = jax.nn.elu(h)
        h = _layernorm(h, gamma, beta)
        # dropout is identity in eval mode
    # global mean pool over batch_operator
    pool_sum = jax.ops.segment_sum(h, batch_operator, num_segments=NUM_GRAPHS)
    pool_cnt = jax.ops.segment_sum(jnp.ones((N_NODES,), dtype=h.dtype), batch_operator, num_segments=NUM_GRAPHS)
    emb = pool_sum / jnp.clip(pool_cnt, 1.0, None)[:, None]
    mem_pred = (emb @ W_mem + b_mem).squeeze(-1)
    time_pred = (emb @ W_time + b_time).squeeze(-1)
    return (mem_pred, time_pred)

if __name__ == "__main__":
    import jax
    _d = setup_inputs()
    print(jax.jit(kernel)(*tuple(_d.values())))

</pallas_src>

<mosaic_0001>
#map = affine_map<(d0, d1) -> (0, 0)>
#map1 = affine_map<(d0, d1) -> (0, 0, 0)>
#map2 = affine_map<(d0, d1) -> (0)>
module attributes {stable_mosaic.version = 14 : i64} {
  func.func @_sc_gather_scatter(%arg0: i32, %arg1: i32, %arg2: memref<10000x128xf32, #tpu.memory_space<hbm>>, %arg3: memref<16x126x112xi32, #tpu.memory_space<hbm>>, %arg4: memref<16x126x112xi32, #tpu.memory_space<hbm>>, %arg5: memref<16x54x112xi32, #tpu.memory_space<hbm>>, %arg6: memref<16x54x112xi32, #tpu.memory_space<hbm>>, %arg7: memref<1000x128xf32, #tpu.memory_space<hbm>>, %arg8: memref<10008xf32, #tpu.memory_space<hbm>>, %arg9: memref<2x10000x128xf32, #tpu.memory_space<hbm>>, %arg10: memref<32x10008xf32, #tpu.memory_space<hbm>>, %arg11: memref<112xi32, #tpu.memory_space<vmem>>, %arg12: memref<112xi32, #tpu.memory_space<vmem>>, %arg13: memref<112xi32, #tpu.memory_space<vmem>>, %arg14: memref<112xi32, #tpu.memory_space<vmem>>, %arg15: memref<112xi32, #tpu.memory_space<vmem>>, %arg16: memref<112xi32, #tpu.memory_space<vmem>>, %arg17: memref<112x128xf32, #tpu.memory_space<vmem>>, %arg18: memref<112x128xf32, #tpu.memory_space<vmem>>, %arg19: memref<10008xf32, #tpu.memory_space<vmem>>, %arg20: memref<10008x128xf32, #tpu.memory_space<vmem_shared>>, %arg21: memref<!tpu.dma_semaphore, #tpu.memory_space<semaphore_mem>>, %arg22: memref<!tpu.dma_semaphore, #tpu.memory_space<semaphore_mem>>, %arg23: memref<!tpu.dma_semaphore, #tpu.memory_space<semaphore_mem>>, %arg24: memref<!tpu.dma_semaphore, #tpu.memory_space<semaphore_mem>>, %arg25: memref<!tpu.dma_semaphore, #tpu.memory_space<semaphore_mem>>) attributes {dimension_semantics = [#tpu.dimension_semantics<core_parallel>, #tpu.dimension_semantics<subcore_parallel>], iteration_bounds = array<i64: 2, 16>, scalar_prefetch = 0 : i64, scratch_operands = 15 : i64, tpu.core_type = #tpu.core_type<sc_vector_subcore>, window_params = [{transform_indices = #map}, {transform_indices = #map1}, {transform_indices = #map1}, {transform_indices = #map1}, {transform_indices = #map1}, {transform_indices = #map}, {transform_indices = #map2}, {transform_indices = #map1}, {transform_indices = #map}]} {
    %lt3A = arith.constant 10 : i32
    %lt3A_0 = arith.cmpi slt, %arg1, %lt3A : i32
    %convert_element_type3A = arith.extui %lt3A_0 : i1 to i32
    %cond3A = arith.constant 0 : i32
    %cond3A_1 = arith.cmpi ne, %convert_element_type3A, %cond3A : i32
    scf.if %cond3A_1 {
      %mul3A_18 = arith.constant 1000 : i32
      %mul3A_19 = arith.muli %arg1, %mul3A_18 : i32
      "tpu.region"() ({
        %run_scoped3A = tpu.sem_alloc : memref<!tpu.dma_semaphore, #tpu.memory_space<semaphore_mem>>
        %dma_start3A = arith.constant 0 : i32
        %dma_start3A_20 = tpu.memref_slice %arg20[%mul3A_19, %dma_start3A] : memref<10008x128xf32, #tpu.memory_space<vmem_shared>> -> memref<1000x128xf32, #tpu.memory_space<vmem_shared>>
        tpu.enqueue_dma source(%arg7 : memref<1000x128xf32, #tpu.memory_space<hbm>>) target(%dma_start3A_20 : memref<1000x128xf32, #tpu.memory_space<vmem_shared>>) target_semaphore(%run_scoped3A : memref<!tpu.dma_semaphore, #tpu.memory_space<semaphore_mem>>)
        %dma_wait3A = arith.constant 0 : i32
        %dma_wait3A_21 = tpu.memref_slice %arg20[%mul3A_19, %dma_wait3A] : memref<10008x128xf32, #tpu.memory_space<vmem_shared>> -> memref<1000x128xf32, #tpu.memory_space<vmem_shared>>
        tpu.wait_dma2 semaphore(%run_scoped3A : memref<!tpu.dma_semaphore, #tpu.memory_space<semaphore_mem>>) src(%arg7 : memref<1000x128xf32, #tpu.memory_space<hbm>>) dst(%dma_wait3A_21 : memref<1000x128xf32, #tpu.memory_space<vmem_shared>>)
        tpu.yield
      }) : () -> ()
    } else {
    }
    "tpu.region"() ({
      %run_scoped3A = tpu.sem_alloc : memref<!tpu.dma_semaphore, #tpu.memory_space<semaphore_mem>>
      tpu.enqueue_dma source(%arg8 : memref<10008xf32, #tpu.memory_space<hbm>>) target(%arg19 : memref<10008xf32, #tpu.memory_space<vmem>>) target_semaphore(%run_scoped3A : memref<!tpu.dma_semaphore, #tpu.memory_space<semaphore_mem>>)
      tpu.wait_dma2 semaphore(%run_scoped3A : memref<!tpu.dma_semaphore, #tpu.memory_space<semaphore_mem>>) src(%arg8 : memref<10008xf32, #tpu.memory_space<hbm>>) dst(%arg19 : memref<10008xf32, #tpu.memory_space<vmem>>)
      tpu.yield
    }) : () -> ()
    %barrier3A = arith.constant 0 : index
    tpu.barrier barrier_id(%barrier3A)
    %eq3A = arith.constant 0 : i32
    %eq3A_2 = arith.cmpi eq, %arg0, %eq3A : i32
    %convert_element_type3A_3 = arith.extui %eq3A_2 : i1 to i32
    %cond3A_4 = arith.constant 0 : i32
    %cond3A_5 = arith.cmpi ne, %convert_element_type3A_3, %cond3A_4 : i32
    scf.if %cond3A_5 {
      %broadcast_in_dim3A = arith.constant 1.000000e+00 : f32
      %broadcast_in_dim3A_18 = vector.broadcast %broadcast_in_dim3A : f32 to vector<16xf32>
      %run_scoped3A = arith.constant 0 : i32
      "tpu.region"() ({
        %run_scoped3A_29 = tpu.sem_alloc : memref<!tpu.dma_semaphore, #tpu.memory_space<semaphore_mem>>
        %dma_start3A_30 = arith.constant 0 : i32
        %dma_start3A_31 = tpu.memref_slice %arg3[%arg1, %run_scoped3A, %dma_start3A_30] : memref<16x126x112xi32, #tpu.memory_space<hbm>> -> memref<1x1x112xi32, #tpu.memory_space<hbm>>
        %dma_start3A_32 = tpu.memref_squeeze %dma_start3A_31 : memref<1x1x112xi32, #tpu.memory_space<hbm>> -> memref<112xi32, #tpu.memory_space<hbm>>
        %dma_start3A_33 = arith.constant 0 : i32
        %dma_start3A_34 = tpu.memref_slice %arg3[%arg1, %run_scoped3A, %dma_start3A_33] : memref<16x126x112xi32, #tpu.memory_space<hbm>> -> memref<1x1x112xi32, #tpu.memory_space<hbm>>
        %dma_start3A_35 = tpu.memref_squeeze %dma_start3A_34 : memref<1x1x112xi32, #tpu.memory_space<hbm>> -> memref<112xi32, #tpu.memory_space<hbm>>
        tpu.enqueue_dma source(%dma_start3A_35 : memref<112xi32, #tpu.memory_space<hbm>>) target(%arg11 : memref<112xi32, #tpu.memory_space<vmem>>) target_semaphore(%run_scoped3A_29 : memref<!tpu.dma_semaphore, #tpu.memory_space<semaphore_mem>>)
        %dma_wait3A_36 = arith.constant 0 : i32
        %dma_wait3A_37 = tpu.memref_slice %arg3[%arg1, %run_scoped3A, %dma_wait3A_36] : memref<16x126x112xi32, #tpu.memory_space<hbm>> -> memref<1x1x112xi32, #tpu.memory_space<hbm>>
        %dma_wait3A_38 = tpu.memref_squeeze %dma_wait3A_37 : memref<1x1x112xi32, #tpu.memory_space<hbm>> -> memref<112xi32, #tpu.memory_space<hbm>>
        %dma_wait3A_39 = arith.constant 0 : i32
        %dma_wait3A_40 = tpu.memref_slice %arg3[%arg1, %run_scoped3A, %dma_wait3A_39] : memref<16x126x112xi32, #tpu.memory_space<hbm>> -> memref<1x1x112xi32, #tpu.memory_space<hbm>>
        %dma_wait3A_41 = tpu.memref_squeeze %dma_wait3A_40 : memref<1x1x112xi32, #tpu.memory_space<hbm>> -> memref<112xi32, #tpu.memory_space<hbm>>
        tpu.wait_dma2 semaphore(%run_scoped3A_29 : memref<!tpu.dma_semaphore, #tpu.memory_space<semaphore_mem>>) src(%dma_wait3A_41 : memref<112xi32, #tpu.memory_space<hbm>>) dst(%arg11 : memref<112xi32, #tpu.memory_space<vmem>>)
        tpu.yield
      }) : () -> ()
      %run_scoped3A_19 = arith.constant 0 : i32
      "tpu.region"() ({
        %run_scoped3A_29 = tpu.sem_alloc : memref<!tpu.dma_semaphore, #tpu.memory_space<semaphore_mem>>
        %dma_start3A_30 = arith.constant 0 : i32
        %dma_start3A_31 = tpu.memref_slice %arg4[%arg1, %run_scoped3A_19, %dma_start3A_30] : memref<16x126x112xi32, #tpu.memory_space<hbm>> -> memref<1x1x112xi32, #tpu.memory_space<hbm>>
        %dma_start3A_32 = tpu.memref_squeeze %dma_start3A_31 : memref<1x1x112xi32, #tpu.memory_space<hbm>> -> memref<112xi32, #tpu.memory_space<hbm>>
        %dma_start3A_33 = arith.constant 0 : i32
        %dma_start3A_34 = tpu.memref_slice %arg4[%arg1, %run_scoped3A_19, %dma_start3A_33] : memref<16x126x112xi32, #tpu.memory_space<hbm>> -> memref<1x1x112xi32, #tpu.memory_space<hbm>>
        %dma_start3A_35 = tpu.memref_squeeze %dma_start3A_34 : memref<1x1x112xi32, #tpu.memory_space<hbm>> -> memref<112xi32, #tpu.memory_space<hbm>>
        tpu.enqueue_dma source(%dma_start3A_35 : memref<112xi32, #tpu.memory_space<hbm>>) target(%arg14 : memref<112xi32, #tpu.memory_space<vmem>>) target_semaphore(%run_scoped3A_29 : memref<!tpu.dma_semaphore, #tpu.memory_space<semaphore_mem>>)
        %dma_wait3A_36 = arith.constant 0 : i32
        %dma_wait3A_37 = tpu.memref_slice %arg4[%arg1, %run_scoped3A_19, %dma_wait3A_36] : memref<16x126x112xi32, #tpu.memory_space<hbm>> -> memref<1x1x112xi32, #tpu.memory_space<hbm>>
        %dma_wait3A_38 = tpu.memref_squeeze %dma_wait3A_37 : memref<1x1x112xi32, #tpu.memory_space<hbm>> -> memref<112xi32, #tpu.memory_space<hbm>>
        %dma_wait3A_39 = arith.constant 0 : i32
        %dma_wait3A_40 = tpu.memref_slice %arg4[%arg1, %run_scoped3A_19, %dma_wait3A_39] : memref<16x126x112xi32, #tpu.memory_space<hbm>> -> memref<1x1x112xi32, #tpu.memory_space<hbm>>
        %dma_wait3A_41 = tpu.memref_squeeze %dma_wait3A_40 : memref<1x1x112xi32, #tpu.memory_space<hbm>> -> memref<112xi32, #tpu.memory_space<hbm>>
        tpu.wait_dma2 semaphore(%run_scoped3A_29 : memref<!tpu.dma_semaphore, #tpu.memory_space<semaphore_mem>>) src(%dma_wait3A_41 : memref<112xi32, #tpu.memory_space<hbm>>) dst(%arg14 : memref<112xi32, #tpu.memory_space<vmem>>)
        tpu.yield
      }) : () -> ()
      %dma_start3A = arith.constant 0 : i32
      %dma_start3A_20 = arith.constant 0 : i32
      %dma_start3A_21 = tpu.memref_slice %arg2[%dma_start3A, %dma_start3A_20] : memref<10000x128xf32, #tpu.memory_space<hbm>> -> memref<10000x128xf32, #tpu.memory_space<hbm>>
      tpu.enqueue_indirect_dma source(%dma_start3A_21 : memref<10000x128xf32, #tpu.memory_space<hbm>>) target(%arg17 : memref<112x128xf32, #tpu.memory_space<vmem>>) offsets(%arg11 : memref<112xi32, #tpu.memory_space<vmem>>) semaphore(%arg21 : memref<!tpu.dma_semaphore, #tpu.memory_space<semaphore_mem>>)
      %scan3A = arith.constant 0 : i32
      %scan3A_22 = arith.constant 0 : i32
      %scan3A_23 = arith.constant 21 : i32
      %scan3A_24 = arith.addi %scan3A_22, %scan3A_23 : i32
      %scan3A_25 = arith.constant 1 : i32
      scf.for %scan3A_29 = %scan3A_22 to %scan3A_24 step %scan3A_25  : i32 {
        %mul3A_30 = arith.constant 6 : i32
        %mul3A_31 = arith.muli %scan3A_29, %mul3A_30 : i32
        %add3A_32 = arith.constant 0 : i32
        %add3A_33 = arith.addi %mul3A_31, %add3A_32 : i32
        %add3A_34 = arith.constant 1 : i32
        %add3A_35 = arith.addi %add3A_33, %add3A_34 : i32
        %dma_start3A_36 = arith.constant 0 : i32
        %dma_start3A_37 = tpu.memref_slice %arg3[%arg1, %add3A_35, %dma_start3A_36] : memref<16x126x112xi32, #tpu.memory_space<hbm>> -> memref<1x1x112xi32, #tpu.memory_space<hbm>>
        %dma_start3A_38 = tpu.memref_squeeze %dma_start3A_37 : memref<1x1x112xi32, #tpu.memory_space<hbm>> -> memref<112xi32, #tpu.memory_space<hbm>>
        %dma_start3A_39 = arith.constant 0 : i32
        %dma_start3A_40 = tpu.memref_slice %arg3[%arg1, %add3A_35, %dma_start3A_39] : memref<16x126x112xi32, #tpu.memory_space<hbm>> -> memref<1x1x112xi32, #tpu.memory_space<hbm>>
        %dma_start3A_41 = tpu.memref_squeeze %dma_start3A_40 : memref<1x1x112xi32, #tpu.memory_space<hbm>> -> memref<112xi32, #tpu.memory_space<hbm>>
        tpu.enqueue_dma source(%dma_start3A_41 : memref<112xi32, #tpu.memory_space<hbm>>) target(%arg12 : memref<112xi32, #tpu.memory_space<vmem>>) target_semaphore(%arg25 : memref<!tpu.dma_semaphore, #tpu.memory_space<semaphore_mem>>)
        %add3A_42 = arith.constant 1 : i32
        %add3A_43 = arith.addi %add3A_33, %add3A_42 : i32
        %dma_start3A_44 = arith.constant 0 : i32
        %dma_start3A_45 = tpu.memref_slice %arg4[%arg1, %add3A_43, %dma_start3A_44] : memref<16x126x112xi32, #tpu.memory_space<hbm>> -> memref<1x1x112xi32, #tpu.memory_space<hbm>>
        %dma_start3A_46 = tpu.memref_squeeze %dma_start3A_45 : memref<1x1x112xi32, #tpu.memory_space<hbm>> -> memref<112xi32, #tpu.memory_space<hbm>>
        %dma_start3A_47 = arith.constant 0 : i32
        %dma_start3A_48 = tpu.memref_slice %arg4[%arg1, %add3A_43, %dma_start3A_47] : memref<16x126x112xi32, #tpu.memory_space<hbm>> -> memref<1x1x112xi32, #tpu.memory_space<hbm>>
        %dma_start3A_49 = tpu.memref_squeeze %dma_start3A_48 : memref<1x1x112xi32, #tpu.memory_space<hbm>> -> memref<112xi32, #tpu.memory_space<hbm>>
        tpu.enqueue_dma source(%dma_start3A_49 : memref<112xi32, #tpu.memory_space<hbm>>) target(%arg15 : memref<112xi32, #tpu.memory_space<vmem>>) target_semaphore(%arg25 : memref<!tpu.dma_semaphore, #tpu.memory_space<semaphore_mem>>)
        %get3A = arith.constant 0 : index
        %get3A_50 = tpu.vector_load %arg14[%get3A] {strides = array<i32>} : memref<112xi32, #tpu.memory_space<vmem>>, vector<16xi32>,
        tpu.vector_store_idx %arg19[%get3A_50], %broadcast_in_dim3A_18 {add = true} : memref<10008xf32, #tpu.memory_space<vmem>>[vector<16xi32>], vector<16xf32>,
        %get3A_51 = arith.constant 16 : index
        %get3A_52 = tpu.vector_load %arg14[%get3A_51] {strides = array<i32>} : memref<112xi32, #tpu.memory_space<vmem>>, vector<16xi32>,
        tpu.vector_store_idx %arg19[%get3A_52], %broadcast_in_dim3A_18 {add = true} : memref<10008xf32, #tpu.memory_space<vmem>>[vector<16xi32>], vector<16xf32>,
        %get3A_53 = arith.constant 32 : index
        %get3A_54 = tpu.vector_load %arg14[%get3A_53] {strides = array<i32>} : memref<112xi32, #tpu.memory_space<vmem>>, vector<16xi32>,
        tpu.vector_store_idx %arg19[%get3A_54], %broadcast_in_dim3A_18 {add = true} : memref<10008xf32, #tpu.memory_space<vmem>>[vector<16xi32>], vector<16xf32>,
        %get3A_55 = arith.constant 48 : index
        %get3A_56 = tpu.vector_load %arg14[%get3A_55] {strides = array<i32>} : memref<112xi32, #tpu.memory_space<vmem>>, vector<16xi32>,
        tpu.vector_store_idx %arg19[%get3A_56], %broadcast_in_dim3A_18 {add = true} : memref<10008xf32, #tpu.memory_space<vmem>>[vector<16xi32>], vector<16xf32>,
        %get3A_57 = arith.constant 64 : index
        %get3A_58 = tpu.vector_load %arg14[%get3A_57] {strides = array<i32>} : memref<112xi32, #tpu.memory_space<vmem>>, vector<16xi32>,
        tpu.vector_store_idx %arg19[%get3A_58], %broadcast_in_dim3A_18 {add = true} : memref<10008xf32, #tpu.memory_space<vmem>>[vector<16xi32>], vector<16xf32>,
        %get3A_59 = arith.constant 80 : index
        %get3A_60 = tpu.vector_load %arg14[%get3A_59] {strides = array<i32>} : memref<112xi32, #tpu.memory_space<vmem>>, vector<16xi32>,
        tpu.vector_store_idx %arg19[%get3A_60], %broadcast_in_dim3A_18 {add = true} : memref<10008xf32, #tpu.memory_space<vmem>>[vector<16xi32>], vector<16xf32>,
        %get3A_61 = arith.constant 96 : index
        %get3A_62 = tpu.vector_load %arg14[%get3A_61] {strides = array<i32>} : memref<112xi32, #tpu.memory_space<vmem>>, vector<16xi32>,
        tpu.vector_store_idx %arg19[%get3A_62], %broadcast_in_dim3A_18 {add = true} : memref<10008xf32, #tpu.memory_space<vmem>>[vector<16xi32>], vector<16xf32>,
        %dma_wait3A_63 = arith.constant 0 : i32
        %dma_wait3A_64 = arith.constant 0 : i32
        %dma_wait3A_65 = tpu.memref_slice %arg2[%dma_wait3A_63, %dma_wait3A_64] : memref<10000x128xf32, #tpu.memory_space<hbm>> -> memref<10000x128xf32, #tpu.memory_space<hbm>>
        tpu.wait_indirect_dma semaphore(%arg21 : memref<!tpu.dma_semaphore, #tpu.memory_space<semaphore_mem>>) src(%dma_wait3A_65 : memref<10000x128xf32, #tpu.memory_space<hbm>>) dst(%arg17 : memref<112x128xf32, #tpu.memory_space<vmem>>)
        %dma_start3A_66 = arith.constant 0 : i32
        %dma_start3A_67 = arith.constant 0 : i32
        %dma_start3A_68 = tpu.memref_slice %arg20[%dma_start3A_66, %dma_start3A_67] : memref<10008x128xf32, #tpu.memory_space<vmem_shared>> -> memref<10008x128xf32, #tpu.memory_space<vmem_shared>>
        tpu.enqueue_indirect_dma source(%arg17 : memref<112x128xf32, #tpu.memory_space<vmem>>) target(%dma_start3A_68 : memref<10008x128xf32, #tpu.memory_space<vmem_shared>>) offsets(%arg14 : memref<112xi32, #tpu.memory_space<vmem>>) semaphore(%arg23 : memref<!tpu.dma_semaphore, #tpu.memory_space<semaphore_mem>>) {add = true}
        %gt3A = arith.constant 0 : i32
        %gt3A_69 = arith.cmpi sgt, %scan3A_29, %gt3A : i32
        %convert_element_type3A_70 = arith.extui %gt3A_69 : i1 to i32
        %cond3A_71 = arith.constant 0 : i32
        %cond3A_72 = arith.cmpi ne, %convert_element_type3A_70, %cond3A_71 : i32
        scf.if %cond3A_72 {
          %dma_wait3A_352 = arith.constant 0 : i32
          %dma_wait3A_353 = arith.constant 0 : i32
          %dma_wait3A_354 = tpu.memref_slice %arg20[%dma_wait3A_352, %dma_wait3A_353] : memref<10008x128xf32, #tpu.memory_space<vmem_shared>> -> memref<10008x128xf32, #tpu.memory_space<vmem_shared>>
          tpu.wait_indirect_dma semaphore(%arg24 : memref<!tpu.dma_semaphore, #tpu.memory_space<semaphore_mem>>) src(%arg18 : memref<112x128xf32, #tpu.memory_space<vmem>>) dst(%dma_wait3A_354 : memref<10008x128xf32, #tpu.memory_space<vmem_shared>>)
        } else {
        }
        %dma_wait3A_73 = arith.constant 0 : i32
        %dma_wait3A_74 = tpu.memref_slice %arg3[%arg1, %add3A_35, %dma_wait3A_73] : memref<16x126x112xi32, #tpu.memory_space<hbm>> -> memref<1x1x112xi32, #tpu.memory_space<hbm>>
        %dma_wait3A_75 = tpu.memref_squeeze %dma_wait3A_74 : memref<1x1x112xi32, #tpu.memory_space<hbm>> -> memref<112xi32, #tpu.memory_space<hbm>>
        %dma_wait3A_76 = arith.constant 0 : i32
        %dma_wait3A_77 = tpu.memref_slice %arg3[%arg1, %add3A_35, %dma_wait3A_76] : memref<16x126x112xi32, #tpu.memory_space<hbm>> -> memref<1x1x112xi32, #tpu.memory_space<hbm>>
        %dma_wait3A_78 = tpu.memref_squeeze %dma_wait3A_77 : memref<1x1x112xi32, #tpu.memory_space<hbm>> -> memref<112xi32, #tpu.memory_space<hbm>>
        tpu.wait_dma2 semaphore(%arg25 : memref<!tpu.dma_semaphore, #tpu.memory_space<semaphore_mem>>) src(%dma_wait3A_78 : memref<112xi32, #tpu.memory_space<hbm>>) dst(%arg12 : memref<112xi32, #tpu.memory_space<vmem>>)
        %dma_wait3A_79 = arith.constant 0 : i32
        %dma_wait3A_80 = tpu.memref_slice %arg4[%arg1, %add3A_43, %dma_wait3A_79] : memref<16x126x112xi32, #tpu.memory_space<hbm>> -> memref<1x1x112xi32, #tpu.memory_space<hbm>>
        %dma_wait3A_81 = tpu.memref_squeeze %dma_wait3A_80 : memref<1x1x112xi32, #tpu.memory_space<hbm>> -> memref<112xi32, #tpu.memory_space<hbm>>
        %dma_wait3A_82 = arith.constant 0 : i32
        %dma_wait3A_83 = tpu.memref_slice %arg4[%arg1, %add3A_43, %dma_wait3A_82] : memref<16x126x112xi32, #tpu.memory_space<hbm>> -> memref<1x1x112xi32, #tpu.memory_space<hbm>>
        %dma_wait3A_84 = tpu.memref_squeeze %dma_wait3A_83 : memref<1x1x112xi32, #tpu.memory_space<hbm>> -> memref<112xi32, #tpu.memory_space<hbm>>
        tpu.wait_dma2 semaphore(%arg25 : memref<!tpu.dma_semaphore, #tpu.memory_space<semaphore_mem>>) src(%dma_wait3A_84 : memref<112xi32, #tpu.memory_space<hbm>>) dst(%arg15 : memref<112xi32, #tpu.memory_space<vmem>>)
        %dma_start3A_85 = arith.constant 0 : i32
        %dma_start3A_86 = arith.constant 0 : i32
        %dma_start3A_87 = tpu.memref_slice %arg2[%dma_start3A_85, %dma_start3A_86] : memref<10000x128xf32, #tpu.memory_space<hbm>> -> memref<10000x128xf32, #tpu.memory_space<hbm>>
        tpu.enqueue_indirect_dma source(%dma_start3A_87 : memref<10000x128xf32, #tpu.memory_space<hbm>>) target(%arg18 : memref<112x128xf32, #tpu.memory_space<vmem>>) offsets(%arg12 : memref<112xi32, #tpu.memory_space<vmem>>) semaphore(%arg22 : memref<!tpu.dma_semaphore, #tpu.memory_space<semaphore_mem>>)
        %mul3A_88 = arith.constant 6 : i32
        %mul3A_89 = arith.muli %scan3A_29, %mul3A_88 : i32
        %add3A_90 = arith.constant 1 : i32
        %add3A_91 = arith.addi %mul3A_89, %add3A_90 : i32
        %add3A_92 = arith.constant 1 : i32
        %add3A_93 = arith.addi %add3A_91, %add3A_92 : i32
        %dma_start3A_94 = arith.constant 0 : i32
        %dma_start3A_95 = tpu.memref_slice %arg3[%arg1, %add3A_93, %dma_start3A_94] : memref<16x126x112xi32, #tpu.memory_space<hbm>> -> memref<1x1x112xi32, #tpu.memory_space<hbm>>
        %dma_start3A_96 = tpu.memref_squeeze %dma_start3A_95 : memref<1x1x112xi32, #tpu.memory_space<hbm>> -> memref<112xi32, #tpu.memory_space<hbm>>
        %dma_start3A_97 = arith.constant 0 : i32
        %dma_start3A_98 = tpu.memref_slice %arg3[%arg1, %add3A_93, %dma_start3A_97] : memref<16x126x112xi32, #tpu.memory_space<hbm>> -> memref<1x1x112xi32, #tpu.memory_space<hbm>>
        %dma_start3A_99 = tpu.memref_squeeze %dma_start3A_98 : memref<1x1x112xi32, #tpu.memory_space<hbm>> -> memref<112xi32, #tpu.memory_space<hbm>>
        tpu.enqueue_dma source(%dma_start3A_99 : memref<112xi32, #tpu.memory_space<hbm>>) target(%arg13 : memref<112xi32, #tpu.memory_space<vmem>>) target_semaphore(%arg25 : memref<!tpu.dma_semaphore, #tpu.memory_space<semaphore_mem>>)
        %add3A_100 = arith.constant 1 : i32
        %add3A_101 = arith.addi %add3A_91, %add3A_100 : i32
        %dma_start3A_102 = arith.constant 0 : i32
        %dma_start3A_103 = tpu.memref_slice %arg4[%arg1, %add3A_101, %dma_start3A_102] : memref<16x126x112xi32, #tpu.memory_space<hbm>> -> memref<1x1x112xi32, #tpu.memory_space<hbm>>
        %dma_start3A_104 = tpu.memref_squeeze %dma_start3A_103 : memref<1x1x112xi32, #tpu.memory_space<hbm>> -> memref<112xi32, #tpu.memory_space<hbm>>
        %dma_start3A_105 = arith.constant 0 : i32
        %dma_start3A_106 = tpu.memref_slice %arg4[%arg1, %add3A_101, %dma_start3A_105] : memref<16x126x112xi32, #tpu.memory_space<hbm>> -> memref<1x1x112xi32, #tpu.memory_space<hbm>>
        %dma_start3A_107 = tpu.memref_squeeze %dma_start3A_106 : memref<1x1x112xi32, #tpu.memory_space<hbm>> -> memref<112xi32, #tpu.memory_space<hbm>>
        tpu.enqueue_dma source(%dma_start3A_107 : memref<112xi32, #tpu.memory_space<hbm>>) target(%arg16 : memref<112xi32, #tpu.memory_space<vmem>>) target_semaphore(%arg25 : memref<!tpu.dma_semaphore, #tpu.memory_space<semaphore_mem>>)
        %get3A_108 = arith.constant 0 : index
        %get3A_109 = tpu.vector_load %arg15[%get3A_108] {strides = array<i32>} : memref<112xi32, #tpu.memory_space<vmem>>, vector<16xi32>,
        tpu.vector_store_idx %arg19[%get3A_109], %broadcast_in_dim3A_18 {add = true} : memref<10008xf32, #tpu.memory_space<vmem>>[vector<16xi32>], vector<16xf32>,
        %get3A_110 = arith.constant 16 : index
        %get3A_111 = tpu.vector_load %arg15[%get3A_110] {strides = array<i32>} : memref<112xi32, #tpu.memory_space<vmem>>, vector<16xi32>,
        tpu.vector_store_idx %arg19[%get3A_111], %broadcast_in_dim3A_18 {add = true} : memref<10008xf32, #tpu.memory_space<vmem>>[vector<16xi32>], vector<16xf32>,
        %get3A_112 = arith.constant 32 : index
        %get3A_113 = tpu.vector_load %arg15[%get3A_112] {strides = array<i32>} : memref<112xi32, #tpu.memory_space<vmem>>, vector<16xi32>,
        tpu.vector_store_idx %arg19[%get3A_113], %broadcast_in_dim3A_18 {add = true} : memref<10008xf32, #tpu.memory_space<vmem>>[vector<16xi32>], vector<16xf32>,
        %get3A_114 = arith.constant 48 : index
        %get3A_115 = tpu.vector_load %arg15[%get3A_114] {strides = array<i32>} : memref<112xi32, #tpu.memory_space<vmem>>, vector<16xi32>,
        tpu.vector_store_idx %arg19[%get3A_115], %broadcast_in_dim3A_18 {add = true} : memref<10008xf32, #tpu.memory_space<vmem>>[vector<16xi32>], vector<16xf32>,
        %get3A_116 = arith.constant 64 : index
        %get3A_117 = tpu.vector_load %arg15[%get3A_116] {strides = array<i32>} : memref<112xi32, #tpu.memory_space<vmem>>, vector<16xi32>,
        tpu.vector_store_idx %arg19[%get3A_117], %broadcast_in_dim3A_18 {add = true} : memref<10008xf32, #tpu.memory_space<vmem>>[vector<16xi32>], vector<16xf32>,
        %get3A_118 = arith.constant 80 : index
        %get3A_119 = tpu.vector_load %arg15[%get3A_118] {strides = array<i32>} : memref<112xi32, #tpu.memory_space<vmem>>, vector<16xi32>,
        tpu.vector_store_idx %arg19[%get3A_119], %broadcast_in_dim3A_18 {add = true} : memref<10008xf32, #tpu.memory_space<vmem>>[vector<16xi32>], vector<16xf32>,
        %get3A_120 = arith.constant 96 : index
        %get3A_121 = tpu.vector_load %arg15[%get3A_120] {strides = array<i32>} : memref<112xi32, #tpu.memory_space<vmem>>, vector<16xi32>,
        tpu.vector_store_idx %arg19[%get3A_121], %broadcast_in_dim3A_18 {add = true} : memref<10008xf32, #tpu.memory_space<vmem>>[vector<16xi32>], vector<16xf32>,
        %dma_wait3A_122 = arith.constant 0 : i32
        %dma_wait3A_123 = arith.constant 0 : i32
        %dma_wait3A_124 = tpu.memref_slice %arg2[%dma_wait3A_122, %dma_wait3A_123] : memref<10000x128xf32, #tpu.memory_space<hbm>> -> memref<10000x128xf32, #tpu.memory_space<hbm>>
        tpu.wait_indirect_dma semaphore(%arg22 : memref<!tpu.dma_semaphore, #tpu.memory_space<semaphore_mem>>) src(%dma_wait3A_124 : memref<10000x128xf32, #tpu.memory_space<hbm>>) dst(%arg18 : memref<112x128xf32, #tpu.memory_space<vmem>>)
        %dma_start3A_125 = arith.constant 0 : i32
        %dma_start3A_126 = arith.constant 0 : i32
        %dma_start3A_127 = tpu.memref_slice %arg20[%dma_start3A_125, %dma_start3A_126] : memref<10008x128xf32, #tpu.memory_space<vmem_shared>> -> memref<10008x128xf32, #tpu.memory_space<vmem_shared>>
        tpu.enqueue_indirect_dma source(%arg18 : memref<112x128xf32, #tpu.memory_space<vmem>>) target(%dma_start3A_127 : memref<10008x128xf32, #tpu.memory_space<vmem_shared>>) offsets(%arg15 : memref<112xi32, #tpu.memory_space<vmem>>) semaphore(%arg24 : memref<!tpu.dma_semaphore, #tpu.memory_space<semaphore_mem>>) {add = true}
        %dma_wait3A_128 = arith.constant 0 : i32
        %dma_wait3A_129 = arith.constant 0 : i32
        %dma_wait3A_130 = tpu.memref_slice %arg20[%dma_wait3A_128, %dma_wait3A_129] : memref<10008x128xf32, #tpu.memory_space<vmem_shared>> -> memref<10008x128xf32, #tpu.memory_space<vmem_shared>>
        tpu.wait_indirect_dma semaphore(%arg23 : memref<!tpu.dma_semaphore, #tpu.memory_space<semaphore_mem>>) src(%arg17 : memref<112x128xf32, #tpu.memory_space<vmem>>) dst(%dma_wait3A_130 : memref<10008x128xf32, #tpu.memory_space<vmem_shared>>)
        %dma_wait3A_131 = arith.constant 0 : i32
        %dma_wait3A_132 = tpu.memref_slice %arg3[%arg1, %add3A_93, %dma_wait3A_131] : memref<16x126x112xi32, #tpu.memory_space<hbm>> -> memref<1x1x112xi32, #tpu.memory_space<hbm>>
        %dma_wait3A_133 = tpu.memref_squeeze %dma_wait3A_132 : memref<1x1x112xi32, #tpu.memory_space<hbm>> -> memref<112xi32, #tpu.memory_space<hbm>>
        %dma_wait3A_134 = arith.constant 0 : i32
        %dma_wait3A_135 = tpu.memref_slice %arg3[%arg1, %add3A_93, %dma_wait3A_134] : memref<16x126x112xi32, #tpu.memory_space<hbm>> -> memref<1x1x112xi32, #tpu.memory_space<hbm>>
        %dma_wait3A_136 = tpu.memref_squeeze %dma_wait3A_135 : memref<1x1x112xi32, #tpu.memory_space<hbm>> -> memref<112xi32, #tpu.memory_space<hbm>>
        tpu.wait_dma2 semaphore(%arg25 : memref<!tpu.dma_semaphore, #tpu.memory_space<semaphore_mem>>) src(%dma_wait3A_136 : memref<112xi32, #tpu.memory_space<hbm>>) dst(%arg13 : memref<112xi32, #tpu.memory_space<vmem>>)
        %dma_wait3A_137 = arith.constant 0 : i32
        %dma_wait3A_138 = tpu.memref_slice %arg4[%arg1, %add3A_101, %dma_wait3A_137] : memref<16x126x112xi32, #tpu.memory_space<hbm>> -> memref<1x1x112xi32, #tpu.memory_space<hbm>>
        %dma_wait3A_139 = tpu.memref_squeeze %dma_wait3A_138 : memref<1x1x112xi32, #tpu.memory_space<hbm>> -> memref<112xi32, #tpu.memory_space<hbm>>
        %dma_wait3A_140 = arith.constant 0 : i32
        %dma_wait3A_141 = tpu.memref_slice %arg4[%arg1, %add3A_101, %dma_wait3A_140] : memref<16x126x112xi32, #tpu.memory_space<hbm>> -> memref<1x1x112xi32, #tpu.memory_space<hbm>>
        %dma_wait3A_142 = tpu.memref_squeeze %dma_wait3A_141 : memref<1x1x112xi32, #tpu.memory_space<hbm>> -> memref<112xi32, #tpu.memory_space<hbm>>
        tpu.wait_dma2 semaphore(%arg25 : memref<!tpu.dma_semaphore, #tpu.memory_space<semaphore_mem>>) src(%dma_wait3A_142 : memref<112xi32, #tpu.memory_space<hbm>>) dst(%arg16 : memref<112xi32, #tpu.memory_space<vmem>>)
        %dma_start3A_143 = arith.constant 0 : i32
        %dma_start3A_144 = arith.constant 0 : i32
        %dma_start3A_145 = tpu.memref_slice %arg2[%dma_start3A_143, %dma_start3A_144] : memref<10000x128xf32, #tpu.memory_space<hbm>> -> memref<10000x128xf32, #tpu.memory_space<hbm>>
        tpu.enqueue_indirect_dma source(%dma_start3A_145 : memref<10000x128xf32, #tpu.memory_space<hbm>>) target(%arg17 : memref<112x128xf32, #tpu.memory_space<vmem>>) offsets(%arg13 : memref<112xi32, #tpu.memory_space<vmem>>) semaphore(%arg21 : memref<!tpu.dma_semaphore, #tpu.memory_space<semaphore_mem>>)
        %mul3A_146 = arith.constant 6 : i32
        %mul3A_147 = arith.muli %scan3A_29, %mul3A_146 : i32
        %add3A_148 = arith.constant 2 : i32
        %add3A_149 = arith.addi %mul3A_147, %add3A_148 : i32
        %add3A_150 = arith.constant 1 : i32
        %add3A_151 = arith.addi %add3A_149, %add3A_150 : i32
        %dma_start3A_152 = arith.constant 0 : i32
        %dma_start3A_153 = tpu.memref_slice %arg3[%arg1, %add3A_151, %dma_start3A_152] : memref<16x126x112xi32, #tpu.memory_space<hbm>> -> memref<1x1x112xi32, #tpu.memory_space<hbm>>
        %dma_start3A_154 = tpu.memref_squeeze %dma_start3A_153 : memref<1x1x112xi32, #tpu.memory_space<hbm>> -> memref<112xi32, #tpu.memory_space<hbm>>
        %dma_start3A_155 = arith.constant 0 : i32
        %dma_start3A_156 = tpu.memref_slice %arg3[%arg1, %add3A_151, %dma_start3A_155] : memref<16x126x112xi32, #tpu.memory_space<hbm>> -> memref<1x1x112xi32, #tpu.memory_space<hbm>>
        %dma_start3A_157 = tpu.memref_squeeze %dma_start3A_156 : memref<1x1x112xi32, #tpu.memory_space<hbm>> -> memref<112xi32, #tpu.memory_space<hbm>>
        tpu.enqueue_dma source(%dma_start3A_157 : memref<112xi32, #tpu.memory_space<hbm>>) target(%arg11 : memref<112xi32, #tpu.memory_space<vmem>>) target_semaphore(%arg25 : memref<!tpu.dma_semaphore, #tpu.memory_space<semaphore_mem>>)
        %add3A_158 = arith.constant 1 : i32
        %add3A_159 = arith.addi %add3A_149, %add3A_158 : i32
        %dma_start3A_160 = arith.constant 0 : i32
        %dma_start3A_161 = tpu.memref_slice %arg4[%arg1, %add3A_159, %dma_start3A_160] : memref<16x126x112xi32, #tpu.memory_space<hbm>> -> memref<1x1x112xi32, #tpu.memory_space<hbm>>
        %dma_start3A_162 = tpu.memref_squeeze %dma_start3A_161 : memref<1x1x112xi32, #tpu.memory_space<hbm>> -> memref<112xi32, #tpu.memory_space<hbm>>
        %dma_start3A_163 = arith.constant 0 : i32
        %dma_start3A_164 = tpu.memref_slice %arg4[%arg1, %add3A_159, %dma_start3A_163] : memref<16x126x112xi32, #tpu.memory_space<hbm>> -> memref<1x1x112xi32, #tpu.memory_space<hbm>>
        %dma_start3A_165 = tpu.memref_squeeze %dma_start3A_164 : memref<1x1x112xi32, #tpu.memory_space<hbm>> -> memref<112xi32, #tpu.memory_space<hbm>>
        tpu.enqueue_dma source(%dma_start3A_165 : memref<112xi32, #tpu.memory_space<hbm>>) target(%arg14 : memref<112xi32, #tpu.memory_space<vmem>>) target_semaphore(%arg25 : memref<!tpu.dma_semaphore, #tpu.memory_space<semaphore_mem>>)
        %get3A_166 = arith.constant 0 : index
        %get3A_167 = tpu.vector_load %arg16[%get3A_166] {strides = array<i32>} : memref<112xi32, #tpu.memory_space<vmem>>, vector<16xi32>,
        tpu.vector_store_idx %arg19[%get3A_167], %broadcast_in_dim3A_18 {add = true} : memref<10008xf32, #tpu.memory_space<vmem>>[vector<16xi32>], vector<16xf32>,
        %get3A_168 = arith.constant 16 : index
        %get3A_169 = tpu.vector_load %arg16[%get3A_168] {strides = array<i32>} : memref<112xi32, #tpu.memory_space<vmem>>, vector<16xi32>,
        tpu.vector_store_idx %arg19[%get3A_169], %broadcast_in_dim3A_18 {add = true} : memref<10008xf32, #tpu.memory_space<vmem>>[vector<16xi32>], vector<16xf32>,
        %get3A_170 = arith.constant 32 : index
        %get3A_171 = tpu.vector_load %arg16[%get3A_170] {strides = array<i32>} : memref<112xi32, #tpu.memory_space<vmem>>, vector<16xi32>,
        tpu.vector_store_idx %arg19[%get3A_171], %broadcast_in_dim3A_18 {add = true} : memref<10008xf32, #tpu.memory_space<vmem>>[vector<16xi32>], vector<16xf32>,
        %get3A_172 = arith.constant 48 : index
        %get3A_173 = tpu.vector_load %arg16[%get3A_172] {strides = array<i32>} : memref<112xi32, #tpu.memory_space<vmem>>, vector<16xi32>,
        tpu.vector_store_idx %arg19[%get3A_173], %broadcast_in_dim3A_18 {add = true} : memref<10008xf32, #tpu.memory_space<vmem>>[vector<16xi32>], vector<16xf32>,
        %get3A_174 = arith.constant 64 : index
        %get3A_175 = tpu.vector_load %arg16[%get3A_174] {strides = array<i32>} : memref<112xi32, #tpu.memory_space<vmem>>, vector<16xi32>,
        tpu.vector_store_idx %arg19[%get3A_175], %broadcast_in_dim3A_18 {add = true} : memref<10008xf32, #tpu.memory_space<vmem>>[vector<16xi32>], vector<16xf32>,
        %get3A_176 = arith.constant 80 : index
        %get3A_177 = tpu.vector_load %arg16[%get3A_176] {strides = array<i32>} : memref<112xi32, #tpu.memory_space<vmem>>, vector<16xi32>,
        tpu.vector_store_idx %arg19[%get3A_177], %broadcast_in_dim3A_18 {add = true} : memref<10008xf32, #tpu.memory_space<vmem>>[vector<16xi32>], vector<16xf32>,
        %get3A_178 = arith.constant 96 : index
        %get3A_179 = tpu.vector_load %arg16[%get3A_178] {strides = array<i32>} : memref<112xi32, #tpu.memory_space<vmem>>, vector<16xi32>,
        tpu.vector_store_idx %arg19[%get3A_179], %broadcast_in_dim3A_18 {add = true} : memref<10008xf32, #tpu.memory_space<vmem>>[vector<16xi32>], vector<16xf32>,
        %dma_wait3A_180 = arith.constant 0 : i32
        %dma_wait3A_181 = arith.constant 0 : i32
        %dma_wait3A_182 = tpu.memref_slice %arg2[%dma_wait3A_180, %dma_wait3A_181] : memref<10000x128xf32, #tpu.memory_space<hbm>> -> memref<10000x128xf32, #tpu.memory_space<hbm>>
        tpu.wait_indirect_dma semaphore(%arg21 : memref<!tpu.dma_semaphore, #tpu.memory_space<semaphore_mem>>) src(%dma_wait3A_182 : memref<10000x128xf32, #tpu.memory_space<hbm>>) dst(%arg17 : memref<112x128xf32, #tpu.memory_space<vmem>>)
        %dma_start3A_183 = arith.constant 0 : i32
        %dma_start3A_184 = arith.constant 0 : i32
        %dma_start3A_185 = tpu.memref_slice %arg20[%dma_start3A_183, %dma_start3A_184] : memref<10008x128xf32, #tpu.memory_space<vmem_shared>> -> memref<10008x128xf32, #tpu.memory_space<vmem_shared>>
        tpu.enqueue_indirect_dma source(%arg17 : memref<112x128xf32, #tpu.memory_space<vmem>>) target(%dma_start3A_185 : memref<10008x128xf32, #tpu.memory_space<vmem_shared>>) offsets(%arg16 : memref<112xi32, #tpu.memory_space<vmem>>) semaphore(%arg23 : memref<!tpu.dma_semaphore, #tpu.memory_space<semaphore_mem>>) {add = true}
        %dma_wait3A_186 = arith.constant 0 : i32
        %dma_wait3A_187 = arith.constant 0 : i32
        %dma_wait3A_188 = tpu.memref_slice %arg20[%dma_wait3A_186, %dma_wait3A_187] : memref<10008x128xf32, #tpu.memory_space<vmem_shared>> -> memref<10008x128xf32, #tpu.memory_space<vmem_shared>>
        tpu.wait_indirect_dma semaphore(%arg24 : memref<!tpu.dma_semaphore, #tpu.memory_space<semaphore_mem>>) src(%arg18 : memref<112x128xf32, #tpu.memory_space<vmem>>) dst(%dma_wait3A_188 : memref<10008x128xf32, #tpu.memory_space<vmem_shared>>)
        %dma_wait3A_189 = arith.constant 0 : i32
        %dma_wait3A_190 = tpu.memref_slice %arg3[%arg1, %add3A_151, %dma_wait3A_189] : memref<16x126x112xi32, #tpu.memory_space<hbm>> -> memref<1x1x112xi32, #tpu.memory_space<hbm>>
        %dma_wait3A_191 = tpu.memref_squeeze %dma_wait3A_190 : memref<1x1x112xi32, #tpu.memory_space<hbm>> -> memref<112xi32, #tpu.memory_space<hbm>>
        %dma_wait3A_192 = arith.constant 0 : i32
        %dma_wait3A_193 = tpu.memref_slice %arg3[%arg1, %add3A_151, %dma_wait3A_192] : memref<16x126x112xi32, #tpu.memory_space<hbm>> -> memref<1x1x112xi32, #tpu.memory_space<hbm>>
        %dma_wait3A_194 = tpu.memref_squeeze %dma_wait3A_193 : memref<1x1x112xi32, #tpu.memory_space<hbm>> -> memref<112xi32, #tpu.memory_space<hbm>>
        tpu.wait_dma2 semaphore(%arg25 : memref<!tpu.dma_semaphore, #tpu.memory_space<semaphore_mem>>) src(%dma_wait3A_194 : memref<112xi32, #tpu.memory_space<hbm>>) dst(%arg11 : memref<112xi32, #tpu.memory_space<vmem>>)
        %dma_wait3A_195 = arith.constant 0 : i32
        %dma_wait3A_196 = tpu.memref_slice %arg4[%arg1, %add3A_159, %dma_wait3A_195] : memref<16x126x112xi32, #tpu.memory_space<hbm>> -> memref<1x1x112xi32, #tpu.memory_space<hbm>>
        %dma_wait3A_197 = tpu.memref_squeeze %dma_wait3A_196 : memref<1x1x112xi32, #tpu.memory_space<hbm>> -> memref<112xi32, #tpu.memory_space<hbm>>
        %dma_wait3A_198 = arith.constant 0 : i32
        %dma_wait3A_199 = tpu.memref_slice %arg4[%arg1, %add3A_159, %dma_wait3A_198] : memref<16x126x112xi32, #tpu.memory_space<hbm>> -> memref<1x1x112xi32, #tpu.memory_space<hbm>>
        %dma_wait3A_200 = tpu.memref_squeeze %dma_wait3A_199 : memref<1x1x112xi32, #tpu.memory_space<hbm>> -> memref<112xi32, #tpu.memory_space<hbm>>
        tpu.wait_dma2 semaphore(%arg25 : memref<!tpu.dma_semaphore, #tpu.memory_space<semaphore_mem>>) src(%dma_wait3A_200 : memref<112xi32, #tpu.memory_space<hbm>>) dst(%arg14 : memref<112xi32, #tpu.memory_space<vmem>>)
        %dma_start3A_201 = arith.constant 0 : i32
        %dma_start3A_202 = arith.constant 0 : i32
        %dma_start3A_203 = tpu.memref_slice %arg2[%dma_start3A_201, %dma_start3A_202] : memref<10000x128xf32, #tpu.memory_space<hbm>> -> memref<10000x128xf32, #tpu.memory_space<hbm>>
        tpu.enqueue_indirect_dma source(%dma_start3A_203 : memref<10000x128xf32, #tpu.memory_space<hbm>>) target(%arg18 : memref<112x128xf32, #tpu.memory_space<vmem>>) offsets(%arg11 : memref<112xi32, #tpu.memory_space<vmem>>) semaphore(%arg22 : memref<!tpu.dma_semaphore, #tpu.memory_space<semaphore_mem>>)
        %mul3A_204 = arith.constant 6 : i32
        %mul3A_205 = arith.muli %scan3A_29, %mul3A_204 : i32
        %add3A_206 = arith.constant 3 : i32
        %add3A_207 = arith.addi %mul3A_205, %add3A_206 : i32
        %add3A_208 = arith.constant 1 : i32
        %add3A_209 = arith.addi %add3A_207, %add3A_208 : i32
        %dma_start3A_210 = arith.constant 0 : i32
        %dma_start3A_211 = tpu.memref_slice %arg3[%arg1, %add3A_209, %dma_start3A_210] : memref<16x126x112xi32, #tpu.memory_space<hbm>> -> memref<1x1x112xi32, #tpu.memory_space<hbm>>
        %dma_start3A_212 = tpu.memref_squeeze %dma_start3A_211 : memref<1x1x112xi32, #tpu.memory_space<hbm>> -> memref<112xi32, #tpu.memory_space<hbm>>
        %dma_start3A_213 = arith.constant 0 : i32
        %dma_start3A_214 = tpu.memref_slice %arg3[%arg1, %add3A_209, %dma_start3A_213] : memref<16x126x112xi32, #tpu.memory_space<hbm>> -> memref<1x1x112xi32, #tpu.memory_space<hbm>>
        %dma_start3A_215 = tpu.memref_squeeze %dma_start3A_214 : memref<1x1x112xi32, #tpu.memory_space<hbm>> -> memref<112xi32, #tpu.memory_space<hbm>>
        tpu.enqueue_dma source(%dma_start3A_215 : memref<112xi32, #tpu.memory_space<hbm>>) target(%arg12 : memref<112xi32, #tpu.memory_space<vmem>>) target_semaphore(%arg25 : memref<!tpu.dma_semaphore, #tpu.memory_space<semaphore_mem>>)
        %add3A_216 = arith.constant 1 : i32
        %add3A_217 = arith.addi %add3A_207, %add3A_216 : i32
        %dma_start3A_218 = arith.constant 0 : i32
        %dma_start3A_219 = tpu.memref_slice %arg4[%arg1, %add3A_217, %dma_start3A_218] : memref<16x126x112xi32, #tpu.memory_space<hbm>> -> memref<1x1x112xi32, #tpu.memory_space<hbm>>
        %dma_start3A_220 = tpu.memref_squeeze %dma_start3A_219 : memref<1x1x112xi32, #tpu.memory_space<hbm>> -> memref<112xi32, #tpu.memory_space<hbm>>
        %dma_start3A_221 = arith.constant 0 : i32
        %dma_start3A_222 = tpu.memref_slice %arg4[%arg1, %add3A_217, %dma_start3A_221] : memref<16x126x112xi32, #tpu.memory_space<hbm>> -> memref<1x1x112xi32, #tpu.memory_space<hbm>>
        %dma_start3A_223 = tpu.memref_squeeze %dma_start3A_222 : memref<1x1x112xi32, #tpu.memory_space<hbm>> -> memref<112xi32, #tpu.memory_space<hbm>>
        tpu.enqueue_dma source(%dma_start3A_223 : memref<112xi32, #tpu.memory_space<hbm>>) target(%arg15 : memref<112xi32, #tpu.memory_space<vmem>>) target_semaphore(%arg25 : memref<!tpu.dma_semaphore, #tpu.memory_space<semaphore_mem>>)
        %get3A_224 = arith.constant 0 : index
        %get3A_225 = tpu.vector_load %arg14[%get3A_224] {strides = array<i32>} : memref<112xi32, #tpu.memory_space<vmem>>, vector<16xi32>,
        tpu.vector_store_idx %arg19[%get3A_225], %broadcast_in_dim3A_18 {add = true} : memref<10008xf32, #tpu.memory_space<vmem>>[vector<16xi32>], vector<16xf32>,
        %get3A_226 = arith.constant 16 : index
        %get3A_227 = tpu.vector_load %arg14[%get3A_226] {strides = array<i32>} : memref<112xi32, #tpu.memory_space<vmem>>, vector<16xi32>,
        tpu.vector_store_idx %arg19[%get3A_227], %broadcast_in_dim3A_18 {add = true} : memref<10008xf32, #tpu.memory_space<vmem>>[vector<16xi32>], vector<16xf32>,
        %get3A_228 = arith.constant 32 : index
        %get3A_229 = tpu.vector_load %arg14[%get3A_228] {strides = array<i32>} : memref<112xi32, #tpu.memory_space<vmem>>, vector<16xi32>,
        tpu.vector_store_idx %arg19[%get3A_229], %broadcast_in_dim3A_18 {add = true} : memref<10008xf32, #tpu.memory_space<vmem>>[vector<16xi32>], vector<16xf32>,
        %get3A_230 = arith.constant 48 : index
        %get3A_231 = tpu.vector_load %arg14[%get3A_230] {strides = array<i32>} : memref<112xi32, #tpu.memory_space<vmem>>, vector<16xi32>,
        tpu.vector_store_idx %arg19[%get3A_231], %broadcast_in_dim3A_18 {add = true} : memref<10008xf32, #tpu.memory_space<vmem>>[vector<16xi32>], vector<16xf32>,
        %get3A_232 = arith.constant 64 : index
        %get3A_233 = tpu.vector_load %arg14[%get3A_232] {strides = array<i32>} : memref<112xi32, #tpu.memory_space<vmem>>, vector<16xi32>,
        tpu.vector_store_idx %arg19[%get3A_233], %broadcast_in_dim3A_18 {add = true} : memref<10008xf32, #tpu.memory_space<vmem>>[vector<16xi32>], vector<16xf32>,
        %get3A_234 = arith.constant 80 : index
        %get3A_235 = tpu.vector_load %arg14[%get3A_234] {strides = array<i32>} : memref<112xi32, #tpu.memory_space<vmem>>, vector<16xi32>,
        tpu.vector_store_idx %arg19[%get3A_235], %broadcast_in_dim3A_18 {add = true} : memref<10008xf32, #tpu.memory_space<vmem>>[vector<16xi32>], vector<16xf32>,
        %get3A_236 = arith.constant 96 : index
        %get3A_237 = tpu.vector_load %arg14[%get3A_236] {strides = array<i32>} : memref<112xi32, #tpu.memory_space<vmem>>, vector<16xi32>,
        tpu.vector_store_idx %arg19[%get3A_237], %broadcast_in_dim3A_18 {add = true} : memref<10008xf32, #tpu.memory_space<vmem>>[vector<16xi32>], vector<16xf32>,
        %dma_wait3A_238 = arith.constant 0 : i32
        %dma_wait3A_239 = arith.constant 0 : i32
        %dma_wait3A_240 = tpu.memref_slice %arg2[%dma_wait3A_238, %dma_wait3A_239] : memref<10000x128xf32, #tpu.memory_space<hbm>> -> memref<10000x128xf32, #tpu.memory_space<hbm>>
        tpu.wait_indirect_dma semaphore(%arg22 : memref<!tpu.dma_semaphore, #tpu.memory_space<semaphore_mem>>) src(%dma_wait3A_240 : memref<10000x128xf32, #tpu.memory_space<hbm>>) dst(%arg18 : memref<112x128xf32, #tpu.memory_space<vmem>>)
        %dma_start3A_241 = arith.constant 0 : i32
        %dma_start3A_242 = arith.constant 0 : i32
        %dma_start3A_243 = tpu.memref_slice %arg20[%dma_start3A_241, %dma_start3A_242] : memref<10008x128xf32, #tpu.memory_space<vmem_shared>> -> memref<10008x128xf32, #tpu.memory_space<vmem_shared>>
        tpu.enqueue_indirect_dma source(%arg18 : memref<112x128xf32, #tpu.memory_space<vmem>>) target(%dma_start3A_243 : memref<10008x128xf32, #tpu.memory_space<vmem_shared>>) offsets(%arg14 : memref<112xi32, #tpu.memory_space<vmem>>) semaphore(%arg24 : memref<!tpu.dma_semaphore, #tpu.memory_space<semaphore_mem>>) {add = true}
        %dma_wait3A_244 = arith.constant 0 : i32
        %dma_wait3A_245 = arith.constant 0 : i32
        %dma_wait3A_246 = tpu.memref_slice %arg20[%dma_wait3A_244, %dma_wait3A_245] : memref<10008x128xf32, #tpu.memory_space<vmem_shared>> -> memref<10008x128xf32, #tpu.memory_space<vmem_shared>>
        tpu.wait_indirect_dma semaphore(%arg23 : memref<!tpu.dma_semaphore, #tpu.memory_space<semaphore_mem>>) src(%arg17 : memref<112x128xf32, #tpu.memory_space<vmem>>) dst(%dma_wait3A_246 : memref<10008x128xf32, #tpu.memory_space<vmem_shared>>)
        %dma_wait3A_247 = arith.constant 0 : i32
        %dma_wait3A_248 = tpu.memref_slice %arg3[%arg1, %add3A_209, %dma_wait3A_247] : memref<16x126x112xi32, #tpu.memory_space<hbm>> -> memref<1x1x112xi32, #tpu.memory_space<hbm>>
        %dma_wait3A_249 = tpu.memref_squeeze %dma_wait3A_248 : memref<1x1x112xi32, #tpu.memory_space<hbm>> -> memref<112xi32, #tpu.memory_space<hbm>>
        %dma_wait3A_250 = arith.constant 0 : i32
        %dma_wait3A_251 = tpu.memref_slice %arg3[%arg1, %add3A_209, %dma_wait3A_250] : memref<16x126x112xi32, #tpu.memory_space<hbm>> -> memref<1x1x112xi32, #tpu.memory_space<hbm>>
        %dma_wait3A_252 = tpu.memref_squeeze %dma_wait3A_251 : memref<1x1x112xi32, #tpu.memory_space<hbm>> -> memref<112xi32, #tpu.memory_space<hbm>>
        tpu.wait_dma2 semaphore(%arg25 : memref<!tpu.dma_semaphore, #tpu.memory_space<semaphore_mem>>) src(%dma_wait3A_252 : memref<112xi32, #tpu.memory_space<hbm>>) dst(%arg12 : memref<112xi32, #tpu.memory_space<vmem>>)
        %dma_wait3A_253 = arith.constant 0 : i32
        %dma_wait3A_254 = tpu.memref_slice %arg4[%arg1, %add3A_217, %dma_wait3A_253] : memref<16x126x112xi32, #tpu.memory_space<hbm>> -> memref<1x1x112xi32, #tpu.memory_space<hbm>>
        %dma_wait3A_255 = tpu.memref_squeeze %dma_wait3A_254 : memref<1x1x112xi32, #tpu.memory_space<hbm>> -> memref<112xi32, #tpu.memory_space<hbm>>
        %dma_wait3A_256 = arith.constant 0 : i32
        %dma_wait3A_257 = tpu.memref_slice %arg4[%arg1, %add3A_217, %dma_wait3A_256] : memref<16x126x112xi32, #tpu.memory_space<hbm>> -> memref<1x1x112xi32, #tpu.memory_space<hbm>>
        %dma_wait3A_258 = tpu.memref_squeeze %dma_wait3A_257 : memref<1x1x112xi32, #tpu.memory_space<hbm>> -> memref<112xi32, #tpu.memory_space<hbm>>
        tpu.wait_dma2 semaphore(%arg25 : memref<!tpu.dma_semaphore, #tpu.memory_space<semaphore_mem>>) src(%dma_wait3A_258 : memref<112xi32, #tpu.memory_space<hbm>>) dst(%arg15 : memref<112xi32, #tpu.memory_space<vmem>>)
        %dma_start3A_259 = arith.constant 0 : i32
        %dma_start3A_260 = arith.constant 0 : i32
        %dma_start3A_261 = tpu.memref_slice %arg2[%dma_start3A_259, %dma_start3A_260] : memref<10000x128xf32, #tpu.memory_space<hbm>> -> memref<10000x128xf32, #tpu.memory_space<hbm>>
        tpu.enqueue_indirect_dma source(%dma_start3A_261 : memref<10000x128xf32, #tpu.memory_space<hbm>>) target(%arg17 : memref<112x128xf32, #tpu.memory_space<vmem>>) offsets(%arg12 : memref<112xi32, #tpu.memory_space<vmem>>) semaphore(%arg21 : memref<!tpu.dma_semaphore, #tpu.memory_space<semaphore_mem>>)
        %mul3A_262 = arith.constant 6 : i32
        %mul3A_263 = arith.muli %scan3A_29, %mul3A_262 : i32
        %add3A_264 = arith.constant 4 : i32
        %add3A_265 = arith.addi %mul3A_263, %add3A_264 : i32
        %add3A_266 = arith.constant 1 : i32
        %add3A_267 = arith.addi %add3A_265, %add3A_266 : i32
        %dma_start3A_268 = arith.constant 0 : i32
        %dma_start3A_269 = tpu.memref_slice %arg3[%arg1, %add3A_267, %dma_start3A_268] : memref<16x126x112xi32, #tpu.memory_space<hbm>> -> memref<1x1x112xi32, #tpu.memory_space<hbm>>
        %dma_start3A_270 = tpu.memref_squeeze %dma_start3A_269 : memref<1x1x112xi32, #tpu.memory_space<hbm>> -> memref<112xi32, #tpu.memory_space<hbm>>
        %dma_start3A_271 = arith.constant 0 : i32
        %dma_start3A_272 = tpu.memref_slice %arg3[%arg1, %add3A_267, %dma_start3A_271] : memref<16x126x112xi32, #tpu.memory_space<hbm>> -> memref<1x1x112xi32, #tpu.memory_space<hbm>>
        %dma_start3A_273 = tpu.memref_squeeze %dma_start3A_272 : memref<1x1x112xi32, #tpu.memory_space<hbm>> -> memref<112xi32, #tpu.memory_space<hbm>>
        tpu.enqueue_dma source(%dma_start3A_273 : memref<112xi32, #tpu.memory_space<hbm>>) target(%arg13 : memref<112xi32, #tpu.memory_space<vmem>>) target_semaphore(%arg25 : memref<!tpu.dma_semaphore, #tpu.memory_space<semaphore_mem>>)
        %add3A_274 = arith.constant 1 : i32
        %add3A_275 = arith.addi %add3A_265, %add3A_274 : i32
        %dma_start3A_276 = arith.constant 0 : i32
        %dma_start3A_277 = tpu.memref_slice %arg4[%arg1, %add3A_275, %dma_start3A_276] : memref<16x126x112xi32, #tpu.memory_space<hbm>> -> memref<1x1x112xi32, #tpu.memory_space<hbm>>
        %dma_start3A_278 = tpu.memref_squeeze %dma_start3A_277 : memref<1x1x112xi32, #tpu.memory_space<hbm>> -> memref<112xi32, #tpu.memory_space<hbm>>
        %dma_start3A_279 = arith.constant 0 : i32
        %dma_start3A_280 = tpu.memref_slice %arg4[%arg1, %add3A_275, %dma_start3A_279] : memref<16x126x112xi32, #tpu.memory_space<hbm>> -> memref<1x1x112xi32, #tpu.memory_space<hbm>>
        %dma_start3A_281 = tpu.memref_squeeze %dma_start3A_280 : memref<1x1x112xi32, #tpu.memory_space<hbm>> -> memref<112xi32, #tpu.memory_space<hbm>>
        tpu.enqueue_dma source(%dma_start3A_281 : memref<112xi32, #tpu.memory_space<hbm>>) target(%arg16 : memref<112xi32, #tpu.memory_space<vmem>>) target_semaphore(%arg25 : memref<!tpu.dma_semaphore, #tpu.memory_space<semaphore_mem>>)
        %get3A_282 = arith.constant 0 : index
        %get3A_283 = tpu.vector_load %arg15[%get3A_282] {strides = array<i32>} : memref<112xi32, #tpu.memory_space<vmem>>, vector<16xi32>,
        tpu.vector_store_idx %arg19[%get3A_283], %broadcast_in_dim3A_18 {add = true} : memref<10008xf32, #tpu.memory_space<vmem>>[vector<16xi32>], vector<16xf32>,
        %get3A_284 = arith.constant 16 : index
        %get3A_285 = tpu.vector_load %arg15[%get3A_284] {strides = array<i32>} : memref<112xi32, #tpu.memory_space<vmem>>, vector<16xi32>,
        tpu.vector_store_idx %arg19[%get3A_285], %broadcast_in_dim3A_18 {add = true} : memref<10008xf32, #tpu.memory_space<vmem>>[vector<16xi32>], vector<16xf32>,
        %get3A_286 = arith.constant 32 : index
        %get3A_287 = tpu.vector_load %arg15[%get3A_286] {strides = array<i32>} : memref<112xi32, #tpu.memory_space<vmem>>, vector<16xi32>,
        tpu.vector_store_idx %arg19[%get3A_287], %broadcast_in_dim3A_18 {add = true} : memref<10008xf32, #tpu.memory_space<vmem>>[vector<16xi32>], vector<16xf32>,
        %get3A_288 = arith.constant 48 : index
        %get3A_289 = tpu.vector_load %arg15[%get3A_288] {strides = array<i32>} : memref<112xi32, #tpu.memory_space<vmem>>, vector<16xi32>,
        tpu.vector_store_idx %arg19[%get3A_289], %broadcast_in_dim3A_18 {add = true} : memref<10008xf32, #tpu.memory_space<vmem>>[vector<16xi32>], vector<16xf32>,
        %get3A_290 = arith.constant 64 : index
        %get3A_291 = tpu.vector_load %arg15[%get3A_290] {strides = array<i32>} : memref<112xi32, #tpu.memory_space<vmem>>, vector<16xi32>,
        tpu.vector_store_idx %arg19[%get3A_291], %broadcast_in_dim3A_18 {add = true} : memref<10008xf32, #tpu.memory_space<vmem>>[vector<16xi32>], vector<16xf32>,
        %get3A_292 = arith.constant 80 : index
        %get3A_293 = tpu.vector_load %arg15[%get3A_292] {strides = array<i32>} : memref<112xi32, #tpu.memory_space<vmem>>, vector<16xi32>,
        tpu.vector_store_idx %arg19[%get3A_293], %broadcast_in_dim3A_18 {add = true} : memref<10008xf32, #tpu.memory_space<vmem>>[vector<16xi32>], vector<16xf32>,
        %get3A_294 = arith.constant 96 : index
        %get3A_295 = tpu.vector_load %arg15[%get3A_294] {strides = array<i32>} : memref<112xi32, #tpu.memory_space<vmem>>, vector<16xi32>,
        tpu.vector_store_idx %arg19[%get3A_295], %broadcast_in_dim3A_18 {add = true} : memref<10008xf32, #tpu.memory_space<vmem>>[vector<16xi32>], vector<16xf32>,
        %dma_wait3A_296 = arith.constant 0 : i32
        %dma_wait3A_297 = arith.constant 0 : i32
        %dma_wait3A_298 = tpu.memref_slice %arg2[%dma_wait3A_296, %dma_wait3A_297] : memref<10000x128xf32, #tpu.memory_space<hbm>> -> memref<10000x128xf32, #tpu.memory_space<hbm>>
        tpu.wait_indirect_dma semaphore(%arg21 : memref<!tpu.dma_semaphore, #tpu.memory_space<semaphore_mem>>) src(%dma_wait3A_298 : memref<10000x128xf32, #tpu.memory_space<hbm>>) dst(%arg17 : memref<112x128xf32, #tpu.memory_space<vmem>>)
        %dma_start3A_299 = arith.constant 0 : i32
        %dma_start3A_300 = arith.constant 0 : i32
        %dma_start3A_301 = tpu.memref_slice %arg20[%dma_start3A_299, %dma_start3A_300] : memref<10008x128xf32, #tpu.memory_space<vmem_shared>> -> memref<10008x128xf32, #tpu.memory_space<vmem_shared>>
        tpu.enqueue_indirect_dma source(%arg17 : memref<112x128xf32, #tpu.memory_space<vmem>>) target(%dma_start3A_301 : memref<10008x128xf32, #tpu.memory_space<vmem_shared>>) offsets(%arg15 : memref<112xi32, #tpu.memory_space<vmem>>) semaphore(%arg23 : memref<!tpu.dma_semaphore, #tpu.memory_space<semaphore_mem>>) {add = true}
        %dma_wait3A_302 = arith.constant 0 : i32
        %dma_wait3A_303 = arith.constant 0 : i32
        %dma_wait3A_304 = tpu.memref_slice %arg20[%dma_wait3A_302, %dma_wait3A_303] : memref<10008x128xf32, #tpu.memory_space<vmem_shared>> -> memref<10008x128xf32, #tpu.memory_space<vmem_shared>>
        tpu.wait_indirect_dma semaphore(%arg24 : memref<!tpu.dma_semaphore, #tpu.memory_space<semaphore_mem>>) src(%arg18 : memref<112x128xf32, #tpu.memory_space<vmem>>) dst(%dma_wait3A_304 : memref<10008x128xf32, #tpu.memory_space<vmem_shared>>)
        %dma_wait3A_305 = arith.constant 0 : i32
        %dma_wait3A_306 = tpu.memref_slice %arg3[%arg1, %add3A_267, %dma_wait3A_305] : memref<16x126x112xi32, #tpu.memory_space<hbm>> -> memref<1x1x112xi32, #tpu.memory_space<hbm>>
        %dma_wait3A_307 = tpu.memref_squeeze %dma_wait3A_306 : memref<1x1x112xi32, #tpu.memory_space<hbm>> -> memref<112xi32, #tpu.memory_space<hbm>>
        %dma_wait3A_308 = arith.constant 0 : i32
        %dma_wait3A_309 = tpu.memref_slice %arg3[%arg1, %add3A_267, %dma_wait3A_308] : memref<16x126x112xi32, #tpu.memory_space<hbm>> -> memref<1x1x112xi32, #tpu.memory_space<hbm>>
        %dma_wait3A_310 = tpu.memref_squeeze %dma_wait3A_309 : memref<1x1x112xi32, #tpu.memory_space<hbm>> -> memref<112xi32, #tpu.memory_space<hbm>>
        tpu.wait_dma2 semaphore(%arg25 : memref<!tpu.dma_semaphore, #tpu.memory_space<semaphore_mem>>) src(%dma_wait3A_310 : memref<112xi32, #tpu.memory_space<hbm>>) dst(%arg13 : memref<112xi32, #tpu.memory_space<vmem>>)
        %dma_wait3A_311 = arith.constant 0 : i32
        %dma_wait3A_312 = tpu.memref_slice %arg4[%arg1, %add3A_275, %dma_wait3A_311] : memref<16x126x112xi32, #tpu.memory_space<hbm>> -> memref<1x1x112xi32, #tpu.memory_space<hbm>>
        %dma_wait3A_313 = tpu.memref_squeeze %dma_wait3A_312 : memref<1x1x112xi32, #tpu.memory_space<hbm>> -> memref<112xi32, #tpu.memory_space<hbm>>
        %dma_wait3A_314 = arith.constant 0 : i32
        %dma_wait3A_315 = tpu.memref_slice %arg4[%arg1, %add3A_275, %dma_wait3A_314] : memref<16x126x112xi32, #tpu.memory_space<hbm>> -> memref<1x1x112xi32, #tpu.memory_space<hbm>>
        %dma_wait3A_316 = tpu.memref_squeeze %dma_wait3A_315 : memref<1x1x112xi32, #tpu.memory_space<hbm>> -> memref<112xi32, #tpu.memory_space<hbm>>
        tpu.wait_dma2 semaphore(%arg25 : memref<!tpu.dma_semaphore, #tpu.memory_space<semaphore_mem>>) src(%dma_wait3A_316 : memref<112xi32, #tpu.memory_space<hbm>>) dst(%arg16 : memref<112xi32, #tpu.memory_space<vmem>>)
        %dma_start3A_317 = arith.constant 0 : i32
        %dma_start3A_318 = arith.constant 0 : i32
        %dma_start3A_319 = tpu.memref_slice %arg2[%dma_start3A_317, %dma_start3A_318] : memref<10000x128xf32, #tpu.memory_space<hbm>> -> memref<10000x128xf32, #tpu.memory_space<hbm>>
        tpu.enqueue_indirect_dma source(%dma_start3A_319 : memref<10000x128xf32, #tpu.memory_space<hbm>>) target(%arg18 : memref<112x128xf32, #tpu.memory_space<vmem>>) offsets(%arg13 : memref<112xi32, #tpu.memory_space<vmem>>) semaphore(%arg22 : memref<!tpu.dma_semaphore, #tpu.memory_space<semaphore_mem>>)
        %mul3A_320 = arith.constant 6 : i32
        %mul3A_321 = arith.muli %scan3A_29, %mul3A_320 : i32
        %add3A_322 = arith.constant 5 : i32
        %add3A_323 = arith.addi %mul3A_321, %add3A_322 : i32
        %get3A_324 = arith.constant 0 : index
        %get3A_325 = tpu.vector_load %arg16[%get3A_324] {strides = array<i32>} : memref<112xi32, #tpu.memory_space<vmem>>, vector<16xi32>,
        tpu.vector_store_idx %arg19[%get3A_325], %broadcast_in_dim3A_18 {add = true} : memref<10008xf32, #tpu.memory_space<vmem>>[vector<16xi32>], vector<16xf32>,
        %get3A_326 = arith.constant 16 : index
        %get3A_327 = tpu.vector_load %arg16[%get3A_326] {strides = array<i32>} : memref<112xi32, #tpu.memory_space<vmem>>, vector<16xi32>,
        tpu.vector_store_idx %arg19[%get3A_327], %broadcast_in_dim3A_18 {add = true} : memref<10008xf32, #tpu.memory_space<vmem>>[vector<16xi32>], vector<16xf32>,
        %get3A_328 = arith.constant 32 : index
        %get3A_329 = tpu.vector_load %arg16[%get3A_328] {strides = array<i32>} : memref<112xi32, #tpu.memory_space<vmem>>, vector<16xi32>,
        tpu.vector_store_idx %arg19[%get3A_329], %broadcast_in_dim3A_18 {add = true} : memref<10008xf32, #tpu.memory_space<vmem>>[vector<16xi32>], vector<16xf32>,
        %get3A_330 = arith.constant 48 : index
        %get3A_331 = tpu.vector_load %arg16[%get3A_330] {strides = array<i32>} : memref<112xi32, #tpu.memory_space<vmem>>, vector<16xi32>,
        tpu.vector_store_idx %arg19[%get3A_331], %broadcast_in_dim3A_18 {add = true} : memref<10008xf32, #tpu.memory_space<vmem>>[vector<16xi32>], vector<16xf32>,
        %get3A_332 = arith.constant 64 : index
        %get3A_333 = tpu.vector_load %arg16[%get3A_332] {strides = array<i32>} : memref<112xi32, #tpu.memory_space<vmem>>, vector<16xi32>,
        tpu.vector_store_idx %arg19[%get3A_333], %broadcast_in_dim3A_18 {add = true} : memref<10008xf32, #tpu.memory_space<vmem>>[vector<16xi32>], vector<16xf32>,
        %get3A_334 = arith.constant 80 : index
        %get3A_335 = tpu.vector_load %arg16[%get3A_334] {strides = array<i32>} : memref<112xi32, #tpu.memory_space<vmem>>, vector<16xi32>,
        tpu.vector_store_idx %arg19[%get3A_335], %broadcast_in_dim3A_18 {add = true} : memref<10008xf32, #tpu.memory_space<vmem>>[vector<16xi32>], vector<16xf32>,
        %get3A_336 = arith.constant 96 : index
        %get3A_337 = tpu.vector_load %arg16[%get3A_336] {strides = array<i32>} : memref<112xi32, #tpu.memory_space<vmem>>, vector<16xi32>,
        tpu.vector_store_idx %arg19[%get3A_337], %broadcast_in_dim3A_18 {add = true} : memref<10008xf32, #tpu.memory_space<vmem>>[vector<16xi32>], vector<16xf32>,
        %dma_wait3A_338 = arith.constant 0 : i32
        %dma_wait3A_339 = arith.constant 0 : i32
        %dma_wait3A_340 = tpu.memref_slice %arg2[%dma_wait3A_338, %dma_wait3A_339] : memref<10000x128xf32, #tpu.memory_space<hbm>> -> memref<10000x128xf32, #tpu.memory_space<hbm>>
        tpu.wait_indirect_dma semaphore(%arg22 : memref<!tpu.dma_semaphore, #tpu.memory_space<semaphore_mem>>) src(%dma_wait3A_340 : memref<10000x128xf32, #tpu.memory_space<hbm>>) dst(%arg18 : memref<112x128xf32, #tpu.memory_space<vmem>>)
        %dma_start3A_341 = arith.constant 0 : i32
        %dma_start3A_342 = arith.constant 0 : i32
        %dma_start3A_343 = tpu.memref_slice %arg20[%dma_start3A_341, %dma_start3A_342] : memref<10008x128xf32, #tpu.memory_space<vmem_shared>> -> memref<10008x128xf32, #tpu.memory_space<vmem_shared>>
        tpu.enqueue_indirect_dma source(%arg18 : memref<112x128xf32, #tpu.memory_space<vmem>>) target(%dma_start3A_343 : memref<10008x128xf32, #tpu.memory_space<vmem_shared>>) offsets(%arg16 : memref<112xi32, #tpu.memory_space<vmem>>) semaphore(%arg24 : memref<!tpu.dma_semaphore, #tpu.memory_space<semaphore_mem>>) {add = true}
        %dma_wait3A_344 = arith.constant 0 : i32
        %dma_wait3A_345 = arith.constant 0 : i32
        %dma_wait3A_346 = tpu.memref_slice %arg20[%dma_wait3A_344, %dma_wait3A_345] : memref<10008x128xf32, #tpu.memory_space<vmem_shared>> -> memref<10008x128xf32, #tpu.memory_space<vmem_shared>>
        tpu.wait_indirect_dma semaphore(%arg23 : memref<!tpu.dma_semaphore, #tpu.memory_space<semaphore_mem>>) src(%arg17 : memref<112x128xf32, #tpu.memory_space<vmem>>) dst(%dma_wait3A_346 : memref<10008x128xf32, #tpu.memory_space<vmem_shared>>)
        %lt3A_347 = arith.constant 20 : i32
        %lt3A_348 = arith.cmpi slt, %scan3A_29, %lt3A_347 : i32
        %convert_element_type3A_349 = arith.extui %lt3A_348 : i1 to i32
        %cond3A_350 = arith.constant 0 : i32
        %cond3A_351 = arith.cmpi ne, %convert_element_type3A_349, %cond3A_350 : i32
        scf.if %cond3A_351 {
          %add3A_352 = arith.constant 1 : i32
          %add3A_353 = arith.addi %add3A_323, %add3A_352 : i32
          %dma_start3A_354 = arith.constant 0 : i32
          %dma_start3A_355 = tpu.memref_slice %arg3[%arg1, %add3A_353, %dma_start3A_354] : memref<16x126x112xi32, #tpu.memory_space<hbm>> -> memref<1x1x112xi32, #tpu.memory_space<hbm>>
          %dma_start3A_356 = tpu.memref_squeeze %dma_start3A_355 : memref<1x1x112xi32, #tpu.memory_space<hbm>> -> memref<112xi32, #tpu.memory_space<hbm>>
          %dma_start3A_357 = arith.constant 0 : i32
          %dma_start3A_358 = tpu.memref_slice %arg3[%arg1, %add3A_353, %dma_start3A_357] : memref<16x126x112xi32, #tpu.memory_space<hbm>> -> memref<1x1x112xi32, #tpu.memory_space<hbm>>
          %dma_start3A_359 = tpu.memref_squeeze %dma_start3A_358 : memref<1x1x112xi32, #tpu.memory_space<hbm>> -> memref<112xi32, #tpu.memory_space<hbm>>
          tpu.enqueue_dma source(%dma_start3A_359 : memref<112xi32, #tpu.memory_space<hbm>>) target(%arg11 : memref<112xi32, #tpu.memory_space<vmem>>) target_semaphore(%arg25 : memref<!tpu.dma_semaphore, #tpu.memory_space<semaphore_mem>>)
          %dma_wait3A_360 = arith.constant 0 : i32
          %dma_wait3A_361 = tpu.memref_slice %arg3[%arg1, %add3A_353, %dma_wait3A_360] : memref<16x126x112xi32, #tpu.memory_space<hbm>> -> memref<1x1x112xi32, #tpu.memory_space<hbm>>
          %dma_wait3A_362 = tpu.memref_squeeze %dma_wait3A_361 : memref<1x1x112xi32, #tpu.memory_space<hbm>> -> memref<112xi32, #tpu.memory_space<hbm>>
          %dma_wait3A_363 = arith.constant 0 : i32
          %dma_wait3A_364 = tpu.memref_slice %arg3[%arg1, %add3A_353, %dma_wait3A_363] : memref<16x126x112xi32, #tpu.memory_space<hbm>> -> memref<1x1x112xi32, #tpu.memory_space<hbm>>
          %dma_wait3A_365 = tpu.memref_squeeze %dma_wait3A_364 : memref<1x1x112xi32, #tpu.memory_space<hbm>> -> memref<112xi32, #tpu.memory_space<hbm>>
          tpu.wait_dma2 semaphore(%arg25 : memref<!tpu.dma_semaphore, #tpu.memory_space<semaphore_mem>>) src(%dma_wait3A_365 : memref<112xi32, #tpu.memory_space<hbm>>) dst(%arg11 : memref<112xi32, #tpu.memory_space<vmem>>)
          %add3A_366 = arith.constant 1 : i32
          %add3A_367 = arith.addi %add3A_323, %add3A_366 : i32
          %dma_start3A_368 = arith.constant 0 : i32
          %dma_start3A_369 = tpu.memref_slice %arg4[%arg1, %add3A_367, %dma_start3A_368] : memref<16x126x112xi32, #tpu.memory_space<hbm>> -> memref<1x1x112xi32, #tpu.memory_space<hbm>>
          %dma_start3A_370 = tpu.memref_squeeze %dma_start3A_369 : memref<1x1x112xi32, #tpu.memory_space<hbm>> -> memref<112xi32, #tpu.memory_space<hbm>>
          %dma_start3A_371 = arith.constant 0 : i32
          %dma_start3A_372 = tpu.memref_slice %arg4[%arg1, %add3A_367, %dma_start3A_371] : memref<16x126x112xi32, #tpu.memory_space<hbm>> -> memref<1x1x112xi32, #tpu.memory_space<hbm>>
          %dma_start3A_373 = tpu.memref_squeeze %dma_start3A_372 : memref<1x1x112xi32, #tpu.memory_space<hbm>> -> memref<112xi32, #tpu.memory_space<hbm>>
          tpu.enqueue_dma source(%dma_start3A_373 : memref<112xi32, #tpu.memory_space<hbm>>) target(%arg14 : memref<112xi32, #tpu.memory_space<vmem>>) target_semaphore(%arg25 : memref<!tpu.dma_semaphore, #tpu.memory_space<semaphore_mem>>)
          %dma_wait3A_374 = arith.constant 0 : i32
          %dma_wait3A_375 = tpu.memref_slice %arg4[%arg1, %add3A_367, %dma_wait3A_374] : memref<16x126x112xi32, #tpu.memory_space<hbm>> -> memref<1x1x112xi32, #tpu.memory_space<hbm>>
          %dma_wait3A_376 = tpu.memref_squeeze %dma_wait3A_375 : memref<1x1x112xi32, #tpu.memory_space<hbm>> -> memref<112xi32, #tpu.memory_space<hbm>>
          %dma_wait3A_377 = arith.constant 0 : i32
          %dma_wait3A_378 = tpu.memref_slice %arg4[%arg1, %add3A_367, %dma_wait3A_377] : memref<16x126x112xi32, #tpu.memory_space<hbm>> -> memref<1x1x112xi32, #tpu.memory_space<hbm>>
          %dma_wait3A_379 = tpu.memref_squeeze %dma_wait3A_378 : memref<1x1x112xi32, #tpu.memory_space<hbm>> -> memref<112xi32, #tpu.memory_space<hbm>>
          tpu.wait_dma2 semaphore(%arg25 : memref<!tpu.dma_semaphore, #tpu.memory_space<semaphore_mem>>) src(%dma_wait3A_379 : memref<112xi32, #tpu.memory_space<hbm>>) dst(%arg14 : memref<112xi32, #tpu.memory_space<vmem>>)
          %dma_start3A_380 = arith.constant 0 : i32
          %dma_start3A_381 = arith.constant 0 : i32
          %dma_start3A_382 = tpu.memref_slice %arg2[%dma_start3A_380, %dma_start3A_381] : memref<10000x128xf32, #tpu.memory_space<hbm>> -> memref<10000x128xf32, #tpu.memory_space<hbm>>
          tpu.enqueue_indirect_dma source(%dma_start3A_382 : memref<10000x128xf32, #tpu.memory_space<hbm>>) target(%arg17 : memref<112x128xf32, #tpu.memory_space<vmem>>) offsets(%arg11 : memref<112xi32, #tpu.memory_space<vmem>>) semaphore(%arg21 : memref<!tpu.dma_semaphore, #tpu.memory_space<semaphore_mem>>)
        } else {
        }
      }
      %scan3A_26 = arith.constant 21 : i32
      %dma_wait3A = arith.constant 0 : i32
      %dma_wait3A_27 = arith.constant 0 : i32
      %dma_wait3A_28 = tpu.memref_slice %arg20[%dma_wait3A, %dma_wait3A_27] : memref<10008x128xf32, #tpu.memory_space<vmem_shared>> -> memref<10008x128xf32, #tpu.memory_space<vmem_shared>>
      tpu.wait_indirect_dma semaphore(%arg24 : memref<!tpu.dma_semaphore, #tpu.memory_space<semaphore_mem>>) src(%arg18 : memref<112x128xf32, #tpu.memory_space<vmem>>) dst(%dma_wait3A_28 : memref<10008x128xf32, #tpu.memory_space<vmem_shared>>)
    } else {
    }
    %eq3A_6 = arith.constant 1 : i32
    %eq3A_7 = arith.cmpi eq, %arg0, %eq3A_6 : i32
    %convert_element_type3A_8 = arith.extui %eq3A_7 : i1 to i32
    %cond3A_9 = arith.constant 0 : i32
    %cond3A_10 = arith.cmpi ne, %convert_element_type3A_8, %cond3A_9 : i32
    scf.if %cond3A_10 {
      %broadcast_in_dim3A = arith.constant 1.000000e+00 : f32
      %broadcast_in_dim3A_18 = vector.broadcast %broadcast_in_dim3A : f32 to vector<16xf32>
      %run_scoped3A = arith.constant 0 : i32
      "tpu.region"() ({
        %run_scoped3A_29 = tpu.sem_alloc : memref<!tpu.dma_semaphore, #tpu.memory_space<semaphore_mem>>
        %dma_start3A_30 = arith.constant 0 : i32
        %dma_start3A_31 = tpu.memref_slice %arg5[%arg1, %run_scoped3A, %dma_start3A_30] : memref<16x54x112xi32, #tpu.memory_space<hbm>> -> memref<1x1x112xi32, #tpu.memory_space<hbm>>
        %dma_start3A_32 = tpu.memref_squeeze %dma_start3A_31 : memref<1x1x112xi32, #tpu.memory_space<hbm>> -> memref<112xi32, #tpu.memory_space<hbm>>
        %dma_start3A_33 = arith.constant 0 : i32
        %dma_start3A_34 = tpu.memref_slice %arg5[%arg1, %run_scoped3A, %dma_start3A_33] : memref<16x54x112xi32, #tpu.memory_space<hbm>> -> memref<1x1x112xi32, #tpu.memory_space<hbm>>
        %dma_start3A_35 = tpu.memref_squeeze %dma_start3A_34 : memref<1x1x112xi32, #tpu.memory_space<hbm>> -> memref<112xi32, #tpu.memory_space<hbm>>
        tpu.enqueue_dma source(%dma_start3A_35 : memref<112xi32, #tpu.memory_space<hbm>>) target(%arg11 : memref<112xi32, #tpu.memory_space<vmem>>) target_semaphore(%run_scoped3A_29 : memref<!tpu.dma_semaphore, #tpu.memory_space<semaphore_mem>>)
        %dma_wait3A_36 = arith.constant 0 : i32
        %dma_wait3A_37 = tpu.memref_slice %arg5[%arg1, %run_scoped3A, %dma_wait3A_36] : memref<16x54x112xi32, #tpu.memory_space<hbm>> -> memref<1x1x112xi32, #tpu.memory_space<hbm>>
        %dma_wait3A_38 = tpu.memref_squeeze %dma_wait3A_37 : memref<1x1x112xi32, #tpu.memory_space<hbm>> -> memref<112xi32, #tpu.memory_space<hbm>>
        %dma_wait3A_39 = arith.constant 0 : i32
        %dma_wait3A_40 = tpu.memref_slice %arg5[%arg1, %run_scoped3A, %dma_wait3A_39] : memref<16x54x112xi32, #tpu.memory_space<hbm>> -> memref<1x1x112xi32, #tpu.memory_space<hbm>>
        %dma_wait3A_41 = tpu.memref_squeeze %dma_wait3A_40 : memref<1x1x112xi32, #tpu.memory_space<hbm>> -> memref<112xi32, #tpu.memory_space<hbm>>
        tpu.wait_dma2 semaphore(%run_scoped3A_29 : memref<!tpu.dma_semaphore, #tpu.memory_space<semaphore_mem>>) src(%dma_wait3A_41 : memref<112xi32, #tpu.memory_space<hbm>>) dst(%arg11 : memref<112xi32, #tpu.memory_space<vmem>>)
        tpu.yield
      }) : () -> ()
      %run_scoped3A_19 = arith.constant 0 : i32
      "tpu.region"() ({
        %run_scoped3A_29 = tpu.sem_alloc : memref<!tpu.dma_semaphore, #tpu.memory_space<semaphore_mem>>
        %dma_start3A_30 = arith.constant 0 : i32
        %dma_start3A_31 = tpu.memref_slice %arg6[%arg1, %run_scoped3A_19, %dma_start3A_30] : memref<16x54x112xi32, #tpu.memory_space<hbm>> -> memref<1x1x112xi32, #tpu.memory_space<hbm>>
        %dma_start3A_32 = tpu.memref_squeeze %dma_start3A_31 : memref<1x1x112xi32, #tpu.memory_space<hbm>> -> memref<112xi32, #tpu.memory_space<hbm>>
        %dma_start3A_33 = arith.constant 0 : i32
        %dma_start3A_34 = tpu.memref_slice %arg6[%arg1, %run_scoped3A_19, %dma_start3A_33] : memref<16x54x112xi32, #tpu.memory_space<hbm>> -> memref<1x1x112xi32, #tpu.memory_space<hbm>>
        %dma_start3A_35 = tpu.memref_squeeze %dma_start3A_34 : memref<1x1x112xi32, #tpu.memory_space<hbm>> -> memref<112xi32, #tpu.memory_space<hbm>>
        tpu.enqueue_dma source(%dma_start3A_35 : memref<112xi32, #tpu.memory_space<hbm>>) target(%arg14 : memref<112xi32, #tpu.memory_space<vmem>>) target_semaphore(%run_scoped3A_29 : memref<!tpu.dma_semaphore, #tpu.memory_space<semaphore_mem>>)
        %dma_wait3A_36 = arith.constant 0 : i32
        %dma_wait3A_37 = tpu.memref_slice %arg6[%arg1, %run_scoped3A_19, %dma_wait3A_36] : memref<16x54x112xi32, #tpu.memory_space<hbm>> -> memref<1x1x112xi32, #tpu.memory_space<hbm>>
        %dma_wait3A_38 = tpu.memref_squeeze %dma_wait3A_37 : memref<1x1x112xi32, #tpu.memory_space<hbm>> -> memref<112xi32, #tpu.memory_space<hbm>>
        %dma_wait3A_39 = arith.constant 0 : i32
        %dma_wait3A_40 = tpu.memref_slice %arg6[%arg1, %run_scoped3A_19, %dma_wait3A_39] : memref<16x54x112xi32, #tpu.memory_space<hbm>> -> memref<1x1x112xi32, #tpu.memory_space<hbm>>
        %dma_wait3A_41 = tpu.memref_squeeze %dma_wait3A_40 : memref<1x1x112xi32, #tpu.memory_space<hbm>> -> memref<112xi32, #tpu.memory_space<hbm>>
        tpu.wait_dma2 semaphore(%run_scoped3A_29 : memref<!tpu.dma_semaphore, #tpu.memory_space<semaphore_mem>>) src(%dma_wait3A_41 : memref<112xi32, #tpu.memory_space<hbm>>) dst(%arg14 : memref<112xi32, #tpu.memory_space<vmem>>)
        tpu.yield
      }) : () -> ()
      %dma_start3A = arith.constant 0 : i32
      %dma_start3A_20 = arith.constant 0 : i32
      %dma_start3A_21 = tpu.memref_slice %arg2[%dma_start3A, %dma_start3A_20] : memref<10000x128xf32, #tpu.memory_space<hbm>> -> memref<10000x128xf32, #tpu.memory_space<hbm>>
      tpu.enqueue_indirect_dma source(%dma_start3A_21 : memref<10000x128xf32, #tpu.memory_space<hbm>>) target(%arg17 : memref<112x128xf32, #tpu.memory_space<vmem>>) offsets(%arg11 : memref<112xi32, #tpu.memory_space<vmem>>) semaphore(%arg21 : memref<!tpu.dma_semaphore, #tpu.memory_space<semaphore_mem>>)
      %scan3A = arith.constant 0 : i32
      %scan3A_22 = arith.constant 0 : i32
      %scan3A_23 = arith.constant 9 : i32
      %scan3A_24 = arith.addi %scan3A_22, %scan3A_23 : i32
      %scan3A_25 = arith.constant 1 : i32
      scf.for %scan3A_29 = %scan3A_22 to %scan3A_24 step %scan3A_25  : i32 {
        %mul3A_30 = arith.constant 6 : i32
        %mul3A_31 = arith.muli %scan3A_29, %mul3A_30 : i32
        %add3A_32 = arith.constant 0 : i32
        %add3A_33 = arith.addi %mul3A_31, %add3A_32 : i32
        %add3A_34 = arith.constant 1 : i32
        %add3A_35 = arith.addi %add3A_33, %add3A_34 : i32
        %dma_start3A_36 = arith.constant 0 : i32
        %dma_start3A_37 = tpu.memref_slice %arg5[%arg1, %add3A_35, %dma_start3A_36] : memref<16x54x112xi32, #tpu.memory_space<hbm>> -> memref<1x1x112xi32, #tpu.memory_space<hbm>>
        %dma_start3A_38 = tpu.memref_squeeze %dma_start3A_37 : memref<1x1x112xi32, #tpu.memory_space<hbm>> -> memref<112xi32, #tpu.memory_space<hbm>>
        %dma_start3A_39 = arith.constant 0 : i32
        %dma_start3A_40 = tpu.memref_slice %arg5[%arg1, %add3A_35, %dma_start3A_39] : memref<16x54x112xi32, #tpu.memory_space<hbm>> -> memref<1x1x112xi32, #tpu.memory_space<hbm>>
        %dma_start3A_41 = tpu.memref_squeeze %dma_start3A_40 : memref<1x1x112xi32, #tpu.memory_space<hbm>> -> memref<112xi32, #tpu.memory_space<hbm>>
        tpu.enqueue_dma source(%dma_start3A_41 : memref<112xi32, #tpu.memory_space<hbm>>) target(%arg12 : memref<112xi32, #tpu.memory_space<vmem>>) target_semaphore(%arg25 : memref<!tpu.dma_semaphore, #tpu.memory_space<semaphore_mem>>)
        %add3A_42 = arith.constant 1 : i32
        %add3A_43 = arith.addi %add3A_33, %add3A_42 : i32
        %dma_start3A_44 = arith.constant 0 : i32
        %dma_start3A_45 = tpu.memref_slice %arg6[%arg1, %add3A_43, %dma_start3A_44] : memref<16x54x112xi32, #tpu.memory_space<hbm>> -> memref<1x1x112xi32, #tpu.memory_space<hbm>>
        %dma_start3A_46 = tpu.memref_squeeze %dma_start3A_45 : memref<1x1x112xi32, #tpu.memory_space<hbm>> -> memref<112xi32, #tpu.memory_space<hbm>>
        %dma_start3A_47 = arith.constant 0 : i32
        %dma_start3A_48 = tpu.memref_slice %arg6[%arg1, %add3A_43, %dma_start3A_47] : memref<16x54x112xi32, #tpu.memory_space<hbm>> -> memref<1x1x112xi32, #tpu.memory_space<hbm>>
        %dma_start3A_49 = tpu.memref_squeeze %dma_start3A_48 : memref<1x1x112xi32, #tpu.memory_space<hbm>> -> memref<112xi32, #tpu.memory_space<hbm>>
        tpu.enqueue_dma source(%dma_start3A_49 : memref<112xi32, #tpu.memory_space<hbm>>) target(%arg15 : memref<112xi32, #tpu.memory_space<vmem>>) target_semaphore(%arg25 : memref<!tpu.dma_semaphore, #tpu.memory_space<semaphore_mem>>)
        %get3A = arith.constant 0 : index
        %get3A_50 = tpu.vector_load %arg14[%get3A] {strides = array<i32>} : memref<112xi32, #tpu.memory_space<vmem>>, vector<16xi32>,
        tpu.vector_store_idx %arg19[%get3A_50], %broadcast_in_dim3A_18 {add = true} : memref<10008xf32, #tpu.memory_space<vmem>>[vector<16xi32>], vector<16xf32>,
        %get3A_51 = arith.constant 16 : index
        %get3A_52 = tpu.vector_load %arg14[%get3A_51] {strides = array<i32>} : memref<112xi32, #tpu.memory_space<vmem>>, vector<16xi32>,
        tpu.vector_store_idx %arg19[%get3A_52], %broadcast_in_dim3A_18 {add = true} : memref<10008xf32, #tpu.memory_space<vmem>>[vector<16xi32>], vector<16xf32>,
        %get3A_53 = arith.constant 32 : index
        %get3A_54 = tpu.vector_load %arg14[%get3A_53] {strides = array<i32>} : memref<112xi32, #tpu.memory_space<vmem>>, vector<16xi32>,
        tpu.vector_store_idx %arg19[%get3A_54], %broadcast_in_dim3A_18 {add = true} : memref<10008xf32, #tpu.memory_space<vmem>>[vector<16xi32>], vector<16xf32>,
        %get3A_55 = arith.constant 48 : index
        %get3A_56 = tpu.vector_load %arg14[%get3A_55] {strides = array<i32>} : memref<112xi32, #tpu.memory_space<vmem>>, vector<16xi32>,
        tpu.vector_store_idx %arg19[%get3A_56], %broadcast_in_dim3A_18 {add = true} : memref<10008xf32, #tpu.memory_space<vmem>>[vector<16xi32>], vector<16xf32>,
        %get3A_57 = arith.constant 64 : index
        %get3A_58 = tpu.vector_load %arg14[%get3A_57] {strides = array<i32>} : memref<112xi32, #tpu.memory_space<vmem>>, vector<16xi32>,
        tpu.vector_store_idx %arg19[%get3A_58], %broadcast_in_dim3A_18 {add = true} : memref<10008xf32, #tpu.memory_space<vmem>>[vector<16xi32>], vector<16xf32>,
        %get3A_59 = arith.constant 80 : index
        %get3A_60 = tpu.vector_load %arg14[%get3A_59] {strides = array<i32>} : memref<112xi32, #tpu.memory_space<vmem>>, vector<16xi32>,
        tpu.vector_store_idx %arg19[%get3A_60], %broadcast_in_dim3A_18 {add = true} : memref<10008xf32, #tpu.memory_space<vmem>>[vector<16xi32>], vector<16xf32>,
        %get3A_61 = arith.constant 96 : index
        %get3A_62 = tpu.vector_load %arg14[%get3A_61] {strides = array<i32>} : memref<112xi32, #tpu.memory_space<vmem>>, vector<16xi32>,
        tpu.vector_store_idx %arg19[%get3A_62], %broadcast_in_dim3A_18 {add = true} : memref<10008xf32, #tpu.memory_space<vmem>>[vector<16xi32>], vector<16xf32>,
        %dma_wait3A_63 = arith.constant 0 : i32
        %dma_wait3A_64 = arith.constant 0 : i32
        %dma_wait3A_65 = tpu.memref_slice %arg2[%dma_wait3A_63, %dma_wait3A_64] : memref<10000x128xf32, #tpu.memory_space<hbm>> -> memref<10000x128xf32, #tpu.memory_space<hbm>>
        tpu.wait_indirect_dma semaphore(%arg21 : memref<!tpu.dma_semaphore, #tpu.memory_space<semaphore_mem>>) src(%dma_wait3A_65 : memref<10000x128xf32, #tpu.memory_space<hbm>>) dst(%arg17 : memref<112x128xf32, #tpu.memory_space<vmem>>)
        %dma_start3A_66 = arith.constant 0 : i32
        %dma_start3A_67 = arith.constant 0 : i32
        %dma_start3A_68 = tpu.memref_slice %arg20[%dma_start3A_66, %dma_start3A_67] : memref<10008x128xf32, #tpu.memory_space<vmem_shared>> -> memref<10008x128xf32, #tpu.memory_space<vmem_shared>>
        tpu.enqueue_indirect_dma source(%arg17 : memref<112x128xf32, #tpu.memory_space<vmem>>) target(%dma_start3A_68 : memref<10008x128xf32, #tpu.memory_space<vmem_shared>>) offsets(%arg14 : memref<112xi32, #tpu.memory_space<vmem>>) semaphore(%arg23 : memref<!tpu.dma_semaphore, #tpu.memory_space<semaphore_mem>>) {add = true}
        %gt3A = arith.constant 0 : i32
        %gt3A_69 = arith.cmpi sgt, %scan3A_29, %gt3A : i32
        %convert_element_type3A_70 = arith.extui %gt3A_69 : i1 to i32
        %cond3A_71 = arith.constant 0 : i32
        %cond3A_72 = arith.cmpi ne, %convert_element_type3A_70, %cond3A_71 : i32
        scf.if %cond3A_72 {
          %dma_wait3A_352 = arith.constant 0 : i32
          %dma_wait3A_353 = arith.constant 0 : i32
          %dma_wait3A_354 = tpu.memref_slice %arg20[%dma_wait3A_352, %dma_wait3A_353] : memref<10008x128xf32, #tpu.memory_space<vmem_shared>> -> memref<10008x128xf32, #tpu.memory_space<vmem_shared>>
          tpu.wait_indirect_dma semaphore(%arg24 : memref<!tpu.dma_semaphore, #tpu.memory_space<semaphore_mem>>) src(%arg18 : memref<112x128xf32, #tpu.memory_space<vmem>>) dst(%dma_wait3A_354 : memref<10008x128xf32, #tpu.memory_space<vmem_shared>>)
        } else {
        }
        %dma_wait3A_73 = arith.constant 0 : i32
        %dma_wait3A_74 = tpu.memref_slice %arg5[%arg1, %add3A_35, %dma_wait3A_73] : memref<16x54x112xi32, #tpu.memory_space<hbm>> -> memref<1x1x112xi32, #tpu.memory_space<hbm>>
        %dma_wait3A_75 = tpu.memref_squeeze %dma_wait3A_74 : memref<1x1x112xi32, #tpu.memory_space<hbm>> -> memref<112xi32, #tpu.memory_space<hbm>>
        %dma_wait3A_76 = arith.constant 0 : i32
        %dma_wait3A_77 = tpu.memref_slice %arg5[%arg1, %add3A_35, %dma_wait3A_76] : memref<16x54x112xi32, #tpu.memory_space<hbm>> -> memref<1x1x112xi32, #tpu.memory_space<hbm>>
        %dma_wait3A_78 = tpu.memref_squeeze %dma_wait3A_77 : memref<1x1x112xi32, #tpu.memory_space<hbm>> -> memref<112xi32, #tpu.memory_space<hbm>>
        tpu.wait_dma2 semaphore(%arg25 : memref<!tpu.dma_semaphore, #tpu.memory_space<semaphore_mem>>) src(%dma_wait3A_78 : memref<112xi32, #tpu.memory_space<hbm>>) dst(%arg12 : memref<112xi32, #tpu.memory_space<vmem>>)
        %dma_wait3A_79 = arith.constant 0 : i32
        %dma_wait3A_80 = tpu.memref_slice %arg6[%arg1, %add3A_43, %dma_wait3A_79] : memref<16x54x112xi32, #tpu.memory_space<hbm>> -> memref<1x1x112xi32, #tpu.memory_space<hbm>>
        %dma_wait3A_81 = tpu.memref_squeeze %dma_wait3A_80 : memref<1x1x112xi32, #tpu.memory_space<hbm>> -> memref<112xi32, #tpu.memory_space<hbm>>
        %dma_wait3A_82 = arith.constant 0 : i32
        %dma_wait3A_83 = tpu.memref_slice %arg6[%arg1, %add3A_43, %dma_wait3A_82] : memref<16x54x112xi32, #tpu.memory_space<hbm>> -> memref<1x1x112xi32, #tpu.memory_space<hbm>>
        %dma_wait3A_84 = tpu.memref_squeeze %dma_wait3A_83 : memref<1x1x112xi32, #tpu.memory_space<hbm>> -> memref<112xi32, #tpu.memory_space<hbm>>
        tpu.wait_dma2 semaphore(%arg25 : memref<!tpu.dma_semaphore, #tpu.memory_space<semaphore_mem>>) src(%dma_wait3A_84 : memref<112xi32, #tpu.memory_space<hbm>>) dst(%arg15 : memref<112xi32, #tpu.memory_space<vmem>>)
        %dma_start3A_85 = arith.constant 0 : i32
        %dma_start3A_86 = arith.constant 0 : i32
        %dma_start3A_87 = tpu.memref_slice %arg2[%dma_start3A_85, %dma_start3A_86] : memref<10000x128xf32, #tpu.memory_space<hbm>> -> memref<10000x128xf32, #tpu.memory_space<hbm>>
        tpu.enqueue_indirect_dma source(%dma_start3A_87 : memref<10000x128xf32, #tpu.memory_space<hbm>>) target(%arg18 : memref<112x128xf32, #tpu.memory_space<vmem>>) offsets(%arg12 : memref<112xi32, #tpu.memory_space<vmem>>) semaphore(%arg22 : memref<!tpu.dma_semaphore, #tpu.memory_space<semaphore_mem>>)
        %mul3A_88 = arith.constant 6 : i32
        %mul3A_89 = arith.muli %scan3A_29, %mul3A_88 : i32
        %add3A_90 = arith.constant 1 : i32
        %add3A_91 = arith.addi %mul3A_89, %add3A_90 : i32
        %add3A_92 = arith.constant 1 : i32
        %add3A_93 = arith.addi %add3A_91, %add3A_92 : i32
        %dma_start3A_94 = arith.constant 0 : i32
        %dma_start3A_95 = tpu.memref_slice %arg5[%arg1, %add3A_93, %dma_start3A_94] : memref<16x54x112xi32, #tpu.memory_space<hbm>> -> memref<1x1x112xi32, #tpu.memory_space<hbm>>
        %dma_start3A_96 = tpu.memref_squeeze %dma_start3A_95 : memref<1x1x112xi32, #tpu.memory_space<hbm>> -> memref<112xi32, #tpu.memory_space<hbm>>
        %dma_start3A_97 = arith.constant 0 : i32
        %dma_start3A_98 = tpu.memref_slice %arg5[%arg1, %add3A_93, %dma_start3A_97] : memref<16x54x112xi32, #tpu.memory_space<hbm>> -> memref<1x1x112xi32, #tpu.memory_space<hbm>>
        %dma_start3A_99 = tpu.memref_squeeze %dma_start3A_98 : memref<1x1x112xi32, #tpu.memory_space<hbm>> -> memref<112xi32, #tpu.memory_space<hbm>>
        tpu.enqueue_dma source(%dma_start3A_99 : memref<112xi32, #tpu.memory_space<hbm>>) target(%arg13 : memref<112xi32, #tpu.memory_space<vmem>>) target_semaphore(%arg25 : memref<!tpu.dma_semaphore, #tpu.memory_space<semaphore_mem>>)
        %add3A_100 = arith.constant 1 : i32
        %add3A_101 = arith.addi %add3A_91, %add3A_100 : i32
        %dma_start3A_102 = arith.constant 0 : i32
        %dma_start3A_103 = tpu.memref_slice %arg6[%arg1, %add3A_101, %dma_start3A_102] : memref<16x54x112xi32, #tpu.memory_space<hbm>> -> memref<1x1x112xi32, #tpu.memory_space<hbm>>
        %dma_start3A_104 = tpu.memref_squeeze %dma_start3A_103 : memref<1x1x112xi32, #tpu.memory_space<hbm>> -> memref<112xi32, #tpu.memory_space<hbm>>
        %dma_start3A_105 = arith.constant 0 : i32
        %dma_start3A_106 = tpu.memref_slice %arg6[%arg1, %add3A_101, %dma_start3A_105] : memref<16x54x112xi32, #tpu.memory_space<hbm>> -> memref<1x1x112xi32, #tpu.memory_space<hbm>>
        %dma_start3A_107 = tpu.memref_squeeze %dma_start3A_106 : memref<1x1x112xi32, #tpu.memory_space<hbm>> -> memref<112xi32, #tpu.memory_space<hbm>>
        tpu.enqueue_dma source(%dma_start3A_107 : memref<112xi32, #tpu.memory_space<hbm>>) target(%arg16 : memref<112xi32, #tpu.memory_space<vmem>>) target_semaphore(%arg25 : memref<!tpu.dma_semaphore, #tpu.memory_space<semaphore_mem>>)
        %get3A_108 = arith.constant 0 : index
        %get3A_109 = tpu.vector_load %arg15[%get3A_108] {strides = array<i32>} : memref<112xi32, #tpu.memory_space<vmem>>, vector<16xi32>,
        tpu.vector_store_idx %arg19[%get3A_109], %broadcast_in_dim3A_18 {add = true} : memref<10008xf32, #tpu.memory_space<vmem>>[vector<16xi32>], vector<16xf32>,
        %get3A_110 = arith.constant 16 : index
        %get3A_111 = tpu.vector_load %arg15[%get3A_110] {strides = array<i32>} : memref<112xi32, #tpu.memory_space<vmem>>, vector<16xi32>,
        tpu.vector_store_idx %arg19[%get3A_111], %broadcast_in_dim3A_18 {add = true} : memref<10008xf32, #tpu.memory_space<vmem>>[vector<16xi32>], vector<16xf32>,
        %get3A_112 = arith.constant 32 : index
        %get3A_113 = tpu.vector_load %arg15[%get3A_112] {strides = array<i32>} : memref<112xi32, #tpu.memory_space<vmem>>, vector<16xi32>,
        tpu.vector_store_idx %arg19[%get3A_113], %broadcast_in_dim3A_18 {add = true} : memref<10008xf32, #tpu.memory_space<vmem>>[vector<16xi32>], vector<16xf32>,
        %get3A_114 = arith.constant 48 : index
        %get3A_115 = tpu.vector_load %arg15[%get3A_114] {strides = array<i32>} : memref<112xi32, #tpu.memory_space<vmem>>, vector<16xi32>,
        tpu.vector_store_idx %arg19[%get3A_115], %broadcast_in_dim3A_18 {add = true} : memref<10008xf32, #tpu.memory_space<vmem>>[vector<16xi32>], vector<16xf32>,
        %get3A_116 = arith.constant 64 : index
        %get3A_117 = tpu.vector_load %arg15[%get3A_116] {strides = array<i32>} : memref<112xi32, #tpu.memory_space<vmem>>, vector<16xi32>,
        tpu.vector_store_idx %arg19[%get3A_117], %broadcast_in_dim3A_18 {add = true} : memref<10008xf32, #tpu.memory_space<vmem>>[vector<16xi32>], vector<16xf32>,
        %get3A_118 = arith.constant 80 : index
        %get3A_119 = tpu.vector_load %arg15[%get3A_118] {strides = array<i32>} : memref<112xi32, #tpu.memory_space<vmem>>, vector<16xi32>,
        tpu.vector_store_idx %arg19[%get3A_119], %broadcast_in_dim3A_18 {add = true} : memref<10008xf32, #tpu.memory_space<vmem>>[vector<16xi32>], vector<16xf32>,
        %get3A_120 = arith.constant 96 : index
        %get3A_121 = tpu.vector_load %arg15[%get3A_120] {strides = array<i32>} : memref<112xi32, #tpu.memory_space<vmem>>, vector<16xi32>,
        tpu.vector_store_idx %arg19[%get3A_121], %broadcast_in_dim3A_18 {add = true} : memref<10008xf32, #tpu.memory_space<vmem>>[vector<16xi32>], vector<16xf32>,
        %dma_wait3A_122 = arith.constant 0 : i32
        %dma_wait3A_123 = arith.constant 0 : i32
        %dma_wait3A_124 = tpu.memref_slice %arg2[%dma_wait3A_122, %dma_wait3A_123] : memref<10000x128xf32, #tpu.memory_space<hbm>> -> memref<10000x128xf32, #tpu.memory_space<hbm>>
        tpu.wait_indirect_dma semaphore(%arg22 : memref<!tpu.dma_semaphore, #tpu.memory_space<semaphore_mem>>) src(%dma_wait3A_124 : memref<10000x128xf32, #tpu.memory_space<hbm>>) dst(%arg18 : memref<112x128xf32, #tpu.memory_space<vmem>>)
        %dma_start3A_125 = arith.constant 0 : i32
        %dma_start3A_126 = arith.constant 0 : i32
        %dma_start3A_127 = tpu.memref_slice %arg20[%dma_start3A_125, %dma_start3A_126] : memref<10008x128xf32, #tpu.memory_space<vmem_shared>> -> memref<10008x128xf32, #tpu.memory_space<vmem_shared>>
        tpu.enqueue_indirect_dma source(%arg18 : memref<112x128xf32, #tpu.memory_space<vmem>>) target(%dma_start3A_127 : memref<10008x128xf32, #tpu.memory_space<vmem_shared>>) offsets(%arg15 : memref<112xi32, #tpu.memory_space<vmem>>) semaphore(%arg24 : memref<!tpu.dma_semaphore, #tpu.memory_space<semaphore_mem>>) {add = true}
        %dma_wait3A_128 = arith.constant 0 : i32
        %dma_wait3A_129 = arith.constant 0 : i32
        %dma_wait3A_130 = tpu.memref_slice %arg20[%dma_wait3A_128, %dma_wait3A_129] : memref<10008x128xf32, #tpu.memory_space<vmem_shared>> -> memref<10008x128xf32, #tpu.memory_space<vmem_shared>>
        tpu.wait_indirect_dma semaphore(%arg23 : memref<!tpu.dma_semaphore, #tpu.memory_space<semaphore_mem>>) src(%arg17 : memref<112x128xf32, #tpu.memory_space<vmem>>) dst(%dma_wait3A_130 : memref<10008x128xf32, #tpu.memory_space<vmem_shared>>)
        %dma_wait3A_131 = arith.constant 0 : i32
        %dma_wait3A_132 = tpu.memref_slice %arg5[%arg1, %add3A_93, %dma_wait3A_131] : memref<16x54x112xi32, #tpu.memory_space<hbm>> -> memref<1x1x112xi32, #tpu.memory_space<hbm>>
        %dma_wait3A_133 = tpu.memref_squeeze %dma_wait3A_132 : memref<1x1x112xi32, #tpu.memory_space<hbm>> -> memref<112xi32, #tpu.memory_space<hbm>>
        %dma_wait3A_134 = arith.constant 0 : i32
        %dma_wait3A_135 = tpu.memref_slice %arg5[%arg1, %add3A_93, %dma_wait3A_134] : memref<16x54x112xi32, #tpu.memory_space<hbm>> -> memref<1x1x112xi32, #tpu.memory_space<hbm>>
        %dma_wait3A_136 = tpu.memref_squeeze %dma_wait3A_135 : memref<1x1x112xi32, #tpu.memory_space<hbm>> -> memref<112xi32, #tpu.memory_space<hbm>>
        tpu.wait_dma2 semaphore(%arg25 : memref<!tpu.dma_semaphore, #tpu.memory_space<semaphore_mem>>) src(%dma_wait3A_136 : memref<112xi32, #tpu.memory_space<hbm>>) dst(%arg13 : memref<112xi32, #tpu.memory_space<vmem>>)
        %dma_wait3A_137 = arith.constant 0 : i32
        %dma_wait3A_138 = tpu.memref_slice %arg6[%arg1, %add3A_101, %dma_wait3A_137] : memref<16x54x112xi32, #tpu.memory_space<hbm>> -> memref<1x1x112xi32, #tpu.memory_space<hbm>>
        %dma_wait3A_139 = tpu.memref_squeeze %dma_wait3A_138 : memref<1x1x112xi32, #tpu.memory_space<hbm>> -> memref<112xi32, #tpu.memory_space<hbm>>
        %dma_wait3A_140 = arith.constant 0 : i32
        %dma_wait3A_141 = tpu.memref_slice %arg6[%arg1, %add3A_101, %dma_wait3A_140] : memref<16x54x112xi32, #tpu.memory_space<hbm>> -> memref<1x1x112xi32, #tpu.memory_space<hbm>>
        %dma_wait3A_142 = tpu.memref_squeeze %dma_wait3A_141 : memref<1x1x112xi32, #tpu.memory_space<hbm>> -> memref<112xi32, #tpu.memory_space<hbm>>
        tpu.wait_dma2 semaphore(%arg25 : memref<!tpu.dma_semaphore, #tpu.memory_space<semaphore_mem>>) src(%dma_wait3A_142 : memref<112xi32, #tpu.memory_space<hbm>>) dst(%arg16 : memref<112xi32, #tpu.memory_space<vmem>>)
        %dma_start3A_143 = arith.constant 0 : i32
        %dma_start3A_144 = arith.constant 0 : i32
        %dma_start3A_145 = tpu.memref_slice %arg2[%dma_start3A_143, %dma_start3A_144] : memref<10000x128xf32, #tpu.memory_space<hbm>> -> memref<10000x128xf32, #tpu.memory_space<hbm>>
        tpu.enqueue_indirect_dma source(%dma_start3A_145 : memref<10000x128xf32, #tpu.memory_space<hbm>>) target(%arg17 : memref<112x128xf32, #tpu.memory_space<vmem>>) offsets(%arg13 : memref<112xi32, #tpu.memory_space<vmem>>) semaphore(%arg21 : memref<!tpu.dma_semaphore, #tpu.memory_space<semaphore_mem>>)
        %mul3A_146 = arith.constant 6 : i32
        %mul3A_147 = arith.muli %scan3A_29, %mul3A_146 : i32
        %add3A_148 = arith.constant 2 : i32
        %add3A_149 = arith.addi %mul3A_147, %add3A_148 : i32
        %add3A_150 = arith.constant 1 : i32
        %add3A_151 = arith.addi %add3A_149, %add3A_150 : i32
        %dma_start3A_152 = arith.constant 0 : i32
        %dma_start3A_153 = tpu.memref_slice %arg5[%arg1, %add3A_151, %dma_start3A_152] : memref<16x54x112xi32, #tpu.memory_space<hbm>> -> memref<1x1x112xi32, #tpu.memory_space<hbm>>
        %dma_start3A_154 = tpu.memref_squeeze %dma_start3A_153 : memref<1x1x112xi32, #tpu.memory_space<hbm>> -> memref<112xi32, #tpu.memory_space<hbm>>
        %dma_start3A_155 = arith.constant 0 : i32
        %dma_start3A_156 = tpu.memref_slice %arg5[%arg1, %add3A_151, %dma_start3A_155] : memref<16x54x112xi32, #tpu.memory_space<hbm>> -> memref<1x1x112xi32, #tpu.memory_space<hbm>>
        %dma_start3A_157 = tpu.memref_squeeze %dma_start3A_156 : memref<1x1x112xi32, #tpu.memory_space<hbm>> -> memref<112xi32, #tpu.memory_space<hbm>>
        tpu.enqueue_dma source(%dma_start3A_157 : memref<112xi32, #tpu.memory_space<hbm>>) target(%arg11 : memref<112xi32, #tpu.memory_space<vmem>>) target_semaphore(%arg25 : memref<!tpu.dma_semaphore, #tpu.memory_space<semaphore_mem>>)
        %add3A_158 = arith.constant 1 : i32
        %add3A_159 = arith.addi %add3A_149, %add3A_158 : i32
        %dma_start3A_160 = arith.constant 0 : i32
        %dma_start3A_161 = tpu.memref_slice %arg6[%arg1, %add3A_159, %dma_start3A_160] : memref<16x54x112xi32, #tpu.memory_space<hbm>> -> memref<1x1x112xi32, #tpu.memory_space<hbm>>
        %dma_start3A_162 = tpu.memref_squeeze %dma_start3A_161 : memref<1x1x112xi32, #tpu.memory_space<hbm>> -> memref<112xi32, #tpu.memory_space<hbm>>
        %dma_start3A_163 = arith.constant 0 : i32
        %dma_start3A_164 = tpu.memref_slice %arg6[%arg1, %add3A_159, %dma_start3A_163] : memref<16x54x112xi32, #tpu.memory_space<hbm>> -> memref<1x1x112xi32, #tpu.memory_space<hbm>>
        %dma_start3A_165 = tpu.memref_squeeze %dma_start3A_164 : memref<1x1x112xi32, #tpu.memory_space<hbm>> -> memref<112xi32, #tpu.memory_space<hbm>>
        tpu.enqueue_dma source(%dma_start3A_165 : memref<112xi32, #tpu.memory_space<hbm>>) target(%arg14 : memref<112xi32, #tpu.memory_space<vmem>>) target_semaphore(%arg25 : memref<!tpu.dma_semaphore, #tpu.memory_space<semaphore_mem>>)
        %get3A_166 = arith.constant 0 : index
        %get3A_167 = tpu.vector_load %arg16[%get3A_166] {strides = array<i32>} : memref<112xi32, #tpu.memory_space<vmem>>, vector<16xi32>,
        tpu.vector_store_idx %arg19[%get3A_167], %broadcast_in_dim3A_18 {add = true} : memref<10008xf32, #tpu.memory_space<vmem>>[vector<16xi32>], vector<16xf32>,
        %get3A_168 = arith.constant 16 : index
        %get3A_169 = tpu.vector_load %arg16[%get3A_168] {strides = array<i32>} : memref<112xi32, #tpu.memory_space<vmem>>, vector<16xi32>,
        tpu.vector_store_idx %arg19[%get3A_169], %broadcast_in_dim3A_18 {add = true} : memref<10008xf32, #tpu.memory_space<vmem>>[vector<16xi32>], vector<16xf32>,
        %get3A_170 = arith.constant 32 : index
        %get3A_171 = tpu.vector_load %arg16[%get3A_170] {strides = array<i32>} : memref<112xi32, #tpu.memory_space<vmem>>, vector<16xi32>,
        tpu.vector_store_idx %arg19[%get3A_171], %broadcast_in_dim3A_18 {add = true} : memref<10008xf32, #tpu.memory_space<vmem>>[vector<16xi32>], vector<16xf32>,
        %get3A_172 = arith.constant 48 : index
        %get3A_173 = tpu.vector_load %arg16[%get3A_172] {strides = array<i32>} : memref<112xi32, #tpu.memory_space<vmem>>, vector<16xi32>,
        tpu.vector_store_idx %arg19[%get3A_173], %broadcast_in_dim3A_18 {add = true} : memref<10008xf32, #tpu.memory_space<vmem>>[vector<16xi32>], vector<16xf32>,
        %get3A_174 = arith.constant 64 : index
        %get3A_175 = tpu.vector_load %arg16[%get3A_174] {strides = array<i32>} : memref<112xi32, #tpu.memory_space<vmem>>, vector<16xi32>,
        tpu.vector_store_idx %arg19[%get3A_175], %broadcast_in_dim3A_18 {add = true} : memref<10008xf32, #tpu.memory_space<vmem>>[vector<16xi32>], vector<16xf32>,
        %get3A_176 = arith.constant 80 : index
        %get3A_177 = tpu.vector_load %arg16[%get3A_176] {strides = array<i32>} : memref<112xi32, #tpu.memory_space<vmem>>, vector<16xi32>,
        tpu.vector_store_idx %arg19[%get3A_177], %broadcast_in_dim3A_18 {add = true} : memref<10008xf32, #tpu.memory_space<vmem>>[vector<16xi32>], vector<16xf32>,
        %get3A_178 = arith.constant 96 : index
        %get3A_179 = tpu.vector_load %arg16[%get3A_178] {strides = array<i32>} : memref<112xi32, #tpu.memory_space<vmem>>, vector<16xi32>,
        tpu.vector_store_idx %arg19[%get3A_179], %broadcast_in_dim3A_18 {add = true} : memref<10008xf32, #tpu.memory_space<vmem>>[vector<16xi32>], vector<16xf32>,
        %dma_wait3A_180 = arith.constant 0 : i32
        %dma_wait3A_181 = arith.constant 0 : i32
        %dma_wait3A_182 = tpu.memref_slice %arg2[%dma_wait3A_180, %dma_wait3A_181] : memref<10000x128xf32, #tpu.memory_space<hbm>> -> memref<10000x128xf32, #tpu.memory_space<hbm>>
        tpu.wait_indirect_dma semaphore(%arg21 : memref<!tpu.dma_semaphore, #tpu.memory_space<semaphore_mem>>) src(%dma_wait3A_182 : memref<10000x128xf32, #tpu.memory_space<hbm>>) dst(%arg17 : memref<112x128xf32, #tpu.memory_space<vmem>>)
        %dma_start3A_183 = arith.constant 0 : i32
        %dma_start3A_184 = arith.constant 0 : i32
        %dma_start3A_185 = tpu.memref_slice %arg20[%dma_start3A_183, %dma_start3A_184] : memref<10008x128xf32, #tpu.memory_space<vmem_shared>> -> memref<10008x128xf32, #tpu.memory_space<vmem_shared>>
        tpu.enqueue_indirect_dma source(%arg17 : memref<112x128xf32, #tpu.memory_space<vmem>>) target(%dma_start3A_185 : memref<10008x128xf32, #tpu.memory_space<vmem_shared>>) offsets(%arg16 : memref<112xi32, #tpu.memory_space<vmem>>) semaphore(%arg23 : memref<!tpu.dma_semaphore, #tpu.memory_space<semaphore_mem>>) {add = true}
        %dma_wait3A_186 = arith.constant 0 : i32
        %dma_wait3A_187 = arith.constant 0 : i32
        %dma_wait3A_188 = tpu.memref_slice %arg20[%dma_wait3A_186, %dma_wait3A_187] : memref<10008x128xf32, #tpu.memory_space<vmem_shared>> -> memref<10008x128xf32, #tpu.memory_space<vmem_shared>>
        tpu.wait_indirect_dma semaphore(%arg24 : memref<!tpu.dma_semaphore, #tpu.memory_space<semaphore_mem>>) src(%arg18 : memref<112x128xf32, #tpu.memory_space<vmem>>) dst(%dma_wait3A_188 : memref<10008x128xf32, #tpu.memory_space<vmem_shared>>)
        %dma_wait3A_189 = arith.constant 0 : i32
        %dma_wait3A_190 = tpu.memref_slice %arg5[%arg1, %add3A_151, %dma_wait3A_189] : memref<16x54x112xi32, #tpu.memory_space<hbm>> -> memref<1x1x112xi32, #tpu.memory_space<hbm>>
        %dma_wait3A_191 = tpu.memref_squeeze %dma_wait3A_190 : memref<1x1x112xi32, #tpu.memory_space<hbm>> -> memref<112xi32, #tpu.memory_space<hbm>>
        %dma_wait3A_192 = arith.constant 0 : i32
        %dma_wait3A_193 = tpu.memref_slice %arg5[%arg1, %add3A_151, %dma_wait3A_192] : memref<16x54x112xi32, #tpu.memory_space<hbm>> -> memref<1x1x112xi32, #tpu.memory_space<hbm>>
        %dma_wait3A_194 = tpu.memref_squeeze %dma_wait3A_193 : memref<1x1x112xi32, #tpu.memory_space<hbm>> -> memref<112xi32, #tpu.memory_space<hbm>>
        tpu.wait_dma2 semaphore(%arg25 : memref<!tpu.dma_semaphore, #tpu.memory_space<semaphore_mem>>) src(%dma_wait3A_194 : memref<112xi32, #tpu.memory_space<hbm>>) dst(%arg11 : memref<112xi32, #tpu.memory_space<vmem>>)
        %dma_wait3A_195 = arith.constant 0 : i32
        %dma_wait3A_196 = tpu.memref_slice %arg6[%arg1, %add3A_159, %dma_wait3A_195] : memref<16x54x112xi32, #tpu.memory_space<hbm>> -> memref<1x1x112xi32, #tpu.memory_space<hbm>>
        %dma_wait3A_197 = tpu.memref_squeeze %dma_wait3A_196 : memref<1x1x112xi32, #tpu.memory_space<hbm>> -> memref<112xi32, #tpu.memory_space<hbm>>
        %dma_wait3A_198 = arith.constant 0 : i32
        %dma_wait3A_199 = tpu.memref_slice %arg6[%arg1, %add3A_159, %dma_wait3A_198] : memref<16x54x112xi32, #tpu.memory_space<hbm>> -> memref<1x1x112xi32, #tpu.memory_space<hbm>>
        %dma_wait3A_200 = tpu.memref_squeeze %dma_wait3A_199 : memref<1x1x112xi32, #tpu.memory_space<hbm>> -> memref<112xi32, #tpu.memory_space<hbm>>
        tpu.wait_dma2 semaphore(%arg25 : memref<!tpu.dma_semaphore, #tpu.memory_space<semaphore_mem>>) src(%dma_wait3A_200 : memref<112xi32, #tpu.memory_space<hbm>>) dst(%arg14 : memref<112xi32, #tpu.memory_space<vmem>>)
        %dma_start3A_201 = arith.constant 0 : i32
        %dma_start3A_202 = arith.constant 0 : i32
        %dma_start3A_203 = tpu.memref_slice %arg2[%dma_start3A_201, %dma_start3A_202] : memref<10000x128xf32, #tpu.memory_space<hbm>> -> memref<10000x128xf32, #tpu.memory_space<hbm>>
        tpu.enqueue_indirect_dma source(%dma_start3A_203 : memref<10000x128xf32, #tpu.memory_space<hbm>>) target(%arg18 : memref<112x128xf32, #tpu.memory_space<vmem>>) offsets(%arg11 : memref<112xi32, #tpu.memory_space<vmem>>) semaphore(%arg22 : memref<!tpu.dma_semaphore, #tpu.memory_space<semaphore_mem>>)
        %mul3A_204 = arith.constant 6 : i32
        %mul3A_205 = arith.muli %scan3A_29, %mul3A_204 : i32
        %add3A_206 = arith.constant 3 : i32
        %add3A_207 = arith.addi %mul3A_205, %add3A_206 : i32
        %add3A_208 = arith.constant 1 : i32
        %add3A_209 = arith.addi %add3A_207, %add3A_208 : i32
        %dma_start3A_210 = arith.constant 0 : i32
        %dma_start3A_211 = tpu.memref_slice %arg5[%arg1, %add3A_209, %dma_start3A_210] : memref<16x54x112xi32, #tpu.memory_space<hbm>> -> memref<1x1x112xi32, #tpu.memory_space<hbm>>
        %dma_start3A_212 = tpu.memref_squeeze %dma_start3A_211 : memref<1x1x112xi32, #tpu.memory_space<hbm>> -> memref<112xi32, #tpu.memory_space<hbm>>
        %dma_start3A_213 = arith.constant 0 : i32
        %dma_start3A_214 = tpu.memref_slice %arg5[%arg1, %add3A_209, %dma_start3A_213] : memref<16x54x112xi32, #tpu.memory_space<hbm>> -> memref<1x1x112xi32, #tpu.memory_space<hbm>>
        %dma_start3A_215 = tpu.memref_squeeze %dma_start3A_214 : memref<1x1x112xi32, #tpu.memory_space<hbm>> -> memref<112xi32, #tpu.memory_space<hbm>>
        tpu.enqueue_dma source(%dma_start3A_215 : memref<112xi32, #tpu.memory_space<hbm>>) target(%arg12 : memref<112xi32, #tpu.memory_space<vmem>>) target_semaphore(%arg25 : memref<!tpu.dma_semaphore, #tpu.memory_space<semaphore_mem>>)
        %add3A_216 = arith.constant 1 : i32
        %add3A_217 = arith.addi %add3A_207, %add3A_216 : i32
        %dma_start3A_218 = arith.constant 0 : i32
        %dma_start3A_219 = tpu.memref_slice %arg6[%arg1, %add3A_217, %dma_start3A_218] : memref<16x54x112xi32, #tpu.memory_space<hbm>> -> memref<1x1x112xi32, #tpu.memory_space<hbm>>
        %dma_start3A_220 = tpu.memref_squeeze %dma_start3A_219 : memref<1x1x112xi32, #tpu.memory_space<hbm>> -> memref<112xi32, #tpu.memory_space<hbm>>
        %dma_start3A_221 = arith.constant 0 : i32
        %dma_start3A_222 = tpu.memref_slice %arg6[%arg1, %add3A_217, %dma_start3A_221] : memref<16x54x112xi32, #tpu.memory_space<hbm>> -> memref<1x1x112xi32, #tpu.memory_space<hbm>>
        %dma_start3A_223 = tpu.memref_squeeze %dma_start3A_222 : memref<1x1x112xi32, #tpu.memory_space<hbm>> -> memref<112xi32, #tpu.memory_space<hbm>>
        tpu.enqueue_dma source(%dma_start3A_223 : memref<112xi32, #tpu.memory_space<hbm>>) target(%arg15 : memref<112xi32, #tpu.memory_space<vmem>>) target_semaphore(%arg25 : memref<!tpu.dma_semaphore, #tpu.memory_space<semaphore_mem>>)
        %get3A_224 = arith.constant 0 : index
        %get3A_225 = tpu.vector_load %arg14[%get3A_224] {strides = array<i32>} : memref<112xi32, #tpu.memory_space<vmem>>, vector<16xi32>,
        tpu.vector_store_idx %arg19[%get3A_225], %broadcast_in_dim3A_18 {add = true} : memref<10008xf32, #tpu.memory_space<vmem>>[vector<16xi32>], vector<16xf32>,
        %get3A_226 = arith.constant 16 : index
        %get3A_227 = tpu.vector_load %arg14[%get3A_226] {strides = array<i32>} : memref<112xi32, #tpu.memory_space<vmem>>, vector<16xi32>,
        tpu.vector_store_idx %arg19[%get3A_227], %broadcast_in_dim3A_18 {add = true} : memref<10008xf32, #tpu.memory_space<vmem>>[vector<16xi32>], vector<16xf32>,
        %get3A_228 = arith.constant 32 : index
        %get3A_229 = tpu.vector_load %arg14[%get3A_228] {strides = array<i32>} : memref<112xi32, #tpu.memory_space<vmem>>, vector<16xi32>,
        tpu.vector_store_idx %arg19[%get3A_229], %broadcast_in_dim3A_18 {add = true} : memref<10008xf32, #tpu.memory_space<vmem>>[vector<16xi32>], vector<16xf32>,
        %get3A_230 = arith.constant 48 : index
        %get3A_231 = tpu.vector_load %arg14[%get3A_230] {strides = array<i32>} : memref<112xi32, #tpu.memory_space<vmem>>, vector<16xi32>,
        tpu.vector_store_idx %arg19[%get3A_231], %broadcast_in_dim3A_18 {add = true} : memref<10008xf32, #tpu.memory_space<vmem>>[vector<16xi32>], vector<16xf32>,
        %get3A_232 = arith.constant 64 : index
        %get3A_233 = tpu.vector_load %arg14[%get3A_232] {strides = array<i32>} : memref<112xi32, #tpu.memory_space<vmem>>, vector<16xi32>,
        tpu.vector_store_idx %arg19[%get3A_233], %broadcast_in_dim3A_18 {add = true} : memref<10008xf32, #tpu.memory_space<vmem>>[vector<16xi32>], vector<16xf32>,
        %get3A_234 = arith.constant 80 : index
        %get3A_235 = tpu.vector_load %arg14[%get3A_234] {strides = array<i32>} : memref<112xi32, #tpu.memory_space<vmem>>, vector<16xi32>,
        tpu.vector_store_idx %arg19[%get3A_235], %broadcast_in_dim3A_18 {add = true} : memref<10008xf32, #tpu.memory_space<vmem>>[vector<16xi32>], vector<16xf32>,
        %get3A_236 = arith.constant 96 : index
        %get3A_237 = tpu.vector_load %arg14[%get3A_236] {strides = array<i32>} : memref<112xi32, #tpu.memory_space<vmem>>, vector<16xi32>,
        tpu.vector_store_idx %arg19[%get3A_237], %broadcast_in_dim3A_18 {add = true} : memref<10008xf32, #tpu.memory_space<vmem>>[vector<16xi32>], vector<16xf32>,
        %dma_wait3A_238 = arith.constant 0 : i32
        %dma_wait3A_239 = arith.constant 0 : i32
        %dma_wait3A_240 = tpu.memref_slice %arg2[%dma_wait3A_238, %dma_wait3A_239] : memref<10000x128xf32, #tpu.memory_space<hbm>> -> memref<10000x128xf32, #tpu.memory_space<hbm>>
        tpu.wait_indirect_dma semaphore(%arg22 : memref<!tpu.dma_semaphore, #tpu.memory_space<semaphore_mem>>) src(%dma_wait3A_240 : memref<10000x128xf32, #tpu.memory_space<hbm>>) dst(%arg18 : memref<112x128xf32, #tpu.memory_space<vmem>>)
        %dma_start3A_241 = arith.constant 0 : i32
        %dma_start3A_242 = arith.constant 0 : i32
        %dma_start3A_243 = tpu.memref_slice %arg20[%dma_start3A_241, %dma_start3A_242] : memref<10008x128xf32, #tpu.memory_space<vmem_shared>> -> memref<10008x128xf32, #tpu.memory_space<vmem_shared>>
        tpu.enqueue_indirect_dma source(%arg18 : memref<112x128xf32, #tpu.memory_space<vmem>>) target(%dma_start3A_243 : memref<10008x128xf32, #tpu.memory_space<vmem_shared>>) offsets(%arg14 : memref<112xi32, #tpu.memory_space<vmem>>) semaphore(%arg24 : memref<!tpu.dma_semaphore, #tpu.memory_space<semaphore_mem>>) {add = true}
        %dma_wait3A_244 = arith.constant 0 : i32
        %dma_wait3A_245 = arith.constant 0 : i32
        %dma_wait3A_246 = tpu.memref_slice %arg20[%dma_wait3A_244, %dma_wait3A_245] : memref<10008x128xf32, #tpu.memory_space<vmem_shared>> -> memref<10008x128xf32, #tpu.memory_space<vmem_shared>>
        tpu.wait_indirect_dma semaphore(%arg23 : memref<!tpu.dma_semaphore, #tpu.memory_space<semaphore_mem>>) src(%arg17 : memref<112x128xf32, #tpu.memory_space<vmem>>) dst(%dma_wait3A_246 : memref<10008x128xf32, #tpu.memory_space<vmem_shared>>)
        %dma_wait3A_247 = arith.constant 0 : i32
        %dma_wait3A_248 = tpu.memref_slice %arg5[%arg1, %add3A_209, %dma_wait3A_247] : memref<16x54x112xi32, #tpu.memory_space<hbm>> -> memref<1x1x112xi32, #tpu.memory_space<hbm>>
        %dma_wait3A_249 = tpu.memref_squeeze %dma_wait3A_248 : memref<1x1x112xi32, #tpu.memory_space<hbm>> -> memref<112xi32, #tpu.memory_space<hbm>>
        %dma_wait3A_250 = arith.constant 0 : i32
        %dma_wait3A_251 = tpu.memref_slice %arg5[%arg1, %add3A_209, %dma_wait3A_250] : memref<16x54x112xi32, #tpu.memory_space<hbm>> -> memref<1x1x112xi32, #tpu.memory_space<hbm>>
        %dma_wait3A_252 = tpu.memref_squeeze %dma_wait3A_251 : memref<1x1x112xi32, #tpu.memory_space<hbm>> -> memref<112xi32, #tpu.memory_space<hbm>>
        tpu.wait_dma2 semaphore(%arg25 : memref<!tpu.dma_semaphore, #tpu.memory_space<semaphore_mem>>) src(%dma_wait3A_252 : memref<112xi32, #tpu.memory_space<hbm>>) dst(%arg12 : memref<112xi32, #tpu.memory_space<vmem>>)
        %dma_wait3A_253 = arith.constant 0 : i32
        %dma_wait3A_254 = tpu.memref_slice %arg6[%arg1, %add3A_217, %dma_wait3A_253] : memref<16x54x112xi32, #tpu.memory_space<hbm>> -> memref<1x1x112xi32, #tpu.memory_space<hbm>>
        %dma_wait3A_255 = tpu.memref_squeeze %dma_wait3A_254 : memref<1x1x112xi32, #tpu.memory_space<hbm>> -> memref<112xi32, #tpu.memory_space<hbm>>
        %dma_wait3A_256 = arith.constant 0 : i32
        %dma_wait3A_257 = tpu.memref_slice %arg6[%arg1, %add3A_217, %dma_wait3A_256] : memref<16x54x112xi32, #tpu.memory_space<hbm>> -> memref<1x1x112xi32, #tpu.memory_space<hbm>>
        %dma_wait3A_258 = tpu.memref_squeeze %dma_wait3A_257 : memref<1x1x112xi32, #tpu.memory_space<hbm>> -> memref<112xi32, #tpu.memory_space<hbm>>
        tpu.wait_dma2 semaphore(%arg25 : memref<!tpu.dma_semaphore, #tpu.memory_space<semaphore_mem>>) src(%dma_wait3A_258 : memref<112xi32, #tpu.memory_space<hbm>>) dst(%arg15 : memref<112xi32, #tpu.memory_space<vmem>>)
        %dma_start3A_259 = arith.constant 0 : i32
        %dma_start3A_260 = arith.constant 0 : i32
        %dma_start3A_261 = tpu.memref_slice %arg2[%dma_start3A_259, %dma_start3A_260] : memref<10000x128xf32, #tpu.memory_space<hbm>> -> memref<10000x128xf32, #tpu.memory_space<hbm>>
        tpu.enqueue_indirect_dma source(%dma_start3A_261 : memref<10000x128xf32, #tpu.memory_space<hbm>>) target(%arg17 : memref<112x128xf32, #tpu.memory_space<vmem>>) offsets(%arg12 : memref<112xi32, #tpu.memory_space<vmem>>) semaphore(%arg21 : memref<!tpu.dma_semaphore, #tpu.memory_space<semaphore_mem>>)
        %mul3A_262 = arith.constant 6 : i32
        %mul3A_263 = arith.muli %scan3A_29, %mul3A_262 : i32
        %add3A_264 = arith.constant 4 : i32
        %add3A_265 = arith.addi %mul3A_263, %add3A_264 : i32
        %add3A_266 = arith.constant 1 : i32
        %add3A_267 = arith.addi %add3A_265, %add3A_266 : i32
        %dma_start3A_268 = arith.constant 0 : i32
        %dma_start3A_269 = tpu.memref_slice %arg5[%arg1, %add3A_267, %dma_start3A_268] : memref<16x54x112xi32, #tpu.memory_space<hbm>> -> memref<1x1x112xi32, #tpu.memory_space<hbm>>
        %dma_start3A_270 = tpu.memref_squeeze %dma_start3A_269 : memref<1x1x112xi32, #tpu.memory_space<hbm>> -> memref<112xi32, #tpu.memory_space<hbm>>
        %dma_start3A_271 = arith.constant 0 : i32
        %dma_start3A_272 = tpu.memref_slice %arg5[%arg1, %add3A_267, %dma_start3A_271] : memref<16x54x112xi32, #tpu.memory_space<hbm>> -> memref<1x1x112xi32, #tpu.memory_space<hbm>>
        %dma_start3A_273 = tpu.memref_squeeze %dma_start3A_272 : memref<1x1x112xi32, #tpu.memory_space<hbm>> -> memref<112xi32, #tpu.memory_space<hbm>>
        tpu.enqueue_dma source(%dma_start3A_273 : memref<112xi32, #tpu.memory_space<hbm>>) target(%arg13 : memref<112xi32, #tpu.memory_space<vmem>>) target_semaphore(%arg25 : memref<!tpu.dma_semaphore, #tpu.memory_space<semaphore_mem>>)
        %add3A_274 = arith.constant 1 : i32
        %add3A_275 = arith.addi %add3A_265, %add3A_274 : i32
        %dma_start3A_276 = arith.constant 0 : i32
        %dma_start3A_277 = tpu.memref_slice %arg6[%arg1, %add3A_275, %dma_start3A_276] : memref<16x54x112xi32, #tpu.memory_space<hbm>> -> memref<1x1x112xi32, #tpu.memory_space<hbm>>
        %dma_start3A_278 = tpu.memref_squeeze %dma_start3A_277 : memref<1x1x112xi32, #tpu.memory_space<hbm>> -> memref<112xi32, #tpu.memory_space<hbm>>
        %dma_start3A_279 = arith.constant 0 : i32
        %dma_start3A_280 = tpu.memref_slice %arg6[%arg1, %add3A_275, %dma_start3A_279] : memref<16x54x112xi32, #tpu.memory_space<hbm>> -> memref<1x1x112xi32, #tpu.memory_space<hbm>>
        %dma_start3A_281 = tpu.memref_squeeze %dma_start3A_280 : memref<1x1x112xi32, #tpu.memory_space<hbm>> -> memref<112xi32, #tpu.memory_space<hbm>>
        tpu.enqueue_dma source(%dma_start3A_281 : memref<112xi32, #tpu.memory_space<hbm>>) target(%arg16 : memref<112xi32, #tpu.memory_space<vmem>>) target_semaphore(%arg25 : memref<!tpu.dma_semaphore, #tpu.memory_space<semaphore_mem>>)
        %get3A_282 = arith.constant 0 : index
        %get3A_283 = tpu.vector_load %arg15[%get3A_282] {strides = array<i32>} : memref<112xi32, #tpu.memory_space<vmem>>, vector<16xi32>,
        tpu.vector_store_idx %arg19[%get3A_283], %broadcast_in_dim3A_18 {add = true} : memref<10008xf32, #tpu.memory_space<vmem>>[vector<16xi32>], vector<16xf32>,
        %get3A_284 = arith.constant 16 : index
        %get3A_285 = tpu.vector_load %arg15[%get3A_284] {strides = array<i32>} : memref<112xi32, #tpu.memory_space<vmem>>, vector<16xi32>,
        tpu.vector_store_idx %arg19[%get3A_285], %broadcast_in_dim3A_18 {add = true} : memref<10008xf32, #tpu.memory_space<vmem>>[vector<16xi32>], vector<16xf32>,
        %get3A_286 = arith.constant 32 : index
        %get3A_287 = tpu.vector_load %arg15[%get3A_286] {strides = array<i32>} : memref<112xi32, #tpu.memory_space<vmem>>, vector<16xi32>,
        tpu.vector_store_idx %arg19[%get3A_287], %broadcast_in_dim3A_18 {add = true} : memref<10008xf32, #tpu.memory_space<vmem>>[vector<16xi32>], vector<16xf32>,
        %get3A_288 = arith.constant 48 : index
        %get3A_289 = tpu.vector_load %arg15[%get3A_288] {strides = array<i32>} : memref<112xi32, #tpu.memory_space<vmem>>, vector<16xi32>,
        tpu.vector_store_idx %arg19[%get3A_289], %broadcast_in_dim3A_18 {add = true} : memref<10008xf32, #tpu.memory_space<vmem>>[vector<16xi32>], vector<16xf32>,
        %get3A_290 = arith.constant 64 : index
        %get3A_291 = tpu.vector_load %arg15[%get3A_290] {strides = array<i32>} : memref<112xi32, #tpu.memory_space<vmem>>, vector<16xi32>,
        tpu.vector_store_idx %arg19[%get3A_291], %broadcast_in_dim3A_18 {add = true} : memref<10008xf32, #tpu.memory_space<vmem>>[vector<16xi32>], vector<16xf32>,
        %get3A_292 = arith.constant 80 : index
        %get3A_293 = tpu.vector_load %arg15[%get3A_292] {strides = array<i32>} : memref<112xi32, #tpu.memory_space<vmem>>, vector<16xi32>,
        tpu.vector_store_idx %arg19[%get3A_293], %broadcast_in_dim3A_18 {add = true} : memref<10008xf32, #tpu.memory_space<vmem>>[vector<16xi32>], vector<16xf32>,
        %get3A_294 = arith.constant 96 : index
        %get3A_295 = tpu.vector_load %arg15[%get3A_294] {strides = array<i32>} : memref<112xi32, #tpu.memory_space<vmem>>, vector<16xi32>,
        tpu.vector_store_idx %arg19[%get3A_295], %broadcast_in_dim3A_18 {add = true} : memref<10008xf32, #tpu.memory_space<vmem>>[vector<16xi32>], vector<16xf32>,
        %dma_wait3A_296 = arith.constant 0 : i32
        %dma_wait3A_297 = arith.constant 0 : i32
        %dma_wait3A_298 = tpu.memref_slice %arg2[%dma_wait3A_296, %dma_wait3A_297] : memref<10000x128xf32, #tpu.memory_space<hbm>> -> memref<10000x128xf32, #tpu.memory_space<hbm>>
        tpu.wait_indirect_dma semaphore(%arg21 : memref<!tpu.dma_semaphore, #tpu.memory_space<semaphore_mem>>) src(%dma_wait3A_298 : memref<10000x128xf32, #tpu.memory_space<hbm>>) dst(%arg17 : memref<112x128xf32, #tpu.memory_space<vmem>>)
        %dma_start3A_299 = arith.constant 0 : i32
        %dma_start3A_300 = arith.constant 0 : i32
        %dma_start3A_301 = tpu.memref_slice %arg20[%dma_start3A_299, %dma_start3A_300] : memref<10008x128xf32, #tpu.memory_space<vmem_shared>> -> memref<10008x128xf32, #tpu.memory_space<vmem_shared>>
        tpu.enqueue_indirect_dma source(%arg17 : memref<112x128xf32, #tpu.memory_space<vmem>>) target(%dma_start3A_301 : memref<10008x128xf32, #tpu.memory_space<vmem_shared>>) offsets(%arg15 : memref<112xi32, #tpu.memory_space<vmem>>) semaphore(%arg23 : memref<!tpu.dma_semaphore, #tpu.memory_space<semaphore_mem>>) {add = true}
        %dma_wait3A_302 = arith.constant 0 : i32
        %dma_wait3A_303 = arith.constant 0 : i32
        %dma_wait3A_304 = tpu.memref_slice %arg20[%dma_wait3A_302, %dma_wait3A_303] : memref<10008x128xf32, #tpu.memory_space<vmem_shared>> -> memref<10008x128xf32, #tpu.memory_space<vmem_shared>>
        tpu.wait_indirect_dma semaphore(%arg24 : memref<!tpu.dma_semaphore, #tpu.memory_space<semaphore_mem>>) src(%arg18 : memref<112x128xf32, #tpu.memory_space<vmem>>) dst(%dma_wait3A_304 : memref<10008x128xf32, #tpu.memory_space<vmem_shared>>)
        %dma_wait3A_305 = arith.constant 0 : i32
        %dma_wait3A_306 = tpu.memref_slice %arg5[%arg1, %add3A_267, %dma_wait3A_305] : memref<16x54x112xi32, #tpu.memory_space<hbm>> -> memref<1x1x112xi32, #tpu.memory_space<hbm>>
        %dma_wait3A_307 = tpu.memref_squeeze %dma_wait3A_306 : memref<1x1x112xi32, #tpu.memory_space<hbm>> -> memref<112xi32, #tpu.memory_space<hbm>>
        %dma_wait3A_308 = arith.constant 0 : i32
        %dma_wait3A_309 = tpu.memref_slice %arg5[%arg1, %add3A_267, %dma_wait3A_308] : memref<16x54x112xi32, #tpu.memory_space<hbm>> -> memref<1x1x112xi32, #tpu.memory_space<hbm>>
        %dma_wait3A_310 = tpu.memref_squeeze %dma_wait3A_309 : memref<1x1x112xi32, #tpu.memory_space<hbm>> -> memref<112xi32, #tpu.memory_space<hbm>>
        tpu.wait_dma2 semaphore(%arg25 : memref<!tpu.dma_semaphore, #tpu.memory_space<semaphore_mem>>) src(%dma_wait3A_310 : memref<112xi32, #tpu.memory_space<hbm>>) dst(%arg13 : memref<112xi32, #tpu.memory_space<vmem>>)
        %dma_wait3A_311 = arith.constant 0 : i32
        %dma_wait3A_312 = tpu.memref_slice %arg6[%arg1, %add3A_275, %dma_wait3A_311] : memref<16x54x112xi32, #tpu.memory_space<hbm>> -> memref<1x1x112xi32, #tpu.memory_space<hbm>>
        %dma_wait3A_313 = tpu.memref_squeeze %dma_wait3A_312 : memref<1x1x112xi32, #tpu.memory_space<hbm>> -> memref<112xi32, #tpu.memory_space<hbm>>
        %dma_wait3A_314 = arith.constant 0 : i32
        %dma_wait3A_315 = tpu.memref_slice %arg6[%arg1, %add3A_275, %dma_wait3A_314] : memref<16x54x112xi32, #tpu.memory_space<hbm>> -> memref<1x1x112xi32, #tpu.memory_space<hbm>>
        %dma_wait3A_316 = tpu.memref_squeeze %dma_wait3A_315 : memref<1x1x112xi32, #tpu.memory_space<hbm>> -> memref<112xi32, #tpu.memory_space<hbm>>
        tpu.wait_dma2 semaphore(%arg25 : memref<!tpu.dma_semaphore, #tpu.memory_space<semaphore_mem>>) src(%dma_wait3A_316 : memref<112xi32, #tpu.memory_space<hbm>>) dst(%arg16 : memref<112xi32, #tpu.memory_space<vmem>>)
        %dma_start3A_317 = arith.constant 0 : i32
        %dma_start3A_318 = arith.constant 0 : i32
        %dma_start3A_319 = tpu.memref_slice %arg2[%dma_start3A_317, %dma_start3A_318] : memref<10000x128xf32, #tpu.memory_space<hbm>> -> memref<10000x128xf32, #tpu.memory_space<hbm>>
        tpu.enqueue_indirect_dma source(%dma_start3A_319 : memref<10000x128xf32, #tpu.memory_space<hbm>>) target(%arg18 : memref<112x128xf32, #tpu.memory_space<vmem>>) offsets(%arg13 : memref<112xi32, #tpu.memory_space<vmem>>) semaphore(%arg22 : memref<!tpu.dma_semaphore, #tpu.memory_space<semaphore_mem>>)
        %mul3A_320 = arith.constant 6 : i32
        %mul3A_321 = arith.muli %scan3A_29, %mul3A_320 : i32
        %add3A_322 = arith.constant 5 : i32
        %add3A_323 = arith.addi %mul3A_321, %add3A_322 : i32
        %get3A_324 = arith.constant 0 : index
        %get3A_325 = tpu.vector_load %arg16[%get3A_324] {strides = array<i32>} : memref<112xi32, #tpu.memory_space<vmem>>, vector<16xi32>,
        tpu.vector_store_idx %arg19[%get3A_325], %broadcast_in_dim3A_18 {add = true} : memref<10008xf32, #tpu.memory_space<vmem>>[vector<16xi32>], vector<16xf32>,
        %get3A_326 = arith.constant 16 : index
        %get3A_327 = tpu.vector_load %arg16[%get3A_326] {strides = array<i32>} : memref<112xi32, #tpu.memory_space<vmem>>, vector<16xi32>,
        tpu.vector_store_idx %arg19[%get3A_327], %broadcast_in_dim3A_18 {add = true} : memref<10008xf32, #tpu.memory_space<vmem>>[vector<16xi32>], vector<16xf32>,
        %get3A_328 = arith.constant 32 : index
        %get3A_329 = tpu.vector_load %arg16[%get3A_328] {strides = array<i32>} : memref<112xi32, #tpu.memory_space<vmem>>, vector<16xi32>,
        tpu.vector_store_idx %arg19[%get3A_329], %broadcast_in_dim3A_18 {add = true} : memref<10008xf32, #tpu.memory_space<vmem>>[vector<16xi32>], vector<16xf32>,
        %get3A_330 = arith.constant 48 : index
        %get3A_331 = tpu.vector_load %arg16[%get3A_330] {strides = array<i32>} : memref<112xi32, #tpu.memory_space<vmem>>, vector<16xi32>,
        tpu.vector_store_idx %arg19[%get3A_331], %broadcast_in_dim3A_18 {add = true} : memref<10008xf32, #tpu.memory_space<vmem>>[vector<16xi32>], vector<16xf32>,
        %get3A_332 = arith.constant 64 : index
        %get3A_333 = tpu.vector_load %arg16[%get3A_332] {strides = array<i32>} : memref<112xi32, #tpu.memory_space<vmem>>, vector<16xi32>,
        tpu.vector_store_idx %arg19[%get3A_333], %broadcast_in_dim3A_18 {add = true} : memref<10008xf32, #tpu.memory_space<vmem>>[vector<16xi32>], vector<16xf32>,
        %get3A_334 = arith.constant 80 : index
        %get3A_335 = tpu.vector_load %arg16[%get3A_334] {strides = array<i32>} : memref<112xi32, #tpu.memory_space<vmem>>, vector<16xi32>,
        tpu.vector_store_idx %arg19[%get3A_335], %broadcast_in_dim3A_18 {add = true} : memref<10008xf32, #tpu.memory_space<vmem>>[vector<16xi32>], vector<16xf32>,
        %get3A_336 = arith.constant 96 : index
        %get3A_337 = tpu.vector_load %arg16[%get3A_336] {strides = array<i32>} : memref<112xi32, #tpu.memory_space<vmem>>, vector<16xi32>,
        tpu.vector_store_idx %arg19[%get3A_337], %broadcast_in_dim3A_18 {add = true} : memref<10008xf32, #tpu.memory_space<vmem>>[vector<16xi32>], vector<16xf32>,
        %dma_wait3A_338 = arith.constant 0 : i32
        %dma_wait3A_339 = arith.constant 0 : i32
        %dma_wait3A_340 = tpu.memref_slice %arg2[%dma_wait3A_338, %dma_wait3A_339] : memref<10000x128xf32, #tpu.memory_space<hbm>> -> memref<10000x128xf32, #tpu.memory_space<hbm>>
        tpu.wait_indirect_dma semaphore(%arg22 : memref<!tpu.dma_semaphore, #tpu.memory_space<semaphore_mem>>) src(%dma_wait3A_340 : memref<10000x128xf32, #tpu.memory_space<hbm>>) dst(%arg18 : memref<112x128xf32, #tpu.memory_space<vmem>>)
        %dma_start3A_341 = arith.constant 0 : i32
        %dma_start3A_342 = arith.constant 0 : i32
        %dma_start3A_343 = tpu.memref_slice %arg20[%dma_start3A_341, %dma_start3A_342] : memref<10008x128xf32, #tpu.memory_space<vmem_shared>> -> memref<10008x128xf32, #tpu.memory_space<vmem_shared>>
        tpu.enqueue_indirect_dma source(%arg18 : memref<112x128xf32, #tpu.memory_space<vmem>>) target(%dma_start3A_343 : memref<10008x128xf32, #tpu.memory_space<vmem_shared>>) offsets(%arg16 : memref<112xi32, #tpu.memory_space<vmem>>) semaphore(%arg24 : memref<!tpu.dma_semaphore, #tpu.memory_space<semaphore_mem>>) {add = true}
        %dma_wait3A_344 = arith.constant 0 : i32
        %dma_wait3A_345 = arith.constant 0 : i32
        %dma_wait3A_346 = tpu.memref_slice %arg20[%dma_wait3A_344, %dma_wait3A_345] : memref<10008x128xf32, #tpu.memory_space<vmem_shared>> -> memref<10008x128xf32, #tpu.memory_space<vmem_shared>>
        tpu.wait_indirect_dma semaphore(%arg23 : memref<!tpu.dma_semaphore, #tpu.memory_space<semaphore_mem>>) src(%arg17 : memref<112x128xf32, #tpu.memory_space<vmem>>) dst(%dma_wait3A_346 : memref<10008x128xf32, #tpu.memory_space<vmem_shared>>)
        %lt3A_347 = arith.constant 8 : i32
        %lt3A_348 = arith.cmpi slt, %scan3A_29, %lt3A_347 : i32
        %convert_element_type3A_349 = arith.extui %lt3A_348 : i1 to i32
        %cond3A_350 = arith.constant 0 : i32
        %cond3A_351 = arith.cmpi ne, %convert_element_type3A_349, %cond3A_350 : i32
        scf.if %cond3A_351 {
          %add3A_352 = arith.constant 1 : i32
          %add3A_353 = arith.addi %add3A_323, %add3A_352 : i32
          %dma_start3A_354 = arith.constant 0 : i32
          %dma_start3A_355 = tpu.memref_slice %arg5[%arg1, %add3A_353, %dma_start3A_354] : memref<16x54x112xi32, #tpu.memory_space<hbm>> -> memref<1x1x112xi32, #tpu.memory_space<hbm>>
          %dma_start3A_356 = tpu.memref_squeeze %dma_start3A_355 : memref<1x1x112xi32, #tpu.memory_space<hbm>> -> memref<112xi32, #tpu.memory_space<hbm>>
          %dma_start3A_357 = arith.constant 0 : i32
          %dma_start3A_358 = tpu.memref_slice %arg5[%arg1, %add3A_353, %dma_start3A_357] : memref<16x54x112xi32, #tpu.memory_space<hbm>> -> memref<1x1x112xi32, #tpu.memory_space<hbm>>
          %dma_start3A_359 = tpu.memref_squeeze %dma_start3A_358 : memref<1x1x112xi32, #tpu.memory_space<hbm>> -> memref<112xi32, #tpu.memory_space<hbm>>
          tpu.enqueue_dma source(%dma_start3A_359 : memref<112xi32, #tpu.memory_space<hbm>>) target(%arg11 : memref<112xi32, #tpu.memory_space<vmem>>) target_semaphore(%arg25 : memref<!tpu.dma_semaphore, #tpu.memory_space<semaphore_mem>>)
          %dma_wait3A_360 = arith.constant 0 : i32
          %dma_wait3A_361 = tpu.memref_slice %arg5[%arg1, %add3A_353, %dma_wait3A_360] : memref<16x54x112xi32, #tpu.memory_space<hbm>> -> memref<1x1x112xi32, #tpu.memory_space<hbm>>
          %dma_wait3A_362 = tpu.memref_squeeze %dma_wait3A_361 : memref<1x1x112xi32, #tpu.memory_space<hbm>> -> memref<112xi32, #tpu.memory_space<hbm>>
          %dma_wait3A_363 = arith.constant 0 : i32
          %dma_wait3A_364 = tpu.memref_slice %arg5[%arg1, %add3A_353, %dma_wait3A_363] : memref<16x54x112xi32, #tpu.memory_space<hbm>> -> memref<1x1x112xi32, #tpu.memory_space<hbm>>
          %dma_wait3A_365 = tpu.memref_squeeze %dma_wait3A_364 : memref<1x1x112xi32, #tpu.memory_space<hbm>> -> memref<112xi32, #tpu.memory_space<hbm>>
          tpu.wait_dma2 semaphore(%arg25 : memref<!tpu.dma_semaphore, #tpu.memory_space<semaphore_mem>>) src(%dma_wait3A_365 : memref<112xi32, #tpu.memory_space<hbm>>) dst(%arg11 : memref<112xi32, #tpu.memory_space<vmem>>)
          %add3A_366 = arith.constant 1 : i32
          %add3A_367 = arith.addi %add3A_323, %add3A_366 : i32
          %dma_start3A_368 = arith.constant 0 : i32
          %dma_start3A_369 = tpu.memref_slice %arg6[%arg1, %add3A_367, %dma_start3A_368] : memref<16x54x112xi32, #tpu.memory_space<hbm>> -> memref<1x1x112xi32, #tpu.memory_space<hbm>>
          %dma_start3A_370 = tpu.memref_squeeze %dma_start3A_369 : memref<1x1x112xi32, #tpu.memory_space<hbm>> -> memref<112xi32, #tpu.memory_space<hbm>>
          %dma_start3A_371 = arith.constant 0 : i32
          %dma_start3A_372 = tpu.memref_slice %arg6[%arg1, %add3A_367, %dma_start3A_371] : memref<16x54x112xi32, #tpu.memory_space<hbm>> -> memref<1x1x112xi32, #tpu.memory_space<hbm>>
          %dma_start3A_373 = tpu.memref_squeeze %dma_start3A_372 : memref<1x1x112xi32, #tpu.memory_space<hbm>> -> memref<112xi32, #tpu.memory_space<hbm>>
          tpu.enqueue_dma source(%dma_start3A_373 : memref<112xi32, #tpu.memory_space<hbm>>) target(%arg14 : memref<112xi32, #tpu.memory_space<vmem>>) target_semaphore(%arg25 : memref<!tpu.dma_semaphore, #tpu.memory_space<semaphore_mem>>)
          %dma_wait3A_374 = arith.constant 0 : i32
          %dma_wait3A_375 = tpu.memref_slice %arg6[%arg1, %add3A_367, %dma_wait3A_374] : memref<16x54x112xi32, #tpu.memory_space<hbm>> -> memref<1x1x112xi32, #tpu.memory_space<hbm>>
          %dma_wait3A_376 = tpu.memref_squeeze %dma_wait3A_375 : memref<1x1x112xi32, #tpu.memory_space<hbm>> -> memref<112xi32, #tpu.memory_space<hbm>>
          %dma_wait3A_377 = arith.constant 0 : i32
          %dma_wait3A_378 = tpu.memref_slice %arg6[%arg1, %add3A_367, %dma_wait3A_377] : memref<16x54x112xi32, #tpu.memory_space<hbm>> -> memref<1x1x112xi32, #tpu.memory_space<hbm>>
          %dma_wait3A_379 = tpu.memref_squeeze %dma_wait3A_378 : memref<1x1x112xi32, #tpu.memory_space<hbm>> -> memref<112xi32, #tpu.memory_space<hbm>>
          tpu.wait_dma2 semaphore(%arg25 : memref<!tpu.dma_semaphore, #tpu.memory_space<semaphore_mem>>) src(%dma_wait3A_379 : memref<112xi32, #tpu.memory_space<hbm>>) dst(%arg14 : memref<112xi32, #tpu.memory_space<vmem>>)
          %dma_start3A_380 = arith.constant 0 : i32
          %dma_start3A_381 = arith.constant 0 : i32
          %dma_start3A_382 = tpu.memref_slice %arg2[%dma_start3A_380, %dma_start3A_381] : memref<10000x128xf32, #tpu.memory_space<hbm>> -> memref<10000x128xf32, #tpu.memory_space<hbm>>
          tpu.enqueue_indirect_dma source(%dma_start3A_382 : memref<10000x128xf32, #tpu.memory_space<hbm>>) target(%arg17 : memref<112x128xf32, #tpu.memory_space<vmem>>) offsets(%arg11 : memref<112xi32, #tpu.memory_space<vmem>>) semaphore(%arg21 : memref<!tpu.dma_semaphore, #tpu.memory_space<semaphore_mem>>)
        } else {
        }
      }
      %scan3A_26 = arith.constant 9 : i32
      %dma_wait3A = arith.constant 0 : i32
      %dma_wait3A_27 = arith.constant 0 : i32
      %dma_wait3A_28 = tpu.memref_slice %arg20[%dma_wait3A, %dma_wait3A_27] : memref<10008x128xf32, #tpu.memory_space<vmem_shared>> -> memref<10008x128xf32, #tpu.memory_space<vmem_shared>>
      tpu.wait_indirect_dma semaphore(%arg24 : memref<!tpu.dma_semaphore, #tpu.memory_space<semaphore_mem>>) src(%arg18 : memref<112x128xf32, #tpu.memory_space<vmem>>) dst(%dma_wait3A_28 : memref<10008x128xf32, #tpu.memory_space<vmem_shared>>)
    } else {
    }
    %barrier3A_11 = arith.constant 0 : index
    tpu.barrier barrier_id(%barrier3A_11)
    %lt3A_12 = arith.constant 10 : i32
    %lt3A_13 = arith.cmpi slt, %arg1, %lt3A_12 : i32
    %convert_element_type3A_14 = arith.extui %lt3A_13 : i1 to i32
    %cond3A_15 = arith.constant 0 : i32
    %cond3A_16 = arith.cmpi ne, %convert_element_type3A_14, %cond3A_15 : i32
    scf.if %cond3A_16 {
      %mul3A_18 = arith.constant 1000 : i32
      %mul3A_19 = arith.muli %arg1, %mul3A_18 : i32
      %mul3A_20 = arith.constant 1000 : i32
      %mul3A_21 = arith.muli %arg1, %mul3A_20 : i32
      "tpu.region"() ({
        %run_scoped3A = tpu.sem_alloc : memref<!tpu.dma_semaphore, #tpu.memory_space<semaphore_mem>>
        %dma_start3A = arith.constant 0 : i32
        %dma_start3A_22 = tpu.memref_slice %arg9[%arg0, %mul3A_21, %dma_start3A] : memref<2x10000x128xf32, #tpu.memory_space<hbm>> -> memref<1x1000x128xf32, #tpu.memory_space<hbm>>
        %dma_start3A_23 = tpu.memref_squeeze %dma_start3A_22 : memref<1x1000x128xf32, #tpu.memory_space<hbm>> -> memref<1000x128xf32, #tpu.memory_space<hbm>>
        %dma_start3A_24 = arith.constant 0 : i32
        %dma_start3A_25 = tpu.memref_slice %arg20[%mul3A_19, %dma_start3A_24] : memref<10008x128xf32, #tpu.memory_space<vmem_shared>> -> memref<1000x128xf32, #tpu.memory_space<vmem_shared>>
        tpu.enqueue_dma source(%dma_start3A_25 : memref<1000x128xf32, #tpu.memory_space<vmem_shared>>) target(%dma_start3A_23 : memref<1000x128xf32, #tpu.memory_space<hbm>>) target_semaphore(%run_scoped3A : memref<!tpu.dma_semaphore, #tpu.memory_space<semaphore_mem>>)
        %dma_wait3A = arith.constant 0 : i32
        %dma_wait3A_26 = tpu.memref_slice %arg9[%arg0, %mul3A_21, %dma_wait3A] : memref<2x10000x128xf32, #tpu.memory_space<hbm>> -> memref<1x1000x128xf32, #tpu.memory_space<hbm>>
        %dma_wait3A_27 = tpu.memref_squeeze %dma_wait3A_26 : memref<1x1000x128xf32, #tpu.memory_space<hbm>> -> memref<1000x128xf32, #tpu.memory_space<hbm>>
        %dma_wait3A_28 = arith.constant 0 : i32
        %dma_wait3A_29 = tpu.memref_slice %arg20[%mul3A_19, %dma_wait3A_28] : memref<10008x128xf32, #tpu.memory_space<vmem_shared>> -> memref<1000x128xf32, #tpu.memory_space<vmem_shared>>
        tpu.wait_dma2 semaphore(%run_scoped3A : memref<!tpu.dma_semaphore, #tpu.memory_space<semaphore_mem>>) src(%dma_wait3A_29 : memref<1000x128xf32, #tpu.memory_space<vmem_shared>>) dst(%dma_wait3A_27 : memref<1000x128xf32, #tpu.memory_space<hbm>>)
        tpu.yield
      }) : () -> ()
    } else {
    }
    %mul3A = arith.constant 16 : i32
    %mul3A_17 = arith.muli %arg0, %mul3A : i32
    %add3A = arith.addi %mul3A_17, %arg1 : i32
    "tpu.region"() ({
      %run_scoped3A = tpu.sem_alloc : memref<!tpu.dma_semaphore, #tpu.memory_space<semaphore_mem>>
      %dma_start3A = arith.constant 0 : i32
      %dma_start3A_18 = tpu.memref_slice %arg10[%add3A, %dma_start3A] : memref<32x10008xf32, #tpu.memory_space<hbm>> -> memref<1x10008xf32, #tpu.memory_space<hbm>>
      %dma_start3A_19 = tpu.memref_squeeze %dma_start3A_18 : memref<1x10008xf32, #tpu.memory_space<hbm>> -> memref<10008xf32, #tpu.memory_space<hbm>>
      %dma_start3A_20 = arith.constant 0 : i32
      %dma_start3A_21 = tpu.memref_slice %arg10[%add3A, %dma_start3A_20] : memref<32x10008xf32, #tpu.memory_space<hbm>> -> memref<1x10008xf32, #tpu.memory_space<hbm>>
      %dma_start3A_22 = tpu.memref_squeeze %dma_start3A_21 : memref<1x10008xf32, #tpu.memory_space<hbm>> -> memref<10008xf32, #tpu.memory_space<hbm>>
      tpu.enqueue_dma source(%arg19 : memref<10008xf32, #tpu.memory_space<vmem>>) target(%dma_start3A_22 : memref<10008xf32, #tpu.memory_space<hbm>>) target_semaphore(%run_scoped3A : memref<!tpu.dma_semaphore, #tpu.memory_space<semaphore_mem>>)
      %dma_wait3A = arith.constant 0 : i32
      %dma_wait3A_23 = tpu.memref_slice %arg10[%add3A, %dma_wait3A] : memref<32x10008xf32, #tpu.memory_space<hbm>> -> memref<1x10008xf32, #tpu.memory_space<hbm>>
      %dma_wait3A_24 = tpu.memref_squeeze %dma_wait3A_23 : memref<1x10008xf32, #tpu.memory_space<hbm>> -> memref<10008xf32, #tpu.memory_space<hbm>>
      %dma_wait3A_25 = arith.constant 0 : i32
      %dma_wait3A_26 = tpu.memref_slice %arg10[%add3A, %dma_wait3A_25] : memref<32x10008xf32, #tpu.memory_space<hbm>> -> memref<1x10008xf32, #tpu.memory_space<hbm>>
      %dma_wait3A_27 = tpu.memref_squeeze %dma_wait3A_26 : memref<1x10008xf32, #tpu.memory_space<hbm>> -> memref<10008xf32, #tpu.memory_space<hbm>>
      tpu.wait_dma2 semaphore(%run_scoped3A : memref<!tpu.dma_semaphore, #tpu.memory_space<semaphore_mem>>) src(%arg19 : memref<10008xf32, #tpu.memory_space<vmem>>) dst(%dma_wait3A_27 : memref<10008xf32, #tpu.memory_space<hbm>>)
      tpu.yield
    }) : () -> ()
    return
  }
}

#map = affine_map<(d0, d1) -> (0, 0)>
#map1 = affine_map<(d0, d1) -> (0, 0, 0)>
#map2 = affine_map<(d0, d1) -> (0)>
module attributes {stable_mosaic.version = 14 : i64} {
  func.func @_sc_gather_scatter(%arg0: i32, %arg1: i32, %arg2: memref<10000x128xf32, #tpu.memory_space<hbm>>, %arg3: memref<16x126x112xi32, #tpu.memory_space<hbm>>, %arg4: memref<16x126x112xi32, #tpu.memory_space<hbm>>, %arg5: memref<16x54x112xi32, #tpu.memory_space<hbm>>, %arg6: memref<16x54x112xi32, #tpu.memory_space<hbm>>, %arg7: memref<1000x128xf32, #tpu.memory_space<hbm>>, %arg8: memref<10008xf32, #tpu.memory_space<hbm>>, %arg9: memref<2x10000x128xf32, #tpu.memory_space<hbm>>, %arg10: memref<32x10008xf32, #tpu.memory_space<hbm>>, %arg11: memref<112xi32, #tpu.memory_space<vmem>>, %arg12: memref<112xi32, #tpu.memory_space<vmem>>, %arg13: memref<112xi32, #tpu.memory_space<vmem>>, %arg14: memref<112xi32, #tpu.memory_space<vmem>>, %arg15: memref<112xi32, #tpu.memory_space<vmem>>, %arg16: memref<112xi32, #tpu.memory_space<vmem>>, %arg17: memref<112x128xf32, #tpu.memory_space<vmem>>, %arg18: memref<112x128xf32, #tpu.memory_space<vmem>>, %arg19: memref<10008xf32, #tpu.memory_space<vmem>>, %arg20: memref<10008x128xf32, #tpu.memory_space<vmem_shared>>, %arg21: memref<!tpu.dma_semaphore, #tpu.memory_space<semaphore_mem>>, %arg22: memref<!tpu.dma_semaphore, #tpu.memory_space<semaphore_mem>>, %arg23: memref<!tpu.dma_semaphore, #tpu.memory_space<semaphore_mem>>, %arg24: memref<!tpu.dma_semaphore, #tpu.memory_space<semaphore_mem>>, %arg25: memref<!tpu.dma_semaphore, #tpu.memory_space<semaphore_mem>>) attributes {dimension_semantics = [#tpu.dimension_semantics<core_parallel>, #tpu.dimension_semantics<subcore_parallel>], iteration_bounds = array<i64: 2, 16>, scalar_prefetch = 0 : i64, scratch_operands = 15 : i64, tpu.core_type = #tpu.core_type<sc_vector_subcore>, window_params = [{transform_indices = #map}, {transform_indices = #map1}, {transform_indices = #map1}, {transform_indices = #map1}, {transform_indices = #map1}, {transform_indices = #map}, {transform_indices = #map2}, {transform_indices = #map1}, {transform_indices = #map}]} {
    %lt3A = arith.constant 10 : i32
    %lt3A_0 = arith.cmpi slt, %arg1, %lt3A : i32
    %convert_element_type3A = arith.extui %lt3A_0 : i1 to i32
    %cond3A = arith.constant 0 : i32
    %cond3A_1 = arith.cmpi ne, %convert_element_type3A, %cond3A : i32
    scf.if %cond3A_1 {
      %mul3A_18 = arith.constant 1000 : i32
      %mul3A_19 = arith.muli %arg1, %mul3A_18 : i32
      "tpu.region"() ({
        %run_scoped3A = tpu.sem_alloc : memref<!tpu.dma_semaphore, #tpu.memory_space<semaphore_mem>>
        %dma_start3A = arith.constant 0 : i32
        %dma_start3A_20 = tpu.memref_slice %arg20[%mul3A_19, %dma_start3A] : memref<10008x128xf32, #tpu.memory_space<vmem_shared>> -> memref<1000x128xf32, #tpu.memory_space<vmem_shared>>
        tpu.enqueue_dma source(%arg7 : memref<1000x128xf32, #tpu.memory_space<hbm>>) target(%dma_start3A_20 : memref<1000x128xf32, #tpu.memory_space<vmem_shared>>) target_semaphore(%run_scoped3A : memref<!tpu.dma_semaphore, #tpu.memory_space<semaphore_mem>>)
        %dma_wait3A = arith.constant 0 : i32
        %dma_wait3A_21 = tpu.memref_slice %arg20[%mul3A_19, %dma_wait3A] : memref<10008x128xf32, #tpu.memory_space<vmem_shared>> -> memref<1000x128xf32, #tpu.memory_space<vmem_shared>>
        tpu.wait_dma2 semaphore(%run_scoped3A : memref<!tpu.dma_semaphore, #tpu.memory_space<semaphore_mem>>) src(%arg7 : memref<1000x128xf32, #tpu.memory_space<hbm>>) dst(%dma_wait3A_21 : memref<1000x128xf32, #tpu.memory_space<vmem_shared>>)
        tpu.yield
      }) : () -> ()
    } else {
    }
    "tpu.region"() ({
      %run_scoped3A = tpu.sem_alloc : memref<!tpu.dma_semaphore, #tpu.memory_space<semaphore_mem>>
      tpu.enqueue_dma source(%arg8 : memref<10008xf32, #tpu.memory_space<hbm>>) target(%arg19 : memref<10008xf32, #tpu.memory_space<vmem>>) target_semaphore(%run_scoped3A : memref<!tpu.dma_semaphore, #tpu.memory_space<semaphore_mem>>)
      tpu.wait_dma2 semaphore(%run_scoped3A : memref<!tpu.dma_semaphore, #tpu.memory_space<semaphore_mem>>) src(%arg8 : memref<10008xf32, #tpu.memory_space<hbm>>) dst(%arg19 : memref<10008xf32, #tpu.memory_space<vmem>>)
      tpu.yield
    }) : () -> ()
    %barrier3A = arith.constant 0 : index
    tpu.barrier barrier_id(%barrier3A)
    %eq3A = arith.constant 0 : i32
    %eq3A_2 = arith.cmpi eq, %arg0, %eq3A : i32
    %convert_element_type3A_3 = arith.extui %eq3A_2 : i1 to i32
    %cond3A_4 = arith.constant 0 : i32
    %cond3A_5 = arith.cmpi ne, %convert_element_type3A_3, %cond3A_4 : i32
    scf.if %cond3A_5 {
      %broadcast_in_dim3A = arith.constant 1.000000e+00 : f32
      %broadcast_in_dim3A_18 = vector.broadcast %broadcast_in_dim3A : f32 to vector<16xf32>
      %run_scoped3A = arith.constant 0 : i32
      "tpu.region"() ({
        %run_scoped3A_29 = tpu.sem_alloc : memref<!tpu.dma_semaphore, #tpu.memory_space<semaphore_mem>>
        %dma_start3A_30 = arith.constant 0 : i32
        %dma_start3A_31 = tpu.memref_slice %arg3[%arg1, %run_scoped3A, %dma_start3A_30] : memref<16x126x112xi32, #tpu.memory_space<hbm>> -> memref<1x1x112xi32, #tpu.memory_space<hbm>>
        %dma_start3A_32 = tpu.memref_squeeze %dma_start3A_31 : memref<1x1x112xi32, #tpu.memory_space<hbm>> -> memref<112xi32, #tpu.memory_space<hbm>>
        %dma_start3A_33 = arith.constant 0 : i32
        %dma_start3A_34 = tpu.memref_slice %arg3[%arg1, %run_scoped3A, %dma_start3A_33] : memref<16x126x112xi32, #tpu.memory_space<hbm>> -> memref<1x1x112xi32, #tpu.memory_space<hbm>>
        %dma_start3A_35 = tpu.memref_squeeze %dma_start3A_34 : memref<1x1x112xi32, #tpu.memory_space<hbm>> -> memref<112xi32, #tpu.memory_space<hbm>>
        tpu.enqueue_dma source(%dma_start3A_35 : memref<112xi32, #tpu.memory_space<hbm>>) target(%arg11 : memref<112xi32, #tpu.memory_space<vmem>>) target_semaphore(%run_scoped3A_29 : memref<!tpu.dma_semaphore, #tpu.memory_space<semaphore_mem>>)
        %dma_wait3A_36 = arith.constant 0 : i32
        %dma_wait3A_37 = tpu.memref_slice %arg3[%arg1, %run_scoped3A, %dma_wait3A_36] : memref<16x126x112xi32, #tpu.memory_space<hbm>> -> memref<1x1x112xi32, #tpu.memory_space<hbm>>
        %dma_wait3A_38 = tpu.memref_squeeze %dma_wait3A_37 : memref<1x1x112xi32, #tpu.memory_space<hbm>> -> memref<112xi32, #tpu.memory_space<hbm>>
        %dma_wait3A_39 = arith.constant 0 : i32
        %dma_wait3A_40 = tpu.memref_slice %arg3[%arg1, %run_scoped3A, %dma_wait3A_39] : memref<16x126x112xi32, #tpu.memory_space<hbm>> -> memref<1x1x112xi32, #tpu.memory_space<hbm>>
        %dma_wait3A_41 = tpu.memref_squeeze %dma_wait3A_40 : memref<1x1x112xi32, #tpu.memory_space<hbm>> -> memref<112xi32, #tpu.memory_space<hbm>>
        tpu.wait_dma2 semaphore(%run_scoped3A_29 : memref<!tpu.dma_semaphore, #tpu.memory_space<semaphore_mem>>) src(%dma_wait3A_41 : memref<112xi32, #tpu.memory_space<hbm>>) dst(%arg11 : memref<112xi32, #tpu.memory_space<vmem>>)
        tpu.yield
      }) : () -> ()
      %run_scoped3A_19 = arith.constant 0 : i32
      "tpu.region"() ({
        %run_scoped3A_29 = tpu.sem_alloc : memref<!tpu.dma_semaphore, #tpu.memory_space<semaphore_mem>>
        %dma_start3A_30 = arith.constant 0 : i32
        %dma_start3A_31 = tpu.memref_slice %arg4[%arg1, %run_scoped3A_19, %dma_start3A_30] : memref<16x126x112xi32, #tpu.memory_space<hbm>> -> memref<1x1x112xi32, #tpu.memory_space<hbm>>
        %dma_start3A_32 = tpu.memref_squeeze %dma_start3A_31 : memref<1x1x112xi32, #tpu.memory_space<hbm>> -> memref<112xi32, #tpu.memory_space<hbm>>
        %dma_start3A_33 = arith.constant 0 : i32
        %dma_start3A_34 = tpu.memref_slice %arg4[%arg1, %run_scoped3A_19, %dma_start3A_33] : memref<16x126x112xi32, #tpu.memory_space<hbm>> -> memref<1x1x112xi32, #tpu.memory_space<hbm>>
        %dma_start3A_35 = tpu.memref_squeeze %dma_start3A_34 : memref<1x1x112xi32, #tpu.memory_space<hbm>> -> memref<112xi32, #tpu.memory_space<hbm>>
        tpu.enqueue_dma source(%dma_start3A_35 : memref<112xi32, #tpu.memory_space<hbm>>) target(%arg14 : memref<112xi32, #tpu.memory_space<vmem>>) target_semaphore(%run_scoped3A_29 : memref<!tpu.dma_semaphore, #tpu.memory_space<semaphore_mem>>)
        %dma_wait3A_36 = arith.constant 0 : i32
        %dma_wait3A_37 = tpu.memref_slice %arg4[%arg1, %run_scoped3A_19, %dma_wait3A_36] : memref<16x126x112xi32, #tpu.memory_space<hbm>> -> memref<1x1x112xi32, #tpu.memory_space<hbm>>
        %dma_wait3A_38 = tpu.memref_squeeze %dma_wait3A_37 : memref<1x1x112xi32, #tpu.memory_space<hbm>> -> memref<112xi32, #tpu.memory_space<hbm>>
        %dma_wait3A_39 = arith.constant 0 : i32
        %dma_wait3A_40 = tpu.memref_slice %arg4[%arg1, %run_scoped3A_19, %dma_wait3A_39] : memref<16x126x112xi32, #tpu.memory_space<hbm>> -> memref<1x1x112xi32, #tpu.memory_space<hbm>>
        %dma_wait3A_41 = tpu.memref_squeeze %dma_wait3A_40 : memref<1x1x112xi32, #tpu.memory_space<hbm>> -> memref<112xi32, #tpu.memory_space<hbm>>
        tpu.wait_dma2 semaphore(%run_scoped3A_29 : memref<!tpu.dma_semaphore, #tpu.memory_space<semaphore_mem>>) src(%dma_wait3A_41 : memref<112xi32, #tpu.memory_space<hbm>>) dst(%arg14 : memref<112xi32, #tpu.memory_space<vmem>>)
        tpu.yield
      }) : () -> ()
      %dma_start3A = arith.constant 0 : i32
      %dma_start3A_20 = arith.constant 0 : i32
      %dma_start3A_21 = tpu.memref_slice %arg2[%dma_start3A, %dma_start3A_20] : memref<10000x128xf32, #tpu.memory_space<hbm>> -> memref<10000x128xf32, #tpu.memory_space<hbm>>
      tpu.enqueue_indirect_dma source(%dma_start3A_21 : memref<10000x128xf32, #tpu.memory_space<hbm>>) target(%arg17 : memref<112x128xf32, #tpu.memory_space<vmem>>) offsets(%arg11 : memref<112xi32, #tpu.memory_space<vmem>>) semaphore(%arg21 : memref<!tpu.dma_semaphore, #tpu.memory_space<semaphore_mem>>)
      %scan3A = arith.constant 0 : i32
      %scan3A_22 = arith.constant 0 : i32
      %scan3A_23 = arith.constant 21 : i32
      %scan3A_24 = arith.addi %scan3A_22, %scan3A_23 : i32
      %scan3A_25 = arith.constant 1 : i32
      scf.for %scan3A_29 = %scan3A_22 to %scan3A_24 step %scan3A_25  : i32 {
        %mul3A_30 = arith.constant 6 : i32
        %mul3A_31 = arith.muli %scan3A_29, %mul3A_30 : i32
        %add3A_32 = arith.constant 0 : i32
        %add3A_33 = arith.addi %mul3A_31, %add3A_32 : i32
        %add3A_34 = arith.constant 1 : i32
        %add3A_35 = arith.addi %add3A_33, %add3A_34 : i32
        %dma_start3A_36 = arith.constant 0 : i32
        %dma_start3A_37 = tpu.memref_slice %arg3[%arg1, %add3A_35, %dma_start3A_36] : memref<16x126x112xi32, #tpu.memory_space<hbm>> -> memref<1x1x112xi32, #tpu.memory_space<hbm>>
        %dma_start3A_38 = tpu.memref_squeeze %dma_start3A_37 : memref<1x1x112xi32, #tpu.memory_space<hbm>> -> memref<112xi32, #tpu.memory_space<hbm>>
        %dma_start3A_39 = arith.constant 0 : i32
        %dma_start3A_40 = tpu.memref_slice %arg3[%arg1, %add3A_35, %dma_start3A_39] : memref<16x126x112xi32, #tpu.memory_space<hbm>> -> memref<1x1x112xi32, #tpu.memory_space<hbm>>
        %dma_start3A_41 = tpu.memref_squeeze %dma_start3A_40 : memref<1x1x112xi32, #tpu.memory_space<hbm>> -> memref<112xi32, #tpu.memory_space<hbm>>
        tpu.enqueue_dma source(%dma_start3A_41 : memref<112xi32, #tpu.memory_space<hbm>>) target(%arg12 : memref<112xi32, #tpu.memory_space<vmem>>) target_semaphore(%arg25 : memref<!tpu.dma_semaphore, #tpu.memory_space<semaphore_mem>>)
        %add3A_42 = arith.constant 1 : i32
        %add3A_43 = arith.addi %add3A_33, %add3A_42 : i32
        %dma_start3A_44 = arith.constant 0 : i32
        %dma_start3A_45 = tpu.memref_slice %arg4[%arg1, %add3A_43, %dma_start3A_44] : memref<16x126x112xi32, #tpu.memory_space<hbm>> -> memref<1x1x112xi32, #tpu.memory_space<hbm>>
        %dma_start3A_46 = tpu.memref_squeeze %dma_start3A_45 : memref<1x1x112xi32, #tpu.memory_space<hbm>> -> memref<112xi32, #tpu.memory_space<hbm>>
        %dma_start3A_47 = arith.constant 0 : i32
        %dma_start3A_48 = tpu.memref_slice %arg4[%arg1, %add3A_43, %dma_start3A_47] : memref<16x126x112xi32, #tpu.memory_space<hbm>> -> memref<1x1x112xi32, #tpu.memory_space<hbm>>
        %dma_start3A_49 = tpu.memref_squeeze %dma_start3A_48 : memref<1x1x112xi32, #tpu.memory_space<hbm>> -> memref<112xi32, #tpu.memory_space<hbm>>
        tpu.enqueue_dma source(%dma_start3A_49 : memref<112xi32, #tpu.memory_space<hbm>>) target(%arg15 : memref<112xi32, #tpu.memory_space<vmem>>) target_semaphore(%arg25 : memref<!tpu.dma_semaphore, #tpu.memory_space<semaphore_mem>>)
        %get3A = arith.constant 0 : index
        %get3A_50 = tpu.vector_load %arg14[%get3A] {strides = array<i32>} : memref<112xi32, #tpu.memory_space<vmem>>, vector<16xi32>,
        tpu.vector_store_idx %arg19[%get3A_50], %broadcast_in_dim3A_18 {add = true} : memref<10008xf32, #tpu.memory_space<vmem>>[vector<16xi32>], vector<16xf32>,
        %get3A_51 = arith.constant 16 : index
        %get3A_52 = tpu.vector_load %arg14[%get3A_51] {strides = array<i32>} : memref<112xi32, #tpu.memory_space<vmem>>, vector<16xi32>,
        tpu.vector_store_idx %arg19[%get3A_52], %broadcast_in_dim3A_18 {add = true} : memref<10008xf32, #tpu.memory_space<vmem>>[vector<16xi32>], vector<16xf32>,
        %get3A_53 = arith.constant 32 : index
        %get3A_54 = tpu.vector_load %arg14[%get3A_53] {strides = array<i32>} : memref<112xi32, #tpu.memory_space<vmem>>, vector<16xi32>,
        tpu.vector_store_idx %arg19[%get3A_54], %broadcast_in_dim3A_18 {add = true} : memref<10008xf32, #tpu.memory_space<vmem>>[vector<16xi32>], vector<16xf32>,
        %get3A_55 = arith.constant 48 : index
        %get3A_56 = tpu.vector_load %arg14[%get3A_55] {strides = array<i32>} : memref<112xi32, #tpu.memory_space<vmem>>, vector<16xi32>,
        tpu.vector_store_idx %arg19[%get3A_56], %broadcast_in_dim3A_18 {add = true} : memref<10008xf32, #tpu.memory_space<vmem>>[vector<16xi32>], vector<16xf32>,
        %get3A_57 = arith.constant 64 : index
        %get3A_58 = tpu.vector_load %arg14[%get3A_57] {strides = array<i32>} : memref<112xi32, #tpu.memory_space<vmem>>, vector<16xi32>,
        tpu.vector_store_idx %arg19[%get3A_58], %broadcast_in_dim3A_18 {add = true} : memref<10008xf32, #tpu.memory_space<vmem>>[vector<16xi32>], vector<16xf32>,
        %get3A_59 = arith.constant 80 : index
        %get3A_60 = tpu.vector_load %arg14[%get3A_59] {strides = array<i32>} : memref<112xi32, #tpu.memory_space<vmem>>, vector<16xi32>,
        tpu.vector_store_idx %arg19[%get3A_60], %broadcast_in_dim3A_18 {add = true} : memref<10008xf32, #tpu.memory_space<vmem>>[vector<16xi32>], vector<16xf32>,
        %get3A_61 = arith.constant 96 : index
        %get3A_62 = tpu.vector_load %arg14[%get3A_61] {strides = array<i32>} : memref<112xi32, #tpu.memory_space<vmem>>, vector<16xi32>,
        tpu.vector_store_idx %arg19[%get3A_62], %broadcast_in_dim3A_18 {add = true} : memref<10008xf32, #tpu.memory_space<vmem>>[vector<16xi32>], vector<16xf32>,
        %dma_wait3A_63 = arith.constant 0 : i32
        %dma_wait3A_64 = arith.constant 0 : i32
        %dma_wait3A_65 = tpu.memref_slice %arg2[%dma_wait3A_63, %dma_wait3A_64] : memref<10000x128xf32, #tpu.memory_space<hbm>> -> memref<10000x128xf32, #tpu.memory_space<hbm>>
        tpu.wait_indirect_dma semaphore(%arg21 : memref<!tpu.dma_semaphore, #tpu.memory_space<semaphore_mem>>) src(%dma_wait3A_65 : memref<10000x128xf32, #tpu.memory_space<hbm>>) dst(%arg17 : memref<112x128xf32, #tpu.memory_space<vmem>>)
        %dma_start3A_66 = arith.constant 0 : i32
        %dma_start3A_67 = arith.constant 0 : i32
        %dma_start3A_68 = tpu.memref_slice %arg20[%dma_start3A_66, %dma_start3A_67] : memref<10008x128xf32, #tpu.memory_space<vmem_shared>> -> memref<10008x128xf32, #tpu.memory_space<vmem_shared>>
        tpu.enqueue_indirect_dma source(%arg17 : memref<112x128xf32, #tpu.memory_space<vmem>>) target(%dma_start3A_68 : memref<10008x128xf32, #tpu.memory_space<vmem_shared>>) offsets(%arg14 : memref<112xi32, #tpu.memory_space<vmem>>) semaphore(%arg23 : memref<!tpu.dma_semaphore, #tpu.memory_space<semaphore_mem>>) {add = true}
        %gt3A = arith.constant 0 : i32
        %gt3A_69 = arith.cmpi sgt, %scan3A_29, %gt3A : i32
        %convert_element_type3A_70 = arith.extui %gt3A_69 : i1 to i32
        %cond3A_71 = arith.constant 0 : i32
        %cond3A_72 = arith.cmpi ne, %convert_element_type3A_70, %cond3A_71 : i32
        scf.if %cond3A_72 {
          %dma_wait3A_352 = arith.constant 0 : i32
          %dma_wait3A_353 = arith.constant 0 : i32
          %dma_wait3A_354 = tpu.memref_slice %arg20[%dma_wait3A_352, %dma_wait3A_353] : memref<10008x128xf32, #tpu.memory_space<vmem_shared>> -> memref<10008x128xf32, #tpu.memory_space<vmem_shared>>
          tpu.wait_indirect_dma semaphore(%arg24 : memref<!tpu.dma_semaphore, #tpu.memory_space<semaphore_mem>>) src(%arg18 : memref<112x128xf32, #tpu.memory_space<vmem>>) dst(%dma_wait3A_354 : memref<10008x128xf32, #tpu.memory_space<vmem_shared>>)
        } else {
        }
        %dma_wait3A_73 = arith.constant 0 : i32
        %dma_wait3A_74 = tpu.memref_slice %arg3[%arg1, %add3A_35, %dma_wait3A_73] : memref<16x126x112xi32, #tpu.memory_space<hbm>> -> memref<1x1x112xi32, #tpu.memory_space<hbm>>
        %dma_wait3A_75 = tpu.memref_squeeze %dma_wait3A_74 : memref<1x1x112xi32, #tpu.memory_space<hbm>> -> memref<112xi32, #tpu.memory_space<hbm>>
        %dma_wait3A_76 = arith.constant 0 : i32
        %dma_wait3A_77 = tpu.memref_slice %arg3[%arg1, %add3A_35, %dma_wait3A_76] : memref<16x126x112xi32, #tpu.memory_space<hbm>> -> memref<1x1x112xi32, #tpu.memory_space<hbm>>
        %dma_wait3A_78 = tpu.memref_squeeze %dma_wait3A_77 : memref<1x1x112xi32, #tpu.memory_space<hbm>> -> memref<112xi32, #tpu.memory_space<hbm>>
        tpu.wait_dma2 semaphore(%arg25 : memref<!tpu.dma_semaphore, #tpu.memory_space<semaphore_mem>>) src(%dma_wait3A_78 : memref<112xi32, #tpu.memory_space<hbm>>) dst(%arg12 : memref<112xi32, #tpu.memory_space<vmem>>)
        %dma_wait3A_79 = arith.constant 0 : i32
        %dma_wait3A_80 = tpu.memref_slice %arg4[%arg1, %add3A_43, %dma_wait3A_79] : memref<16x126x112xi32, #tpu.memory_space<hbm>> -> memref<1x1x112xi32, #tpu.memory_space<hbm>>
        %dma_wait3A_81 = tpu.memref_squeeze %dma_wait3A_80 : memref<1x1x112xi32, #tpu.memory_space<hbm>> -> memref<112xi32, #tpu.memory_space<hbm>>
        %dma_wait3A_82 = arith.constant 0 : i32
        %dma_wait3A_83 = tpu.memref_slice %arg4[%arg1, %add3A_43, %dma_wait3A_82] : memref<16x126x112xi32, #tpu.memory_space<hbm>> -> memref<1x1x112xi32, #tpu.memory_space<hbm>>
        %dma_wait3A_84 = tpu.memref_squeeze %dma_wait3A_83 : memref<1x1x112xi32, #tpu.memory_space<hbm>> -> memref<112xi32, #tpu.memory_space<hbm>>
        tpu.wait_dma2 semaphore(%arg25 : memref<!tpu.dma_semaphore, #tpu.memory_space<semaphore_mem>>) src(%dma_wait3A_84 : memref<112xi32, #tpu.memory_space<hbm>>) dst(%arg15 : memref<112xi32, #tpu.memory_space<vmem>>)
        %dma_start3A_85 = arith.constant 0 : i32
        %dma_start3A_86 = arith.constant 0 : i32
        %dma_start3A_87 = tpu.memref_slice %arg2[%dma_start3A_85, %dma_start3A_86] : memref<10000x128xf32, #tpu.memory_space<hbm>> -> memref<10000x128xf32, #tpu.memory_space<hbm>>
        tpu.enqueue_indirect_dma source(%dma_start3A_87 : memref<10000x128xf32, #tpu.memory_space<hbm>>) target(%arg18 : memref<112x128xf32, #tpu.memory_space<vmem>>) offsets(%arg12 : memref<112xi32, #tpu.memory_space<vmem>>) semaphore(%arg22 : memref<!tpu.dma_semaphore, #tpu.memory_space<semaphore_mem>>)
        %mul3A_88 = arith.constant 6 : i32
        %mul3A_89 = arith.muli %scan3A_29, %mul3A_88 : i32
        %add3A_90 = arith.constant 1 : i32
        %add3A_91 = arith.addi %mul3A_89, %add3A_90 : i32
        %add3A_92 = arith.constant 1 : i32
        %add3A_93 = arith.addi %add3A_91, %add3A_92 : i32
        %dma_start3A_94 = arith.constant 0 : i32
        %dma_start3A_95 = tpu.memref_slice %arg3[%arg1, %add3A_93, %dma_start3A_94] : memref<16x126x112xi32, #tpu.memory_space<hbm>> -> memref<1x1x112xi32, #tpu.memory_space<hbm>>
        %dma_start3A_96 = tpu.memref_squeeze %dma_start3A_95 : memref<1x1x112xi32, #tpu.memory_space<hbm>> -> memref<112xi32, #tpu.memory_space<hbm>>
        %dma_start3A_97 = arith.constant 0 : i32
        %dma_start3A_98 = tpu.memref_slice %arg3[%arg1, %add3A_93, %dma_start3A_97] : memref<16x126x112xi32, #tpu.memory_space<hbm>> -> memref<1x1x112xi32, #tpu.memory_space<hbm>>
        %dma_start3A_99 = tpu.memref_squeeze %dma_start3A_98 : memref<1x1x112xi32, #tpu.memory_space<hbm>> -> memref<112xi32, #tpu.memory_space<hbm>>
        tpu.enqueue_dma source(%dma_start3A_99 : memref<112xi32, #tpu.memory_space<hbm>>) target(%arg13 : memref<112xi32, #tpu.memory_space<vmem>>) target_semaphore(%arg25 : memref<!tpu.dma_semaphore, #tpu.memory_space<semaphore_mem>>)
        %add3A_100 = arith.constant 1 : i32
        %add3A_101 = arith.addi %add3A_91, %add3A_100 : i32
        %dma_start3A_102 = arith.constant 0 : i32
        %dma_start3A_103 = tpu.memref_slice %arg4[%arg1, %add3A_101, %dma_start3A_102] : memref<16x126x112xi32, #tpu.memory_space<hbm>> -> memref<1x1x112xi32, #tpu.memory_space<hbm>>
        %dma_start3A_104 = tpu.memref_squeeze %dma_start3A_103 : memref<1x1x112xi32, #tpu.memory_space<hbm>> -> memref<112xi32, #tpu.memory_space<hbm>>
        %dma_start3A_105 = arith.constant 0 : i32
        %dma_start3A_106 = tpu.memref_slice %arg4[%arg1, %add3A_101, %dma_start3A_105] : memref<16x126x112xi32, #tpu.memory_space<hbm>> -> memref<1x1x112xi32, #tpu.memory_space<hbm>>
        %dma_start3A_107 = tpu.memref_squeeze %dma_start3A_106 : memref<1x1x112xi32, #tpu.memory_space<hbm>> -> memref<112xi32, #tpu.memory_space<hbm>>
        tpu.enqueue_dma source(%dma_start3A_107 : memref<112xi32, #tpu.memory_space<hbm>>) target(%arg16 : memref<112xi32, #tpu.memory_space<vmem>>) target_semaphore(%arg25 : memref<!tpu.dma_semaphore, #tpu.memory_space<semaphore_mem>>)
        %get3A_108 = arith.constant 0 : index
        %get3A_109 = tpu.vector_load %arg15[%get3A_108] {strides = array<i32>} : memref<112xi32, #tpu.memory_space<vmem>>, vector<16xi32>,
        tpu.vector_store_idx %arg19[%get3A_109], %broadcast_in_dim3A_18 {add = true} : memref<10008xf32, #tpu.memory_space<vmem>>[vector<16xi32>], vector<16xf32>,
        %get3A_110 = arith.constant 16 : index
        %get3A_111 = tpu.vector_load %arg15[%get3A_110] {strides = array<i32>} : memref<112xi32, #tpu.memory_space<vmem>>, vector<16xi32>,
        tpu.vector_store_idx %arg19[%get3A_111], %broadcast_in_dim3A_18 {add = true} : memref<10008xf32, #tpu.memory_space<vmem>>[vector<16xi32>], vector<16xf32>,
        %get3A_112 = arith.constant 32 : index
        %get3A_113 = tpu.vector_load %arg15[%get3A_112] {strides = array<i32>} : memref<112xi32, #tpu.memory_space<vmem>>, vector<16xi32>,
        tpu.vector_store_idx %arg19[%get3A_113], %broadcast_in_dim3A_18 {add = true} : memref<10008xf32, #tpu.memory_space<vmem>>[vector<16xi32>], vector<16xf32>,
        %get3A_114 = arith.constant 48 : index
        %get3A_115 = tpu.vector_load %arg15[%get3A_114] {strides = array<i32>} : memref<112xi32, #tpu.memory_space<vmem>>, vector<16xi32>,
        tpu.vector_store_idx %arg19[%get3A_115], %broadcast_in_dim3A_18 {add = true} : memref<10008xf32, #tpu.memory_space<vmem>>[vector<16xi32>], vector<16xf32>,
        %get3A_116 = arith.constant 64 : index
        %get3A_117 = tpu.vector_load %arg15[%get3A_116] {strides = array<i32>} : memref<112xi32, #tpu.memory_space<vmem>>, vector<16xi32>,
        tpu.vector_store_idx %arg19[%get3A_117], %broadcast_in_dim3A_18 {add = true} : memref<10008xf32, #tpu.memory_space<vmem>>[vector<16xi32>], vector<16xf32>,
        %get3A_118 = arith.constant 80 : index
        %get3A_119 = tpu.vector_load %arg15[%get3A_118] {strides = array<i32>} : memref<112xi32, #tpu.memory_space<vmem>>, vector<16xi32>,
        tpu.vector_store_idx %arg19[%get3A_119], %broadcast_in_dim3A_18 {add = true} : memref<10008xf32, #tpu.memory_space<vmem>>[vector<16xi32>], vector<16xf32>,
        %get3A_120 = arith.constant 96 : index
        %get3A_121 = tpu.vector_load %arg15[%get3A_120] {strides = array<i32>} : memref<112xi32, #tpu.memory_space<vmem>>, vector<16xi32>,
        tpu.vector_store_idx %arg19[%get3A_121], %broadcast_in_dim3A_18 {add = true} : memref<10008xf32, #tpu.memory_space<vmem>>[vector<16xi32>], vector<16xf32>,
        %dma_wait3A_122 = arith.constant 0 : i32
        %dma_wait3A_123 = arith.constant 0 : i32
        %dma_wait3A_124 = tpu.memref_slice %arg2[%dma_wait3A_122, %dma_wait3A_123] : memref<10000x128xf32, #tpu.memory_space<hbm>> -> memref<10000x128xf32, #tpu.memory_space<hbm>>
        tpu.wait_indirect_dma semaphore(%arg22 : memref<!tpu.dma_semaphore, #tpu.memory_space<semaphore_mem>>) src(%dma_wait3A_124 : memref<10000x128xf32, #tpu.memory_space<hbm>>) dst(%arg18 : memref<112x128xf32, #tpu.memory_space<vmem>>)
        %dma_start3A_125 = arith.constant 0 : i32
        %dma_start3A_126 = arith.constant 0 : i32
        %dma_start3A_127 = tpu.memref_slice %arg20[%dma_start3A_125, %dma_start3A_126] : memref<10008x128xf32, #tpu.memory_space<vmem_shared>> -> memref<10008x128xf32, #tpu.memory_space<vmem_shared>>
        tpu.enqueue_indirect_dma source(%arg18 : memref<112x128xf32, #tpu.memory_space<vmem>>) target(%dma_start3A_127 : memref<10008x128xf32, #tpu.memory_space<vmem_shared>>) offsets(%arg15 : memref<112xi32, #tpu.memory_space<vmem>>) semaphore(%arg24 : memref<!tpu.dma_semaphore, #tpu.memory_space<semaphore_mem>>) {add = true}
        %dma_wait3A_128 = arith.constant 0 : i32
        %dma_wait3A_129 = arith.constant 0 : i32
        %dma_wait3A_130 = tpu.memref_slice %arg20[%dma_wait3A_128, %dma_wait3A_129] : memref<10008x128xf32, #tpu.memory_space<vmem_shared>> -> memref<10008x128xf32, #tpu.memory_space<vmem_shared>>
        tpu.wait_indirect_dma semaphore(%arg23 : memref<!tpu.dma_semaphore, #tpu.memory_space<semaphore_mem>>) src(%arg17 : memref<112x128xf32, #tpu.memory_space<vmem>>) dst(%dma_wait3A_130 : memref<10008x128xf32, #tpu.memory_space<vmem_shared>>)
        %dma_wait3A_131 = arith.constant 0 : i32
        %dma_wait3A_132 = tpu.memref_slice %arg3[%arg1, %add3A_93, %dma_wait3A_131] : memref<16x126x112xi32, #tpu.memory_space<hbm>> -> memref<1x1x112xi32, #tpu.memory_space<hbm>>
        %dma_wait3A_133 = tpu.memref_squeeze %dma_wait3A_132 : memref<1x1x112xi32, #tpu.memory_space<hbm>> -> memref<112xi32, #tpu.memory_space<hbm>>
        %dma_wait3A_134 = arith.constant 0 : i32
        %dma_wait3A_135 = tpu.memref_slice %arg3[%arg1, %add3A_93, %dma_wait3A_134] : memref<16x126x112xi32, #tpu.memory_space<hbm>> -> memref<1x1x112xi32, #tpu.memory_space<hbm>>
        %dma_wait3A_136 = tpu.memref_squeeze %dma_wait3A_135 : memref<1x1x112xi32, #tpu.memory_space<hbm>> -> memref<112xi32, #tpu.memory_space<hbm>>
        tpu.wait_dma2 semaphore(%arg25 : memref<!tpu.dma_semaphore, #tpu.memory_space<semaphore_mem>>) src(%dma_wait3A_136 : memref<112xi32, #tpu.memory_space<hbm>>) dst(%arg13 : memref<112xi32, #tpu.memory_space<vmem>>)
        %dma_wait3A_137 = arith.constant 0 : i32
        %dma_wait3A_138 = tpu.memref_slice %arg4[%arg1, %add3A_101, %dma_wait3A_137] : memref<16x126x112xi32, #tpu.memory_space<hbm>> -> memref<1x1x112xi32, #tpu.memory_space<hbm>>
        %dma_wait3A_139 = tpu.memref_squeeze %dma_wait3A_138 : memref<1x1x112xi32, #tpu.memory_space<hbm>> -> memref<112xi32, #tpu.memory_space<hbm>>
        %dma_wait3A_140 = arith.constant 0 : i32
        %dma_wait3A_141 = tpu.memref_slice %arg4[%arg1, %add3A_101, %dma_wait3A_140] : memref<16x126x112xi32, #tpu.memory_space<hbm>> -> memref<1x1x112xi32, #tpu.memory_space<hbm>>
        %dma_wait3A_142 = tpu.memref_squeeze %dma_wait3A_141 : memref<1x1x112xi32, #tpu.memory_space<hbm>> -> memref<112xi32, #tpu.memory_space<hbm>>
        tpu.wait_dma2 semaphore(%arg25 : memref<!tpu.dma_semaphore, #tpu.memory_space<semaphore_mem>>) src(%dma_wait3A_142 : memref<112xi32, #tpu.memory_space<hbm>>) dst(%arg16 : memref<112xi32, #tpu.memory_space<vmem>>)
        %dma_start3A_143 = arith.constant 0 : i32
        %dma_start3A_144 = arith.constant 0 : i32
        %dma_start3A_145 = tpu.memref_slice %arg2[%dma_start3A_143, %dma_start3A_144] : memref<10000x128xf32, #tpu.memory_space<hbm>> -> memref<10000x128xf32, #tpu.memory_space<hbm>>
        tpu.enqueue_indirect_dma source(%dma_start3A_145 : memref<10000x128xf32, #tpu.memory_space<hbm>>) target(%arg17 : memref<112x128xf32, #tpu.memory_space<vmem>>) offsets(%arg13 : memref<112xi32, #tpu.memory_space<vmem>>) semaphore(%arg21 : memref<!tpu.dma_semaphore, #tpu.memory_space<semaphore_mem>>)
        %mul3A_146 = arith.constant 6 : i32
        %mul3A_147 = arith.muli %scan3A_29, %mul3A_146 : i32
        %add3A_148 = arith.constant 2 : i32
        %add3A_149 = arith.addi %mul3A_147, %add3A_148 : i32
        %add3A_150 = arith.constant 1 : i32
        %add3A_151 = arith.addi %add3A_149, %add3A_150 : i32
        %dma_start3A_152 = arith.constant 0 : i32
        %dma_start3A_153 = tpu.memref_slice %arg3[%arg1, %add3A_151, %dma_start3A_152] : memref<16x126x112xi32, #tpu.memory_space<hbm>> -> memref<1x1x112xi32, #tpu.memory_space<hbm>>
        %dma_start3A_154 = tpu.memref_squeeze %dma_start3A_153 : memref<1x1x112xi32, #tpu.memory_space<hbm>> -> memref<112xi32, #tpu.memory_space<hbm>>
        %dma_start3A_155 = arith.constant 0 : i32
        %dma_start3A_156 = tpu.memref_slice %arg3[%arg1, %add3A_151, %dma_start3A_155] : memref<16x126x112xi32, #tpu.memory_space<hbm>> -> memref<1x1x112xi32, #tpu.memory_space<hbm>>
        %dma_start3A_157 = tpu.memref_squeeze %dma_start3A_156 : memref<1x1x112xi32, #tpu.memory_space<hbm>> -> memref<112xi32, #tpu.memory_space<hbm>>
        tpu.enqueue_dma source(%dma_start3A_157 : memref<112xi32, #tpu.memory_space<hbm>>) target(%arg11 : memref<112xi32, #tpu.memory_space<vmem>>) target_semaphore(%arg25 : memref<!tpu.dma_semaphore, #tpu.memory_space<semaphore_mem>>)
        %add3A_158 = arith.constant 1 : i32
        %add3A_159 = arith.addi %add3A_149, %add3A_158 : i32
        %dma_start3A_160 = arith.constant 0 : i32
        %dma_start3A_161 = tpu.memref_slice %arg4[%arg1, %add3A_159, %dma_start3A_160] : memref<16x126x112xi32, #tpu.memory_space<hbm>> -> memref<1x1x112xi32, #tpu.memory_space<hbm>>
        %dma_start3A_162 = tpu.memref_squeeze %dma_start3A_161 : memref<1x1x112xi32, #tpu.memory_space<hbm>> -> memref<112xi32, #tpu.memory_space<hbm>>
        %dma_start3A_163 = arith.constant 0 : i32
        %dma_start3A_164 = tpu.memref_slice %arg4[%arg1, %add3A_159, %dma_start3A_163] : memref<16x126x112xi32, #tpu.memory_space<hbm>> -> memref<1x1x112xi32, #tpu.memory_space<hbm>>
        %dma_start3A_165 = tpu.memref_squeeze %dma_start3A_164 : memref<1x1x112xi32, #tpu.memory_space<hbm>> -> memref<112xi32, #tpu.memory_space<hbm>>
        tpu.enqueue_dma source(%dma_start3A_165 : memref<112xi32, #tpu.memory_space<hbm>>) target(%arg14 : memref<112xi32, #tpu.memory_space<vmem>>) target_semaphore(%arg25 : memref<!tpu.dma_semaphore, #tpu.memory_space<semaphore_mem>>)
        %get3A_166 = arith.constant 0 : index
        %get3A_167 = tpu.vector_load %arg16[%get3A_166] {strides = array<i32>} : memref<112xi32, #tpu.memory_space<vmem>>, vector<16xi32>,
        tpu.vector_store_idx %arg19[%get3A_167], %broadcast_in_dim3A_18 {add = true} : memref<10008xf32, #tpu.memory_space<vmem>>[vector<16xi32>], vector<16xf32>,
        %get3A_168 = arith.constant 16 : index
        %get3A_169 = tpu.vector_load %arg16[%get3A_168] {strides = array<i32>} : memref<112xi32, #tpu.memory_space<vmem>>, vector<16xi32>,
        tpu.vector_store_idx %arg19[%get3A_169], %broadcast_in_dim3A_18 {add = true} : memref<10008xf32, #tpu.memory_space<vmem>>[vector<16xi32>], vector<16xf32>,
        %get3A_170 = arith.constant 32 : index
        %get3A_171 = tpu.vector_load %arg16[%get3A_170] {strides = array<i32>} : memref<112xi32, #tpu.memory_space<vmem>>, vector<16xi32>,
        tpu.vector_store_idx %arg19[%get3A_171], %broadcast_in_dim3A_18 {add = true} : memref<10008xf32, #tpu.memory_space<vmem>>[vector<16xi32>], vector<16xf32>,
        %get3A_172 = arith.constant 48 : index
        %get3A_173 = tpu.vector_load %arg16[%get3A_172] {strides = array<i32>} : memref<112xi32, #tpu.memory_space<vmem>>, vector<16xi32>,
        tpu.vector_store_idx %arg19[%get3A_173], %broadcast_in_dim3A_18 {add = true} : memref<10008xf32, #tpu.memory_space<vmem>>[vector<16xi32>], vector<16xf32>,
        %get3A_174 = arith.constant 64 : index
        %get3A_175 = tpu.vector_load %arg16[%get3A_174] {strides = array<i32>} : memref<112xi32, #tpu.memory_space<vmem>>, vector<16xi32>,
        tpu.vector_store_idx %arg19[%get3A_175], %broadcast_in_dim3A_18 {add = true} : memref<10008xf32, #tpu.memory_space<vmem>>[vector<16xi32>], vector<16xf32>,
        %get3A_176 = arith.constant 80 : index
        %get3A_177 = tpu.vector_load %arg16[%get3A_176] {strides = array<i32>} : memref<112xi32, #tpu.memory_space<vmem>>, vector<16xi32>,
        tpu.vector_store_idx %arg19[%get3A_177], %broadcast_in_dim3A_18 {add = true} : memref<10008xf32, #tpu.memory_space<vmem>>[vector<16xi32>], vector<16xf32>,
        %get3A_178 = arith.constant 96 : index
        %get3A_179 = tpu.vector_load %arg16[%get3A_178] {strides = array<i32>} : memref<112xi32, #tpu.memory_space<vmem>>, vector<16xi32>,
        tpu.vector_store_idx %arg19[%get3A_179], %broadcast_in_dim3A_18 {add = true} : memref<10008xf32, #tpu.memory_space<vmem>>[vector<16xi32>], vector<16xf32>,
        %dma_wait3A_180 = arith.constant 0 : i32
        %dma_wait3A_181 = arith.constant 0 : i32
        %dma_wait3A_182 = tpu.memref_slice %arg2[%dma_wait3A_180, %dma_wait3A_181] : memref<10000x128xf32, #tpu.memory_space<hbm>> -> memref<10000x128xf32, #tpu.memory_space<hbm>>
        tpu.wait_indirect_dma semaphore(%arg21 : memref<!tpu.dma_semaphore, #tpu.memory_space<semaphore_mem>>) src(%dma_wait3A_182 : memref<10000x128xf32, #tpu.memory_space<hbm>>) dst(%arg17 : memref<112x128xf32, #tpu.memory_space<vmem>>)
        %dma_start3A_183 = arith.constant 0 : i32
        %dma_start3A_184 = arith.constant 0 : i32
        %dma_start3A_185 = tpu.memref_slice %arg20[%dma_start3A_183, %dma_start3A_184] : memref<10008x128xf32, #tpu.memory_space<vmem_shared>> -> memref<10008x128xf32, #tpu.memory_space<vmem_shared>>
        tpu.enqueue_indirect_dma source(%arg17 : memref<112x128xf32, #tpu.memory_space<vmem>>) target(%dma_start3A_185 : memref<10008x128xf32, #tpu.memory_space<vmem_shared>>) offsets(%arg16 : memref<112xi32, #tpu.memory_space<vmem>>) semaphore(%arg23 : memref<!tpu.dma_semaphore, #tpu.memory_space<semaphore_mem>>) {add = true}
        %dma_wait3A_186 = arith.constant 0 : i32
        %dma_wait3A_187 = arith.constant 0 : i32
        %dma_wait3A_188 = tpu.memref_slice %arg20[%dma_wait3A_186, %dma_wait3A_187] : memref<10008x128xf32, #tpu.memory_space<vmem_shared>> -> memref<10008x128xf32, #tpu.memory_space<vmem_shared>>
        tpu.wait_indirect_dma semaphore(%arg24 : memref<!tpu.dma_semaphore, #tpu.memory_space<semaphore_mem>>) src(%arg18 : memref<112x128xf32, #tpu.memory_space<vmem>>) dst(%dma_wait3A_188 : memref<10008x128xf32, #tpu.memory_space<vmem_shared>>)
        %dma_wait3A_189 = arith.constant 0 : i32
        %dma_wait3A_190 = tpu.memref_slice %arg3[%arg1, %add3A_151, %dma_wait3A_189] : memref<16x126x112xi32, #tpu.memory_space<hbm>> -> memref<1x1x112xi32, #tpu.memory_space<hbm>>
        %dma_wait3A_191 = tpu.memref_squeeze %dma_wait3A_190 : memref<1x1x112xi32, #tpu.memory_space<hbm>> -> memref<112xi32, #tpu.memory_space<hbm>>
        %dma_wait3A_192 = arith.constant 0 : i32
        %dma_wait3A_193 = tpu.memref_slice %arg3[%arg1, %add3A_151, %dma_wait3A_192] : memref<16x126x112xi32, #tpu.memory_space<hbm>> -> memref<1x1x112xi32, #tpu.memory_space<hbm>>
        %dma_wait3A_194 = tpu.memref_squeeze %dma_wait3A_193 : memref<1x1x112xi32, #tpu.memory_space<hbm>> -> memref<112xi32, #tpu.memory_space<hbm>>
        tpu.wait_dma2 semaphore(%arg25 : memref<!tpu.dma_semaphore, #tpu.memory_space<semaphore_mem>>) src(%dma_wait3A_194 : memref<112xi32, #tpu.memory_space<hbm>>) dst(%arg11 : memref<112xi32, #tpu.memory_space<vmem>>)
        %dma_wait3A_195 = arith.constant 0 : i32
        %dma_wait3A_196 = tpu.memref_slice %arg4[%arg1, %add3A_159, %dma_wait3A_195] : memref<16x126x112xi32, #tpu.memory_space<hbm>> -> memref<1x1x112xi32, #tpu.memory_space<hbm>>
        %dma_wait3A_197 = tpu.memref_squeeze %dma_wait3A_196 : memref<1x1x112xi32, #tpu.memory_space<hbm>> -> memref<112xi32, #tpu.memory_space<hbm>>
        %dma_wait3A_198 = arith.constant 0 : i32
        %dma_wait3A_199 = tpu.memref_slice %arg4[%arg1, %add3A_159, %dma_wait3A_198] : memref<16x126x112xi32, #tpu.memory_space<hbm>> -> memref<1x1x112xi32, #tpu.memory_space<hbm>>
        %dma_wait3A_200 = tpu.memref_squeeze %dma_wait3A_199 : memref<1x1x112xi32, #tpu.memory_space<hbm>> -> memref<112xi32, #tpu.memory_space<hbm>>
        tpu.wait_dma2 semaphore(%arg25 : memref<!tpu.dma_semaphore, #tpu.memory_space<semaphore_mem>>) src(%dma_wait3A_200 : memref<112xi32, #tpu.memory_space<hbm>>) dst(%arg14 : memref<112xi32, #tpu.memory_space<vmem>>)
        %dma_start3A_201 = arith.constant 0 : i32
        %dma_start3A_202 = arith.constant 0 : i32
        %dma_start3A_203 = tpu.memref_slice %arg2[%dma_start3A_201, %dma_start3A_202] : memref<10000x128xf32, #tpu.memory_space<hbm>> -> memref<10000x128xf32, #tpu.memory_space<hbm>>
        tpu.enqueue_indirect_dma source(%dma_start3A_203 : memref<10000x128xf32, #tpu.memory_space<hbm>>) target(%arg18 : memref<112x128xf32, #tpu.memory_space<vmem>>) offsets(%arg11 : memref<112xi32, #tpu.memory_space<vmem>>) semaphore(%arg22 : memref<!tpu.dma_semaphore, #tpu.memory_space<semaphore_mem>>)
        %mul3A_204 = arith.constant 6 : i32
        %mul3A_205 = arith.muli %scan3A_29, %mul3A_204 : i32
        %add3A_206 = arith.constant 3 : i32
        %add3A_207 = arith.addi %mul3A_205, %add3A_206 : i32
        %add3A_208 = arith.constant 1 : i32
        %add3A_209 = arith.addi %add3A_207, %add3A_208 : i32
        %dma_start3A_210 = arith.constant 0 : i32
        %dma_start3A_211 = tpu.memref_slice %arg3[%arg1, %add3A_209, %dma_start3A_210] : memref<16x126x112xi32, #tpu.memory_space<hbm>> -> memref<1x1x112xi32, #tpu.memory_space<hbm>>
        %dma_start3A_212 = tpu.memref_squeeze %dma_start3A_211 : memref<1x1x112xi32, #tpu.memory_space<hbm>> -> memref<112xi32, #tpu.memory_space<hbm>>
        %dma_start3A_213 = arith.constant 0 : i32
        %dma_start3A_214 = tpu.memref_slice %arg3[%arg1, %add3A_209, %dma_start3A_213] : memref<16x126x112xi32, #tpu.memory_space<hbm>> -> memref<1x1x112xi32, #tpu.memory_space<hbm>>
        %dma_start3A_215 = tpu.memref_squeeze %dma_start3A_214 : memref<1x1x112xi32, #tpu.memory_space<hbm>> -> memref<112xi32, #tpu.memory_space<hbm>>
        tpu.enqueue_dma source(%dma_start3A_215 : memref<112xi32, #tpu.memory_space<hbm>>) target(%arg12 : memref<112xi32, #tpu.memory_space<vmem>>) target_semaphore(%arg25 : memref<!tpu.dma_semaphore, #tpu.memory_space<semaphore_mem>>)
        %add3A_216 = arith.constant 1 : i32
        %add3A_217 = arith.addi %add3A_207, %add3A_216 : i32
        %dma_start3A_218 = arith.constant 0 : i32
        %dma_start3A_219 = tpu.memref_slice %arg4[%arg1, %add3A_217, %dma_start3A_218] : memref<16x126x112xi32, #tpu.memory_space<hbm>> -> memref<1x1x112xi32, #tpu.memory_space<hbm>>
        %dma_start3A_220 = tpu.memref_squeeze %dma_start3A_219 : memref<1x1x112xi32, #tpu.memory_space<hbm>> -> memref<112xi32, #tpu.memory_space<hbm>>
        %dma_start3A_221 = arith.constant 0 : i32
        %dma_start3A_222 = tpu.memref_slice %arg4[%arg1, %add3A_217, %dma_start3A_221] : memref<16x126x112xi32, #tpu.memory_space<hbm>> -> memref<1x1x112xi32, #tpu.memory_space<hbm>>
        %dma_start3A_223 = tpu.memref_squeeze %dma_start3A_222 : memref<1x1x112xi32, #tpu.memory_space<hbm>> -> memref<112xi32, #tpu.memory_space<hbm>>
        tpu.enqueue_dma source(%dma_start3A_223 : memref<112xi32, #tpu.memory_space<hbm>>) target(%arg15 : memref<112xi32, #tpu.memory_space<vmem>>) target_semaphore(%arg25 : memref<!tpu.dma_semaphore, #tpu.memory_space<semaphore_mem>>)
        %get3A_224 = arith.constant 0 : index
        %get3A_225 = tpu.vector_load %arg14[%get3A_224] {strides = array<i32>} : memref<112xi32, #tpu.memory_space<vmem>>, vector<16xi32>,
        tpu.vector_store_idx %arg19[%get3A_225], %broadcast_in_dim3A_18 {add = true} : memref<10008xf32, #tpu.memory_space<vmem>>[vector<16xi32>], vector<16xf32>,
        %get3A_226 = arith.constant 16 : index
        %get3A_227 = tpu.vector_load %arg14[%get3A_226] {strides = array<i32>} : memref<112xi32, #tpu.memory_space<vmem>>, vector<16xi32>,
        tpu.vector_store_idx %arg19[%get3A_227], %broadcast_in_dim3A_18 {add = true} : memref<10008xf32, #tpu.memory_space<vmem>>[vector<16xi32>], vector<16xf32>,
        %get3A_228 = arith.constant 32 : index
        %get3A_229 = tpu.vector_load %arg14[%get3A_228] {strides = array<i32>} : memref<112xi32, #tpu.memory_space<vmem>>, vector<16xi32>,
        tpu.vector_store_idx %arg19[%get3A_229], %broadcast_in_dim3A_18 {add = true} : memref<10008xf32, #tpu.memory_space<vmem>>[vector<16xi32>], vector<16xf32>,
        %get3A_230 = arith.constant 48 : index
        %get3A_231 = tpu.vector_load %arg14[%get3A_230] {strides = array<i32>} : memref<112xi32, #tpu.memory_space<vmem>>, vector<16xi32>,
        tpu.vector_store_idx %arg19[%get3A_231], %broadcast_in_dim3A_18 {add = true} : memref<10008xf32, #tpu.memory_space<vmem>>[vector<16xi32>], vector<16xf32>,
        %get3A_232 = arith.constant 64 : index
        %get3A_233 = tpu.vector_load %arg14[%get3A_232] {strides = array<i32>} : memref<112xi32, #tpu.memory_space<vmem>>, vector<16xi32>,
        tpu.vector_store_idx %arg19[%get3A_233], %broadcast_in_dim3A_18 {add = true} : memref<10008xf32, #tpu.memory_space<vmem>>[vector<16xi32>], vector<16xf32>,
        %get3A_234 = arith.constant 80 : index
        %get3A_235 = tpu.vector_load %arg14[%get3A_234] {strides = array<i32>} : memref<112xi32, #tpu.memory_space<vmem>>, vector<16xi32>,
        tpu.vector_store_idx %arg19[%get3A_235], %broadcast_in_dim3A_18 {add = true} : memref<10008xf32, #tpu.memory_space<vmem>>[vector<16xi32>], vector<16xf32>,
        %get3A_236 = arith.constant 96 : index
        %get3A_237 = tpu.vector_load %arg14[%get3A_236] {strides = array<i32>} : memref<112xi32, #tpu.memory_space<vmem>>, vector<16xi32>,
        tpu.vector_store_idx %arg19[%get3A_237], %broadcast_in_dim3A_18 {add = true} : memref<10008xf32, #tpu.memory_space<vmem>>[vector<16xi32>], vector<16xf32>,
        %dma_wait3A_238 = arith.constant 0 : i32
        %dma_wait3A_239 = arith.constant 0 : i32
        %dma_wait3A_240 = tpu.memref_slice %arg2[%dma_wait3A_238, %dma_wait3A_239] : memref<10000x128xf32, #tpu.memory_space<hbm>> -> memref<10000x128xf32, #tpu.memory_space<hbm>>
        tpu.wait_indirect_dma semaphore(%arg22 : memref<!tpu.dma_semaphore, #tpu.memory_space<semaphore_mem>>) src(%dma_wait3A_240 : memref<10000x128xf32, #tpu.memory_space<hbm>>) dst(%arg18 : memref<112x128xf32, #tpu.memory_space<vmem>>)
        %dma_start3A_241 = arith.constant 0 : i32
        %dma_start3A_242 = arith.constant 0 : i32
        %dma_start3A_243 = tpu.memref_slice %arg20[%dma_start3A_241, %dma_start3A_242] : memref<10008x128xf32, #tpu.memory_space<vmem_shared>> -> memref<10008x128xf32, #tpu.memory_space<vmem_shared>>
        tpu.enqueue_indirect_dma source(%arg18 : memref<112x128xf32, #tpu.memory_space<vmem>>) target(%dma_start3A_243 : memref<10008x128xf32, #tpu.memory_space<vmem_shared>>) offsets(%arg14 : memref<112xi32, #tpu.memory_space<vmem>>) semaphore(%arg24 : memref<!tpu.dma_semaphore, #tpu.memory_space<semaphore_mem>>) {add = true}
        %dma_wait3A_244 = arith.constant 0 : i32
        %dma_wait3A_245 = arith.constant 0 : i32
        %dma_wait3A_246 = tpu.memref_slice %arg20[%dma_wait3A_244, %dma_wait3A_245] : memref<10008x128xf32, #tpu.memory_space<vmem_shared>> -> memref<10008x128xf32, #tpu.memory_space<vmem_shared>>
        tpu.wait_indirect_dma semaphore(%arg23 : memref<!tpu.dma_semaphore, #tpu.memory_space<semaphore_mem>>) src(%arg17 : memref<112x128xf32, #tpu.memory_space<vmem>>) dst(%dma_wait3A_246 : memref<10008x128xf32, #tpu.memory_space<vmem_shared>>)
        %dma_wait3A_247 = arith.constant 0 : i32
        %dma_wait3A_248 = tpu.memref_slice %arg3[%arg1, %add3A_209, %dma_wait3A_247] : memref<16x126x112xi32, #tpu.memory_space<hbm>> -> memref<1x1x112xi32, #tpu.memory_space<hbm>>
        %dma_wait3A_249 = tpu.memref_squeeze %dma_wait3A_248 : memref<1x1x112xi32, #tpu.memory_space<hbm>> -> memref<112xi32, #tpu.memory_space<hbm>>
        %dma_wait3A_250 = arith.constant 0 : i32
        %dma_wait3A_251 = tpu.memref_slice %arg3[%arg1, %add3A_209, %dma_wait3A_250] : memref<16x126x112xi32, #tpu.memory_space<hbm>> -> memref<1x1x112xi32, #tpu.memory_space<hbm>>
        %dma_wait3A_252 = tpu.memref_squeeze %dma_wait3A_251 : memref<1x1x112xi32, #tpu.memory_space<hbm>> -> memref<112xi32, #tpu.memory_space<hbm>>
        tpu.wait_dma2 semaphore(%arg25 : memref<!tpu.dma_semaphore, #tpu.memory_space<semaphore_mem>>) src(%dma_wait3A_252 : memref<112xi32, #tpu.memory_space<hbm>>) dst(%arg12 : memref<112xi32, #tpu.memory_space<vmem>>)
        %dma_wait3A_253 = arith.constant 0 : i32
        %dma_wait3A_254 = tpu.memref_slice %arg4[%arg1, %add3A_217, %dma_wait3A_253] : memref<16x126x112xi32, #tpu.memory_space<hbm>> -> memref<1x1x112xi32, #tpu.memory_space<hbm>>
        %dma_wait3A_255 = tpu.memref_squeeze %dma_wait3A_254 : memref<1x1x112xi32, #tpu.memory_space<hbm>> -> memref<112xi32, #tpu.memory_space<hbm>>
        %dma_wait3A_256 = arith.constant 0 : i32
        %dma_wait3A_257 = tpu.memref_slice %arg4[%arg1, %add3A_217, %dma_wait3A_256] : memref<16x126x112xi32, #tpu.memory_space<hbm>> -> memref<1x1x112xi32, #tpu.memory_space<hbm>>
        %dma_wait3A_258 = tpu.memref_squeeze %dma_wait3A_257 : memref<1x1x112xi32, #tpu.memory_space<hbm>> -> memref<112xi32, #tpu.memory_space<hbm>>
        tpu.wait_dma2 semaphore(%arg25 : memref<!tpu.dma_semaphore, #tpu.memory_space<semaphore_mem>>) src(%dma_wait3A_258 : memref<112xi32, #tpu.memory_space<hbm>>) dst(%arg15 : memref<112xi32, #tpu.memory_space<vmem>>)
        %dma_start3A_259 = arith.constant 0 : i32
        %dma_start3A_260 = arith.constant 0 : i32
        %dma_start3A_261 = tpu.memref_slice %arg2[%dma_start3A_259, %dma_start3A_260] : memref<10000x128xf32, #tpu.memory_space<hbm>> -> memref<10000x128xf32, #tpu.memory_space<hbm>>
        tpu.enqueue_indirect_dma source(%dma_start3A_261 : memref<10000x128xf32, #tpu.memory_space<hbm>>) target(%arg17 : memref<112x128xf32, #tpu.memory_space<vmem>>) offsets(%arg12 : memref<112xi32, #tpu.memory_space<vmem>>) semaphore(%arg21 : memref<!tpu.dma_semaphore, #tpu.memory_space<semaphore_mem>>)
        %mul3A_262 = arith.constant 6 : i32
        %mul3A_263 = arith.muli %scan3A_29, %mul3A_262 : i32
        %add3A_264 = arith.constant 4 : i32
        %add3A_265 = arith.addi %mul3A_263, %add3A_264 : i32
        %add3A_266 = arith.constant 1 : i32
        %add3A_267 = arith.addi %add3A_265, %add3A_266 : i32
        %dma_start3A_268 = arith.constant 0 : i32
        %dma_start3A_269 = tpu.memref_slice %arg3[%arg1, %add3A_267, %dma_start3A_268] : memref<16x126x112xi32, #tpu.memory_space<hbm>> -> memref<1x1x112xi32, #tpu.memory_space<hbm>>
        %dma_start3A_270 = tpu.memref_squeeze %dma_start3A_269 : memref<1x1x112xi32, #tpu.memory_space<hbm>> -> memref<112xi32, #tpu.memory_space<hbm>>
        %dma_start3A_271 = arith.constant 0 : i32
        %dma_start3A_272 = tpu.memref_slice %arg3[%arg1, %add3A_267, %dma_start3A_271] : memref<16x126x112xi32, #tpu.memory_space<hbm>> -> memref<1x1x112xi32, #tpu.memory_space<hbm>>
        %dma_start3A_273 = tpu.memref_squeeze %dma_start3A_272 : memref<1x1x112xi32, #tpu.memory_space<hbm>> -> memref<112xi32, #tpu.memory_space<hbm>>
        tpu.enqueue_dma source(%dma_start3A_273 : memref<112xi32, #tpu.memory_space<hbm>>) target(%arg13 : memref<112xi32, #tpu.memory_space<vmem>>) target_semaphore(%arg25 : memref<!tpu.dma_semaphore, #tpu.memory_space<semaphore_mem>>)
        %add3A_274 = arith.constant 1 : i32
        %add3A_275 = arith.addi %add3A_265, %add3A_274 : i32
        %dma_start3A_276 = arith.constant 0 : i32
        %dma_start3A_277 = tpu.memref_slice %arg4[%arg1, %add3A_275, %dma_start3A_276] : memref<16x126x112xi32, #tpu.memory_space<hbm>> -> memref<1x1x112xi32, #tpu.memory_space<hbm>>
        %dma_start3A_278 = tpu.memref_squeeze %dma_start3A_277 : memref<1x1x112xi32, #tpu.memory_space<hbm>> -> memref<112xi32, #tpu.memory_space<hbm>>
        %dma_start3A_279 = arith.constant 0 : i32
        %dma_start3A_280 = tpu.memref_slice %arg4[%arg1, %add3A_275, %dma_start3A_279] : memref<16x126x112xi32, #tpu.memory_space<hbm>> -> memref<1x1x112xi32, #tpu.memory_space<hbm>>
        %dma_start3A_281 = tpu.memref_squeeze %dma_start3A_280 : memref<1x1x112xi32, #tpu.memory_space<hbm>> -> memref<112xi32, #tpu.memory_space<hbm>>
        tpu.enqueue_dma source(%dma_start3A_281 : memref<112xi32, #tpu.memory_space<hbm>>) target(%arg16 : memref<112xi32, #tpu.memory_space<vmem>>) target_semaphore(%arg25 : memref<!tpu.dma_semaphore, #tpu.memory_space<semaphore_mem>>)
        %get3A_282 = arith.constant 0 : index
        %get3A_283 = tpu.vector_load %arg15[%get3A_282] {strides = array<i32>} : memref<112xi32, #tpu.memory_space<vmem>>, vector<16xi32>,
        tpu.vector_store_idx %arg19[%get3A_283], %broadcast_in_dim3A_18 {add = true} : memref<10008xf32, #tpu.memory_space<vmem>>[vector<16xi32>], vector<16xf32>,
        %get3A_284 = arith.constant 16 : index
        %get3A_285 = tpu.vector_load %arg15[%get3A_284] {strides = array<i32>} : memref<112xi32, #tpu.memory_space<vmem>>, vector<16xi32>,
        tpu.vector_store_idx %arg19[%get3A_285], %broadcast_in_dim3A_18 {add = true} : memref<10008xf32, #tpu.memory_space<vmem>>[vector<16xi32>], vector<16xf32>,
        %get3A_286 = arith.constant 32 : index
        %get3A_287 = tpu.vector_load %arg15[%get3A_286] {strides = array<i32>} : memref<112xi32, #tpu.memory_space<vmem>>, vector<16xi32>,
        tpu.vector_store_idx %arg19[%get3A_287], %broadcast_in_dim3A_18 {add = true} : memref<10008xf32, #tpu.memory_space<vmem>>[vector<16xi32>], vector<16xf32>,
        %get3A_288 = arith.constant 48 : index
        %get3A_289 = tpu.vector_load %arg15[%get3A_288] {strides = array<i32>} : memref<112xi32, #tpu.memory_space<vmem>>, vector<16xi32>,
        tpu.vector_store_idx %arg19[%get3A_289], %broadcast_in_dim3A_18 {add = true} : memref<10008xf32, #tpu.memory_space<vmem>>[vector<16xi32>], vector<16xf32>,
        %get3A_290 = arith.constant 64 : index
        %get3A_291 = tpu.vector_load %arg15[%get3A_290] {strides = array<i32>} : memref<112xi32, #tpu.memory_space<vmem>>, vector<16xi32>,
        tpu.vector_store_idx %arg19[%get3A_291], %broadcast_in_dim3A_18 {add = true} : memref<10008xf32, #tpu.memory_space<vmem>>[vector<16xi32>], vector<16xf32>,
        %get3A_292 = arith.constant 80 : index
        %get3A_293 = tpu.vector_load %arg15[%get3A_292] {strides = array<i32>} : memref<112xi32, #tpu.memory_space<vmem>>, vector<16xi32>,
        tpu.vector_store_idx %arg19[%get3A_293], %broadcast_in_dim3A_18 {add = true} : memref<10008xf32, #tpu.memory_space<vmem>>[vector<16xi32>], vector<16xf32>,
        %get3A_294 = arith.constant 96 : index
        %get3A_295 = tpu.vector_load %arg15[%get3A_294] {strides = array<i32>} : memref<112xi32, #tpu.memory_space<vmem>>, vector<16xi32>,
        tpu.vector_store_idx %arg19[%get3A_295], %broadcast_in_dim3A_18 {add = true} : memref<10008xf32, #tpu.memory_space<vmem>>[vector<16xi32>], vector<16xf32>,
        %dma_wait3A_296 = arith.constant 0 : i32
        %dma_wait3A_297 = arith.constant 0 : i32
        %dma_wait3A_298 = tpu.memref_slice %arg2[%dma_wait3A_296, %dma_wait3A_297] : memref<10000x128xf32, #tpu.memory_space<hbm>> -> memref<10000x128xf32, #tpu.memory_space<hbm>>
        tpu.wait_indirect_dma semaphore(%arg21 : memref<!tpu.dma_semaphore, #tpu.memory_space<semaphore_mem>>) src(%dma_wait3A_298 : memref<10000x128xf32, #tpu.memory_space<hbm>>) dst(%arg17 : memref<112x128xf32, #tpu.memory_space<vmem>>)
        %dma_start3A_299 = arith.constant 0 : i32
        %dma_start3A_300 = arith.constant 0 : i32
        %dma_start3A_301 = tpu.memref_slice %arg20[%dma_start3A_299, %dma_start3A_300] : memref<10008x128xf32, #tpu.memory_space<vmem_shared>> -> memref<10008x128xf32, #tpu.memory_space<vmem_shared>>
        tpu.enqueue_indirect_dma source(%arg17 : memref<112x128xf32, #tpu.memory_space<vmem>>) target(%dma_start3A_301 : memref<10008x128xf32, #tpu.memory_space<vmem_shared>>) offsets(%arg15 : memref<112xi32, #tpu.memory_space<vmem>>) semaphore(%arg23 : memref<!tpu.dma_semaphore, #tpu.memory_space<semaphore_mem>>) {add = true}
        %dma_wait3A_302 = arith.constant 0 : i32
        %dma_wait3A_303 = arith.constant 0 : i32
        %dma_wait3A_304 = tpu.memref_slice %arg20[%dma_wait3A_302, %dma_wait3A_303] : memref<10008x128xf32, #tpu.memory_space<vmem_shared>> -> memref<10008x128xf32, #tpu.memory_space<vmem_shared>>
        tpu.wait_indirect_dma semaphore(%arg24 : memref<!tpu.dma_semaphore, #tpu.memory_space<semaphore_mem>>) src(%arg18 : memref<112x128xf32, #tpu.memory_space<vmem>>) dst(%dma_wait3A_304 : memref<10008x128xf32, #tpu.memory_space<vmem_shared>>)
        %dma_wait3A_305 = arith.constant 0 : i32
        %dma_wait3A_306 = tpu.memref_slice %arg3[%arg1, %add3A_267, %dma_wait3A_305] : memref<16x126x112xi32, #tpu.memory_space<hbm>> -> memref<1x1x112xi32, #tpu.memory_space<hbm>>
        %dma_wait3A_307 = tpu.memref_squeeze %dma_wait3A_306 : memref<1x1x112xi32, #tpu.memory_space<hbm>> -> memref<112xi32, #tpu.memory_space<hbm>>
        %dma_wait3A_308 = arith.constant 0 : i32
        %dma_wait3A_309 = tpu.memref_slice %arg3[%arg1, %add3A_267, %dma_wait3A_308] : memref<16x126x112xi32, #tpu.memory_space<hbm>> -> memref<1x1x112xi32, #tpu.memory_space<hbm>>
        %dma_wait3A_310 = tpu.memref_squeeze %dma_wait3A_309 : memref<1x1x112xi32, #tpu.memory_space<hbm>> -> memref<112xi32, #tpu.memory_space<hbm>>
        tpu.wait_dma2 semaphore(%arg25 : memref<!tpu.dma_semaphore, #tpu.memory_space<semaphore_mem>>) src(%dma_wait3A_310 : memref<112xi32, #tpu.memory_space<hbm>>) dst(%arg13 : memref<112xi32, #tpu.memory_space<vmem>>)
        %dma_wait3A_311 = arith.constant 0 : i32
        %dma_wait3A_312 = tpu.memref_slice %arg4[%arg1, %add3A_275, %dma_wait3A_311] : memref<16x126x112xi32, #tpu.memory_space<hbm>> -> memref<1x1x112xi32, #tpu.memory_space<hbm>>
        %dma_wait3A_313 = tpu.memref_squeeze %dma_wait3A_312 : memref<1x1x112xi32, #tpu.memory_space<hbm>> -> memref<112xi32, #tpu.memory_space<hbm>>
        %dma_wait3A_314 = arith.constant 0 : i32
        %dma_wait3A_315 = tpu.memref_slice %arg4[%arg1, %add3A_275, %dma_wait3A_314] : memref<16x126x112xi32, #tpu.memory_space<hbm>> -> memref<1x1x112xi32, #tpu.memory_space<hbm>>
        %dma_wait3A_316 = tpu.memref_squeeze %dma_wait3A_315 : memref<1x1x112xi32, #tpu.memory_space<hbm>> -> memref<112xi32, #tpu.memory_space<hbm>>
        tpu.wait_dma2 semaphore(%arg25 : memref<!tpu.dma_semaphore, #tpu.memory_space<semaphore_mem>>) src(%dma_wait3A_316 : memref<112xi32, #tpu.memory_space<hbm>>) dst(%arg16 : memref<112xi32, #tpu.memory_space<vmem>>)
        %dma_start3A_317 = arith.constant 0 : i32
        %dma_start3A_318 = arith.constant 0 : i32
        %dma_start3A_319 = tpu.memref_slice %arg2[%dma_start3A_317, %dma_start3A_318] : memref<10000x128xf32, #tpu.memory_space<hbm>> -> memref<10000x128xf32, #tpu.memory_space<hbm>>
        tpu.enqueue_indirect_dma source(%dma_start3A_319 : memref<10000x128xf32, #tpu.memory_space<hbm>>) target(%arg18 : memref<112x128xf32, #tpu.memory_space<vmem>>) offsets(%arg13 : memref<112xi32, #tpu.memory_space<vmem>>) semaphore(%arg22 : memref<!tpu.dma_semaphore, #tpu.memory_space<semaphore_mem>>)
        %mul3A_320 = arith.constant 6 : i32
        %mul3A_321 = arith.muli %scan3A_29, %mul3A_320 : i32
        %add3A_322 = arith.constant 5 : i32
        %add3A_323 = arith.addi %mul3A_321, %add3A_322 : i32
        %get3A_324 = arith.constant 0 : index
        %get3A_325 = tpu.vector_load %arg16[%get3A_324] {strides = array<i32>} : memref<112xi32, #tpu.memory_space<vmem>>, vector<16xi32>,
        tpu.vector_store_idx %arg19[%get3A_325], %broadcast_in_dim3A_18 {add = true} : memref<10008xf32, #tpu.memory_space<vmem>>[vector<16xi32>], vector<16xf32>,
        %get3A_326 = arith.constant 16 : index
        %get3A_327 = tpu.vector_load %arg16[%get3A_326] {strides = array<i32>} : memref<112xi32, #tpu.memory_space<vmem>>, vector<16xi32>,
        tpu.vector_store_idx %arg19[%get3A_327], %broadcast_in_dim3A_18 {add = true} : memref<10008xf32, #tpu.memory_space<vmem>>[vector<16xi32>], vector<16xf32>,
        %get3A_328 = arith.constant 32 : index
        %get3A_329 = tpu.vector_load %arg16[%get3A_328] {strides = array<i32>} : memref<112xi32, #tpu.memory_space<vmem>>, vector<16xi32>,
        tpu.vector_store_idx %arg19[%get3A_329], %broadcast_in_dim3A_18 {add = true} : memref<10008xf32, #tpu.memory_space<vmem>>[vector<16xi32>], vector<16xf32>,
        %get3A_330 = arith.constant 48 : index
        %get3A_331 = tpu.vector_load %arg16[%get3A_330] {strides = array<i32>} : memref<112xi32, #tpu.memory_space<vmem>>, vector<16xi32>,
        tpu.vector_store_idx %arg19[%get3A_331], %broadcast_in_dim3A_18 {add = true} : memref<10008xf32, #tpu.memory_space<vmem>>[vector<16xi32>], vector<16xf32>,
        %get3A_332 = arith.constant 64 : index
        %get3A_333 = tpu.vector_load %arg16[%get3A_332] {strides = array<i32>} : memref<112xi32, #tpu.memory_space<vmem>>, vector<16xi32>,
        tpu.vector_store_idx %arg19[%get3A_333], %broadcast_in_dim3A_18 {add = true} : memref<10008xf32, #tpu.memory_space<vmem>>[vector<16xi32>], vector<16xf32>,
        %get3A_334 = arith.constant 80 : index
        %get3A_335 = tpu.vector_load %arg16[%get3A_334] {strides = array<i32>} : memref<112xi32, #tpu.memory_space<vmem>>, vector<16xi32>,
        tpu.vector_store_idx %arg19[%get3A_335], %broadcast_in_dim3A_18 {add = true} : memref<10008xf32, #tpu.memory_space<vmem>>[vector<16xi32>], vector<16xf32>,
        %get3A_336 = arith.constant 96 : index
        %get3A_337 = tpu.vector_load %arg16[%get3A_336] {strides = array<i32>} : memref<112xi32, #tpu.memory_space<vmem>>, vector<16xi32>,
        tpu.vector_store_idx %arg19[%get3A_337], %broadcast_in_dim3A_18 {add = true} : memref<10008xf32, #tpu.memory_space<vmem>>[vector<16xi32>], vector<16xf32>,
        %dma_wait3A_338 = arith.constant 0 : i32
        %dma_wait3A_339 = arith.constant 0 : i32
        %dma_wait3A_340 = tpu.memref_slice %arg2[%dma_wait3A_338, %dma_wait3A_339] : memref<10000x128xf32, #tpu.memory_space<hbm>> -> memref<10000x128xf32, #tpu.memory_space<hbm>>
        tpu.wait_indirect_dma semaphore(%arg22 : memref<!tpu.dma_semaphore, #tpu.memory_space<semaphore_mem>>) src(%dma_wait3A_340 : memref<10000x128xf32, #tpu.memory_space<hbm>>) dst(%arg18 : memref<112x128xf32, #tpu.memory_space<vmem>>)
        %dma_start3A_341 = arith.constant 0 : i32
        %dma_start3A_342 = arith.constant 0 : i32
        %dma_start3A_343 = tpu.memref_slice %arg20[%dma_start3A_341, %dma_start3A_342] : memref<10008x128xf32, #tpu.memory_space<vmem_shared>> -> memref<10008x128xf32, #tpu.memory_space<vmem_shared>>
        tpu.enqueue_indirect_dma source(%arg18 : memref<112x128xf32, #tpu.memory_space<vmem>>) target(%dma_start3A_343 : memref<10008x128xf32, #tpu.memory_space<vmem_shared>>) offsets(%arg16 : memref<112xi32, #tpu.memory_space<vmem>>) semaphore(%arg24 : memref<!tpu.dma_semaphore, #tpu.memory_space<semaphore_mem>>) {add = true}
        %dma_wait3A_344 = arith.constant 0 : i32
        %dma_wait3A_345 = arith.constant 0 : i32
        %dma_wait3A_346 = tpu.memref_slice %arg20[%dma_wait3A_344, %dma_wait3A_345] : memref<10008x128xf32, #tpu.memory_space<vmem_shared>> -> memref<10008x128xf32, #tpu.memory_space<vmem_shared>>
        tpu.wait_indirect_dma semaphore(%arg23 : memref<!tpu.dma_semaphore, #tpu.memory_space<semaphore_mem>>) src(%arg17 : memref<112x128xf32, #tpu.memory_space<vmem>>) dst(%dma_wait3A_346 : memref<10008x128xf32, #tpu.memory_space<vmem_shared>>)
        %lt3A_347 = arith.constant 20 : i32
        %lt3A_348 = arith.cmpi slt, %scan3A_29, %lt3A_347 : i32
        %convert_element_type3A_349 = arith.extui %lt3A_348 : i1 to i32
        %cond3A_350 = arith.constant 0 : i32
        %cond3A_351 = arith.cmpi ne, %convert_element_type3A_349, %cond3A_350 : i32
        scf.if %cond3A_351 {
          %add3A_352 = arith.constant 1 : i32
          %add3A_353 = arith.addi %add3A_323, %add3A_352 : i32
          %dma_start3A_354 = arith.constant 0 : i32
          %dma_start3A_355 = tpu.memref_slice %arg3[%arg1, %add3A_353, %dma_start3A_354] : memref<16x126x112xi32, #tpu.memory_space<hbm>> -> memref<1x1x112xi32, #tpu.memory_space<hbm>>
          %dma_start3A_356 = tpu.memref_squeeze %dma_start3A_355 : memref<1x1x112xi32, #tpu.memory_space<hbm>> -> memref<112xi32, #tpu.memory_space<hbm>>
          %dma_start3A_357 = arith.constant 0 : i32
          %dma_start3A_358 = tpu.memref_slice %arg3[%arg1, %add3A_353, %dma_start3A_357] : memref<16x126x112xi32, #tpu.memory_space<hbm>> -> memref<1x1x112xi32, #tpu.memory_space<hbm>>
          %dma_start3A_359 = tpu.memref_squeeze %dma_start3A_358 : memref<1x1x112xi32, #tpu.memory_space<hbm>> -> memref<112xi32, #tpu.memory_space<hbm>>
          tpu.enqueue_dma source(%dma_start3A_359 : memref<112xi32, #tpu.memory_space<hbm>>) target(%arg11 : memref<112xi32, #tpu.memory_space<vmem>>) target_semaphore(%arg25 : memref<!tpu.dma_semaphore, #tpu.memory_space<semaphore_mem>>)
          %dma_wait3A_360 = arith.constant 0 : i32
          %dma_wait3A_361 = tpu.memref_slice %arg3[%arg1, %add3A_353, %dma_wait3A_360] : memref<16x126x112xi32, #tpu.memory_space<hbm>> -> memref<1x1x112xi32, #tpu.memory_space<hbm>>
          %dma_wait3A_362 = tpu.memref_squeeze %dma_wait3A_361 : memref<1x1x112xi32, #tpu.memory_space<hbm>> -> memref<112xi32, #tpu.memory_space<hbm>>
          %dma_wait3A_363 = arith.constant 0 : i32
          %dma_wait3A_364 = tpu.memref_slice %arg3[%arg1, %add3A_353, %dma_wait3A_363] : memref<16x126x112xi32, #tpu.memory_space<hbm>> -> memref<1x1x112xi32, #tpu.memory_space<hbm>>
          %dma_wait3A_365 = tpu.memref_squeeze %dma_wait3A_364 : memref<1x1x112xi32, #tpu.memory_space<hbm>> -> memref<112xi32, #tpu.memory_space<hbm>>
          tpu.wait_dma2 semaphore(%arg25 : memref<!tpu.dma_semaphore, #tpu.memory_space<semaphore_mem>>) src(%dma_wait3A_365 : memref<112xi32, #tpu.memory_space<hbm>>) dst(%arg11 : memref<112xi32, #tpu.memory_space<vmem>>)
          %add3A_366 = arith.constant 1 : i32
          %add3A_367 = arith.addi %add3A_323, %add3A_366 : i32
          %dma_start3A_368 = arith.constant 0 : i32
          %dma_start3A_369 = tpu.memref_slice %arg4[%arg1, %add3A_367, %dma_start3A_368] : memref<16x126x112xi32, #tpu.memory_space<hbm>> -> memref<1x1x112xi32, #tpu.memory_space<hbm>>
          %dma_start3A_370 = tpu.memref_squeeze %dma_start3A_369 : memref<1x1x112xi32, #tpu.memory_space<hbm>> -> memref<112xi32, #tpu.memory_space<hbm>>
          %dma_start3A_371 = arith.constant 0 : i32
          %dma_start3A_372 = tpu.memref_slice %arg4[%arg1, %add3A_367, %dma_start3A_371] : memref<16x126x112xi32, #tpu.memory_space<hbm>> -> memref<1x1x112xi32, #tpu.memory_space<hbm>>
          %dma_start3A_373 = tpu.memref_squeeze %dma_start3A_372 : memref<1x1x112xi32, #tpu.memory_space<hbm>> -> memref<112xi32, #tpu.memory_space<hbm>>
          tpu.enqueue_dma source(%dma_start3A_373 : memref<112xi32, #tpu.memory_space<hbm>>) target(%arg14 : memref<112xi32, #tpu.memory_space<vmem>>) target_semaphore(%arg25 : memref<!tpu.dma_semaphore, #tpu.memory_space<semaphore_mem>>)
          %dma_wait3A_374 = arith.constant 0 : i32
          %dma_wait3A_375 = tpu.memref_slice %arg4[%arg1, %add3A_367, %dma_wait3A_374] : memref<16x126x112xi32, #tpu.memory_space<hbm>> -> memref<1x1x112xi32, #tpu.memory_space<hbm>>
          %dma_wait3A_376 = tpu.memref_squeeze %dma_wait3A_375 : memref<1x1x112xi32, #tpu.memory_space<hbm>> -> memref<112xi32, #tpu.memory_space<hbm>>
          %dma_wait3A_377 = arith.constant 0 : i32
          %dma_wait3A_378 = tpu.memref_slice %arg4[%arg1, %add3A_367, %dma_wait3A_377] : memref<16x126x112xi32, #tpu.memory_space<hbm>> -> memref<1x1x112xi32, #tpu.memory_space<hbm>>
          %dma_wait3A_379 = tpu.memref_squeeze %dma_wait3A_378 : memref<1x1x112xi32, #tpu.memory_space<hbm>> -> memref<112xi32, #tpu.memory_space<hbm>>
          tpu.wait_dma2 semaphore(%arg25 : memref<!tpu.dma_semaphore, #tpu.memory_space<semaphore_mem>>) src(%dma_wait3A_379 : memref<112xi32, #tpu.memory_space<hbm>>) dst(%arg14 : memref<112xi32, #tpu.memory_space<vmem>>)
          %dma_start3A_380 = arith.constant 0 : i32
          %dma_start3A_381 = arith.constant 0 : i32
          %dma_start3A_382 = tpu.memref_slice %arg2[%dma_start3A_380, %dma_start3A_381] : memref<10000x128xf32, #tpu.memory_space<hbm>> -> memref<10000x128xf32, #tpu.memory_space<hbm>>
          tpu.enqueue_indirect_dma source(%dma_start3A_382 : memref<10000x128xf32, #tpu.memory_space<hbm>>) target(%arg17 : memref<112x128xf32, #tpu.memory_space<vmem>>) offsets(%arg11 : memref<112xi32, #tpu.memory_space<vmem>>) semaphore(%arg21 : memref<!tpu.dma_semaphore, #tpu.memory_space<semaphore_mem>>)
        } else {
        }
      }
      %scan3A_26 = arith.constant 21 : i32
      %dma_wait3A = arith.constant 0 : i32
      %dma_wait3A_27 = arith.constant 0 : i32
      %dma_wait3A_28 = tpu.memref_slice %arg20[%dma_wait3A, %dma_wait3A_27] : memref<10008x128xf32, #tpu.memory_space<vmem_shared>> -> memref<10008x128xf32, #tpu.memory_space<vmem_shared>>
      tpu.wait_indirect_dma semaphore(%arg24 : memref<!tpu.dma_semaphore, #tpu.memory_space<semaphore_mem>>) src(%arg18 : memref<112x128xf32, #tpu.memory_space<vmem>>) dst(%dma_wait3A_28 : memref<10008x128xf32, #tpu.memory_space<vmem_shared>>)
    } else {
    }
    %eq3A_6 = arith.constant 1 : i32
    %eq3A_7 = arith.cmpi eq, %arg0, %eq3A_6 : i32
    %convert_element_type3A_8 = arith.extui %eq3A_7 : i1 to i32
    %cond3A_9 = arith.constant 0 : i32
    %cond3A_10 = arith.cmpi ne, %convert_element_type3A_8, %cond3A_9 : i32
    scf.if %cond3A_10 {
      %broadcast_in_dim3A = arith.constant 1.000000e+00 : f32
      %broadcast_in_dim3A_18 = vector.broadcast %broadcast_in_dim3A : f32 to vector<16xf32>
      %run_scoped3A = arith.constant 0 : i32
      "tpu.region"() ({
        %run_scoped3A_29 = tpu.sem_alloc : memref<!tpu.dma_semaphore, #tpu.memory_space<semaphore_mem>>
        %dma_start3A_30 = arith.constant 0 : i32
        %dma_start3A_31 = tpu.memref_slice %arg5[%arg1, %run_scoped3A, %dma_start3A_30] : memref<16x54x112xi32, #tpu.memory_space<hbm>> -> memref<1x1x112xi32, #tpu.memory_space<hbm>>
        %dma_start3A_32 = tpu.memref_squeeze %dma_start3A_31 : memref<1x1x112xi32, #tpu.memory_space<hbm>> -> memref<112xi32, #tpu.memory_space<hbm>>
        %dma_start3A_33 = arith.constant 0 : i32
        %dma_start3A_34 = tpu.memref_slice %arg5[%arg1, %run_scoped3A, %dma_start3A_33] : memref<16x54x112xi32, #tpu.memory_space<hbm>> -> memref<1x1x112xi32, #tpu.memory_space<hbm>>
        %dma_start3A_35 = tpu.memref_squeeze %dma_start3A_34 : memref<1x1x112xi32, #tpu.memory_space<hbm>> -> memref<112xi32, #tpu.memory_space<hbm>>
        tpu.enqueue_dma source(%dma_start3A_35 : memref<112xi32, #tpu.memory_space<hbm>>) target(%arg11 : memref<112xi32, #tpu.memory_space<vmem>>) target_semaphore(%run_scoped3A_29 : memref<!tpu.dma_semaphore, #tpu.memory_space<semaphore_mem>>)
        %dma_wait3A_36 = arith.constant 0 : i32
        %dma_wait3A_37 = tpu.memref_slice %arg5[%arg1, %run_scoped3A, %dma_wait3A_36] : memref<16x54x112xi32, #tpu.memory_space<hbm>> -> memref<1x1x112xi32, #tpu.memory_space<hbm>>
        %dma_wait3A_38 = tpu.memref_squeeze %dma_wait3A_37 : memref<1x1x112xi32, #tpu.memory_space<hbm>> -> memref<112xi32, #tpu.memory_space<hbm>>
        %dma_wait3A_39 = arith.constant 0 : i32
        %dma_wait3A_40 = tpu.memref_slice %arg5[%arg1, %run_scoped3A, %dma_wait3A_39] : memref<16x54x112xi32, #tpu.memory_space<hbm>> -> memref<1x1x112xi32, #tpu.memory_space<hbm>>
        %dma_wait3A_41 = tpu.memref_squeeze %dma_wait3A_40 : memref<1x1x112xi32, #tpu.memory_space<hbm>> -> memref<112xi32, #tpu.memory_space<hbm>>
        tpu.wait_dma2 semaphore(%run_scoped3A_29 : memref<!tpu.dma_semaphore, #tpu.memory_space<semaphore_mem>>) src(%dma_wait3A_41 : memref<112xi32, #tpu.memory_space<hbm>>) dst(%arg11 : memref<112xi32, #tpu.memory_space<vmem>>)
        tpu.yield
      }) : () -> ()
      %run_scoped3A_19 = arith.constant 0 : i32
      "tpu.region"() ({
        %run_scoped3A_29 = tpu.sem_alloc : memref<!tpu.dma_semaphore, #tpu.memory_space<semaphore_mem>>
        %dma_start3A_30 = arith.constant 0 : i32
        %dma_start3A_31 = tpu.memref_slice %arg6[%arg1, %run_scoped3A_19, %dma_start3A_30] : memref<16x54x112xi32, #tpu.memory_space<hbm>> -> memref<1x1x112xi32, #tpu.memory_space<hbm>>
        %dma_start3A_32 = tpu.memref_squeeze %dma_start3A_31 : memref<1x1x112xi32, #tpu.memory_space<hbm>> -> memref<112xi32, #tpu.memory_space<hbm>>
        %dma_start3A_33 = arith.constant 0 : i32
        %dma_start3A_34 = tpu.memref_slice %arg6[%arg1, %run_scoped3A_19, %dma_start3A_33] : memref<16x54x112xi32, #tpu.memory_space<hbm>> -> memref<1x1x112xi32, #tpu.memory_space<hbm>>
        %dma_start3A_35 = tpu.memref_squeeze %dma_start3A_34 : memref<1x1x112xi32, #tpu.memory_space<hbm>> -> memref<112xi32, #tpu.memory_space<hbm>>
        tpu.enqueue_dma source(%dma_start3A_35 : memref<112xi32, #tpu.memory_space<hbm>>) target(%arg14 : memref<112xi32, #tpu.memory_space<vmem>>) target_semaphore(%run_scoped3A_29 : memref<!tpu.dma_semaphore, #tpu.memory_space<semaphore_mem>>)
        %dma_wait3A_36 = arith.constant 0 : i32
        %dma_wait3A_37 = tpu.memref_slice %arg6[%arg1, %run_scoped3A_19, %dma_wait3A_36] : memref<16x54x112xi32, #tpu.memory_space<hbm>> -> memref<1x1x112xi32, #tpu.memory_space<hbm>>
        %dma_wait3A_38 = tpu.memref_squeeze %dma_wait3A_37 : memref<1x1x112xi32, #tpu.memory_space<hbm>> -> memref<112xi32, #tpu.memory_space<hbm>>
        %dma_wait3A_39 = arith.constant 0 : i32
        %dma_wait3A_40 = tpu.memref_slice %arg6[%arg1, %run_scoped3A_19, %dma_wait3A_39] : memref<16x54x112xi32, #tpu.memory_space<hbm>> -> memref<1x1x112xi32, #tpu.memory_space<hbm>>
        %dma_wait3A_41 = tpu.memref_squeeze %dma_wait3A_40 : memref<1x1x112xi32, #tpu.memory_space<hbm>> -> memref<112xi32, #tpu.memory_space<hbm>>
        tpu.wait_dma2 semaphore(%run_scoped3A_29 : memref<!tpu.dma_semaphore, #tpu.memory_space<semaphore_mem>>) src(%dma_wait3A_41 : memref<112xi32, #tpu.memory_space<hbm>>) dst(%arg14 : memref<112xi32, #tpu.memory_space<vmem>>)
        tpu.yield
      }) : () -> ()
      %dma_start3A = arith.constant 0 : i32
      %dma_start3A_20 = arith.constant 0 : i32
      %dma_start3A_21 = tpu.memref_slice %arg2[%dma_start3A, %dma_start3A_20] : memref<10000x128xf32, #tpu.memory_space<hbm>> -> memref<10000x128xf32, #tpu.memory_space<hbm>>
      tpu.enqueue_indirect_dma source(%dma_start3A_21 : memref<10000x128xf32, #tpu.memory_space<hbm>>) target(%arg17 : memref<112x128xf32, #tpu.memory_space<vmem>>) offsets(%arg11 : memref<112xi32, #tpu.memory_space<vmem>>) semaphore(%arg21 : memref<!tpu.dma_semaphore, #tpu.memory_space<semaphore_mem>>)
      %scan3A = arith.constant 0 : i32
      %scan3A_22 = arith.constant 0 : i32
      %scan3A_23 = arith.constant 9 : i32
      %scan3A_24 = arith.addi %scan3A_22, %scan3A_23 : i32
      %scan3A_25 = arith.constant 1 : i32
      scf.for %scan3A_29 = %scan3A_22 to %scan3A_24 step %scan3A_25  : i32 {
        %mul3A_30 = arith.constant 6 : i32
        %mul3A_31 = arith.muli %scan3A_29, %mul3A_30 : i32
        %add3A_32 = arith.constant 0 : i32
        %add3A_33 = arith.addi %mul3A_31, %add3A_32 : i32
        %add3A_34 = arith.constant 1 : i32
        %add3A_35 = arith.addi %add3A_33, %add3A_34 : i32
        %dma_start3A_36 = arith.constant 0 : i32
        %dma_start3A_37 = tpu.memref_slice %arg5[%arg1, %add3A_35, %dma_start3A_36] : memref<16x54x112xi32, #tpu.memory_space<hbm>> -> memref<1x1x112xi32, #tpu.memory_space<hbm>>
        %dma_start3A_38 = tpu.memref_squeeze %dma_start3A_37 : memref<1x1x112xi32, #tpu.memory_space<hbm>> -> memref<112xi32, #tpu.memory_space<hbm>>
        %dma_start3A_39 = arith.constant 0 : i32
        %dma_start3A_40 = tpu.memref_slice %arg5[%arg1, %add3A_35, %dma_start3A_39] : memref<16x54x112xi32, #tpu.memory_space<hbm>> -> memref<1x1x112xi32, #tpu.memory_space<hbm>>
        %dma_start3A_41 = tpu.memref_squeeze %dma_start3A_40 : memref<1x1x112xi32, #tpu.memory_space<hbm>> -> memref<112xi32, #tpu.memory_space<hbm>>
        tpu.enqueue_dma source(%dma_start3A_41 : memref<112xi32, #tpu.memory_space<hbm>>) target(%arg12 : memref<112xi32, #tpu.memory_space<vmem>>) target_semaphore(%arg25 : memref<!tpu.dma_semaphore, #tpu.memory_space<semaphore_mem>>)
        %add3A_42 = arith.constant 1 : i32
        %add3A_43 = arith.addi %add3A_33, %add3A_42 : i32
        %dma_start3A_44 = arith.constant 0 : i32
        %dma_start3A_45 = tpu.memref_slice %arg6[%arg1, %add3A_43, %dma_start3A_44] : memref<16x54x112xi32, #tpu.memory_space<hbm>> -> memref<1x1x112xi32, #tpu.memory_space<hbm>>
        %dma_start3A_46 = tpu.memref_squeeze %dma_start3A_45 : memref<1x1x112xi32, #tpu.memory_space<hbm>> -> memref<112xi32, #tpu.memory_space<hbm>>
        %dma_start3A_47 = arith.constant 0 : i32
        %dma_start3A_48 = tpu.memref_slice %arg6[%arg1, %add3A_43, %dma_start3A_47] : memref<16x54x112xi32, #tpu.memory_space<hbm>> -> memref<1x1x112xi32, #tpu.memory_space<hbm>>
        %dma_start3A_49 = tpu.memref_squeeze %dma_start3A_48 : memref<1x1x112xi32, #tpu.memory_space<hbm>> -> memref<112xi32, #tpu.memory_space<hbm>>
        tpu.enqueue_dma source(%dma_start3A_49 : memref<112xi32, #tpu.memory_space<hbm>>) target(%arg15 : memref<112xi32, #tpu.memory_space<vmem>>) target_semaphore(%arg25 : memref<!tpu.dma_semaphore, #tpu.memory_space<semaphore_mem>>)
        %get3A = arith.constant 0 : index
        %get3A_50 = tpu.vector_load %arg14[%get3A] {strides = array<i32>} : memref<112xi32, #tpu.memory_space<vmem>>, vector<16xi32>,
        tpu.vector_store_idx %arg19[%get3A_50], %broadcast_in_dim3A_18 {add = true} : memref<10008xf32, #tpu.memory_space<vmem>>[vector<16xi32>], vector<16xf32>,
        %get3A_51 = arith.constant 16 : index
        %get3A_52 = tpu.vector_load %arg14[%get3A_51] {strides = array<i32>} : memref<112xi32, #tpu.memory_space<vmem>>, vector<16xi32>,
        tpu.vector_store_idx %arg19[%get3A_52], %broadcast_in_dim3A_18 {add = true} : memref<10008xf32, #tpu.memory_space<vmem>>[vector<16xi32>], vector<16xf32>,
        %get3A_53 = arith.constant 32 : index
        %get3A_54 = tpu.vector_load %arg14[%get3A_53] {strides = array<i32>} : memref<112xi32, #tpu.memory_space<vmem>>, vector<16xi32>,
        tpu.vector_store_idx %arg19[%get3A_54], %broadcast_in_dim3A_18 {add = true} : memref<10008xf32, #tpu.memory_space<vmem>>[vector<16xi32>], vector<16xf32>,
        %get3A_55 = arith.constant 48 : index
        %get3A_56 = tpu.vector_load %arg14[%get3A_55] {strides = array<i32>} : memref<112xi32, #tpu.memory_space<vmem>>, vector<16xi32>,
        tpu.vector_store_idx %arg19[%get3A_56], %broadcast_in_dim3A_18 {add = true} : memref<10008xf32, #tpu.memory_space<vmem>>[vector<16xi32>], vector<16xf32>,
        %get3A_57 = arith.constant 64 : index
        %get3A_58 = tpu.vector_load %arg14[%get3A_57] {strides = array<i32>} : memref<112xi32, #tpu.memory_space<vmem>>, vector<16xi32>,
        tpu.vector_store_idx %arg19[%get3A_58], %broadcast_in_dim3A_18 {add = true} : memref<10008xf32, #tpu.memory_space<vmem>>[vector<16xi32>], vector<16xf32>,
        %get3A_59 = arith.constant 80 : index
        %get3A_60 = tpu.vector_load %arg14[%get3A_59] {strides = array<i32>} : memref<112xi32, #tpu.memory_space<vmem>>, vector<16xi32>,
        tpu.vector_store_idx %arg19[%get3A_60], %broadcast_in_dim3A_18 {add = true} : memref<10008xf32, #tpu.memory_space<vmem>>[vector<16xi32>], vector<16xf32>,
        %get3A_61 = arith.constant 96 : index
        %get3A_62 = tpu.vector_load %arg14[%get3A_61] {strides = array<i32>} : memref<112xi32, #tpu.memory_space<vmem>>, vector<16xi32>,
        tpu.vector_store_idx %arg19[%get3A_62], %broadcast_in_dim3A_18 {add = true} : memref<10008xf32, #tpu.memory_space<vmem>>[vector<16xi32>], vector<16xf32>,
        %dma_wait3A_63 = arith.constant 0 : i32
        %dma_wait3A_64 = arith.constant 0 : i32
        %dma_wait3A_65 = tpu.memref_slice %arg2[%dma_wait3A_63, %dma_wait3A_64] : memref<10000x128xf32, #tpu.memory_space<hbm>> -> memref<10000x128xf32, #tpu.memory_space<hbm>>
        tpu.wait_indirect_dma semaphore(%arg21 : memref<!tpu.dma_semaphore, #tpu.memory_space<semaphore_mem>>) src(%dma_wait3A_65 : memref<10000x128xf32, #tpu.memory_space<hbm>>) dst(%arg17 : memref<112x128xf32, #tpu.memory_space<vmem>>)
        %dma_start3A_66 = arith.constant 0 : i32
        %dma_start3A_67 = arith.constant 0 : i32
        %dma_start3A_68 = tpu.memref_slice %arg20[%dma_start3A_66, %dma_start3A_67] : memref<10008x128xf32, #tpu.memory_space<vmem_shared>> -> memref<10008x128xf32, #tpu.memory_space<vmem_shared>>
        tpu.enqueue_indirect_dma source(%arg17 : memref<112x128xf32, #tpu.memory_space<vmem>>) target(%dma_start3A_68 : memref<10008x128xf32, #tpu.memory_space<vmem_shared>>) offsets(%arg14 : memref<112xi32, #tpu.memory_space<vmem>>) semaphore(%arg23 : memref<!tpu.dma_semaphore, #tpu.memory_space<semaphore_mem>>) {add = true}
        %gt3A = arith.constant 0 : i32
        %gt3A_69 = arith.cmpi sgt, %scan3A_29, %gt3A : i32
        %convert_element_type3A_70 = arith.extui %gt3A_69 : i1 to i32
        %cond3A_71 = arith.constant 0 : i32
        %cond3A_72 = arith.cmpi ne, %convert_element_type3A_70, %cond3A_71 : i32
        scf.if %cond3A_72 {
          %dma_wait3A_352 = arith.constant 0 : i32
          %dma_wait3A_353 = arith.constant 0 : i32
          %dma_wait3A_354 = tpu.memref_slice %arg20[%dma_wait3A_352, %dma_wait3A_353] : memref<10008x128xf32, #tpu.memory_space<vmem_shared>> -> memref<10008x128xf32, #tpu.memory_space<vmem_shared>>
          tpu.wait_indirect_dma semaphore(%arg24 : memref<!tpu.dma_semaphore, #tpu.memory_space<semaphore_mem>>) src(%arg18 : memref<112x128xf32, #tpu.memory_space<vmem>>) dst(%dma_wait3A_354 : memref<10008x128xf32, #tpu.memory_space<vmem_shared>>)
        } else {
        }
        %dma_wait3A_73 = arith.constant 0 : i32
        %dma_wait3A_74 = tpu.memref_slice %arg5[%arg1, %add3A_35, %dma_wait3A_73] : memref<16x54x112xi32, #tpu.memory_space<hbm>> -> memref<1x1x112xi32, #tpu.memory_space<hbm>>
        %dma_wait3A_75 = tpu.memref_squeeze %dma_wait3A_74 : memref<1x1x112xi32, #tpu.memory_space<hbm>> -> memref<112xi32, #tpu.memory_space<hbm>>
        %dma_wait3A_76 = arith.constant 0 : i32
        %dma_wait3A_77 = tpu.memref_slice %arg5[%arg1, %add3A_35, %dma_wait3A_76] : memref<16x54x112xi32, #tpu.memory_space<hbm>> -> memref<1x1x112xi32, #tpu.memory_space<hbm>>
        %dma_wait3A_78 = tpu.memref_squeeze %dma_wait3A_77 : memref<1x1x112xi32, #tpu.memory_space<hbm>> -> memref<112xi32, #tpu.memory_space<hbm>>
        tpu.wait_dma2 semaphore(%arg25 : memref<!tpu.dma_semaphore, #tpu.memory_space<semaphore_mem>>) src(%dma_wait3A_78 : memref<112xi32, #tpu.memory_space<hbm>>) dst(%arg12 : memref<112xi32, #tpu.memory_space<vmem>>)
        %dma_wait3A_79 = arith.constant 0 : i32
        %dma_wait3A_80 = tpu.memref_slice %arg6[%arg1, %add3A_43, %dma_wait3A_79] : memref<16x54x112xi32, #tpu.memory_space<hbm>> -> memref<1x1x112xi32, #tpu.memory_space<hbm>>
        %dma_wait3A_81 = tpu.memref_squeeze %dma_wait3A_80 : memref<1x1x112xi32, #tpu.memory_space<hbm>> -> memref<112xi32, #tpu.memory_space<hbm>>
        %dma_wait3A_82 = arith.constant 0 : i32
        %dma_wait3A_83 = tpu.memref_slice %arg6[%arg1, %add3A_43, %dma_wait3A_82] : memref<16x54x112xi32, #tpu.memory_space<hbm>> -> memref<1x1x112xi32, #tpu.memory_space<hbm>>
        %dma_wait3A_84 = tpu.memref_squeeze %dma_wait3A_83 : memref<1x1x112xi32, #tpu.memory_space<hbm>> -> memref<112xi32, #tpu.memory_space<hbm>>
        tpu.wait_dma2 semaphore(%arg25 : memref<!tpu.dma_semaphore, #tpu.memory_space<semaphore_mem>>) src(%dma_wait3A_84 : memref<112xi32, #tpu.memory_space<hbm>>) dst(%arg15 : memref<112xi32, #tpu.memory_space<vmem>>)
        %dma_start3A_85 = arith.constant 0 : i32
        %dma_start3A_86 = arith.constant 0 : i32
        %dma_start3A_87 = tpu.memref_slice %arg2[%dma_start3A_85, %dma_start3A_86] : memref<10000x128xf32, #tpu.memory_space<hbm>> -> memref<10000x128xf32, #tpu.memory_space<hbm>>
        tpu.enqueue_indirect_dma source(%dma_start3A_87 : memref<10000x128xf32, #tpu.memory_space<hbm>>) target(%arg18 : memref<112x128xf32, #tpu.memory_space<vmem>>) offsets(%arg12 : memref<112xi32, #tpu.memory_space<vmem>>) semaphore(%arg22 : memref<!tpu.dma_semaphore, #tpu.memory_space<semaphore_mem>>)
        %mul3A_88 = arith.constant 6 : i32
        %mul3A_89 = arith.muli %scan3A_29, %mul3A_88 : i32
        %add3A_90 = arith.constant 1 : i32
        %add3A_91 = arith.addi %mul3A_89, %add3A_90 : i32
        %add3A_92 = arith.constant 1 : i32
        %add3A_93 = arith.addi %add3A_91, %add3A_92 : i32
        %dma_start3A_94 = arith.constant 0 : i32
        %dma_start3A_95 = tpu.memref_slice %arg5[%arg1, %add3A_93, %dma_start3A_94] : memref<16x54x112xi32, #tpu.memory_space<hbm>> -> memref<1x1x112xi32, #tpu.memory_space<hbm>>
        %dma_start3A_96 = tpu.memref_squeeze %dma_start3A_95 : memref<1x1x112xi32, #tpu.memory_space<hbm>> -> memref<112xi32, #tpu.memory_space<hbm>>
        %dma_start3A_97 = arith.constant 0 : i32
        %dma_start3A_98 = tpu.memref_slice %arg5[%arg1, %add3A_93, %dma_start3A_97] : memref<16x54x112xi32, #tpu.memory_space<hbm>> -> memref<1x1x112xi32, #tpu.memory_space<hbm>>
        %dma_start3A_99 = tpu.memref_squeeze %dma_start3A_98 : memref<1x1x112xi32, #tpu.memory_space<hbm>> -> memref<112xi32, #tpu.memory_space<hbm>>
        tpu.enqueue_dma source(%dma_start3A_99 : memref<112xi32, #tpu.memory_space<hbm>>) target(%arg13 : memref<112xi32, #tpu.memory_space<vmem>>) target_semaphore(%arg25 : memref<!tpu.dma_semaphore, #tpu.memory_space<semaphore_mem>>)
        %add3A_100 = arith.constant 1 : i32
        %add3A_101 = arith.addi %add3A_91, %add3A_100 : i32
        %dma_start3A_102 = arith.constant 0 : i32
        %dma_start3A_103 = tpu.memref_slice %arg6[%arg1, %add3A_101, %dma_start3A_102] : memref<16x54x112xi32, #tpu.memory_space<hbm>> -> memref<1x1x112xi32, #tpu.memory_space<hbm>>
        %dma_start3A_104 = tpu.memref_squeeze %dma_start3A_103 : memref<1x1x112xi32, #tpu.memory_space<hbm>> -> memref<112xi32, #tpu.memory_space<hbm>>
        %dma_start3A_105 = arith.constant 0 : i32
        %dma_start3A_106 = tpu.memref_slice %arg6[%arg1, %add3A_101, %dma_start3A_105] : memref<16x54x112xi32, #tpu.memory_space<hbm>> -> memref<1x1x112xi32, #tpu.memory_space<hbm>>
        %dma_start3A_107 = tpu.memref_squeeze %dma_start3A_106 : memref<1x1x112xi32, #tpu.memory_space<hbm>> -> memref<112xi32, #tpu.memory_space<hbm>>
        tpu.enqueue_dma source(%dma_start3A_107 : memref<112xi32, #tpu.memory_space<hbm>>) target(%arg16 : memref<112xi32, #tpu.memory_space<vmem>>) target_semaphore(%arg25 : memref<!tpu.dma_semaphore, #tpu.memory_space<semaphore_mem>>)
        %get3A_108 = arith.constant 0 : index
        %get3A_109 = tpu.vector_load %arg15[%get3A_108] {strides = array<i32>} : memref<112xi32, #tpu.memory_space<vmem>>, vector<16xi32>,
        tpu.vector_store_idx %arg19[%get3A_109], %broadcast_in_dim3A_18 {add = true} : memref<10008xf32, #tpu.memory_space<vmem>>[vector<16xi32>], vector<16xf32>,
        %get3A_110 = arith.constant 16 : index
        %get3A_111 = tpu.vector_load %arg15[%get3A_110] {strides = array<i32>} : memref<112xi32, #tpu.memory_space<vmem>>, vector<16xi32>,
        tpu.vector_store_idx %arg19[%get3A_111], %broadcast_in_dim3A_18 {add = true} : memref<10008xf32, #tpu.memory_space<vmem>>[vector<16xi32>], vector<16xf32>,
        %get3A_112 = arith.constant 32 : index
        %get3A_113 = tpu.vector_load %arg15[%get3A_112] {strides = array<i32>} : memref<112xi32, #tpu.memory_space<vmem>>, vector<16xi32>,
        tpu.vector_store_idx %arg19[%get3A_113], %broadcast_in_dim3A_18 {add = true} : memref<10008xf32, #tpu.memory_space<vmem>>[vector<16xi32>], vector<16xf32>,
        %get3A_114 = arith.constant 48 : index
        %get3A_115 = tpu.vector_load %arg15[%get3A_114] {strides = array<i32>} : memref<112xi32, #tpu.memory_space<vmem>>, vector<16xi32>,
        tpu.vector_store_idx %arg19[%get3A_115], %broadcast_in_dim3A_18 {add = true} : memref<10008xf32, #tpu.memory_space<vmem>>[vector<16xi32>], vector<16xf32>,
        %get3A_116 = arith.constant 64 : index
        %get3A_117 = tpu.vector_load %arg15[%get3A_116] {strides = array<i32>} : memref<112xi32, #tpu.memory_space<vmem>>, vector<16xi32>,
        tpu.vector_store_idx %arg19[%get3A_117], %broadcast_in_dim3A_18 {add = true} : memref<10008xf32, #tpu.memory_space<vmem>>[vector<16xi32>], vector<16xf32>,
        %get3A_118 = arith.constant 80 : index
        %get3A_119 = tpu.vector_load %arg15[%get3A_118] {strides = array<i32>} : memref<112xi32, #tpu.memory_space<vmem>>, vector<16xi32>,
        tpu.vector_store_idx %arg19[%get3A_119], %broadcast_in_dim3A_18 {add = true} : memref<10008xf32, #tpu.memory_space<vmem>>[vector<16xi32>], vector<16xf32>,
        %get3A_120 = arith.constant 96 : index
        %get3A_121 = tpu.vector_load %arg15[%get3A_120] {strides = array<i32>} : memref<112xi32, #tpu.memory_space<vmem>>, vector<16xi32>,
        tpu.vector_store_idx %arg19[%get3A_121], %broadcast_in_dim3A_18 {add = true} : memref<10008xf32, #tpu.memory_space<vmem>>[vector<16xi32>], vector<16xf32>,
        %dma_wait3A_122 = arith.constant 0 : i32
        %dma_wait3A_123 = arith.constant 0 : i32
        %dma_wait3A_124 = tpu.memref_slice %arg2[%dma_wait3A_122, %dma_wait3A_123] : memref<10000x128xf32, #tpu.memory_space<hbm>> -> memref<10000x128xf32, #tpu.memory_space<hbm>>
        tpu.wait_indirect_dma semaphore(%arg22 : memref<!tpu.dma_semaphore, #tpu.memory_space<semaphore_mem>>) src(%dma_wait3A_124 : memref<10000x128xf32, #tpu.memory_space<hbm>>) dst(%arg18 : memref<112x128xf32, #tpu.memory_space<vmem>>)
        %dma_start3A_125 = arith.constant 0 : i32
        %dma_start3A_126 = arith.constant 0 : i32
        %dma_start3A_127 = tpu.memref_slice %arg20[%dma_start3A_125, %dma_start3A_126] : memref<10008x128xf32, #tpu.memory_space<vmem_shared>> -> memref<10008x128xf32, #tpu.memory_space<vmem_shared>>
        tpu.enqueue_indirect_dma source(%arg18 : memref<112x128xf32, #tpu.memory_space<vmem>>) target(%dma_start3A_127 : memref<10008x128xf32, #tpu.memory_space<vmem_shared>>) offsets(%arg15 : memref<112xi32, #tpu.memory_space<vmem>>) semaphore(%arg24 : memref<!tpu.dma_semaphore, #tpu.memory_space<semaphore_mem>>) {add = true}
        %dma_wait3A_128 = arith.constant 0 : i32
        %dma_wait3A_129 = arith.constant 0 : i32
        %dma_wait3A_130 = tpu.memref_slice %arg20[%dma_wait3A_128, %dma_wait3A_129] : memref<10008x128xf32, #tpu.memory_space<vmem_shared>> -> memref<10008x128xf32, #tpu.memory_space<vmem_shared>>
        tpu.wait_indirect_dma semaphore(%arg23 : memref<!tpu.dma_semaphore, #tpu.memory_space<semaphore_mem>>) src(%arg17 : memref<112x128xf32, #tpu.memory_space<vmem>>) dst(%dma_wait3A_130 : memref<10008x128xf32, #tpu.memory_space<vmem_shared>>)
        %dma_wait3A_131 = arith.constant 0 : i32
        %dma_wait3A_132 = tpu.memref_slice %arg5[%arg1, %add3A_93, %dma_wait3A_131] : memref<16x54x112xi32, #tpu.memory_space<hbm>> -> memref<1x1x112xi32, #tpu.memory_space<hbm>>
        %dma_wait3A_133 = tpu.memref_squeeze %dma_wait3A_132 : memref<1x1x112xi32, #tpu.memory_space<hbm>> -> memref<112xi32, #tpu.memory_space<hbm>>
        %dma_wait3A_134 = arith.constant 0 : i32
        %dma_wait3A_135 = tpu.memref_slice %arg5[%arg1, %add3A_93, %dma_wait3A_134] : memref<16x54x112xi32, #tpu.memory_space<hbm>> -> memref<1x1x112xi32, #tpu.memory_space<hbm>>
        %dma_wait3A_136 = tpu.memref_squeeze %dma_wait3A_135 : memref<1x1x112xi32, #tpu.memory_space<hbm>> -> memref<112xi32, #tpu.memory_space<hbm>>
        tpu.wait_dma2 semaphore(%arg25 : memref<!tpu.dma_semaphore, #tpu.memory_space<semaphore_mem>>) src(%dma_wait3A_136 : memref<112xi32, #tpu.memory_space<hbm>>) dst(%arg13 : memref<112xi32, #tpu.memory_space<vmem>>)
        %dma_wait3A_137 = arith.constant 0 : i32
        %dma_wait3A_138 = tpu.memref_slice %arg6[%arg1, %add3A_101, %dma_wait3A_137] : memref<16x54x112xi32, #tpu.memory_space<hbm>> -> memref<1x1x112xi32, #tpu.memory_space<hbm>>
        %dma_wait3A_139 = tpu.memref_squeeze %dma_wait3A_138 : memref<1x1x112xi32, #tpu.memory_space<hbm>> -> memref<112xi32, #tpu.memory_space<hbm>>
        %dma_wait3A_140 = arith.constant 0 : i32
        %dma_wait3A_141 = tpu.memref_slice %arg6[%arg1, %add3A_101, %dma_wait3A_140] : memref<16x54x112xi32, #tpu.memory_space<hbm>> -> memref<1x1x112xi32, #tpu.memory_space<hbm>>
        %dma_wait3A_142 = tpu.memref_squeeze %dma_wait3A_141 : memref<1x1x112xi32, #tpu.memory_space<hbm>> -> memref<112xi32, #tpu.memory_space<hbm>>
        tpu.wait_dma2 semaphore(%arg25 : memref<!tpu.dma_semaphore, #tpu.memory_space<semaphore_mem>>) src(%dma_wait3A_142 : memref<112xi32, #tpu.memory_space<hbm>>) dst(%arg16 : memref<112xi32, #tpu.memory_space<vmem>>)
        %dma_start3A_143 = arith.constant 0 : i32
        %dma_start3A_144 = arith.constant 0 : i32
        %dma_start3A_145 = tpu.memref_slice %arg2[%dma_start3A_143, %dma_start3A_144] : memref<10000x128xf32, #tpu.memory_space<hbm>> -> memref<10000x128xf32, #tpu.memory_space<hbm>>
        tpu.enqueue_indirect_dma source(%dma_start3A_145 : memref<10000x128xf32, #tpu.memory_space<hbm>>) target(%arg17 : memref<112x128xf32, #tpu.memory_space<vmem>>) offsets(%arg13 : memref<112xi32, #tpu.memory_space<vmem>>) semaphore(%arg21 : memref<!tpu.dma_semaphore, #tpu.memory_space<semaphore_mem>>)
        %mul3A_146 = arith.constant 6 : i32
        %mul3A_147 = arith.muli %scan3A_29, %mul3A_146 : i32
        %add3A_148 = arith.constant 2 : i32
        %add3A_149 = arith.addi %mul3A_147, %add3A_148 : i32
        %add3A_150 = arith.constant 1 : i32
        %add3A_151 = arith.addi %add3A_149, %add3A_150 : i32
        %dma_start3A_152 = arith.constant 0 : i32
        %dma_start3A_153 = tpu.memref_slice %arg5[%arg1, %add3A_151, %dma_start3A_152] : memref<16x54x112xi32, #tpu.memory_space<hbm>> -> memref<1x1x112xi32, #tpu.memory_space<hbm>>
        %dma_start3A_154 = tpu.memref_squeeze %dma_start3A_153 : memref<1x1x112xi32, #tpu.memory_space<hbm>> -> memref<112xi32, #tpu.memory_space<hbm>>
        %dma_start3A_155 = arith.constant 0 : i32
        %dma_start3A_156 = tpu.memref_slice %arg5[%arg1, %add3A_151, %dma_start3A_155] : memref<16x54x112xi32, #tpu.memory_space<hbm>> -> memref<1x1x112xi32, #tpu.memory_space<hbm>>
        %dma_start3A_157 = tpu.memref_squeeze %dma_start3A_156 : memref<1x1x112xi32, #tpu.memory_space<hbm>> -> memref<112xi32, #tpu.memory_space<hbm>>
        tpu.enqueue_dma source(%dma_start3A_157 : memref<112xi32, #tpu.memory_space<hbm>>) target(%arg11 : memref<112xi32, #tpu.memory_space<vmem>>) target_semaphore(%arg25 : memref<!tpu.dma_semaphore, #tpu.memory_space<semaphore_mem>>)
        %add3A_158 = arith.constant 1 : i32
        %add3A_159 = arith.addi %add3A_149, %add3A_158 : i32
        %dma_start3A_160 = arith.constant 0 : i32
        %dma_start3A_161 = tpu.memref_slice %arg6[%arg1, %add3A_159, %dma_start3A_160] : memref<16x54x112xi32, #tpu.memory_space<hbm>> -> memref<1x1x112xi32, #tpu.memory_space<hbm>>
        %dma_start3A_162 = tpu.memref_squeeze %dma_start3A_161 : memref<1x1x112xi32, #tpu.memory_space<hbm>> -> memref<112xi32, #tpu.memory_space<hbm>>
        %dma_start3A_163 = arith.constant 0 : i32
        %dma_start3A_164 = tpu.memref_slice %arg6[%arg1, %add3A_159, %dma_start3A_163] : memref<16x54x112xi32, #tpu.memory_space<hbm>> -> memref<1x1x112xi32, #tpu.memory_space<hbm>>
        %dma_start3A_165 = tpu.memref_squeeze %dma_start3A_164 : memref<1x1x112xi32, #tpu.memory_space<hbm>> -> memref<112xi32, #tpu.memory_space<hbm>>
        tpu.enqueue_dma source(%dma_start3A_165 : memref<112xi32, #tpu.memory_space<hbm>>) target(%arg14 : memref<112xi32, #tpu.memory_space<vmem>>) target_semaphore(%arg25 : memref<!tpu.dma_semaphore, #tpu.memory_space<semaphore_mem>>)
        %get3A_166 = arith.constant 0 : index
        %get3A_167 = tpu.vector_load %arg16[%get3A_166] {strides = array<i32>} : memref<112xi32, #tpu.memory_space<vmem>>, vector<16xi32>,
        tpu.vector_store_idx %arg19[%get3A_167], %broadcast_in_dim3A_18 {add = true} : memref<10008xf32, #tpu.memory_space<vmem>>[vector<16xi32>], vector<16xf32>,
        %get3A_168 = arith.constant 16 : index
        %get3A_169 = tpu.vector_load %arg16[%get3A_168] {strides = array<i32>} : memref<112xi32, #tpu.memory_space<vmem>>, vector<16xi32>,
        tpu.vector_store_idx %arg19[%get3A_169], %broadcast_in_dim3A_18 {add = true} : memref<10008xf32, #tpu.memory_space<vmem>>[vector<16xi32>], vector<16xf32>,
        %get3A_170 = arith.constant 32 : index
        %get3A_171 = tpu.vector_load %arg16[%get3A_170] {strides = array<i32>} : memref<112xi32, #tpu.memory_space<vmem>>, vector<16xi32>,
        tpu.vector_store_idx %arg19[%get3A_171], %broadcast_in_dim3A_18 {add = true} : memref<10008xf32, #tpu.memory_space<vmem>>[vector<16xi32>], vector<16xf32>,
        %get3A_172 = arith.constant 48 : index
        %get3A_173 = tpu.vector_load %arg16[%get3A_172] {strides = array<i32>} : memref<112xi32, #tpu.memory_space<vmem>>, vector<16xi32>,
        tpu.vector_store_idx %arg19[%get3A_173], %broadcast_in_dim3A_18 {add = true} : memref<10008xf32, #tpu.memory_space<vmem>>[vector<16xi32>], vector<16xf32>,
        %get3A_174 = arith.constant 64 : index
        %get3A_175 = tpu.vector_load %arg16[%get3A_174] {strides = array<i32>} : memref<112xi32, #tpu.memory_space<vmem>>, vector<16xi32>,
        tpu.vector_store_idx %arg19[%get3A_175], %broadcast_in_dim3A_18 {add = true} : memref<10008xf32, #tpu.memory_space<vmem>>[vector<16xi32>], vector<16xf32>,
        %get3A_176 = arith.constant 80 : index
        %get3A_177 = tpu.vector_load %arg16[%get3A_176] {strides = array<i32>} : memref<112xi32, #tpu.memory_space<vmem>>, vector<16xi32>,
        tpu.vector_store_idx %arg19[%get3A_177], %broadcast_in_dim3A_18 {add = true} : memref<10008xf32, #tpu.memory_space<vmem>>[vector<16xi32>], vector<16xf32>,
        %get3A_178 = arith.constant 96 : index
        %get3A_179 = tpu.vector_load %arg16[%get3A_178] {strides = array<i32>} : memref<112xi32, #tpu.memory_space<vmem>>, vector<16xi32>,
        tpu.vector_store_idx %arg19[%get3A_179], %broadcast_in_dim3A_18 {add = true} : memref<10008xf32, #tpu.memory_space<vmem>>[vector<16xi32>], vector<16xf32>,
        %dma_wait3A_180 = arith.constant 0 : i32
        %dma_wait3A_181 = arith.constant 0 : i32
        %dma_wait3A_182 = tpu.memref_slice %arg2[%dma_wait3A_180, %dma_wait3A_181] : memref<10000x128xf32, #tpu.memory_space<hbm>> -> memref<10000x128xf32, #tpu.memory_space<hbm>>
        tpu.wait_indirect_dma semaphore(%arg21 : memref<!tpu.dma_semaphore, #tpu.memory_space<semaphore_mem>>) src(%dma_wait3A_182 : memref<10000x128xf32, #tpu.memory_space<hbm>>) dst(%arg17 : memref<112x128xf32, #tpu.memory_space<vmem>>)
        %dma_start3A_183 = arith.constant 0 : i32
        %dma_start3A_184 = arith.constant 0 : i32
        %dma_start3A_185 = tpu.memref_slice %arg20[%dma_start3A_183, %dma_start3A_184] : memref<10008x128xf32, #tpu.memory_space<vmem_shared>> -> memref<10008x128xf32, #tpu.memory_space<vmem_shared>>
        tpu.enqueue_indirect_dma source(%arg17 : memref<112x128xf32, #tpu.memory_space<vmem>>) target(%dma_start3A_185 : memref<10008x128xf32, #tpu.memory_space<vmem_shared>>) offsets(%arg16 : memref<112xi32, #tpu.memory_space<vmem>>) semaphore(%arg23 : memref<!tpu.dma_semaphore, #tpu.memory_space<semaphore_mem>>) {add = true}
        %dma_wait3A_186 = arith.constant 0 : i32
        %dma_wait3A_187 = arith.constant 0 : i32
        %dma_wait3A_188 = tpu.memref_slice %arg20[%dma_wait3A_186, %dma_wait3A_187] : memref<10008x128xf32, #tpu.memory_space<vmem_shared>> -> memref<10008x128xf32, #tpu.memory_space<vmem_shared>>
        tpu.wait_indirect_dma semaphore(%arg24 : memref<!tpu.dma_semaphore, #tpu.memory_space<semaphore_mem>>) src(%arg18 : memref<112x128xf32, #tpu.memory_space<vmem>>) dst(%dma_wait3A_188 : memref<10008x128xf32, #tpu.memory_space<vmem_shared>>)
        %dma_wait3A_189 = arith.constant 0 : i32
        %dma_wait3A_190 = tpu.memref_slice %arg5[%arg1, %add3A_151, %dma_wait3A_189] : memref<16x54x112xi32, #tpu.memory_space<hbm>> -> memref<1x1x112xi32, #tpu.memory_space<hbm>>
        %dma_wait3A_191 = tpu.memref_squeeze %dma_wait3A_190 : memref<1x1x112xi32, #tpu.memory_space<hbm>> -> memref<112xi32, #tpu.memory_space<hbm>>
        %dma_wait3A_192 = arith.constant 0 : i32
        %dma_wait3A_193 = tpu.memref_slice %arg5[%arg1, %add3A_151, %dma_wait3A_192] : memref<16x54x112xi32, #tpu.memory_space<hbm>> -> memref<1x1x112xi32, #tpu.memory_space<hbm>>
        %dma_wait3A_194 = tpu.memref_squeeze %dma_wait3A_193 : memref<1x1x112xi32, #tpu.memory_space<hbm>> -> memref<112xi32, #tpu.memory_space<hbm>>
        tpu.wait_dma2 semaphore(%arg25 : memref<!tpu.dma_semaphore, #tpu.memory_space<semaphore_mem>>) src(%dma_wait3A_194 : memref<112xi32, #tpu.memory_space<hbm>>) dst(%arg11 : memref<112xi32, #tpu.memory_space<vmem>>)
        %dma_wait3A_195 = arith.constant 0 : i32
        %dma_wait3A_196 = tpu.memref_slice %arg6[%arg1, %add3A_159, %dma_wait3A_195] : memref<16x54x112xi32, #tpu.memory_space<hbm>> -> memref<1x1x112xi32, #tpu.memory_space<hbm>>
        %dma_wait3A_197 = tpu.memref_squeeze %dma_wait3A_196 : memref<1x1x112xi32, #tpu.memory_space<hbm>> -> memref<112xi32, #tpu.memory_space<hbm>>
        %dma_wait3A_198 = arith.constant 0 : i32
        %dma_wait3A_199 = tpu.memref_slice %arg6[%arg1, %add3A_159, %dma_wait3A_198] : memref<16x54x112xi32, #tpu.memory_space<hbm>> -> memref<1x1x112xi32, #tpu.memory_space<hbm>>
        %dma_wait3A_200 = tpu.memref_squeeze %dma_wait3A_199 : memref<1x1x112xi32, #tpu.memory_space<hbm>> -> memref<112xi32, #tpu.memory_space<hbm>>
        tpu.wait_dma2 semaphore(%arg25 : memref<!tpu.dma_semaphore, #tpu.memory_space<semaphore_mem>>) src(%dma_wait3A_200 : memref<112xi32, #tpu.memory_space<hbm>>) dst(%arg14 : memref<112xi32, #tpu.memory_space<vmem>>)
        %dma_start3A_201 = arith.constant 0 : i32
        %dma_start3A_202 = arith.constant 0 : i32
        %dma_start3A_203 = tpu.memref_slice %arg2[%dma_start3A_201, %dma_start3A_202] : memref<10000x128xf32, #tpu.memory_space<hbm>> -> memref<10000x128xf32, #tpu.memory_space<hbm>>
        tpu.enqueue_indirect_dma source(%dma_start3A_203 : memref<10000x128xf32, #tpu.memory_space<hbm>>) target(%arg18 : memref<112x128xf32, #tpu.memory_space<vmem>>) offsets(%arg11 : memref<112xi32, #tpu.memory_space<vmem>>) semaphore(%arg22 : memref<!tpu.dma_semaphore, #tpu.memory_space<semaphore_mem>>)
        %mul3A_204 = arith.constant 6 : i32
        %mul3A_205 = arith.muli %scan3A_29, %mul3A_204 : i32
        %add3A_206 = arith.constant 3 : i32
        %add3A_207 = arith.addi %mul3A_205, %add3A_206 : i32
        %add3A_208 = arith.constant 1 : i32
        %add3A_209 = arith.addi %add3A_207, %add3A_208 : i32
        %dma_start3A_210 = arith.constant 0 : i32
        %dma_start3A_211 = tpu.memref_slice %arg5[%arg1, %add3A_209, %dma_start3A_210] : memref<16x54x112xi32, #tpu.memory_space<hbm>> -> memref<1x1x112xi32, #tpu.memory_space<hbm>>
        %dma_start3A_212 = tpu.memref_squeeze %dma_start3A_211 : memref<1x1x112xi32, #tpu.memory_space<hbm>> -> memref<112xi32, #tpu.memory_space<hbm>>
        %dma_start3A_213 = arith.constant 0 : i32
        %dma_start3A_214 = tpu.memref_slice %arg5[%arg1, %add3A_209, %dma_start3A_213] : memref<16x54x112xi32, #tpu.memory_space<hbm>> -> memref<1x1x112xi32, #tpu.memory_space<hbm>>
        %dma_start3A_215 = tpu.memref_squeeze %dma_start3A_214 : memref<1x1x112xi32, #tpu.memory_space<hbm>> -> memref<112xi32, #tpu.memory_space<hbm>>
        tpu.enqueue_dma source(%dma_start3A_215 : memref<112xi32, #tpu.memory_space<hbm>>) target(%arg12 : memref<112xi32, #tpu.memory_space<vmem>>) target_semaphore(%arg25 : memref<!tpu.dma_semaphore, #tpu.memory_space<semaphore_mem>>)
        %add3A_216 = arith.constant 1 : i32
        %add3A_217 = arith.addi %add3A_207, %add3A_216 : i32
        %dma_start3A_218 = arith.constant 0 : i32
        %dma_start3A_219 = tpu.memref_slice %arg6[%arg1, %add3A_217, %dma_start3A_218] : memref<16x54x112xi32, #tpu.memory_space<hbm>> -> memref<1x1x112xi32, #tpu.memory_space<hbm>>
        %dma_start3A_220 = tpu.memref_squeeze %dma_start3A_219 : memref<1x1x112xi32, #tpu.memory_space<hbm>> -> memref<112xi32, #tpu.memory_space<hbm>>
        %dma_start3A_221 = arith.constant 0 : i32
        %dma_start3A_222 = tpu.memref_slice %arg6[%arg1, %add3A_217, %dma_start3A_221] : memref<16x54x112xi32, #tpu.memory_space<hbm>> -> memref<1x1x112xi32, #tpu.memory_space<hbm>>
        %dma_start3A_223 = tpu.memref_squeeze %dma_start3A_222 : memref<1x1x112xi32, #tpu.memory_space<hbm>> -> memref<112xi32, #tpu.memory_space<hbm>>
        tpu.enqueue_dma source(%dma_start3A_223 : memref<112xi32, #tpu.memory_space<hbm>>) target(%arg15 : memref<112xi32, #tpu.memory_space<vmem>>) target_semaphore(%arg25 : memref<!tpu.dma_semaphore, #tpu.memory_space<semaphore_mem>>)
        %get3A_224 = arith.constant 0 : index
        %get3A_225 = tpu.vector_load %arg14[%get3A_224] {strides = array<i32>} : memref<112xi32, #tpu.memory_space<vmem>>, vector<16xi32>,
        tpu.vector_store_idx %arg19[%get3A_225], %broadcast_in_dim3A_18 {add = true} : memref<10008xf32, #tpu.memory_space<vmem>>[vector<16xi32>], vector<16xf32>,
        %get3A_226 = arith.constant 16 : index
        %get3A_227 = tpu.vector_load %arg14[%get3A_226] {strides = array<i32>} : memref<112xi32, #tpu.memory_space<vmem>>, vector<16xi32>,
        tpu.vector_store_idx %arg19[%get3A_227], %broadcast_in_dim3A_18 {add = true} : memref<10008xf32, #tpu.memory_space<vmem>>[vector<16xi32>], vector<16xf32>,
        %get3A_228 = arith.constant 32 : index
        %get3A_229 = tpu.vector_load %arg14[%get3A_228] {strides = array<i32>} : memref<112xi32, #tpu.memory_space<vmem>>, vector<16xi32>,
        tpu.vector_store_idx %arg19[%get3A_229], %broadcast_in_dim3A_18 {add = true} : memref<10008xf32, #tpu.memory_space<vmem>>[vector<16xi32>], vector<16xf32>,
        %get3A_230 = arith.constant 48 : index
        %get3A_231 = tpu.vector_load %arg14[%get3A_230] {strides = array<i32>} : memref<112xi32, #tpu.memory_space<vmem>>, vector<16xi32>,
        tpu.vector_store_idx %arg19[%get3A_231], %broadcast_in_dim3A_18 {add = true} : memref<10008xf32, #tpu.memory_space<vmem>>[vector<16xi32>], vector<16xf32>,
        %get3A_232 = arith.constant 64 : index
        %get3A_233 = tpu.vector_load %arg14[%get3A_232] {strides = array<i32>} : memref<112xi32, #tpu.memory_space<vmem>>, vector<16xi32>,
        tpu.vector_store_idx %arg19[%get3A_233], %broadcast_in_dim3A_18 {add = true} : memref<10008xf32, #tpu.memory_space<vmem>>[vector<16xi32>], vector<16xf32>,
        %get3A_234 = arith.constant 80 : index
        %get3A_235 = tpu.vector_load %arg14[%get3A_234] {strides = array<i32>} : memref<112xi32, #tpu.memory_space<vmem>>, vector<16xi32>,
        tpu.vector_store_idx %arg19[%get3A_235], %broadcast_in_dim3A_18 {add = true} : memref<10008xf32, #tpu.memory_space<vmem>>[vector<16xi32>], vector<16xf32>,
        %get3A_236 = arith.constant 96 : index
        %get3A_237 = tpu.vector_load %arg14[%get3A_236] {strides = array<i32>} : memref<112xi32, #tpu.memory_space<vmem>>, vector<16xi32>,
        tpu.vector_store_idx %arg19[%get3A_237], %broadcast_in_dim3A_18 {add = true} : memref<10008xf32, #tpu.memory_space<vmem>>[vector<16xi32>], vector<16xf32>,
        %dma_wait3A_238 = arith.constant 0 : i32
        %dma_wait3A_239 = arith.constant 0 : i32
        %dma_wait3A_240 = tpu.memref_slice %arg2[%dma_wait3A_238, %dma_wait3A_239] : memref<10000x128xf32, #tpu.memory_space<hbm>> -> memref<10000x128xf32, #tpu.memory_space<hbm>>
        tpu.wait_indirect_dma semaphore(%arg22 : memref<!tpu.dma_semaphore, #tpu.memory_space<semaphore_mem>>) src(%dma_wait3A_240 : memref<10000x128xf32, #tpu.memory_space<hbm>>) dst(%arg18 : memref<112x128xf32, #tpu.memory_space<vmem>>)
        %dma_start3A_241 = arith.constant 0 : i32
        %dma_start3A_242 = arith.constant 0 : i32
        %dma_start3A_243 = tpu.memref_slice %arg20[%dma_start3A_241, %dma_start3A_242] : memref<10008x128xf32, #tpu.memory_space<vmem_shared>> -> memref<10008x128xf32, #tpu.memory_space<vmem_shared>>
        tpu.enqueue_indirect_dma source(%arg18 : memref<112x128xf32, #tpu.memory_space<vmem>>) target(%dma_start3A_243 : memref<10008x128xf32, #tpu.memory_space<vmem_shared>>) offsets(%arg14 : memref<112xi32, #tpu.memory_space<vmem>>) semaphore(%arg24 : memref<!tpu.dma_semaphore, #tpu.memory_space<semaphore_mem>>) {add = true}
        %dma_wait3A_244 = arith.constant 0 : i32
        %dma_wait3A_245 = arith.constant 0 : i32
        %dma_wait3A_246 = tpu.memref_slice %arg20[%dma_wait3A_244, %dma_wait3A_245] : memref<10008x128xf32, #tpu.memory_space<vmem_shared>> -> memref<10008x128xf32, #tpu.memory_space<vmem_shared>>
        tpu.wait_indirect_dma semaphore(%arg23 : memref<!tpu.dma_semaphore, #tpu.memory_space<semaphore_mem>>) src(%arg17 : memref<112x128xf32, #tpu.memory_space<vmem>>) dst(%dma_wait3A_246 : memref<10008x128xf32, #tpu.memory_space<vmem_shared>>)
        %dma_wait3A_247 = arith.constant 0 : i32
        %dma_wait3A_248 = tpu.memref_slice %arg5[%arg1, %add3A_209, %dma_wait3A_247] : memref<16x54x112xi32, #tpu.memory_space<hbm>> -> memref<1x1x112xi32, #tpu.memory_space<hbm>>
        %dma_wait3A_249 = tpu.memref_squeeze %dma_wait3A_248 : memref<1x1x112xi32, #tpu.memory_space<hbm>> -> memref<112xi32, #tpu.memory_space<hbm>>
        %dma_wait3A_250 = arith.constant 0 : i32
        %dma_wait3A_251 = tpu.memref_slice %arg5[%arg1, %add3A_209, %dma_wait3A_250] : memref<16x54x112xi32, #tpu.memory_space<hbm>> -> memref<1x1x112xi32, #tpu.memory_space<hbm>>
        %dma_wait3A_252 = tpu.memref_squeeze %dma_wait3A_251 : memref<1x1x112xi32, #tpu.memory_space<hbm>> -> memref<112xi32, #tpu.memory_space<hbm>>
        tpu.wait_dma2 semaphore(%arg25 : memref<!tpu.dma_semaphore, #tpu.memory_space<semaphore_mem>>) src(%dma_wait3A_252 : memref<112xi32, #tpu.memory_space<hbm>>) dst(%arg12 : memref<112xi32, #tpu.memory_space<vmem>>)
        %dma_wait3A_253 = arith.constant 0 : i32
        %dma_wait3A_254 = tpu.memref_slice %arg6[%arg1, %add3A_217, %dma_wait3A_253] : memref<16x54x112xi32, #tpu.memory_space<hbm>> -> memref<1x1x112xi32, #tpu.memory_space<hbm>>
        %dma_wait3A_255 = tpu.memref_squeeze %dma_wait3A_254 : memref<1x1x112xi32, #tpu.memory_space<hbm>> -> memref<112xi32, #tpu.memory_space<hbm>>
        %dma_wait3A_256 = arith.constant 0 : i32
        %dma_wait3A_257 = tpu.memref_slice %arg6[%arg1, %add3A_217, %dma_wait3A_256] : memref<16x54x112xi32, #tpu.memory_space<hbm>> -> memref<1x1x112xi32, #tpu.memory_space<hbm>>
        %dma_wait3A_258 = tpu.memref_squeeze %dma_wait3A_257 : memref<1x1x112xi32, #tpu.memory_space<hbm>> -> memref<112xi32, #tpu.memory_space<hbm>>
        tpu.wait_dma2 semaphore(%arg25 : memref<!tpu.dma_semaphore, #tpu.memory_space<semaphore_mem>>) src(%dma_wait3A_258 : memref<112xi32, #tpu.memory_space<hbm>>) dst(%arg15 : memref<112xi32, #tpu.memory_space<vmem>>)
        %dma_start3A_259 = arith.constant 0 : i32
        %dma_start3A_260 = arith.constant 0 : i32
        %dma_start3A_261 = tpu.memref_slice %arg2[%dma_start3A_259, %dma_start3A_260] : memref<10000x128xf32, #tpu.memory_space<hbm>> -> memref<10000x128xf32, #tpu.memory_space<hbm>>
        tpu.enqueue_indirect_dma source(%dma_start3A_261 : memref<10000x128xf32, #tpu.memory_space<hbm>>) target(%arg17 : memref<112x128xf32, #tpu.memory_space<vmem>>) offsets(%arg12 : memref<112xi32, #tpu.memory_space<vmem>>) semaphore(%arg21 : memref<!tpu.dma_semaphore, #tpu.memory_space<semaphore_mem>>)
        %mul3A_262 = arith.constant 6 : i32
        %mul3A_263 = arith.muli %scan3A_29, %mul3A_262 : i32
        %add3A_264 = arith.constant 4 : i32
        %add3A_265 = arith.addi %mul3A_263, %add3A_264 : i32
        %add3A_266 = arith.constant 1 : i32
        %add3A_267 = arith.addi %add3A_265, %add3A_266 : i32
        %dma_start3A_268 = arith.constant 0 : i32
        %dma_start3A_269 = tpu.memref_slice %arg5[%arg1, %add3A_267, %dma_start3A_268] : memref<16x54x112xi32, #tpu.memory_space<hbm>> -> memref<1x1x112xi32, #tpu.memory_space<hbm>>
        %dma_start3A_270 = tpu.memref_squeeze %dma_start3A_269 : memref<1x1x112xi32, #tpu.memory_space<hbm>> -> memref<112xi32, #tpu.memory_space<hbm>>
        %dma_start3A_271 = arith.constant 0 : i32
        %dma_start3A_272 = tpu.memref_slice %arg5[%arg1, %add3A_267, %dma_start3A_271] : memref<16x54x112xi32, #tpu.memory_space<hbm>> -> memref<1x1x112xi32, #tpu.memory_space<hbm>>
        %dma_start3A_273 = tpu.memref_squeeze %dma_start3A_272 : memref<1x1x112xi32, #tpu.memory_space<hbm>> -> memref<112xi32, #tpu.memory_space<hbm>>
        tpu.enqueue_dma source(%dma_start3A_273 : memref<112xi32, #tpu.memory_space<hbm>>) target(%arg13 : memref<112xi32, #tpu.memory_space<vmem>>) target_semaphore(%arg25 : memref<!tpu.dma_semaphore, #tpu.memory_space<semaphore_mem>>)
        %add3A_274 = arith.constant 1 : i32
        %add3A_275 = arith.addi %add3A_265, %add3A_274 : i32
        %dma_start3A_276 = arith.constant 0 : i32
        %dma_start3A_277 = tpu.memref_slice %arg6[%arg1, %add3A_275, %dma_start3A_276] : memref<16x54x112xi32, #tpu.memory_space<hbm>> -> memref<1x1x112xi32, #tpu.memory_space<hbm>>
        %dma_start3A_278 = tpu.memref_squeeze %dma_start3A_277 : memref<1x1x112xi32, #tpu.memory_space<hbm>> -> memref<112xi32, #tpu.memory_space<hbm>>
        %dma_start3A_279 = arith.constant 0 : i32
        %dma_start3A_280 = tpu.memref_slice %arg6[%arg1, %add3A_275, %dma_start3A_279] : memref<16x54x112xi32, #tpu.memory_space<hbm>> -> memref<1x1x112xi32, #tpu.memory_space<hbm>>
        %dma_start3A_281 = tpu.memref_squeeze %dma_start3A_280 : memref<1x1x112xi32, #tpu.memory_space<hbm>> -> memref<112xi32, #tpu.memory_space<hbm>>
        tpu.enqueue_dma source(%dma_start3A_281 : memref<112xi32, #tpu.memory_space<hbm>>) target(%arg16 : memref<112xi32, #tpu.memory_space<vmem>>) target_semaphore(%arg25 : memref<!tpu.dma_semaphore, #tpu.memory_space<semaphore_mem>>)
        %get3A_282 = arith.constant 0 : index
        %get3A_283 = tpu.vector_load %arg15[%get3A_282] {strides = array<i32>} : memref<112xi32, #tpu.memory_space<vmem>>, vector<16xi32>,
        tpu.vector_store_idx %arg19[%get3A_283], %broadcast_in_dim3A_18 {add = true} : memref<10008xf32, #tpu.memory_space<vmem>>[vector<16xi32>], vector<16xf32>,
        %get3A_284 = arith.constant 16 : index
        %get3A_285 = tpu.vector_load %arg15[%get3A_284] {strides = array<i32>} : memref<112xi32, #tpu.memory_space<vmem>>, vector<16xi32>,
        tpu.vector_store_idx %arg19[%get3A_285], %broadcast_in_dim3A_18 {add = true} : memref<10008xf32, #tpu.memory_space<vmem>>[vector<16xi32>], vector<16xf32>,
        %get3A_286 = arith.constant 32 : index
        %get3A_287 = tpu.vector_load %arg15[%get3A_286] {strides = array<i32>} : memref<112xi32, #tpu.memory_space<vmem>>, vector<16xi32>,
        tpu.vector_store_idx %arg19[%get3A_287], %broadcast_in_dim3A_18 {add = true} : memref<10008xf32, #tpu.memory_space<vmem>>[vector<16xi32>], vector<16xf32>,
        %get3A_288 = arith.constant 48 : index
        %get3A_289 = tpu.vector_load %arg15[%get3A_288] {strides = array<i32>} : memref<112xi32, #tpu.memory_space<vmem>>, vector<16xi32>,
        tpu.vector_store_idx %arg19[%get3A_289], %broadcast_in_dim3A_18 {add = true} : memref<10008xf32, #tpu.memory_space<vmem>>[vector<16xi32>], vector<16xf32>,
        %get3A_290 = arith.constant 64 : index
        %get3A_291 = tpu.vector_load %arg15[%get3A_290] {strides = array<i32>} : memref<112xi32, #tpu.memory_space<vmem>>, vector<16xi32>,
        tpu.vector_store_idx %arg19[%get3A_291], %broadcast_in_dim3A_18 {add = true} : memref<10008xf32, #tpu.memory_space<vmem>>[vector<16xi32>], vector<16xf32>,
        %get3A_292 = arith.constant 80 : index
        %get3A_293 = tpu.vector_load %arg15[%get3A_292] {strides = array<i32>} : memref<112xi32, #tpu.memory_space<vmem>>, vector<16xi32>,
        tpu.vector_store_idx %arg19[%get3A_293], %broadcast_in_dim3A_18 {add = true} : memref<10008xf32, #tpu.memory_space<vmem>>[vector<16xi32>], vector<16xf32>,
        %get3A_294 = arith.constant 96 : index
        %get3A_295 = tpu.vector_load %arg15[%get3A_294] {strides = array<i32>} : memref<112xi32, #tpu.memory_space<vmem>>, vector<16xi32>,
        tpu.vector_store_idx %arg19[%get3A_295], %broadcast_in_dim3A_18 {add = true} : memref<10008xf32, #tpu.memory_space<vmem>>[vector<16xi32>], vector<16xf32>,
        %dma_wait3A_296 = arith.constant 0 : i32
        %dma_wait3A_297 = arith.constant 0 : i32
        %dma_wait3A_298 = tpu.memref_slice %arg2[%dma_wait3A_296, %dma_wait3A_297] : memref<10000x128xf32, #tpu.memory_space<hbm>> -> memref<10000x128xf32, #tpu.memory_space<hbm>>
        tpu.wait_indirect_dma semaphore(%arg21 : memref<!tpu.dma_semaphore, #tpu.memory_space<semaphore_mem>>) src(%dma_wait3A_298 : memref<10000x128xf32, #tpu.memory_space<hbm>>) dst(%arg17 : memref<112x128xf32, #tpu.memory_space<vmem>>)
        %dma_start3A_299 = arith.constant 0 : i32
        %dma_start3A_300 = arith.constant 0 : i32
        %dma_start3A_301 = tpu.memref_slice %arg20[%dma_start3A_299, %dma_start3A_300] : memref<10008x128xf32, #tpu.memory_space<vmem_shared>> -> memref<10008x128xf32, #tpu.memory_space<vmem_shared>>
        tpu.enqueue_indirect_dma source(%arg17 : memref<112x128xf32, #tpu.memory_space<vmem>>) target(%dma_start3A_301 : memref<10008x128xf32, #tpu.memory_space<vmem_shared>>) offsets(%arg15 : memref<112xi32, #tpu.memory_space<vmem>>) semaphore(%arg23 : memref<!tpu.dma_semaphore, #tpu.memory_space<semaphore_mem>>) {add = true}
        %dma_wait3A_302 = arith.constant 0 : i32
        %dma_wait3A_303 = arith.constant 0 : i32
        %dma_wait3A_304 = tpu.memref_slice %arg20[%dma_wait3A_302, %dma_wait3A_303] : memref<10008x128xf32, #tpu.memory_space<vmem_shared>> -> memref<10008x128xf32, #tpu.memory_space<vmem_shared>>
        tpu.wait_indirect_dma semaphore(%arg24 : memref<!tpu.dma_semaphore, #tpu.memory_space<semaphore_mem>>) src(%arg18 : memref<112x128xf32, #tpu.memory_space<vmem>>) dst(%dma_wait3A_304 : memref<10008x128xf32, #tpu.memory_space<vmem_shared>>)
        %dma_wait3A_305 = arith.constant 0 : i32
        %dma_wait3A_306 = tpu.memref_slice %arg5[%arg1, %add3A_267, %dma_wait3A_305] : memref<16x54x112xi32, #tpu.memory_space<hbm>> -> memref<1x1x112xi32, #tpu.memory_space<hbm>>
        %dma_wait3A_307 = tpu.memref_squeeze %dma_wait3A_306 : memref<1x1x112xi32, #tpu.memory_space<hbm>> -> memref<112xi32, #tpu.memory_space<hbm>>
        %dma_wait3A_308 = arith.constant 0 : i32
        %dma_wait3A_309 = tpu.memref_slice %arg5[%arg1, %add3A_267, %dma_wait3A_308] : memref<16x54x112xi32, #tpu.memory_space<hbm>> -> memref<1x1x112xi32, #tpu.memory_space<hbm>>
        %dma_wait3A_310 = tpu.memref_squeeze %dma_wait3A_309 : memref<1x1x112xi32, #tpu.memory_space<hbm>> -> memref<112xi32, #tpu.memory_space<hbm>>
        tpu.wait_dma2 semaphore(%arg25 : memref<!tpu.dma_semaphore, #tpu.memory_space<semaphore_mem>>) src(%dma_wait3A_310 : memref<112xi32, #tpu.memory_space<hbm>>) dst(%arg13 : memref<112xi32, #tpu.memory_space<vmem>>)
        %dma_wait3A_311 = arith.constant 0 : i32
        %dma_wait3A_312 = tpu.memref_slice %arg6[%arg1, %add3A_275, %dma_wait3A_311] : memref<16x54x112xi32, #tpu.memory_space<hbm>> -> memref<1x1x112xi32, #tpu.memory_space<hbm>>
        %dma_wait3A_313 = tpu.memref_squeeze %dma_wait3A_312 : memref<1x1x112xi32, #tpu.memory_space<hbm>> -> memref<112xi32, #tpu.memory_space<hbm>>
        %dma_wait3A_314 = arith.constant 0 : i32
        %dma_wait3A_315 = tpu.memref_slice %arg6[%arg1, %add3A_275, %dma_wait3A_314] : memref<16x54x112xi32, #tpu.memory_space<hbm>> -> memref<1x1x112xi32, #tpu.memory_space<hbm>>
        %dma_wait3A_316 = tpu.memref_squeeze %dma_wait3A_315 : memref<1x1x112xi32, #tpu.memory_space<hbm>> -> memref<112xi32, #tpu.memory_space<hbm>>
        tpu.wait_dma2 semaphore(%arg25 : memref<!tpu.dma_semaphore, #tpu.memory_space<semaphore_mem>>) src(%dma_wait3A_316 : memref<112xi32, #tpu.memory_space<hbm>>) dst(%arg16 : memref<112xi32, #tpu.memory_space<vmem>>)
        %dma_start3A_317 = arith.constant 0 : i32
        %dma_start3A_318 = arith.constant 0 : i32
        %dma_start3A_319 = tpu.memref_slice %arg2[%dma_start3A_317, %dma_start3A_318] : memref<10000x128xf32, #tpu.memory_space<hbm>> -> memref<10000x128xf32, #tpu.memory_space<hbm>>
        tpu.enqueue_indirect_dma source(%dma_start3A_319 : memref<10000x128xf32, #tpu.memory_space<hbm>>) target(%arg18 : memref<112x128xf32, #tpu.memory_space<vmem>>) offsets(%arg13 : memref<112xi32, #tpu.memory_space<vmem>>) semaphore(%arg22 : memref<!tpu.dma_semaphore, #tpu.memory_space<semaphore_mem>>)
        %mul3A_320 = arith.constant 6 : i32
        %mul3A_321 = arith.muli %scan3A_29, %mul3A_320 : i32
        %add3A_322 = arith.constant 5 : i32
        %add3A_323 = arith.addi %mul3A_321, %add3A_322 : i32
        %get3A_324 = arith.constant 0 : index
        %get3A_325 = tpu.vector_load %arg16[%get3A_324] {strides = array<i32>} : memref<112xi32, #tpu.memory_space<vmem>>, vector<16xi32>,
        tpu.vector_store_idx %arg19[%get3A_325], %broadcast_in_dim3A_18 {add = true} : memref<10008xf32, #tpu.memory_space<vmem>>[vector<16xi32>], vector<16xf32>,
        %get3A_326 = arith.constant 16 : index
        %get3A_327 = tpu.vector_load %arg16[%get3A_326] {strides = array<i32>} : memref<112xi32, #tpu.memory_space<vmem>>, vector<16xi32>,
        tpu.vector_store_idx %arg19[%get3A_327], %broadcast_in_dim3A_18 {add = true} : memref<10008xf32, #tpu.memory_space<vmem>>[vector<16xi32>], vector<16xf32>,
        %get3A_328 = arith.constant 32 : index
        %get3A_329 = tpu.vector_load %arg16[%get3A_328] {strides = array<i32>} : memref<112xi32, #tpu.memory_space<vmem>>, vector<16xi32>,
        tpu.vector_store_idx %arg19[%get3A_329], %broadcast_in_dim3A_18 {add = true} : memref<10008xf32, #tpu.memory_space<vmem>>[vector<16xi32>], vector<16xf32>,
        %get3A_330 = arith.constant 48 : index
        %get3A_331 = tpu.vector_load %arg16[%get3A_330] {strides = array<i32>} : memref<112xi32, #tpu.memory_space<vmem>>, vector<16xi32>,
        tpu.vector_store_idx %arg19[%get3A_331], %broadcast_in_dim3A_18 {add = true} : memref<10008xf32, #tpu.memory_space<vmem>>[vector<16xi32>], vector<16xf32>,
        %get3A_332 = arith.constant 64 : index
        %get3A_333 = tpu.vector_load %arg16[%get3A_332] {strides = array<i32>} : memref<112xi32, #tpu.memory_space<vmem>>, vector<16xi32>,
        tpu.vector_store_idx %arg19[%get3A_333], %broadcast_in_dim3A_18 {add = true} : memref<10008xf32, #tpu.memory_space<vmem>>[vector<16xi32>], vector<16xf32>,
        %get3A_334 = arith.constant 80 : index
        %get3A_335 = tpu.vector_load %arg16[%get3A_334] {strides = array<i32>} : memref<112xi32, #tpu.memory_space<vmem>>, vector<16xi32>,
        tpu.vector_store_idx %arg19[%get3A_335], %broadcast_in_dim3A_18 {add = true} : memref<10008xf32, #tpu.memory_space<vmem>>[vector<16xi32>], vector<16xf32>,
        %get3A_336 = arith.constant 96 : index
        %get3A_337 = tpu.vector_load %arg16[%get3A_336] {strides = array<i32>} : memref<112xi32, #tpu.memory_space<vmem>>, vector<16xi32>,
        tpu.vector_store_idx %arg19[%get3A_337], %broadcast_in_dim3A_18 {add = true} : memref<10008xf32, #tpu.memory_space<vmem>>[vector<16xi32>], vector<16xf32>,
        %dma_wait3A_338 = arith.constant 0 : i32
        %dma_wait3A_339 = arith.constant 0 : i32
        %dma_wait3A_340 = tpu.memref_slice %arg2[%dma_wait3A_338, %dma_wait3A_339] : memref<10000x128xf32, #tpu.memory_space<hbm>> -> memref<10000x128xf32, #tpu.memory_space<hbm>>
        tpu.wait_indirect_dma semaphore(%arg22 : memref<!tpu.dma_semaphore, #tpu.memory_space<semaphore_mem>>) src(%dma_wait3A_340 : memref<10000x128xf32, #tpu.memory_space<hbm>>) dst(%arg18 : memref<112x128xf32, #tpu.memory_space<vmem>>)
        %dma_start3A_341 = arith.constant 0 : i32
        %dma_start3A_342 = arith.constant 0 : i32
        %dma_start3A_343 = tpu.memref_slice %arg20[%dma_start3A_341, %dma_start3A_342] : memref<10008x128xf32, #tpu.memory_space<vmem_shared>> -> memref<10008x128xf32, #tpu.memory_space<vmem_shared>>
        tpu.enqueue_indirect_dma source(%arg18 : memref<112x128xf32, #tpu.memory_space<vmem>>) target(%dma_start3A_343 : memref<10008x128xf32, #tpu.memory_space<vmem_shared>>) offsets(%arg16 : memref<112xi32, #tpu.memory_space<vmem>>) semaphore(%arg24 : memref<!tpu.dma_semaphore, #tpu.memory_space<semaphore_mem>>) {add = true}
        %dma_wait3A_344 = arith.constant 0 : i32
        %dma_wait3A_345 = arith.constant 0 : i32
        %dma_wait3A_346 = tpu.memref_slice %arg20[%dma_wait3A_344, %dma_wait3A_345] : memref<10008x128xf32, #tpu.memory_space<vmem_shared>> -> memref<10008x128xf32, #tpu.memory_space<vmem_shared>>
        tpu.wait_indirect_dma semaphore(%arg23 : memref<!tpu.dma_semaphore, #tpu.memory_space<semaphore_mem>>) src(%arg17 : memref<112x128xf32, #tpu.memory_space<vmem>>) dst(%dma_wait3A_346 : memref<10008x128xf32, #tpu.memory_space<vmem_shared>>)
        %lt3A_347 = arith.constant 8 : i32
        %lt3A_348 = arith.cmpi slt, %scan3A_29, %lt3A_347 : i32
        %convert_element_type3A_349 = arith.extui %lt3A_348 : i1 to i32
        %cond3A_350 = arith.constant 0 : i32
        %cond3A_351 = arith.cmpi ne, %convert_element_type3A_349, %cond3A_350 : i32
        scf.if %cond3A_351 {
          %add3A_352 = arith.constant 1 : i32
          %add3A_353 = arith.addi %add3A_323, %add3A_352 : i32
          %dma_start3A_354 = arith.constant 0 : i32
          %dma_start3A_355 = tpu.memref_slice %arg5[%arg1, %add3A_353, %dma_start3A_354] : memref<16x54x112xi32, #tpu.memory_space<hbm>> -> memref<1x1x112xi32, #tpu.memory_space<hbm>>
          %dma_start3A_356 = tpu.memref_squeeze %dma_start3A_355 : memref<1x1x112xi32, #tpu.memory_space<hbm>> -> memref<112xi32, #tpu.memory_space<hbm>>
          %dma_start3A_357 = arith.constant 0 : i32
          %dma_start3A_358 = tpu.memref_slice %arg5[%arg1, %add3A_353, %dma_start3A_357] : memref<16x54x112xi32, #tpu.memory_space<hbm>> -> memref<1x1x112xi32, #tpu.memory_space<hbm>>
          %dma_start3A_359 = tpu.memref_squeeze %dma_start3A_358 : memref<1x1x112xi32, #tpu.memory_space<hbm>> -> memref<112xi32, #tpu.memory_space<hbm>>
          tpu.enqueue_dma source(%dma_start3A_359 : memref<112xi32, #tpu.memory_space<hbm>>) target(%arg11 : memref<112xi32, #tpu.memory_space<vmem>>) target_semaphore(%arg25 : memref<!tpu.dma_semaphore, #tpu.memory_space<semaphore_mem>>)
          %dma_wait3A_360 = arith.constant 0 : i32
          %dma_wait3A_361 = tpu.memref_slice %arg5[%arg1, %add3A_353, %dma_wait3A_360] : memref<16x54x112xi32, #tpu.memory_space<hbm>> -> memref<1x1x112xi32, #tpu.memory_space<hbm>>
          %dma_wait3A_362 = tpu.memref_squeeze %dma_wait3A_361 : memref<1x1x112xi32, #tpu.memory_space<hbm>> -> memref<112xi32, #tpu.memory_space<hbm>>
          %dma_wait3A_363 = arith.constant 0 : i32
          %dma_wait3A_364 = tpu.memref_slice %arg5[%arg1, %add3A_353, %dma_wait3A_363] : memref<16x54x112xi32, #tpu.memory_space<hbm>> -> memref<1x1x112xi32, #tpu.memory_space<hbm>>
          %dma_wait3A_365 = tpu.memref_squeeze %dma_wait3A_364 : memref<1x1x112xi32, #tpu.memory_space<hbm>> -> memref<112xi32, #tpu.memory_space<hbm>>
          tpu.wait_dma2 semaphore(%arg25 : memref<!tpu.dma_semaphore, #tpu.memory_space<semaphore_mem>>) src(%dma_wait3A_365 : memref<112xi32, #tpu.memory_space<hbm>>) dst(%arg11 : memref<112xi32, #tpu.memory_space<vmem>>)
          %add3A_366 = arith.constant 1 : i32
          %add3A_367 = arith.addi %add3A_323, %add3A_366 : i32
          %dma_start3A_368 = arith.constant 0 : i32
          %dma_start3A_369 = tpu.memref_slice %arg6[%arg1, %add3A_367, %dma_start3A_368] : memref<16x54x112xi32, #tpu.memory_space<hbm>> -> memref<1x1x112xi32, #tpu.memory_space<hbm>>
          %dma_start3A_370 = tpu.memref_squeeze %dma_start3A_369 : memref<1x1x112xi32, #tpu.memory_space<hbm>> -> memref<112xi32, #tpu.memory_space<hbm>>
          %dma_start3A_371 = arith.constant 0 : i32
          %dma_start3A_372 = tpu.memref_slice %arg6[%arg1, %add3A_367, %dma_start3A_371] : memref<16x54x112xi32, #tpu.memory_space<hbm>> -> memref<1x1x112xi32, #tpu.memory_space<hbm>>
          %dma_start3A_373 = tpu.memref_squeeze %dma_start3A_372 : memref<1x1x112xi32, #tpu.memory_space<hbm>> -> memref<112xi32, #tpu.memory_space<hbm>>
          tpu.enqueue_dma source(%dma_start3A_373 : memref<112xi32, #tpu.memory_space<hbm>>) target(%arg14 : memref<112xi32, #tpu.memory_space<vmem>>) target_semaphore(%arg25 : memref<!tpu.dma_semaphore, #tpu.memory_space<semaphore_mem>>)
          %dma_wait3A_374 = arith.constant 0 : i32
          %dma_wait3A_375 = tpu.memref_slice %arg6[%arg1, %add3A_367, %dma_wait3A_374] : memref<16x54x112xi32, #tpu.memory_space<hbm>> -> memref<1x1x112xi32, #tpu.memory_space<hbm>>
          %dma_wait3A_376 = tpu.memref_squeeze %dma_wait3A_375 : memref<1x1x112xi32, #tpu.memory_space<hbm>> -> memref<112xi32, #tpu.memory_space<hbm>>
          %dma_wait3A_377 = arith.constant 0 : i32
          %dma_wait3A_378 = tpu.memref_slice %arg6[%arg1, %add3A_367, %dma_wait3A_377] : memref<16x54x112xi32, #tpu.memory_space<hbm>> -> memref<1x1x112xi32, #tpu.memory_space<hbm>>
          %dma_wait3A_379 = tpu.memref_squeeze %dma_wait3A_378 : memref<1x1x112xi32, #tpu.memory_space<hbm>> -> memref<112xi32, #tpu.memory_space<hbm>>
          tpu.wait_dma2 semaphore(%arg25 : memref<!tpu.dma_semaphore, #tpu.memory_space<semaphore_mem>>) src(%dma_wait3A_379 : memref<112xi32, #tpu.memory_space<hbm>>) dst(%arg14 : memref<112xi32, #tpu.memory_space<vmem>>)
          %dma_start3A_380 = arith.constant 0 : i32
          %dma_start3A_381 = arith.constant 0 : i32
          %dma_start3A_382 = tpu.memref_slice %arg2[%dma_start3A_380, %dma_start3A_381] : memref<10000x128xf32, #tpu.memory_space<hbm>> -> memref<10000x128xf32, #tpu.memory_space<hbm>>
          tpu.enqueue_indirect_dma source(%dma_start3A_382 : memref<10000x128xf32, #tpu.memory_space<hbm>>) target(%arg17 : memref<112x128xf32, #tpu.memory_space<vmem>>) offsets(%arg11 : memref<112xi32, #tpu.memory_space<vmem>>) semaphore(%arg21 : memref<!tpu.dma_semaphore, #tpu.memory_space<semaphore_mem>>)
        } else {
        }
      }
      %scan3A_26 = arith.constant 9 : i32
      %dma_wait3A = arith.constant 0 : i32
      %dma_wait3A_27 = arith.constant 0 : i32
      %dma_wait3A_28 = tpu.memref_slice %arg20[%dma_wait3A, %dma_wait3A_27] : memref<10008x128xf32, #tpu.memory_space<vmem_shared>> -> memref<10008x128xf32, #tpu.memory_space<vmem_shared>>
      tpu.wait_indirect_dma semaphore(%arg24 : memref<!tpu.dma_semaphore, #tpu.memory_space<semaphore_mem>>) src(%arg18 : memref<112x128xf32, #tpu.memory_space<vmem>>) dst(%dma_wait3A_28 : memref<10008x128xf32, #tpu.memory_space<vmem_shared>>)
    } else {
    }
    %barrier3A_11 = arith.constant 0 : index
    tpu.barrier barrier_id(%barrier3A_11)
    %lt3A_12 = arith.constant 10 : i32
    %lt3A_13 = arith.cmpi slt, %arg1, %lt3A_12 : i32
    %convert_element_type3A_14 = arith.extui %lt3A_13 : i1 to i32
    %cond3A_15 = arith.constant 0 : i32
    %cond3A_16 = arith.cmpi ne, %convert_element_type3A_14, %cond3A_15 : i32
    scf.if %cond3A_16 {
      %mul3A_18 = arith.constant 1000 : i32
      %mul3A_19 = arith.muli %arg1, %mul3A_18 : i32
      %mul3A_20 = arith.constant 1000 : i32
      %mul3A_21 = arith.muli %arg1, %mul3A_20 : i32
      "tpu.region"() ({
        %run_scoped3A = tpu.sem_alloc : memref<!tpu.dma_semaphore, #tpu.memory_space<semaphore_mem>>
        %dma_start3A = arith.constant 0 : i32
        %dma_start3A_22 = tpu.memref_slice %arg9[%arg0, %mul3A_21, %dma_start3A] : memref<2x10000x128xf32, #tpu.memory_space<hbm>> -> memref<1x1000x128xf32, #tpu.memory_space<hbm>>
        %dma_start3A_23 = tpu.memref_squeeze %dma_start3A_22 : memref<1x1000x128xf32, #tpu.memory_space<hbm>> -> memref<1000x128xf32, #tpu.memory_space<hbm>>
        %dma_start3A_24 = arith.constant 0 : i32
        %dma_start3A_25 = tpu.memref_slice %arg20[%mul3A_19, %dma_start3A_24] : memref<10008x128xf32, #tpu.memory_space<vmem_shared>> -> memref<1000x128xf32, #tpu.memory_space<vmem_shared>>
        tpu.enqueue_dma source(%dma_start3A_25 : memref<1000x128xf32, #tpu.memory_space<vmem_shared>>) target(%dma_start3A_23 : memref<1000x128xf32, #tpu.memory_space<hbm>>) target_semaphore(%run_scoped3A : memref<!tpu.dma_semaphore, #tpu.memory_space<semaphore_mem>>)
        %dma_wait3A = arith.constant 0 : i32
        %dma_wait3A_26 = tpu.memref_slice %arg9[%arg0, %mul3A_21, %dma_wait3A] : memref<2x10000x128xf32, #tpu.memory_space<hbm>> -> memref<1x1000x128xf32, #tpu.memory_space<hbm>>
        %dma_wait3A_27 = tpu.memref_squeeze %dma_wait3A_26 : memref<1x1000x128xf32, #tpu.memory_space<hbm>> -> memref<1000x128xf32, #tpu.memory_space<hbm>>
        %dma_wait3A_28 = arith.constant 0 : i32
        %dma_wait3A_29 = tpu.memref_slice %arg20[%mul3A_19, %dma_wait3A_28] : memref<10008x128xf32, #tpu.memory_space<vmem_shared>> -> memref<1000x128xf32, #tpu.memory_space<vmem_shared>>
        tpu.wait_dma2 semaphore(%run_scoped3A : memref<!tpu.dma_semaphore, #tpu.memory_space<semaphore_mem>>) src(%dma_wait3A_29 : memref<1000x128xf32, #tpu.memory_space<vmem_shared>>) dst(%dma_wait3A_27 : memref<1000x128xf32, #tpu.memory_space<hbm>>)
        tpu.yield
      }) : () -> ()
    } else {
    }
    %mul3A = arith.constant 16 : i32
    %mul3A_17 = arith.muli %arg0, %mul3A : i32
    %add3A = arith.addi %mul3A_17, %arg1 : i32
    "tpu.region"() ({
      %run_scoped3A = tpu.sem_alloc : memref<!tpu.dma_semaphore, #tpu.memory_space<semaphore_mem>>
      %dma_start3A = arith.constant 0 : i32
      %dma_start3A_18 = tpu.memref_slice %arg10[%add3A, %dma_start3A] : memref<32x10008xf32, #tpu.memory_space<hbm>> -> memref<1x10008xf32, #tpu.memory_space<hbm>>
      %dma_start3A_19 = tpu.memref_squeeze %dma_start3A_18 : memref<1x10008xf32, #tpu.memory_space<hbm>> -> memref<10008xf32, #tpu.memory_space<hbm>>
      %dma_start3A_20 = arith.constant 0 : i32
      %dma_start3A_21 = tpu.memref_slice %arg10[%add3A, %dma_start3A_20] : memref<32x10008xf32, #tpu.memory_space<hbm>> -> memref<1x10008xf32, #tpu.memory_space<hbm>>
      %dma_start3A_22 = tpu.memref_squeeze %dma_start3A_21 : memref<1x10008xf32, #tpu.memory_space<hbm>> -> memref<10008xf32, #tpu.memory_space<hbm>>
      tpu.enqueue_dma source(%arg19 : memref<10008xf32, #tpu.memory_space<vmem>>) target(%dma_start3A_22 : memref<10008xf32, #tpu.memory_space<hbm>>) target_semaphore(%run_scoped3A : memref<!tpu.dma_semaphore, #tpu.memory_space<semaphore_mem>>)
      %dma_wait3A = arith.constant 0 : i32
      %dma_wait3A_23 = tpu.memref_slice %arg10[%add3A, %dma_wait3A] : memref<32x10008xf32, #tpu.memory_space<hbm>> -> memref<1x10008xf32, #tpu.memory_space<hbm>>
      %dma_wait3A_24 = tpu.memref_squeeze %dma_wait3A_23 : memref<1x10008xf32, #tpu.memory_space<hbm>> -> memref<10008xf32, #tpu.memory_space<hbm>>
      %dma_wait3A_25 = arith.constant 0 : i32
      %dma_wait3A_26 = tpu.memref_slice %arg10[%add3A, %dma_wait3A_25] : memref<32x10008xf32, #tpu.memory_space<hbm>> -> memref<1x10008xf32, #tpu.memory_space<hbm>>
      %dma_wait3A_27 = tpu.memref_squeeze %dma_wait3A_26 : memref<1x10008xf32, #tpu.memory_space<hbm>> -> memref<10008xf32, #tpu.memory_space<hbm>>
      tpu.wait_dma2 semaphore(%run_scoped3A : memref<!tpu.dma_semaphore, #tpu.memory_space<semaphore_mem>>) src(%arg19 : memref<10008xf32, #tpu.memory_space<vmem>>) dst(%dma_wait3A_27 : memref<10008xf32, #tpu.memory_space<hbm>>)
      tpu.yield
    }) : () -> ()
    return
  }
}

module attributes {stable_mosaic.version = 14 : i64} {
  func.func @_proj_body(%arg0: i32, %arg1: memref<2000x128xf32, #tpu.memory_space<vmem>>, %arg2: memref<128x128xf32, #tpu.memory_space<vmem>>, %arg3: memref<1x128xf32, #tpu.memory_space<vmem>>, %arg4: memref<2000x128xf32, #tpu.memory_space<vmem>>) attributes {dimension_semantics = [#tpu.dimension_semantics<arbitrary>], iteration_bounds = array<i64: 5>, scalar_prefetch = 0 : i64, scratch_operands = 0 : i64, tpu.core_type = #tpu.core_type<tc>, window_params = [{transform_indices = @transform_0, window_bounds = array<i64: 2000, 128>}, {pipeline_mode = #tpu.pipeline_mode<synchronous>, transform_indices = @transform_1, window_bounds = array<i64: 128, 128>}, {pipeline_mode = #tpu.pipeline_mode<synchronous>, transform_indices = @transform_2, window_bounds = array<i64: 1, 128>}, {transform_indices = @transform_3, window_bounds = array<i64: 2000, 128>}]} {
    %get3A = arith.constant 0 : index
    %get3A_0 = arith.constant 0 : index
    %get3A_1 = vector.load %arg1[%get3A, %get3A_0] : memref<2000x128xf32, #tpu.memory_space<vmem>>, vector<2000x128xf32>
    %get3A_2 = arith.constant 0 : index
    %get3A_3 = arith.constant 0 : index
    %get3A_4 = vector.load %arg2[%get3A_2, %get3A_3] : memref<128x128xf32, #tpu.memory_space<vmem>>, vector<128x128xf32>
    %dot_general3A = arith.constant dense<0.000000e+00> : vector<2000x128xf32>
    %dot_general3A_5 = tpu.matmul %get3A_1, %get3A_4, %dot_general3A {dimension_numbers = #tpu.dot_dimension_numbers<[1], [0], [0], [1], [0, 0, 1, 1], [], []>, transpose_lhs_hint = false} : vector<2000x128xf32>, vector<128x128xf32>, vector<2000x128xf32> -> vector<2000x128xf32>
    %get3A_6 = arith.constant 0 : index
    %get3A_7 = arith.constant 0 : index
    %get3A_8 = vector.load %arg3[%get3A_6, %get3A_7] : memref<1x128xf32, #tpu.memory_space<vmem>>, vector<1x128xf32>
    %add3A = vector.broadcast %get3A_8 : vector<1x128xf32> to vector<2000x128xf32>
    %add3A_9 = arith.addf %dot_general3A_5, %add3A : vector<2000x128xf32>
    %swap3A = arith.constant 0 : index
    %swap3A_10 = arith.constant 0 : index
    %swap3A_11 = vector.load %arg4[%swap3A, %swap3A_10] : memref<2000x128xf32, #tpu.memory_space<vmem>>, vector<2000x128xf32>
    tpu.vector_store %arg4[%swap3A, %swap3A_10], %add3A_9 {strides = array<i32>} : memref<2000x128xf32, #tpu.memory_space<vmem>>, vector<2000x128xf32>,
    return
  }
  func.func @transform_0(%arg0: i32) -> (i32, i32) {
    %c0_i32 = arith.constant 0 : i32
    %c0_i32_0 = arith.constant 0 : i32
    return %arg0, %c0_i32 : i32, i32
  }
  func.func @transform_1(%arg0: i32) -> (i32, i32) {
    %c0_i32 = arith.constant 0 : i32
    %c0_i32_0 = arith.constant 0 : i32
    %c0_i32_1 = arith.constant 0 : i32
    return %c0_i32, %c0_i32_0 : i32, i32
  }
  func.func @transform_2(%arg0: i32) -> (i32, i32) {
    %c0_i32 = arith.constant 0 : i32
    %c0_i32_0 = arith.constant 0 : i32
    %c0_i32_1 = arith.constant 0 : i32
    return %c0_i32, %c0_i32_0 : i32, i32
  }
  func.func @transform_3(%arg0: i32) -> (i32, i32) {
    %c0_i32 = arith.constant 0 : i32
    %c0_i32_0 = arith.constant 0 : i32
    return %arg0, %c0_i32 : i32, i32
  }
}

module attributes {stable_mosaic.version = 14 : i64} {
  func.func @_combine_body(%arg0: i32, %arg1: memref<2x2000x128xf32, #tpu.memory_space<vmem>>, %arg2: memref<1x32x2000xf32, #tpu.memory_space<vmem>>, %arg3: memref<2000x128xf32, #tpu.memory_space<vmem>>, %arg4: memref<128x128xf32, #tpu.memory_space<vmem>>, %arg5: memref<128x128xf32, #tpu.memory_space<vmem>>, %arg6: memref<1x128xf32, #tpu.memory_space<vmem>>, %arg7: memref<1x128xf32, #tpu.memory_space<vmem>>, %arg8: memref<1x128xf32, #tpu.memory_space<vmem>>, %arg9: memref<2000x128xf32, #tpu.memory_space<vmem>>) attributes {dimension_semantics = [#tpu.dimension_semantics<arbitrary>], iteration_bounds = array<i64: 5>, scalar_prefetch = 0 : i64, scratch_operands = 0 : i64, tpu.core_type = #tpu.core_type<tc>, window_params = [{transform_indices = @transform_0, window_bounds = array<i64: 2, 2000, 128>}, {transform_indices = @transform_1, window_bounds = array<i64: 1, 32, 2000>}, {transform_indices = @transform_2, window_bounds = array<i64: 2000, 128>}, {pipeline_mode = #tpu.pipeline_mode<synchronous>, transform_indices = @transform_3, window_bounds = array<i64: 128, 128>}, {pipeline_mode = #tpu.pipeline_mode<synchronous>, transform_indices = @transform_4, window_bounds = array<i64: 128, 128>}, {pipeline_mode = #tpu.pipeline_mode<synchronous>, transform_indices = @transform_5, window_bounds = array<i64: 1, 128>}, {pipeline_mode = #tpu.pipeline_mode<synchronous>, transform_indices = @transform_6, window_bounds = array<i64: 1, 128>}, {pipeline_mode = #tpu.pipeline_mode<synchronous>, transform_indices = @transform_7, window_bounds = array<i64: 1, 128>}, {transform_indices = @transform_8, window_bounds = array<i64: 2000, 128>}]} {
    %get3A = arith.constant 0 : index
    %get3A_0 = arith.constant 0 : index
    %get3A_1 = arith.constant 0 : index
    %get3A_2 = vector.load %arg1[%get3A, %get3A_0, %get3A_1] : memref<2x2000x128xf32, #tpu.memory_space<vmem>>, vector<1x2000x128xf32>
    %get3A_3 = vector.shape_cast %get3A_2 : vector<1x2000x128xf32> to vector<2000x128xf32>
    %get3A_4 = arith.constant 1 : index
    %get3A_5 = arith.constant 0 : index
    %get3A_6 = arith.constant 0 : index
    %get3A_7 = vector.load %arg1[%get3A_4, %get3A_5, %get3A_6] : memref<2x2000x128xf32, #tpu.memory_space<vmem>>, vector<1x2000x128xf32>
    %get3A_8 = vector.shape_cast %get3A_7 : vector<1x2000x128xf32> to vector<2000x128xf32>
    %add3A = arith.addf %get3A_3, %get3A_8 : vector<2000x128xf32>
    %get3A_9 = arith.constant 0 : index
    %get3A_10 = arith.constant 0 : index
    %get3A_11 = arith.constant 0 : index
    %get3A_12 = vector.load %arg2[%get3A_9, %get3A_10, %get3A_11] : memref<1x32x2000xf32, #tpu.memory_space<vmem>>, vector<1x32x2000xf32>
    %get3A_13 = vector.shape_cast %get3A_12 : vector<1x32x2000xf32> to vector<32x2000xf32>
    %reduce_sum3A = arith.constant dense<0.000000e+00> : vector<2000xf32>
    %reduce_sum3A_14 = vector.multi_reduction <add>, %get3A_13, %reduce_sum3A [0] : vector<32x2000xf32> to vector<2000xf32>
    %max3A = arith.constant 1.000000e+00 : f32
    %max3A_15 = vector.broadcast %max3A : f32 to vector<2000xf32>
    %max3A_16 = arith.maximumf %reduce_sum3A_14, %max3A_15 : vector<2000xf32>
    %broadcast_in_dim3A = vector.shape_cast %max3A_16 : vector<2000xf32> to vector<2000x1xf32>
    %div3A = vector.broadcast %broadcast_in_dim3A : vector<2000x1xf32> to vector<2000x128xf32>
    %div3A_17 = arith.divf %add3A, %div3A : vector<2000x128xf32>
    %get3A_18 = arith.constant 0 : index
    %get3A_19 = arith.constant 0 : index
    %get3A_20 = vector.load %arg4[%get3A_18, %get3A_19] : memref<128x128xf32, #tpu.memory_space<vmem>>, vector<128x128xf32>
    %dot_general3A = arith.constant dense<0.000000e+00> : vector<2000x128xf32>
    %dot_general3A_21 = tpu.matmul %div3A_17, %get3A_20, %dot_general3A {dimension_numbers = #tpu.dot_dimension_numbers<[1], [0], [0], [1], [0, 0, 1, 1], [], []>, transpose_lhs_hint = false} : vector<2000x128xf32>, vector<128x128xf32>, vector<2000x128xf32> -> vector<2000x128xf32>
    %get3A_22 = arith.constant 0 : index
    %get3A_23 = arith.constant 0 : index
    %get3A_24 = vector.load %arg3[%get3A_22, %get3A_23] : memref<2000x128xf32, #tpu.memory_space<vmem>>, vector<2000x128xf32>
    %get3A_25 = arith.constant 0 : index
    %get3A_26 = arith.constant 0 : index
    %get3A_27 = vector.load %arg5[%get3A_25, %get3A_26] : memref<128x128xf32, #tpu.memory_space<vmem>>, vector<128x128xf32>
    %dot_general3A_28 = arith.constant dense<0.000000e+00> : vector<2000x128xf32>
    %dot_general3A_29 = tpu.matmul %get3A_24, %get3A_27, %dot_general3A_28 {dimension_numbers = #tpu.dot_dimension_numbers<[1], [0], [0], [1], [0, 0, 1, 1], [], []>, transpose_lhs_hint = false} : vector<2000x128xf32>, vector<128x128xf32>, vector<2000x128xf32> -> vector<2000x128xf32>
    %add3A_30 = arith.addf %dot_general3A_21, %dot_general3A_29 : vector<2000x128xf32>
    %get3A_31 = arith.constant 0 : index
    %get3A_32 = arith.constant 0 : index
    %get3A_33 = vector.load %arg6[%get3A_31, %get3A_32] : memref<1x128xf32, #tpu.memory_space<vmem>>, vector<1x128xf32>
    %add3A_34 = vector.broadcast %get3A_33 : vector<1x128xf32> to vector<2000x128xf32>
    %add3A_35 = arith.addf %add3A_30, %add3A_34 : vector<2000x128xf32>
    %gt3A = arith.constant 0.000000e+00 : f32
    %gt3A_36 = vector.broadcast %gt3A : f32 to vector<2000x128xf32>
    %gt3A_37 = arith.cmpf ogt, %add3A_35, %gt3A_36 : vector<2000x128xf32>
    %min3A = arith.constant 0.000000e+00 : f32
    %min3A_38 = vector.broadcast %min3A : f32 to vector<2000x128xf32>
    %min3A_39 = arith.minimumf %add3A_35, %min3A_38 : vector<2000x128xf32>
    %exp3A = math.exp %min3A_39 : vector<2000x128xf32>
    %sub3A = arith.constant 1.000000e+00 : f32
    %sub3A_40 = vector.broadcast %sub3A : f32 to vector<2000x128xf32>
    %sub3A_41 = arith.subf %exp3A, %sub3A_40 : vector<2000x128xf32>
    %select_n3A = arith.select %gt3A_37, %add3A_35, %sub3A_41 : vector<2000x128xi1>, vector<2000x128xf32>
    %reduce_sum3A_42 = arith.constant dense<0.000000e+00> : vector<2000xf32>
    %reduce_sum3A_43 = vector.multi_reduction <add>, %select_n3A, %reduce_sum3A_42 [1] : vector<2000x128xf32> to vector<2000xf32>
    %broadcast_in_dim3A_44 = vector.shape_cast %reduce_sum3A_43 : vector<2000xf32> to vector<2000x1xf32>
    %div3A_45 = arith.constant 1.280000e+02 : f32
    %div3A_46 = vector.broadcast %div3A_45 : f32 to vector<2000x1xf32>
    %div3A_47 = arith.divf %broadcast_in_dim3A_44, %div3A_46 : vector<2000x1xf32>
    %sub3A_48 = vector.broadcast %div3A_47 : vector<2000x1xf32> to vector<2000x128xf32>
    %sub3A_49 = arith.subf %select_n3A, %sub3A_48 : vector<2000x128xf32>
    %integer_pow3A = arith.mulf %sub3A_49, %sub3A_49 : vector<2000x128xf32>
    %reduce_sum3A_50 = arith.constant dense<0.000000e+00> : vector<2000xf32>
    %reduce_sum3A_51 = vector.multi_reduction <add>, %integer_pow3A, %reduce_sum3A_50 [1] : vector<2000x128xf32> to vector<2000xf32>
    %broadcast_in_dim3A_52 = vector.shape_cast %reduce_sum3A_51 : vector<2000xf32> to vector<2000x1xf32>
    %div3A_53 = arith.constant 1.280000e+02 : f32
    %div3A_54 = vector.broadcast %div3A_53 : f32 to vector<2000x1xf32>
    %div3A_55 = arith.divf %broadcast_in_dim3A_52, %div3A_54 : vector<2000x1xf32>
    %sub3A_56 = vector.broadcast %div3A_47 : vector<2000x1xf32> to vector<2000x128xf32>
    %sub3A_57 = arith.subf %select_n3A, %sub3A_56 : vector<2000x128xf32>
    %add3A_58 = arith.constant 9.99999974E-6 : f32
    %add3A_59 = vector.broadcast %add3A_58 : f32 to vector<2000x1xf32>
    %add3A_60 = arith.addf %div3A_55, %add3A_59 : vector<2000x1xf32>
    %sqrt3A = math.sqrt %add3A_60 : vector<2000x1xf32>
    %div3A_61 = vector.broadcast %sqrt3A : vector<2000x1xf32> to vector<2000x128xf32>
    %div3A_62 = arith.divf %sub3A_57, %div3A_61 : vector<2000x128xf32>
    %get3A_63 = arith.constant 0 : index
    %get3A_64 = arith.constant 0 : index
    %get3A_65 = vector.load %arg7[%get3A_63, %get3A_64] : memref<1x128xf32, #tpu.memory_space<vmem>>, vector<1x128xf32>
    %mul3A = vector.broadcast %get3A_65 : vector<1x128xf32> to vector<2000x128xf32>
    %mul3A_66 = arith.mulf %div3A_62, %mul3A : vector<2000x128xf32>
    %get3A_67 = arith.constant 0 : index
    %get3A_68 = arith.constant 0 : index
    %get3A_69 = vector.load %arg8[%get3A_67, %get3A_68] : memref<1x128xf32, #tpu.memory_space<vmem>>, vector<1x128xf32>
    %add3A_70 = vector.broadcast %get3A_69 : vector<1x128xf32> to vector<2000x128xf32>
    %add3A_71 = arith.addf %mul3A_66, %add3A_70 : vector<2000x128xf32>
    %swap3A = arith.constant 0 : index
    %swap3A_72 = arith.constant 0 : index
    %swap3A_73 = vector.load %arg9[%swap3A, %swap3A_72] : memref<2000x128xf32, #tpu.memory_space<vmem>>, vector<2000x128xf32>
    tpu.vector_store %arg9[%swap3A, %swap3A_72], %add3A_71 {strides = array<i32>} : memref<2000x128xf32, #tpu.memory_space<vmem>>, vector<2000x128xf32>,
    return
  }
  func.func @transform_0(%arg0: i32) -> (i32, i32, i32) {
    %c0_i32 = arith.constant 0 : i32
    %c0_i32_0 = arith.constant 0 : i32
    %c0_i32_1 = arith.constant 0 : i32
    return %c0_i32, %arg0, %c0_i32_0 : i32, i32, i32
  }
  func.func @transform_1(%arg0: i32) -> (i32, i32, i32) {
    %c0_i32 = arith.constant 0 : i32
    %c0_i32_0 = arith.constant 0 : i32
    %c0_i32_1 = arith.constant 0 : i32
    return %arg0, %c0_i32, %c0_i32_0 : i32, i32, i32
  }
  func.func @transform_2(%arg0: i32) -> (i32, i32) {
    %c0_i32 = arith.constant 0 : i32
    %c0_i32_0 = arith.constant 0 : i32
    return %arg0, %c0_i32 : i32, i32
  }
  func.func @transform_3(%arg0: i32) -> (i32, i32) {
    %c0_i32 = arith.constant 0 : i32
    %c0_i32_0 = arith.constant 0 : i32
    %c0_i32_1 = arith.constant 0 : i32
    return %c0_i32, %c0_i32_0 : i32, i32
  }
  func.func @transform_4(%arg0: i32) -> (i32, i32) {
    %c0_i32 = arith.constant 0 : i32
    %c0_i32_0 = arith.constant 0 : i32
    %c0_i32_1 = arith.constant 0 : i32
    return %c0_i32, %c0_i32_0 : i32, i32
  }
  func.func @transform_5(%arg0: i32) -> (i32, i32) {
    %c0_i32 = arith.constant 0 : i32
    %c0_i32_0 = arith.constant 0 : i32
    %c0_i32_1 = arith.constant 0 : i32
    return %c0_i32, %c0_i32_0 : i32, i32
  }
  func.func @transform_6(%arg0: i32) -> (i32, i32) {
    %c0_i32 = arith.constant 0 : i32
    %c0_i32_0 = arith.constant 0 : i32
    %c0_i32_1 = arith.constant 0 : i32
    return %c0_i32, %c0_i32_0 : i32, i32
  }
  func.func @transform_7(%arg0: i32) -> (i32, i32) {
    %c0_i32 = arith.constant 0 : i32
    %c0_i32_0 = arith.constant 0 : i32
    %c0_i32_1 = arith.constant 0 : i32
    return %c0_i32, %c0_i32_0 : i32, i32
  }
  func.func @transform_8(%arg0: i32) -> (i32, i32) {
    %c0_i32 = arith.constant 0 : i32
    %c0_i32_0 = arith.constant 0 : i32
    return %arg0, %c0_i32 : i32, i32
  }
}

module attributes {stable_mosaic.version = 14 : i64} {
  func.func @_combine_pool_body(%arg0: i32, %arg1: memref<2x2000x128xf32, #tpu.memory_space<vmem>>, %arg2: memref<1x32x2000xf32, #tpu.memory_space<vmem>>, %arg3: memref<2000x128xf32, #tpu.memory_space<vmem>>, %arg4: memref<128x128xf32, #tpu.memory_space<vmem>>, %arg5: memref<128x128xf32, #tpu.memory_space<vmem>>, %arg6: memref<1x128xf32, #tpu.memory_space<vmem>>, %arg7: memref<1x128xf32, #tpu.memory_space<vmem>>, %arg8: memref<1x128xf32, #tpu.memory_space<vmem>>, %arg9: memref<1x1x2000xi32, #tpu.memory_space<vmem>>, %arg10: memref<128x128xf32, #tpu.memory_space<vmem>>, %arg11: memref<1x128xf32, #tpu.memory_space<vmem>>, %arg12: memref<256x128xf32, #tpu.memory_space<vmem>>, %arg13: memref<256x128xf32, #tpu.memory_space<vmem>>, %arg14: memref<256x128xf32, #tpu.memory_space<vmem>>) attributes {dimension_semantics = [#tpu.dimension_semantics<arbitrary>], iteration_bounds = array<i64: 5>, scalar_prefetch = 0 : i64, scratch_operands = 2 : i64, tpu.core_type = #tpu.core_type<tc>, window_params = [{transform_indices = @transform_0, window_bounds = array<i64: 2, 2000, 128>}, {transform_indices = @transform_1, window_bounds = array<i64: 1, 32, 2000>}, {transform_indices = @transform_2, window_bounds = array<i64: 2000, 128>}, {pipeline_mode = #tpu.pipeline_mode<synchronous>, transform_indices = @transform_3, window_bounds = array<i64: 128, 128>}, {pipeline_mode = #tpu.pipeline_mode<synchronous>, transform_indices = @transform_4, window_bounds = array<i64: 128, 128>}, {pipeline_mode = #tpu.pipeline_mode<synchronous>, transform_indices = @transform_5, window_bounds = array<i64: 1, 128>}, {pipeline_mode = #tpu.pipeline_mode<synchronous>, transform_indices = @transform_6, window_bounds = array<i64: 1, 128>}, {pipeline_mode = #tpu.pipeline_mode<synchronous>, transform_indices = @transform_7, window_bounds = array<i64: 1, 128>}, {transform_indices = @transform_8, window_bounds = array<i64: 1, 1, 2000>}, {pipeline_mode = #tpu.pipeline_mode<synchronous>, transform_indices = @transform_9, window_bounds = array<i64: 128, 128>}, {pipeline_mode = #tpu.pipeline_mode<synchronous>, transform_indices = @transform_10, window_bounds = array<i64: 1, 128>}, {pipeline_mode = #tpu.pipeline_mode<synchronous>, transform_indices = @transform_11, window_bounds = array<i64: 256, 128>}]} {
    %eq3A = arith.constant 0 : i32
    %eq3A_0 = arith.cmpi eq, %arg0, %eq3A : i32
    %convert_element_type3A = arith.extui %eq3A_0 : i1 to i32
    %cond3A = arith.constant 0 : i32
    %cond3A_1 = arith.cmpi ne, %convert_element_type3A, %cond3A : i32
    scf.if %cond3A_1 {
      %broadcast_in_dim3A_109 = arith.constant 0.000000e+00 : f32
      %broadcast_in_dim3A_110 = vector.broadcast %broadcast_in_dim3A_109 : f32 to vector<256x128xf32>
      %swap3A_111 = arith.constant 0 : index
      %swap3A_112 = arith.constant 0 : index
      %swap3A_113 = vector.load %arg13[%swap3A_111, %swap3A_112] : memref<256x128xf32, #tpu.memory_space<vmem>>, vector<256x128xf32>
      tpu.vector_store %arg13[%swap3A_111, %swap3A_112], %broadcast_in_dim3A_110 {strides = array<i32>} : memref<256x128xf32, #tpu.memory_space<vmem>>, vector<256x128xf32>,
      %broadcast_in_dim3A_114 = arith.constant 0.000000e+00 : f32
      %broadcast_in_dim3A_115 = vector.broadcast %broadcast_in_dim3A_114 : f32 to vector<256x128xf32>
      %swap3A_116 = arith.constant 0 : index
      %swap3A_117 = arith.constant 0 : index
      %swap3A_118 = vector.load %arg14[%swap3A_116, %swap3A_117] : memref<256x128xf32, #tpu.memory_space<vmem>>, vector<256x128xf32>
      tpu.vector_store %arg14[%swap3A_116, %swap3A_117], %broadcast_in_dim3A_115 {strides = array<i32>} : memref<256x128xf32, #tpu.memory_space<vmem>>, vector<256x128xf32>,
    } else {
    }
    %get3A = arith.constant 0 : index
    %get3A_2 = arith.constant 0 : index
    %get3A_3 = arith.constant 0 : index
    %get3A_4 = vector.load %arg1[%get3A, %get3A_2, %get3A_3] : memref<2x2000x128xf32, #tpu.memory_space<vmem>>, vector<1x2000x128xf32>
    %get3A_5 = vector.shape_cast %get3A_4 : vector<1x2000x128xf32> to vector<2000x128xf32>
    %get3A_6 = arith.constant 1 : index
    %get3A_7 = arith.constant 0 : index
    %get3A_8 = arith.constant 0 : index
    %get3A_9 = vector.load %arg1[%get3A_6, %get3A_7, %get3A_8] : memref<2x2000x128xf32, #tpu.memory_space<vmem>>, vector<1x2000x128xf32>
    %get3A_10 = vector.shape_cast %get3A_9 : vector<1x2000x128xf32> to vector<2000x128xf32>
    %add3A = arith.addf %get3A_5, %get3A_10 : vector<2000x128xf32>
    %get3A_11 = arith.constant 0 : index
    %get3A_12 = arith.constant 0 : index
    %get3A_13 = arith.constant 0 : index
    %get3A_14 = vector.load %arg2[%get3A_11, %get3A_12, %get3A_13] : memref<1x32x2000xf32, #tpu.memory_space<vmem>>, vector<1x32x2000xf32>
    %get3A_15 = vector.shape_cast %get3A_14 : vector<1x32x2000xf32> to vector<32x2000xf32>
    %reduce_sum3A = arith.constant dense<0.000000e+00> : vector<2000xf32>
    %reduce_sum3A_16 = vector.multi_reduction <add>, %get3A_15, %reduce_sum3A [0] : vector<32x2000xf32> to vector<2000xf32>
    %max3A = arith.constant 1.000000e+00 : f32
    %max3A_17 = vector.broadcast %max3A : f32 to vector<2000xf32>
    %max3A_18 = arith.maximumf %reduce_sum3A_16, %max3A_17 : vector<2000xf32>
    %broadcast_in_dim3A = vector.shape_cast %max3A_18 : vector<2000xf32> to vector<2000x1xf32>
    %div3A = vector.broadcast %broadcast_in_dim3A : vector<2000x1xf32> to vector<2000x128xf32>
    %div3A_19 = arith.divf %add3A, %div3A : vector<2000x128xf32>
    %get3A_20 = arith.constant 0 : index
    %get3A_21 = arith.constant 0 : index
    %get3A_22 = vector.load %arg4[%get3A_20, %get3A_21] : memref<128x128xf32, #tpu.memory_space<vmem>>, vector<128x128xf32>
    %dot_general3A = arith.constant dense<0.000000e+00> : vector<2000x128xf32>
    %dot_general3A_23 = tpu.matmul %div3A_19, %get3A_22, %dot_general3A {dimension_numbers = #tpu.dot_dimension_numbers<[1], [0], [0], [1], [0, 0, 1, 1], [], []>, transpose_lhs_hint = false} : vector<2000x128xf32>, vector<128x128xf32>, vector<2000x128xf32> -> vector<2000x128xf32>
    %get3A_24 = arith.constant 0 : index
    %get3A_25 = arith.constant 0 : index
    %get3A_26 = vector.load %arg3[%get3A_24, %get3A_25] : memref<2000x128xf32, #tpu.memory_space<vmem>>, vector<2000x128xf32>
    %get3A_27 = arith.constant 0 : index
    %get3A_28 = arith.constant 0 : index
    %get3A_29 = vector.load %arg5[%get3A_27, %get3A_28] : memref<128x128xf32, #tpu.memory_space<vmem>>, vector<128x128xf32>
    %dot_general3A_30 = arith.constant dense<0.000000e+00> : vector<2000x128xf32>
    %dot_general3A_31 = tpu.matmul %get3A_26, %get3A_29, %dot_general3A_30 {dimension_numbers = #tpu.dot_dimension_numbers<[1], [0], [0], [1], [0, 0, 1, 1], [], []>, transpose_lhs_hint = false} : vector<2000x128xf32>, vector<128x128xf32>, vector<2000x128xf32> -> vector<2000x128xf32>
    %add3A_32 = arith.addf %dot_general3A_23, %dot_general3A_31 : vector<2000x128xf32>
    %get3A_33 = arith.constant 0 : index
    %get3A_34 = arith.constant 0 : index
    %get3A_35 = vector.load %arg6[%get3A_33, %get3A_34] : memref<1x128xf32, #tpu.memory_space<vmem>>, vector<1x128xf32>
    %add3A_36 = vector.broadcast %get3A_35 : vector<1x128xf32> to vector<2000x128xf32>
    %add3A_37 = arith.addf %add3A_32, %add3A_36 : vector<2000x128xf32>
    %gt3A = arith.constant 0.000000e+00 : f32
    %gt3A_38 = vector.broadcast %gt3A : f32 to vector<2000x128xf32>
    %gt3A_39 = arith.cmpf ogt, %add3A_37, %gt3A_38 : vector<2000x128xf32>
    %min3A = arith.constant 0.000000e+00 : f32
    %min3A_40 = vector.broadcast %min3A : f32 to vector<2000x128xf32>
    %min3A_41 = arith.minimumf %add3A_37, %min3A_40 : vector<2000x128xf32>
    %exp3A = math.exp %min3A_41 : vector<2000x128xf32>
    %sub3A = arith.constant 1.000000e+00 : f32
    %sub3A_42 = vector.broadcast %sub3A : f32 to vector<2000x128xf32>
    %sub3A_43 = arith.subf %exp3A, %sub3A_42 : vector<2000x128xf32>
    %select_n3A = arith.select %gt3A_39, %add3A_37, %sub3A_43 : vector<2000x128xi1>, vector<2000x128xf32>
    %reduce_sum3A_44 = arith.constant dense<0.000000e+00> : vector<2000xf32>
    %reduce_sum3A_45 = vector.multi_reduction <add>, %select_n3A, %reduce_sum3A_44 [1] : vector<2000x128xf32> to vector<2000xf32>
    %broadcast_in_dim3A_46 = vector.shape_cast %reduce_sum3A_45 : vector<2000xf32> to vector<2000x1xf32>
    %div3A_47 = arith.constant 1.280000e+02 : f32
    %div3A_48 = vector.broadcast %div3A_47 : f32 to vector<2000x1xf32>
    %div3A_49 = arith.divf %broadcast_in_dim3A_46, %div3A_48 : vector<2000x1xf32>
    %sub3A_50 = vector.broadcast %div3A_49 : vector<2000x1xf32> to vector<2000x128xf32>
    %sub3A_51 = arith.subf %select_n3A, %sub3A_50 : vector<2000x128xf32>
    %integer_pow3A = arith.mulf %sub3A_51, %sub3A_51 : vector<2000x128xf32>
    %reduce_sum3A_52 = arith.constant dense<0.000000e+00> : vector<2000xf32>
    %reduce_sum3A_53 = vector.multi_reduction <add>, %integer_pow3A, %reduce_sum3A_52 [1] : vector<2000x128xf32> to vector<2000xf32>
    %broadcast_in_dim3A_54 = vector.shape_cast %reduce_sum3A_53 : vector<2000xf32> to vector<2000x1xf32>
    %div3A_55 = arith.constant 1.280000e+02 : f32
    %div3A_56 = vector.broadcast %div3A_55 : f32 to vector<2000x1xf32>
    %div3A_57 = arith.divf %broadcast_in_dim3A_54, %div3A_56 : vector<2000x1xf32>
    %sub3A_58 = vector.broadcast %div3A_49 : vector<2000x1xf32> to vector<2000x128xf32>
    %sub3A_59 = arith.subf %select_n3A, %sub3A_58 : vector<2000x128xf32>
    %add3A_60 = arith.constant 9.99999974E-6 : f32
    %add3A_61 = vector.broadcast %add3A_60 : f32 to vector<2000x1xf32>
    %add3A_62 = arith.addf %div3A_57, %add3A_61 : vector<2000x1xf32>
    %sqrt3A = math.sqrt %add3A_62 : vector<2000x1xf32>
    %div3A_63 = vector.broadcast %sqrt3A : vector<2000x1xf32> to vector<2000x128xf32>
    %div3A_64 = arith.divf %sub3A_59, %div3A_63 : vector<2000x128xf32>
    %get3A_65 = arith.constant 0 : index
    %get3A_66 = arith.constant 0 : index
    %get3A_67 = vector.load %arg7[%get3A_65, %get3A_66] : memref<1x128xf32, #tpu.memory_space<vmem>>, vector<1x128xf32>
    %mul3A = vector.broadcast %get3A_67 : vector<1x128xf32> to vector<2000x128xf32>
    %mul3A_68 = arith.mulf %div3A_64, %mul3A : vector<2000x128xf32>
    %get3A_69 = arith.constant 0 : index
    %get3A_70 = arith.constant 0 : index
    %get3A_71 = vector.load %arg8[%get3A_69, %get3A_70] : memref<1x128xf32, #tpu.memory_space<vmem>>, vector<1x128xf32>
    %add3A_72 = vector.broadcast %get3A_71 : vector<1x128xf32> to vector<2000x128xf32>
    %add3A_73 = arith.addf %mul3A_68, %add3A_72 : vector<2000x128xf32>
    %iota3A = tpu.iota {dimensions = array<i32: 0>} : vector<256x2000xi32>
    %get3A_74 = arith.constant 0 : index
    %get3A_75 = arith.constant 0 : index
    %get3A_76 = arith.constant 0 : index
    %get3A_77 = vector.load %arg9[%get3A_74, %get3A_75, %get3A_76] : memref<1x1x2000xi32, #tpu.memory_space<vmem>>, vector<1x1x2000xi32>
    %get3A_78 = vector.shape_cast %get3A_77 : vector<1x1x2000xi32> to vector<2000xi32>
    %broadcast_in_dim3A_79 = vector.shape_cast %get3A_78 : vector<2000xi32> to vector<1x2000xi32>
    %eq3A_80 = vector.broadcast %broadcast_in_dim3A_79 : vector<1x2000xi32> to vector<256x2000xi32>
    %eq3A_81 = arith.cmpi eq, %eq3A_80, %iota3A : vector<256x2000xi32>
    %convert_element_type3A_82 = arith.extui %eq3A_81 : vector<256x2000xi1> to vector<256x2000xi32>
    %convert_element_type3A_83 = arith.sitofp %convert_element_type3A_82 : vector<256x2000xi32> to vector<256x2000xf32>
    %get3A_84 = arith.constant 0 : index
    %get3A_85 = arith.constant 0 : index
    %get3A_86 = vector.load %arg13[%get3A_84, %get3A_85] : memref<256x128xf32, #tpu.memory_space<vmem>>, vector<256x128xf32>
    %dot_general3A_87 = arith.constant dense<0.000000e+00> : vector<256x128xf32>
    %dot_general3A_88 = tpu.matmul %convert_element_type3A_83, %add3A_73, %dot_general3A_87 {dimension_numbers = #tpu.dot_dimension_numbers<[1], [0], [0], [1], [0, 0, 1, 1], [], []>, transpose_lhs_hint = false} : vector<256x2000xf32>, vector<2000x128xf32>, vector<256x128xf32> -> vector<256x128xf32>
    %add3A_89 = arith.addf %get3A_86, %dot_general3A_88 : vector<256x128xf32>
    %swap3A = arith.constant 0 : index
    %swap3A_90 = arith.constant 0 : index
    %swap3A_91 = vector.load %arg13[%swap3A, %swap3A_90] : memref<256x128xf32, #tpu.memory_space<vmem>>, vector<256x128xf32>
    tpu.vector_store %arg13[%swap3A, %swap3A_90], %add3A_89 {strides = array<i32>} : memref<256x128xf32, #tpu.memory_space<vmem>>, vector<256x128xf32>,
    %get3A_92 = arith.constant 0 : index
    %get3A_93 = arith.constant 0 : index
    %get3A_94 = vector.load %arg14[%get3A_92, %get3A_93] : memref<256x128xf32, #tpu.memory_space<vmem>>, vector<256x128xf32>
    %reduce_sum3A_95 = arith.constant dense<0.000000e+00> : vector<256xf32>
    %reduce_sum3A_96 = vector.multi_reduction <add>, %convert_element_type3A_83, %reduce_sum3A_95 [1] : vector<256x2000xf32> to vector<256xf32>
    %broadcast_in_dim3A_97 = vector.shape_cast %reduce_sum3A_96 : vector<256xf32> to vector<256x1xf32>
    %broadcast_in_dim3A_98 = vector.shape_cast %broadcast_in_dim3A_97 : vector<256x1xf32> to vector<256x1xf32>
    %broadcast_in_dim3A_99 = vector.broadcast %broadcast_in_dim3A_98 : vector<256x1xf32> to vector<256x128xf32>
    %add3A_100 = arith.addf %get3A_94, %broadcast_in_dim3A_99 : vector<256x128xf32>
    %swap3A_101 = arith.constant 0 : index
    %swap3A_102 = arith.constant 0 : index
    %swap3A_103 = vector.load %arg14[%swap3A_101, %swap3A_102] : memref<256x128xf32, #tpu.memory_space<vmem>>, vector<256x128xf32>
    tpu.vector_store %arg14[%swap3A_101, %swap3A_102], %add3A_100 {strides = array<i32>} : memref<256x128xf32, #tpu.memory_space<vmem>>, vector<256x128xf32>,
    %eq3A_104 = arith.constant 4 : i32
    %eq3A_105 = arith.cmpi eq, %arg0, %eq3A_104 : i32
    %convert_element_type3A_106 = arith.extui %eq3A_105 : i1 to i32
    %cond3A_107 = arith.constant 0 : i32
    %cond3A_108 = arith.cmpi ne, %convert_element_type3A_106, %cond3A_107 : i32
    scf.if %cond3A_108 {
      %get3A_109 = arith.constant 0 : index
      %get3A_110 = arith.constant 0 : index
      %get3A_111 = vector.load %arg13[%get3A_109, %get3A_110] : memref<256x128xf32, #tpu.memory_space<vmem>>, vector<256x128xf32>
      %get3A_112 = arith.constant 0 : index
      %get3A_113 = arith.constant 0 : index
      %get3A_114 = vector.load %arg14[%get3A_112, %get3A_113] : memref<256x128xf32, #tpu.memory_space<vmem>>, vector<256x128xf32>
      %max3A_115 = arith.constant 1.000000e+00 : f32
      %max3A_116 = vector.broadcast %max3A_115 : f32 to vector<256x128xf32>
      %max3A_117 = arith.maximumf %get3A_114, %max3A_116 : vector<256x128xf32>
      %div3A_118 = arith.divf %get3A_111, %max3A_117 : vector<256x128xf32>
      %get3A_119 = arith.constant 0 : index
      %get3A_120 = arith.constant 0 : index
      %get3A_121 = vector.load %arg10[%get3A_119, %get3A_120] : memref<128x128xf32, #tpu.memory_space<vmem>>, vector<128x128xf32>
      %dot_general3A_122 = arith.constant dense<0.000000e+00> : vector<256x128xf32>
      %dot_general3A_123 = tpu.matmul %div3A_118, %get3A_121, %dot_general3A_122 {dimension_numbers = #tpu.dot_dimension_numbers<[1], [0], [0], [1], [0, 0, 1, 1], [], []>, transpose_lhs_hint = false} : vector<256x128xf32>, vector<128x128xf32>, vector<256x128xf32> -> vector<256x128xf32>
      %get3A_124 = arith.constant 0 : index
      %get3A_125 = arith.constant 0 : index
      %get3A_126 = vector.load %arg11[%get3A_124, %get3A_125] : memref<1x128xf32, #tpu.memory_space<vmem>>, vector<1x128xf32>
      %add3A_127 = vector.broadcast %get3A_126 : vector<1x128xf32> to vector<256x128xf32>
      %add3A_128 = arith.addf %dot_general3A_123, %add3A_127 : vector<256x128xf32>
      %swap3A_129 = arith.constant 0 : index
      %swap3A_130 = arith.constant 0 : index
      %swap3A_131 = vector.load %arg12[%swap3A_129, %swap3A_130] : memref<256x128xf32, #tpu.memory_space<vmem>>, vector<256x128xf32>
      tpu.vector_store %arg12[%swap3A_129, %swap3A_130], %add3A_128 {strides = array<i32>} : memref<256x128xf32, #tpu.memory_space<vmem>>, vector<256x128xf32>,
    } else {
    }
    return
  }
  func.func @transform_0(%arg0: i32) -> (i32, i32, i32) {
    %c0_i32 = arith.constant 0 : i32
    %c0_i32_0 = arith.constant 0 : i32
    %c0_i32_1 = arith.constant 0 : i32
    return %c0_i32, %arg0, %c0_i32_0 : i32, i32, i32
  }
  func.func @transform_1(%arg0: i32) -> (i32, i32, i32) {
    %c0_i32 = arith.constant 0 : i32
    %c0_i32_0 = arith.constant 0 : i32
    %c0_i32_1 = arith.constant 0 : i32
    return %arg0, %c0_i32, %c0_i32_0 : i32, i32, i32
  }
  func.func @transform_2(%arg0: i32) -> (i32, i32) {
    %c0_i32 = arith.constant 0 : i32
    %c0_i32_0 = arith.constant 0 : i32
    return %arg0, %c0_i32 : i32, i32
  }
  func.func @transform_3(%arg0: i32) -> (i32, i32) {
    %c0_i32 = arith.constant 0 : i32
    %c0_i32_0 = arith.constant 0 : i32
    %c0_i32_1 = arith.constant 0 : i32
    return %c0_i32, %c0_i32_0 : i32, i32
  }
  func.func @transform_4(%arg0: i32) -> (i32, i32) {
    %c0_i32 = arith.constant 0 : i32
    %c0_i32_0 = arith.constant 0 : i32
    %c0_i32_1 = arith.constant 0 : i32
    return %c0_i32, %c0_i32_0 : i32, i32
  }
  func.func @transform_5(%arg0: i32) -> (i32, i32) {
    %c0_i32 = arith.constant 0 : i32
    %c0_i32_0 = arith.constant 0 : i32
    %c0_i32_1 = arith.constant 0 : i32
    return %c0_i32, %c0_i32_0 : i32, i32
  }
  func.func @transform_6(%arg0: i32) -> (i32, i32) {
    %c0_i32 = arith.constant 0 : i32
    %c0_i32_0 = arith.constant 0 : i32
    %c0_i32_1 = arith.constant 0 : i32
    return %c0_i32, %c0_i32_0 : i32, i32
  }
  func.func @transform_7(%arg0: i32) -> (i32, i32) {
    %c0_i32 = arith.constant 0 : i32
    %c0_i32_0 = arith.constant 0 : i32
    %c0_i32_1 = arith.constant 0 : i32
    return %c0_i32, %c0_i32_0 : i32, i32
  }
  func.func @transform_8(%arg0: i32) -> (i32, i32, i32) {
    %c0_i32 = arith.constant 0 : i32
    %c0_i32_0 = arith.constant 0 : i32
    %c0_i32_1 = arith.constant 0 : i32
    return %arg0, %c0_i32, %c0_i32_0 : i32, i32, i32
  }
  func.func @transform_9(%arg0: i32) -> (i32, i32) {
    %c0_i32 = arith.constant 0 : i32
    %c0_i32_0 = arith.constant 0 : i32
    %c0_i32_1 = arith.constant 0 : i32
    return %c0_i32, %c0_i32_0 : i32, i32
  }
  func.func @transform_10(%arg0: i32) -> (i32, i32) {
    %c0_i32 = arith.constant 0 : i32
    %c0_i32_0 = arith.constant 0 : i32
    %c0_i32_1 = arith.constant 0 : i32
    return %c0_i32, %c0_i32_0 : i32, i32
  }
  func.func @transform_11(%arg0: i32) -> (i32, i32) {
    %c0_i32 = arith.constant 0 : i32
    %c0_i32_0 = arith.constant 0 : i32
    %c0_i32_1 = arith.constant 0 : i32
    return %c0_i32, %c0_i32_0 : i32, i32
  }
}

</mosaic_0001>

<sc_bundles>
// kernel: kernel.10.cloned.1.call-start
scs
__scs_entry_jumppad:
0x0: {  	(pc) =	sbr.rel $0x88, $3  }
0x1: {  	(tag) =	ssettag $0x0;
	lr =	simm.s32 $0x1  }
0x2: {  	[smem:$0x3F93] =	sst lr;
	_ =	strace $0xD0000000  }
0x3: {  	_ = 	snop  }
0x4: {  	_ = 	snop  }
0x5: {  	_ = 	snop  }
0x6: {  	_ = 	snop  }
0x7: {  	_ = 	snop  }
__scs_overlays_trampoline_lowered:
0x8: {  	[smem:$0x3FA2] =	sst s0  }
0x9: {  	[smem:$0x3FA3] =	sst s1  }
0xa: {  	[smem:$0x3FA4] =	sst s2  }
0xb: {  	[smem:$0x3FA5] =	sst s3  }
0xc: {  	[smem:$0x3FA6] =	sst s4  }
0xd: {  	[smem:$0x3FA7] =	sst s5  }
0xe: {  	[smem:$0x3FA8] =	sst s6  }
0xf: {  	[smem:$0x3FA9] =	sst s7  }
0x10: {  	[smem:$0x3FAA] =	sst s8  }
0x11: {  	[smem:$0x3FAB] =	sst s9;
	s0 =	simm.s32 @!p0 $0x0  }
0x12: {  	s1 =	sld [smem:$0x3F91];
	s0 =	simm.s32 @p0 $0x1  }
0x13: {  	[smem:$0x3FAC] =	sst s0;
	s0 =	simm.s32 @!p1 $0x0  }
0x14: {  	s2 =	sld [smem:$0x3F90];
	s0 =	simm.s32 @p1 $0x1  }
0x15: {  	[smem:$0x3FAD] =	sst s0;
	s0 =	simm.s32 @!p2 $0x0  }
0x16: {  	s3 =	sld [smem:$0x3FDB];
	s0 =	simm.s32 @p2 $0x1  }
0x17: {  	s4 =	simm.s32 $0x1BF5;
	[smem:$0x3FAF] =	sst s0  }
0x18: {  	s0 =	sld [smem:$0x3F92];
	_ =	swait.ge [sflag:s4], $0x0  }
0x19: {  	s7 =	sld [smem:$0x3F93]  }
0x1a: {  	s8 =	sadd.s32 $0xFFFFE003, lr  }
0x1b: {  	s9 =	sadd.s32 $0xFFFFFEF7, lr;
	s5 =	simm.s32 $0xFFFFFFFF;
	p2 =	slt.u32 s8, $0xFFFFF086  }
0x1c: {  	p1 =	slt.u32 s9, $0xF7A;
	s5 =	simm.s32 @!p2 $0x0  }
0x1d: {  	s5 =	simm.s32 @p1 $0x1;
	p0 =	seq.s32 s7, s2  }
0x1e: {  	s7 =	smul.u32 @!p0 $0xF7A, s2;
	p2 =	seq.s32 @!p0 s5, $0x0  }
0x1f: {  	s9 =	smul.u32 $0xF7A, s1;
	s8 =	simm.s32 @!p0 $0x1BF5;
	p2 =	por !p2, p0  }
0x20: {  	[sflag:s8] =	ssyncset.s32 @!p0 $0xFFFFF086;
	s6 =	sadd.s32 @!p0 s3, s7;
	s7 =	simm.s32 @!p0 $0x108  }
0x21: {  	s3 =	sadd.s32 s3, s9;
	s6 =	sadd.s32 @!p0 $0x88, s6;
	s7 =	simm.s32 @p2 $0x1082  }
0x22: {  	[simem:s7], [sflag:s8] =	dma.local @!p0 [hbm:s6], $0xF7A  }
0x23: {  	s9 =	sor.u32 $0xD0000000, s2;
	s6 =	simm.s32 $0x108;
	_ =	swait.ge @!p0 [sflag:s8], $0x0  }
0x24: {  	s3 =	sadd.s32 $0x88, s3;
	s6 =	simm.s32 @!p1 $0x1082;
	[sflag:s4] =	ssyncset.s32 $0xFFFFF086  }
0x25: {  	[simem:s6], [sflag:s4] =	dma.local [hbm:s3], $0xF7A  }
0x26: {  	[smem:$0x3F93] =	sst s1;
	(tag) =	ssettag s2;
	_ =	strace s9  }
0x27: {  	s1 =	sld [smem:$0x3FA3]  }
0x28: {  	s2 =	sld [smem:$0x3FA4]  }
0x29: {  	s4 =	sld [smem:$0x3FA6]  }
0x2a: {  	p0 =	seq.s32 s5, $0x0;
	s5 =	sld [smem:$0x3FA7]  }
0x2b: {  	s6 =	sld [smem:$0x3FA8]  }
0x2c: {  	s7 =	sld [smem:$0x3FA9]  }
0x2d: {  	s3 =	simm.s32 $0x108;
	s8 =	sld [smem:$0x3FAA]  }
0x2e: {  	s3 =	simm.s32 @!p0 $0x1082;
	s9 =	sld [smem:$0x3FAB]  }
0x2f: {  	lr =	sadd.s32 s0, s3;
	s0 =	sld [smem:$0x3FA2]  }
0x30: {  	s3 =	sld [smem:$0x3FA5]  }
0x31: {  	[smem:$0x3FAE] =	sst s10  }
0x32: {  	s10 =	sld [smem:$0x3FAC];
	_ =	sdelay $0x3  }
0x33: {  	p0 =	seq.s32 s10, $0x1;
	s10 =	sld [smem:$0x3FAE];
	_ =	sdelay $0x3  }
0x34: {  	[smem:$0x3FAE] =	sst s10  }
0x35: {  	s10 =	sld [smem:$0x3FAD];
	_ =	sdelay $0x3  }
0x36: {  	p1 =	seq.s32 s10, $0x1;
	s10 =	sld [smem:$0x3FAE];
	_ =	sdelay $0x3  }
0x37: {  	[smem:$0x3FAE] =	sst s10  }
0x38: {  	s10 =	sld [smem:$0x3FAF]  }
0x39: {  	_ = 	snop;
	(pc) =	sbr.ind lr, $3  }
0x3a: {  	_ = 	snop  }
0x3b: {  	_ = 	snop  }
0x3c: {  	p2 =	seq.s32 s10, $0x1;
	s10 =	sld [smem:$0x3FAE]  }
0x3d: {  	_ =	shalt  }
0x3e: {  	_ =	shalt  }
0x3f: {  	_ =	shalt  }
0x40: {  	_ =	shalt  }
0x41: {  	_ =	shalt  }
0x42: {  	_ =	shalt  }
0x43: {  	_ =	shalt  }
0x44: {  	_ =	shalt  }
0x45: {  	_ =	shalt  }
0x46: {  	_ =	shalt  }
0x47: {  	_ =	shalt  }
0x48: {  	_ =	shalt  }
0x49: {  	_ =	shalt  }
0x4a: {  	_ =	shalt  }
0x4b: {  	_ =	shalt  }
0x4c: {  	_ =	shalt  }
0x4d: {  	_ =	shalt  }
0x4e: {  	_ =	shalt  }
0x4f: {  	_ =	shalt  }
0x50: {  	_ =	shalt  }
0x51: {  	_ =	shalt  }
0x52: {  	_ =	shalt  }
0x53: {  	_ =	shalt  }
0x54: {  	_ =	shalt  }
0x55: {  	_ =	shalt  }
0x56: {  	_ =	shalt  }
0x57: {  	_ =	shalt  }
0x58: {  	_ =	shalt  }
0x59: {  	_ =	shalt  }
0x5a: {  	_ =	shalt  }
0x5b: {  	_ =	shalt  }
0x5c: {  	_ =	shalt  }
0x5d: {  	_ =	shalt  }
0x5e: {  	_ =	shalt  }
0x5f: {  	_ =	shalt  }
0x60: {  	_ =	shalt  }
0x61: {  	_ =	shalt  }
0x62: {  	_ =	shalt  }
0x63: {  	_ =	shalt  }
0x64: {  	_ =	shalt  }
0x65: {  	_ =	shalt  }
0x66: {  	_ =	shalt  }
0x67: {  	_ =	shalt  }
0x68: {  	_ =	shalt  }
0x69: {  	_ =	shalt  }
0x6a: {  	_ =	shalt  }
0x6b: {  	_ =	shalt  }
0x6c: {  	_ =	shalt  }
0x6d: {  	_ =	shalt  }
0x6e: {  	_ =	shalt  }
0x6f: {  	_ =	shalt  }
0x70: {  	_ =	shalt  }
0x71: {  	_ =	shalt  }
0x72: {  	_ =	shalt  }
0x73: {  	_ =	shalt  }
0x74: {  	_ =	shalt  }
0x75: {  	_ =	shalt  }
0x76: {  	_ =	shalt  }
0x77: {  	_ =	shalt  }
0x78: {  	_ =	shalt  }
0x79: {  	_ =	shalt  }
0x7a: {  	_ =	shalt  }
0x7b: {  	_ =	shalt  }
0x7c: {  	_ =	shalt  }
0x7d: {  	_ =	shalt  }
0x7e: {  	_ =	shalt  }
0x7f: {  	_ =	shalt  }
0x80: {  	_ =	shalt  }
0x81: {  	_ =	shalt  }
0x82: {  	_ =	shalt  }
0x83: {  	_ =	shalt  }
0x84: {  	_ =	shalt  }
0x85: {  	_ =	shalt  }
0x86: {  	_ =	shalt  }
0x87: {  	_ =	shalt  }
.Lfunc_end0:
.L_simem_size_0:
called_computation.1_lowered:
.L_overlay_start_0:
0x88: {  	s2 =	sld [smem:$0x3FD9]  }
0x89: {  	s3 =	sld [smem:$0x3FFE];
	_ =	sdelay $0x1  }
0x8a: {  	s1 =	srdreg.scid  }
0x8b: {  	s0 =	sand.u32 $0x1, s1  }
0x8c: {  	s16 =	sshll.u32 s0, $0xA;
	s2 =	sadd.s32 s3, s2  }
0x8d: {  	s2 =	sadd.s32 s2, s16  }
0x8e: {  	[smem:$0x3FBA] =	sst s2  }
0x8f: {  	_ = 	snop  }
0x90: {  	(tm) =	ssettm $0x1  }
0x91: {  	s17 =	sld [smem:$0x3FFB];
	_ =	sdelay $0x3  }
0x92: {  	_ =	strace s17  }
0x93: {  	s2 =	sld [smem:$0x3FFC];
	_ =	sdelay $0x3  }
0x94: {  	_ =	strace s2  }
0x95: {  	s2 =	sld [smem:$0x3FFD];
	_ =	sdelay $0x3  }
0x96: {  	_ =	strace s2  }
0x97: {  	_ =	strace $0x8FFFFFFF  }
0x98: {  	s18 =	sld [smem:$0x3FDB];
	_ =	sdelay $0x1  }
0x99: {  	s19 =	simm.s32 $_scs_section_size  }
0x9a: {  	s4 =	simm.s32 $_size__tile_overlayer_lowered;
	s5 =	simm.s32 $_tile_overlayer_lowered  }
0x9b: {  	s22 =	simm.s32 $0x1BFF;
	s21 =	sshll.u32 s5, $0x1;
	s2 =	sadd.s32 s19, s18  }
0x9c: {  	s6 =	simm.s32 $0x0;
	s20 =	sshll.u32 s4, $0x1;
	s4 =	sadd.s32 s21, s2  }
0x9d: {  	[timem:s6], [sflag:s22] =	dma.local [hbm:s4], s20  }
0x9e: {  	_ =	swait.ge [sflag:s22], s20  }
0x9f: {  	s3 =	ssub.s32 $0x0, s20;
	[sflag:s22] =	ssyncset.done $0x0  }
0xa0: {  	[sflag:s22] =	ssyncadd.s32 s3;
	_ =	sdelay $0x1  }
0xa1: {  	s23 =	simm.s32 $0x1B8B  }
0xa2: {  	_ =	swait.ge [sflag:s23], $0x1  }
0xa3: {  	[sflag:s23] =	ssyncset.done $0x0  }
0xa4: {  	s25 =	simm.s32 $0x1B8E;
	s24 =	sld [smem:$0x3FFE];
	[sflag:s23] =	ssyncadd.s32 $0xFFFFFFFF  }
0xa5: {  	s26 =	simm.s32 $execute0_lowered;
	[smem:$0x3FD2] =	sst s25  }
0xa6: {  	s4 =	sshll.u32 s26, $0x1;
	_ =	strace $0x80000049;
	[dreg:$0x1] =	wrdreg $0xFFFFFFFF  }
0xa7: {  	s28 =	simm.s32 $_size_execute0_lowered;
	s2 =	sadd.s32 s2, s4;
	[dreg:$0x0] =	wrdreg $0x0  }
0xa8: {  	s4 =	sshll.u32 s28, $0x1;
	[dreg:$0x2] =	wrdreg s2  }
0xa9: {  	[dreg:$0x3] =	wrdreg s4  }
0xaa: {  	[dreg:$0x4] =	wrdreg $0xC0  }
0xab: {  	_ =	task [dreg:s6], $0x5FFFF  }
0xac: {  	[dreg:$0x1] =	wrdreg $0xFFFFFFFF  }
0xad: {  	[dreg:$0x0] =	wrdreg $0x60  }
0xae: {  	[dreg:$0x2] =	wrdreg s24  }
0xaf: {  	[dreg:$0x3] =	wrdreg $0x9A800  }
0xb0: {  	[dreg:$0x4] =	wrdreg $0x9  }
0xb1: {  	_ =	task.clear_ibuf [dreg:s6], $0x5FFFF;
	_ =	strace $0x90000049  }
0xb2: {  	s29 =	simm.s32 $0x9;
	_ =	strace $0x8000004B  }
0xb3: {  	_ =	swait.ge [sflag:s29], $0x1  }
0xb4: {  	[sflag:s29] =	ssyncadd.s32 $0xFFFFFFFF  }
0xb5: {  	_ =	strace $0x9000004B  }
0xb6: {  	_ =	sfence  }
0xb7: {  	s30 =	sld [smem:$0x0];
	_ =	sdelay $0x2  }
0xb8: {  	s31 =	sshll.u32 s1, $0xD;
	s1 =	sshrl.u32 s1, $0x2  }
0xb9: {  	s3 =	sand.u32 $0x4000, s31;
	s1 =	sadd.s32 s1, s30  }
0xba: {  	s0 =	sor.u32 s3, s0;
	s1 =	sshll.u32 s1, $0x11  }
0xbb: {  	s0 =	sor.u32 s1, s0  }
0xbc: {  	s0 =	sadd.s32 $0x8F2B, s0  }
0xbd: {  	[sflag:s0] =	ssyncadd.remote.s32 $0x1  }
0xbe: {  	_ =	sfence.sel $0xFFFF  }
0xbf: {  	[dreg:$0x0] =	wrdreg $0xFFFFFFFF;
	(pc) =	sbr.abs _section_cstart, $3  }
0xc0: {  	[dreg:$0x1] =	wrdreg $0xFFFFFFFF  }
0xc1: {  	_ =	task.clear_ibuf [dreg:s6], $0x2FFFF;
	_ =	strace $0x9FFFFFFF  }
0xc2: {  	(tm) =	ssettm $0x7FFFFFFF  }
0xc3: {  	_ =	shalt  }
tec
execute0_lowered:
.L_overlay_start_1:
0x0: {  	(tag) =	ssettag $0x1  }
0x1: {  	s0 =	rddreg [dreg:$0x0]  }
0x2: {  	s1 =	rddreg [dreg:$0x1];
	s2 =	simm.s32 $0x0;
	s3 =	srdreg.scid  }
0x3: {  	s15 =	stileid.u32;
	s28 =	simm.s32 $0x200;
	s29 =	simm.s32 $0x1  }
0x4: {  	s30 =	simm.s32 $0x300;
	s31 =	simm.s32 $0x5;
	s16 =	simm.s32 $0x4  }
0x5: {  	[smem:$0x7FF] =	sst s2;
	s4 =	sadd.s32 $0x18400, s0;
	s3 =	sand.u32 $0x1, s3  }
0x6: {  	s5 =	sadd.s32 $0x8400, s0;
	s6 =	sadd.s32 $0x10400, s0;
	s10 =	smul.u32 $0x1F400, s15  }
0x7: {  	s12 =	sshll.u32 s15, $0x7;
	s13 =	sadd.s32 $0x3F600, s0;
	s18 =	sadd.s32 $0x43600, s0  }
0x8: {  	s20 =	smul.u32 $0x7D000, s15;
	s22 =	sshll.u32 s15, $0xB;
	p1 =	sgt.u32 s15, $0x9  }
0x9: {  	_ =	strace $0x8000004A;
	s7 =	sshll.u32 s3, $0x4;
	[dreg:$0x3] =	wrdreg s13  }
0xa: {  	s9 =	smul.u32 $0x138800, s3;
	s17 =	sand.u32 $0x380, s12;
	[dreg:$0x4] =	wrdreg s18  }
0xb: {  	s19 =	ssub.s32 $0x2, s3;
	p0 =	seq.s32 s3, $0x1;
	s14 =	sadd.s32 s5, s22  }
0xc: {  	s3 =	sadd.s32 s6, s22;
	s22 =	simm.s32 $0x7300;
	s8 =	sor.u32 s15, s7  }
0xd: {  	s7 =	sadd.s32 $0x1400, s0;
	s21 =	sshrl.u32 s19, $0x1;
	[dreg:$0x5] =	wrdreg s14  }
0xe: {  	s12 =	sshrl.u32 s20, $0x2;
	[dreg:$0x6] =	wrdreg s3;
	s3 =	sshll.u32 @!p1 s15, $0x6  }
0xf: {  	s14 =	simm.s32 $0x2;
	s11 =	sshrl.u32 s8, $0x3;
	s8 =	sadd.s32 $0x4C00, s0  }
0x10: {  	s9 =	sadd.s32 s10, s9;
	s13 =	sadd.s32 s12, s1;
	s11 =	smul.u32 $0x13C00, s11  }
0x11: {  	s12 =	sshll.u32 s15, $0xE;
	s20 =	sor.u32 @!p1 $0x1C06, s3;
	s9 =	sshrl.u32 s9, $0x3  }
0x12: {  	s3 =	simm.s32 $0x100;
	s9 =	sadd.s32 s9, s0;
	s10 =	sor.u32 s17, s11  }
0x13: {  	s11 =	smul.u32 $0x1C00, s15;
	s26 =	sadd.s32 $0x4DA00, s9;
	s15 =	simm.s32 $0x3  }
0x14: {  	s9 =	simm.s32 $0x0;
	s10 =	sshrl.u32 s10, $0x3;
	[dreg:$0x9] =	wrdreg s26  }
0x15: {  	s26 =	simm.s32 $0x80;
	s0 =	sadd.s32 s10, s0;
	s23 =	sshrl.u32 s11, $0x3  }
.Ltmp0:
0x16: {  	s10 =	ssub.s32 s19, s21;
	s24 =	sadd.s32 s7, s23;
	(pc) =	sbr.rel .LBB2_1-.Ltmp0, $4  }
0x17: {  	s21 =	sshrl.u32 @!p1 s13, $0x3;
	s25 =	sadd.s32 s8, s23;
	[dreg:$0x7] =	wrdreg s24  }
0x18: {  	s13 =	simm.s32 $0x280;
	s0 =	sadd.s32 $0x43C00, s0;
	[dreg:$0x8] =	wrdreg s25  }
0x19: {  	s19 =	smax.u32 s10, $0x1;
	s23 =	simm.s32 $0x6;
	[dreg:$0xa] =	wrdreg s0  }
0x1a: {  	v0 =	vimm.f32 $1.000000000e+00;
	s24 =	simm.s32 $0x180;
	s25 =	simm.s32 $0x70;
	s0 =	simm.s32 $0x3B00  }
.LBB2_8:
0x1b: {  	_ =	swait.ge [sflag:s16], $0x3800  }
0x1c: {  	[sflag:s16] =	ssyncset.done $0x0  }
0x1d: {  	[sflag:s16] =	ssyncadd.s32 $0xFFFFC800  }
0x1e: {  	[bflag:$0x0] =	sbarrier.arrive $0xFFFF  }
0x1f: {  	s10 =	rddreg [dreg:$0x9]  }
0x20: {  	[hbm:s10], [sflag:s20] =	dma.local @!p1 [spmem:s21], $0x3E80  }
0x21: {  	s10 =	simm.s32 @!p1 $0x6  }
0x22: {  	s9 =	sadd.s32 $0x1, s9;
	_ =	swait.ge @!p1 [sflag:s10], $0x3E80  }
0x23: {  	s17 =	simm.s32 $0x400;
	p2 =	sne.s32 s9, s19;
	[sflag:s10] =	ssyncset.done @!p1 $0x0  }
.Ltmp1:
0x24: {  	s18 =	rddreg [dreg:$0xa];
	[sflag:s10] =	ssyncadd.s32 @!p1 $0xFFFFC180;
	(pc) =	sbr.rel @!p2 .LBB2_9-.Ltmp1, $4  }
0x25: {  	[hbm4b:s18+s26] =	stream.strided.scatter [tilespmem:s22], [sflag:$0x6], $0x2780, s17, s26, $0x38;
	[tilespmem:$0x1D340] =	vst v63  }
0x26: {  	_ =	swait.ge [sflag:s23], $0x2780  }
0x27: {  	[sflag:s23] =	ssyncset.done $0x0  }
0x28: {  	[sflag:s23] =	ssyncadd.s32 $0xFFFFD880  }
.LBB2_1:
0x29: {  	s10 =	rddreg [dreg:$0x3]  }
0x2a: {  	[spmem:s21], [sflag:s20] =	dma.local @!p1 [hbm:s10], $0x3E80  }
0x2b: {  	s10 =	simm.s32 @!p1 $0x6  }
0x2c: {  	_ =	swait.ge @!p1 [sflag:s10], $0x3E80  }
0x2d: {  	[sflag:s10] =	ssyncset.done @!p1 $0x0  }
0x2e: {  	s18 =	rddreg [dreg:$0x4];
	[sflag:s10] =	ssyncadd.s32 @!p1 $0xFFFFC180  }
0x2f: {  	[tilespmem:s22], [sflag:$0x6] =	stream.linear.gather [hbm4b:s18+s2], $0x2780, $0x38;
	[tilespmem:$0x1D340] =	vst v63  }
.Ltmp2:
0x30: {  	_ =	swait.ge [sflag:s23], $0x2780;
	(pc) =	sbr.rel @!p0 .LBB2_2-.Ltmp2, $3  }
0x31: {  	[sflag:s23] =	ssyncset.done $0x0  }
0x32: {  	[sflag:s23] =	ssyncadd.s32 $0xFFFFD880  }
0x33: {  	[bflag:$0x0] =	sbarrier.arrive $0xFFFF;
	_ =	sdelay $0x1  }
0x34: {  	s10 =	rddreg [dreg:$0x7]  }
0x35: {  	[tilespmem:s2], [sflag:$0x6] =	stream.linear.gather [hbm4b:s10+s2], $0x80, $0x38;
	[tilespmem:$0x1D340] =	vst v63  }
0x36: {  	_ =	swait.ge [sflag:s23], $0x80  }
0x37: {  	[sflag:s23] =	ssyncset.done $0x0  }
0x38: {  	s18 =	rddreg [dreg:$0x8];
	[sflag:s23] =	ssyncadd.s32 $0xFFFFFF80  }
0x39: {  	[tilespmem:s24], [sflag:$0x6] =	stream.linear.gather [hbm4b:s18+s2], $0x80, $0x38;
	[tilespmem:$0x1D340] =	vst v63  }
0x3a: {  	_ =	swait.ge [sflag:s23], $0x80  }
0x3b: {  	[sflag:s23] =	ssyncset.done $0x0  }
0x3c: {  	s10 =	simm.s32 $0x300;
	[sflag:s23] =	ssyncadd.s32 $0xFFFFFF80  }
0x3d: {  	[tilespmem:s10], [sflag:$0x1] =	stream.indirect.gather [hbm4b:s4+s25], $0x80, s2, s25, $0xb8;
	[tilespmem:$0x1D340] =	vst v63  }
.LBB2_6:
0x3e: {  	s17 =	sadd.s32 $0xFFFFFD00, s10  }
0x3f: {  	s18 =	sand.u32 $0x3C00, s17  }
0x40: {  	s17 =	sand.u32 $0x300, s17;
	s18 =	sadd.s32 s11, s18  }
0x41: {  	s17 =	sor.u32 s18, s17  }
0x42: {  	s17 =	sor.u32 $0x80, s17  }
0x43: {  	s17 =	sshrl.u32 s17, $0x3  }
0x44: {  	s18 =	sadd.s32 s7, s17  }
0x45: {  	[tilespmem:s26], [sflag:$0x5] =	stream.linear.gather [hbm4b:s18+s2], $0x80, $0x38;
	[tilespmem:$0x1D340] =	vst v63  }
0x46: {  	s17 =	sadd.s32 s8, s17  }
0x47: {  	[tilespmem:s28], [sflag:$0x5] =	stream.linear.gather [hbm4b:s17+s2], $0x80, $0x38;
	[tilespmem:$0x1D340] =	vst v63  }
0x48: {  	v1 =	vld [tilespmem:$0x180];
	_ =	sdelay $0x7  }
0x49: {  	[tilespmem:v1+s22+$0x0] =	vst.idx.add.f32.msk $0xffff, v0  }
0x4a: {  	v1 =	vld [tilespmem:$0x190];
	_ =	sdelay $0x7  }
0x4b: {  	[tilespmem:v1+s22+$0x0] =	vst.idx.add.f32.msk $0xffff, v0  }
0x4c: {  	v1 =	vld [tilespmem:$0x1A0];
	_ =	sdelay $0x7  }
0x4d: {  	[tilespmem:v1+s22+$0x0] =	vst.idx.add.f32.msk $0xffff, v0  }
0x4e: {  	v1 =	vld [tilespmem:$0x1B0];
	_ =	sdelay $0x7  }
0x4f: {  	[tilespmem:v1+s22+$0x0] =	vst.idx.add.f32.msk $0xffff, v0  }
0x50: {  	v1 =	vld [tilespmem:$0x1C0];
	_ =	sdelay $0x7  }
0x51: {  	[tilespmem:v1+s22+$0x0] =	vst.idx.add.f32.msk $0xffff, v0  }
0x52: {  	v1 =	vld [tilespmem:$0x1D0];
	_ =	sdelay $0x7  }
0x53: {  	[tilespmem:v1+s22+$0x0] =	vst.idx.add.f32.msk $0xffff, v0  }
0x54: {  	v1 =	vld [tilespmem:$0x1E0];
	_ =	sdelay $0x7  }
0x55: {  	[tilespmem:v1+s22+$0x0] =	vst.idx.add.f32.msk $0xffff, v0  }
0x56: {  	_ =	swait.ge [sflag:s29], $0x3800  }
0x57: {  	p2 =	seq.s32 s10, $0x300;
	[sflag:s29] =	ssyncset.done $0x0  }
0x58: {  	s17 =	simm.s32 @!p2 $0x4;
	[sflag:s29] =	ssyncadd.s32 $0xFFFFC800  }
0x59: {  	[spmem:s1] =	stream.indirect.scatter.add.f32 [tilespmem:s30], [sflag:$0x3], $0x80, s24, s25, $0xb8;
	[tilespmem:$0x1D340] =	vst v63  }
0x5a: {  	_ =	swait.ge @!p2 [sflag:s17], $0x3800  }
0x5b: {  	[sflag:s17] =	ssyncset.done @!p2 $0x0  }
0x5c: {  	[sflag:s17] =	ssyncadd.s32 @!p2 $0xFFFFC800  }
0x5d: {  	_ =	swait.ge [sflag:s31], $0x80  }
0x5e: {  	s17 =	sadd.s32 $0xFFFFFE00, s10;
	[sflag:s31] =	ssyncset.done $0x0  }
0x5f: {  	s18 =	sand.u32 $0x7C00, s17;
	[sflag:s31] =	ssyncadd.s32 $0xFFFFFF80  }
0x60: {  	s17 =	sand.u32 $0x300, s17;
	s18 =	sadd.s32 s11, s18;
	_ =	swait.ge [sflag:s31], $0x80  }
0x61: {  	s17 =	sor.u32 s17, s18;
	[sflag:s31] =	ssyncset.done $0x0  }
0x62: {  	s17 =	sshrl.u32 s17, $0x3;
	[sflag:s31] =	ssyncadd.s32 $0xFFFFFF80  }
0x63: {  	[tilespmem:s0], [sflag:$0x2] =	stream.indirect.gather [hbm4b:s4+s25], $0x80, s26, s25, $0xb8;
	[tilespmem:$0x1D340] =	vst v63  }
0x64: {  	s18 =	sadd.s32 s7, s17  }
0x65: {  	[tilespmem:s3], [sflag:$0x5] =	stream.linear.gather [hbm4b:s18+s2], $0x80, $0x38;
	[tilespmem:$0x1D340] =	vst v63  }
0x66: {  	s17 =	sadd.s32 s8, s17  }
0x67: {  	[tilespmem:s13], [sflag:$0x5] =	stream.linear.gather [hbm4b:s17+s2], $0x80, $0x38;
	[tilespmem:$0x1D340] =	vst v63  }
0x68: {  	v1 =	vld [tilespmem:$0x200];
	_ =	sdelay $0x7  }
0x69: {  	[tilespmem:v1+s22+$0x0] =	vst.idx.add.f32.msk $0xffff, v0  }
0x6a: {  	v1 =	vld [tilespmem:$0x210];
	_ =	sdelay $0x7  }
0x6b: {  	[tilespmem:v1+s22+$0x0] =	vst.idx.add.f32.msk $0xffff, v0  }
0x6c: {  	v1 =	vld [tilespmem:$0x220];
	_ =	sdelay $0x7  }
0x6d: {  	[tilespmem:v1+s22+$0x0] =	vst.idx.add.f32.msk $0xffff, v0  }
0x6e: {  	v1 =	vld [tilespmem:$0x230];
	_ =	sdelay $0x7  }
0x6f: {  	[tilespmem:v1+s22+$0x0] =	vst.idx.add.f32.msk $0xffff, v0  }
0x70: {  	v1 =	vld [tilespmem:$0x240];
	_ =	sdelay $0x7  }
0x71: {  	[tilespmem:v1+s22+$0x0] =	vst.idx.add.f32.msk $0xffff, v0  }
0x72: {  	v1 =	vld [tilespmem:$0x250];
	_ =	sdelay $0x7  }
0x73: {  	[tilespmem:v1+s22+$0x0] =	vst.idx.add.f32.msk $0xffff, v0  }
0x74: {  	v1 =	vld [tilespmem:$0x260];
	_ =	sdelay $0x7  }
0x75: {  	[tilespmem:v1+s22+$0x0] =	vst.idx.add.f32.msk $0xffff, v0  }
0x76: {  	_ =	swait.ge [sflag:s14], $0x3800  }
0x77: {  	[sflag:s14] =	ssyncset.done $0x0  }
0x78: {  	[sflag:s14] =	ssyncadd.s32 $0xFFFFC800  }
0x79: {  	[spmem:s1] =	stream.indirect.scatter.add.f32 [tilespmem:s0], [sflag:$0x4], $0x80, s28, s25, $0xb8;
	[tilespmem:$0x1D340] =	vst v63  }
0x7a: {  	_ =	swait.ge [sflag:s15], $0x3800  }
0x7b: {  	[sflag:s15] =	ssyncset.done $0x0  }
0x7c: {  	[sflag:s15] =	ssyncadd.s32 $0xFFFFC800  }
0x7d: {  	_ =	swait.ge [sflag:s31], $0x80  }
0x7e: {  	s17 =	sadd.s32 $0xFFFFFE80, s10;
	[sflag:s31] =	ssyncset.done $0x0  }
0x7f: {  	s18 =	sand.u32 $0x7C00, s17;
	[sflag:s31] =	ssyncadd.s32 $0xFFFFFF80  }
0x80: {  	s17 =	sand.u32 $0x380, s17;
	s18 =	sadd.s32 s11, s18;
	_ =	swait.ge [sflag:s31], $0x80  }
0x81: {  	s17 =	sor.u32 s17, s18;
	[sflag:s31] =	ssyncset.done $0x0  }
0x82: {  	s17 =	sshrl.u32 s17, $0x3;
	[sflag:s31] =	ssyncadd.s32 $0xFFFFFF80  }
0x83: {  	[tilespmem:s30], [sflag:$0x1] =	stream.indirect.gather [hbm4b:s4+s25], $0x80, s3, s25, $0xb8;
	[tilespmem:$0x1D340] =	vst v63  }
0x84: {  	s18 =	sadd.s32 s7, s17  }
0x85: {  	[tilespmem:s2], [sflag:$0x5] =	stream.linear.gather [hbm4b:s18+s2], $0x80, $0x38;
	[tilespmem:$0x1D340] =	vst v63  }
0x86: {  	s17 =	sadd.s32 s8, s17  }
0x87: {  	[tilespmem:s24], [sflag:$0x5] =	stream.linear.gather [hbm4b:s17+s2], $0x80, $0x38;
	[tilespmem:$0x1D340] =	vst v63  }
0x88: {  	v1 =	vld [tilespmem:$0x280];
	_ =	sdelay $0x7  }
0x89: {  	[tilespmem:v1+s22+$0x0] =	vst.idx.add.f32.msk $0xffff, v0  }
0x8a: {  	v1 =	vld [tilespmem:$0x290];
	_ =	sdelay $0x7  }
0x8b: {  	[tilespmem:v1+s22+$0x0] =	vst.idx.add.f32.msk $0xffff, v0  }
0x8c: {  	v1 =	vld [tilespmem:$0x2A0];
	_ =	sdelay $0x7  }
0x8d: {  	[tilespmem:v1+s22+$0x0] =	vst.idx.add.f32.msk $0xffff, v0  }
0x8e: {  	v1 =	vld [tilespmem:$0x2B0];
	_ =	sdelay $0x7  }
0x8f: {  	[tilespmem:v1+s22+$0x0] =	vst.idx.add.f32.msk $0xffff, v0  }
0x90: {  	v1 =	vld [tilespmem:$0x2C0];
	_ =	sdelay $0x7  }
0x91: {  	[tilespmem:v1+s22+$0x0] =	vst.idx.add.f32.msk $0xffff, v0  }
0x92: {  	v1 =	vld [tilespmem:$0x2D0];
	_ =	sdelay $0x7  }
0x93: {  	[tilespmem:v1+s22+$0x0] =	vst.idx.add.f32.msk $0xffff, v0  }
0x94: {  	v1 =	vld [tilespmem:$0x2E0];
	_ =	sdelay $0x7  }
0x95: {  	[tilespmem:v1+s22+$0x0] =	vst.idx.add.f32.msk $0xffff, v0  }
0x96: {  	_ =	swait.ge [sflag:s29], $0x3800  }
0x97: {  	[sflag:s29] =	ssyncset.done $0x0  }
0x98: {  	[sflag:s29] =	ssyncadd.s32 $0xFFFFC800  }
0x99: {  	[spmem:s1] =	stream.indirect.scatter.add.f32 [tilespmem:s30], [sflag:$0x3], $0x80, s13, s25, $0xb8;
	[tilespmem:$0x1D340] =	vst v63  }
0x9a: {  	_ =	swait.ge [sflag:s16], $0x3800  }
0x9b: {  	[sflag:s16] =	ssyncset.done $0x0  }
0x9c: {  	[sflag:s16] =	ssyncadd.s32 $0xFFFFC800  }
0x9d: {  	_ =	swait.ge [sflag:s31], $0x80  }
0x9e: {  	s17 =	sadd.s32 $0xFFFFFF00, s10;
	[sflag:s31] =	ssyncset.done $0x0  }
0x9f: {  	s18 =	sand.u32 $0x7C00, s17;
	[sflag:s31] =	ssyncadd.s32 $0xFFFFFF80  }
0xa0: {  	s17 =	sand.u32 $0x300, s17;
	s18 =	sadd.s32 s11, s18;
	_ =	swait.ge [sflag:s31], $0x80  }
0xa1: {  	s17 =	sor.u32 s17, s18;
	[sflag:s31] =	ssyncset.done $0x0  }
0xa2: {  	s17 =	sshrl.u32 s17, $0x3;
	[sflag:s31] =	ssyncadd.s32 $0xFFFFFF80  }
0xa3: {  	[tilespmem:s0], [sflag:$0x2] =	stream.indirect.gather [hbm4b:s4+s25], $0x80, s2, s25, $0xb8;
	[tilespmem:$0x1D340] =	vst v63  }
0xa4: {  	s18 =	sadd.s32 s7, s17  }
0xa5: {  	[tilespmem:s26], [sflag:$0x5] =	stream.linear.gather [hbm4b:s18+s2], $0x80, $0x38;
	[tilespmem:$0x1D340] =	vst v63  }
0xa6: {  	s17 =	sadd.s32 s8, s17  }
0xa7: {  	[tilespmem:s28], [sflag:$0x5] =	stream.linear.gather [hbm4b:s17+s2], $0x80, $0x38;
	[tilespmem:$0x1D340] =	vst v63  }
0xa8: {  	v1 =	vld [tilespmem:$0x180];
	_ =	sdelay $0x7  }
0xa9: {  	[tilespmem:v1+s22+$0x0] =	vst.idx.add.f32.msk $0xffff, v0  }
0xaa: {  	v1 =	vld [tilespmem:$0x190];
	_ =	sdelay $0x7  }
0xab: {  	[tilespmem:v1+s22+$0x0] =	vst.idx.add.f32.msk $0xffff, v0  }
0xac: {  	v1 =	vld [tilespmem:$0x1A0];
	_ =	sdelay $0x7  }
0xad: {  	[tilespmem:v1+s22+$0x0] =	vst.idx.add.f32.msk $0xffff, v0  }
0xae: {  	v1 =	vld [tilespmem:$0x1B0];
	_ =	sdelay $0x7  }
0xaf: {  	[tilespmem:v1+s22+$0x0] =	vst.idx.add.f32.msk $0xffff, v0  }
0xb0: {  	v1 =	vld [tilespmem:$0x1C0];
	_ =	sdelay $0x7  }
0xb1: {  	[tilespmem:v1+s22+$0x0] =	vst.idx.add.f32.msk $0xffff, v0  }
0xb2: {  	v1 =	vld [tilespmem:$0x1D0];
	_ =	sdelay $0x7  }
0xb3: {  	[tilespmem:v1+s22+$0x0] =	vst.idx.add.f32.msk $0xffff, v0  }
0xb4: {  	v1 =	vld [tilespmem:$0x1E0];
	_ =	sdelay $0x7  }
0xb5: {  	[tilespmem:v1+s22+$0x0] =	vst.idx.add.f32.msk $0xffff, v0  }
0xb6: {  	_ =	swait.ge [sflag:s14], $0x3800  }
0xb7: {  	[sflag:s14] =	ssyncset.done $0x0  }
0xb8: {  	[sflag:s14] =	ssyncadd.s32 $0xFFFFC800  }
0xb9: {  	[spmem:s1] =	stream.indirect.scatter.add.f32 [tilespmem:s0], [sflag:$0x4], $0x80, s24, s25, $0xb8;
	[tilespmem:$0x1D340] =	vst v63  }
0xba: {  	_ =	swait.ge [sflag:s15], $0x3800  }
0xbb: {  	[sflag:s15] =	ssyncset.done $0x0  }
0xbc: {  	[sflag:s15] =	ssyncadd.s32 $0xFFFFC800  }
0xbd: {  	_ =	swait.ge [sflag:s31], $0x80  }
0xbe: {  	s17 =	sadd.s32 $0xFFFFFF80, s10;
	[sflag:s31] =	ssyncset.done $0x0  }
0xbf: {  	s18 =	sand.u32 $0x7C00, s17;
	[sflag:s31] =	ssyncadd.s32 $0xFFFFFF80  }
0xc0: {  	s17 =	sand.u32 $0x380, s17;
	s18 =	sadd.s32 s11, s18;
	_ =	swait.ge [sflag:s31], $0x80  }
0xc1: {  	s17 =	sor.u32 s17, s18;
	[sflag:s31] =	ssyncset.done $0x0  }
0xc2: {  	s17 =	sshrl.u32 s17, $0x3;
	[sflag:s31] =	ssyncadd.s32 $0xFFFFFF80  }
0xc3: {  	[tilespmem:s30], [sflag:$0x1] =	stream.indirect.gather [hbm4b:s4+s25], $0x80, s26, s25, $0xb8;
	[tilespmem:$0x1D340] =	vst v63  }
0xc4: {  	s18 =	sadd.s32 s7, s17  }
0xc5: {  	[tilespmem:s3], [sflag:$0x5] =	stream.linear.gather [hbm4b:s18+s2], $0x80, $0x38;
	[tilespmem:$0x1D340] =	vst v63  }
0xc6: {  	s17 =	sadd.s32 s8, s17  }
0xc7: {  	[tilespmem:s13], [sflag:$0x5] =	stream.linear.gather [hbm4b:s17+s2], $0x80, $0x38;
	[tilespmem:$0x1D340] =	vst v63  }
0xc8: {  	v1 =	vld [tilespmem:$0x200];
	_ =	sdelay $0x7  }
0xc9: {  	[tilespmem:v1+s22+$0x0] =	vst.idx.add.f32.msk $0xffff, v0  }
0xca: {  	v1 =	vld [tilespmem:$0x210];
	_ =	sdelay $0x7  }
0xcb: {  	[tilespmem:v1+s22+$0x0] =	vst.idx.add.f32.msk $0xffff, v0  }
0xcc: {  	v1 =	vld [tilespmem:$0x220];
	_ =	sdelay $0x7  }
0xcd: {  	[tilespmem:v1+s22+$0x0] =	vst.idx.add.f32.msk $0xffff, v0  }
0xce: {  	v1 =	vld [tilespmem:$0x230];
	_ =	sdelay $0x7  }
0xcf: {  	[tilespmem:v1+s22+$0x0] =	vst.idx.add.f32.msk $0xffff, v0  }
0xd0: {  	v1 =	vld [tilespmem:$0x240];
	_ =	sdelay $0x7  }
0xd1: {  	[tilespmem:v1+s22+$0x0] =	vst.idx.add.f32.msk $0xffff, v0  }
0xd2: {  	v1 =	vld [tilespmem:$0x250];
	_ =	sdelay $0x7  }
0xd3: {  	[tilespmem:v1+s22+$0x0] =	vst.idx.add.f32.msk $0xffff, v0  }
0xd4: {  	v1 =	vld [tilespmem:$0x260];
	_ =	sdelay $0x7  }
0xd5: {  	[tilespmem:v1+s22+$0x0] =	vst.idx.add.f32.msk $0xffff, v0  }
0xd6: {  	_ =	swait.ge [sflag:s29], $0x3800  }
0xd7: {  	[sflag:s29] =	ssyncset.done $0x0  }
0xd8: {  	[sflag:s29] =	ssyncadd.s32 $0xFFFFC800  }
0xd9: {  	[spmem:s1] =	stream.indirect.scatter.add.f32 [tilespmem:s30], [sflag:$0x3], $0x80, s28, s25, $0xb8;
	[tilespmem:$0x1D340] =	vst v63  }
0xda: {  	_ =	swait.ge [sflag:s16], $0x3800  }
0xdb: {  	[sflag:s16] =	ssyncset.done $0x0  }
0xdc: {  	[sflag:s16] =	ssyncadd.s32 $0xFFFFC800  }
0xdd: {  	_ =	swait.ge [sflag:s31], $0x80  }
0xde: {  	[sflag:s31] =	ssyncset.done $0x0  }
0xdf: {  	[sflag:s31] =	ssyncadd.s32 $0xFFFFFF80  }
0xe0: {  	_ =	swait.ge [sflag:s31], $0x80  }
0xe1: {  	[sflag:s31] =	ssyncset.done $0x0  }
0xe2: {  	[sflag:s31] =	ssyncadd.s32 $0xFFFFFF80  }
0xe3: {  	[tilespmem:s0], [sflag:$0x2] =	stream.indirect.gather [hbm4b:s4+s25], $0x80, s3, s25, $0xb8;
	[tilespmem:$0x1D340] =	vst v63  }
0xe4: {  	v1 =	vld [tilespmem:$0x280];
	_ =	sdelay $0x7  }
0xe5: {  	[tilespmem:v1+s22+$0x0] =	vst.idx.add.f32.msk $0xffff, v0  }
0xe6: {  	v1 =	vld [tilespmem:$0x290];
	_ =	sdelay $0x7  }
0xe7: {  	[tilespmem:v1+s22+$0x0] =	vst.idx.add.f32.msk $0xffff, v0  }
0xe8: {  	v1 =	vld [tilespmem:$0x2A0];
	_ =	sdelay $0x7  }
0xe9: {  	[tilespmem:v1+s22+$0x0] =	vst.idx.add.f32.msk $0xffff, v0  }
0xea: {  	v1 =	vld [tilespmem:$0x2B0];
	_ =	sdelay $0x7  }
0xeb: {  	[tilespmem:v1+s22+$0x0] =	vst.idx.add.f32.msk $0xffff, v0  }
0xec: {  	v1 =	vld [tilespmem:$0x2C0];
	_ =	sdelay $0x7  }
0xed: {  	[tilespmem:v1+s22+$0x0] =	vst.idx.add.f32.msk $0xffff, v0  }
0xee: {  	v1 =	vld [tilespmem:$0x2D0];
	_ =	sdelay $0x7  }
0xef: {  	[tilespmem:v1+s22+$0x0] =	vst.idx.add.f32.msk $0xffff, v0  }
0xf0: {  	v1 =	vld [tilespmem:$0x2E0];
	_ =	sdelay $0x7  }
0xf1: {  	[tilespmem:v1+s22+$0x0] =	vst.idx.add.f32.msk $0xffff, v0  }
0xf2: {  	_ =	swait.ge [sflag:s14], $0x3800  }
0xf3: {  	p2 =	seq.s32 s10, $0x1B00;
	[sflag:s14] =	ssyncset.done $0x0  }
.Ltmp3:
0xf4: {  	[sflag:s14] =	ssyncadd.s32 $0xFFFFC800;
	(pc) =	sbr.rel @p2 .LBB2_8-.Ltmp3, $4  }
0xf5: {  	[spmem:s1] =	stream.indirect.scatter.add.f32 [tilespmem:s0], [sflag:$0x4], $0x80, s13, s25, $0xb8;
	[tilespmem:$0x1D340] =	vst v63  }
0xf6: {  	_ =	swait.ge [sflag:s15], $0x3800  }
0xf7: {  	[sflag:s15] =	ssyncset.done $0x0  }
0xf8: {  	[sflag:s15] =	ssyncadd.s32 $0xFFFFC800  }
0xf9: {  	s17 =	sand.u32 $0x7C00, s10  }
0xfa: {  	s18 =	sand.u32 $0x300, s10;
	s17 =	sadd.s32 s11, s17  }
0xfb: {  	s17 =	sor.u32 s18, s17  }
0xfc: {  	s17 =	sshrl.u32 s17, $0x3  }
0xfd: {  	s18 =	sadd.s32 s7, s17  }
0xfe: {  	[tilespmem:s2], [sflag:$0x5] =	stream.linear.gather [hbm4b:s18+s2], $0x80, $0x38;
	[tilespmem:$0x1D340] =	vst v63  }
0xff: {  	_ =	swait.ge [sflag:s31], $0x80  }
0x100: {  	[sflag:s31] =	ssyncset.done $0x0  }
0x101: {  	s17 =	sadd.s32 s8, s17;
	[sflag:s31] =	ssyncadd.s32 $0xFFFFFF80  }
0x102: {  	[tilespmem:s24], [sflag:$0x5] =	stream.linear.gather [hbm4b:s17+s2], $0x80, $0x38;
	[tilespmem:$0x1D340] =	vst v63  }
.Ltmp4:
0x103: {  	_ = 	snop;
	(pc) =	sbr.rel .LBB2_6-.Ltmp4, $4  }
0x104: {  	_ =	swait.ge [sflag:s31], $0x80  }
0x105: {  	[sflag:s31] =	ssyncset.done $0x0  }
0x106: {  	s10 =	sadd.s32 $0x300, s10;
	[sflag:s31] =	ssyncadd.s32 $0xFFFFFF80  }
0x107: {  	[tilespmem:s30], [sflag:$0x1] =	stream.indirect.gather [hbm4b:s4+s25], $0x80, s2, s25, $0xb8;
	[tilespmem:$0x1D340] =	vst v63  }
.LBB2_2:
0x108: {  	s10 =	rddreg [dreg:$0x5]  }
0x109: {  	[tilespmem:s2], [sflag:$0x6] =	stream.linear.gather [hbm4b:s10+s2], $0x80, $0x38;
	[tilespmem:$0x1D340] =	vst v63  }
0x10a: {  	_ =	swait.ge [sflag:s23], $0x80  }
0x10b: {  	[sflag:s23] =	ssyncset.done $0x0  }
0x10c: {  	s18 =	rddreg [dreg:$0x6];
	[sflag:s23] =	ssyncadd.s32 $0xFFFFFF80  }
0x10d: {  	[tilespmem:s24], [sflag:$0x6] =	stream.linear.gather [hbm4b:s18+s2], $0x80, $0x38;
	[tilespmem:$0x1D340] =	vst v63  }
0x10e: {  	_ =	swait.ge [sflag:s23], $0x80  }
0x10f: {  	[sflag:s23] =	ssyncset.done $0x0  }
0x110: {  	s10 =	simm.s32 $0x300;
	[sflag:s23] =	ssyncadd.s32 $0xFFFFFF80  }
0x111: {  	[tilespmem:s10], [sflag:$0x1] =	stream.indirect.gather [hbm4b:s4+s25], $0x80, s2, s25, $0xb8;
	[tilespmem:$0x1D340] =	vst v63  }
.LBB2_3:
0x112: {  	s17 =	sadd.s32 $0xFFFFFD00, s10  }
0x113: {  	s18 =	sand.u32 $0x7C00, s17  }
0x114: {  	s17 =	sand.u32 $0x300, s17;
	s18 =	sadd.s32 s12, s18  }
0x115: {  	s17 =	sor.u32 s18, s17  }
0x116: {  	s17 =	sor.u32 $0x80, s17  }
0x117: {  	s17 =	sshrl.u32 s17, $0x3  }
0x118: {  	s18 =	sadd.s32 s5, s17  }
0x119: {  	[tilespmem:s26], [sflag:$0x5] =	stream.linear.gather [hbm4b:s18+s2], $0x80, $0x38;
	[tilespmem:$0x1D340] =	vst v63  }
0x11a: {  	s17 =	sadd.s32 s6, s17  }
0x11b: {  	[tilespmem:s28], [sflag:$0x5] =	stream.linear.gather [hbm4b:s17+s2], $0x80, $0x38;
	[tilespmem:$0x1D340] =	vst v63  }
0x11c: {  	v1 =	vld [tilespmem:$0x180];
	_ =	sdelay $0x7  }
0x11d: {  	[tilespmem:v1+s22+$0x0] =	vst.idx.add.f32.msk $0xffff, v0  }
0x11e: {  	v1 =	vld [tilespmem:$0x190];
	_ =	sdelay $0x7  }
0x11f: {  	[tilespmem:v1+s22+$0x0] =	vst.idx.add.f32.msk $0xffff, v0  }
0x120: {  	v1 =	vld [tilespmem:$0x1A0];
	_ =	sdelay $0x7  }
0x121: {  	[tilespmem:v1+s22+$0x0] =	vst.idx.add.f32.msk $0xffff, v0  }
0x122: {  	v1 =	vld [tilespmem:$0x1B0];
	_ =	sdelay $0x7  }
0x123: {  	[tilespmem:v1+s22+$0x0] =	vst.idx.add.f32.msk $0xffff, v0  }
0x124: {  	v1 =	vld [tilespmem:$0x1C0];
	_ =	sdelay $0x7  }
0x125: {  	[tilespmem:v1+s22+$0x0] =	vst.idx.add.f32.msk $0xffff, v0  }
0x126: {  	v1 =	vld [tilespmem:$0x1D0];
	_ =	sdelay $0x7  }
0x127: {  	[tilespmem:v1+s22+$0x0] =	vst.idx.add.f32.msk $0xffff, v0  }
0x128: {  	v1 =	vld [tilespmem:$0x1E0];
	_ =	sdelay $0x7  }
0x129: {  	[tilespmem:v1+s22+$0x0] =	vst.idx.add.f32.msk $0xffff, v0  }
0x12a: {  	_ =	swait.ge [sflag:s29], $0x3800  }
0x12b: {  	p2 =	seq.s32 s10, $0x300;
	[sflag:s29] =	ssyncset.done $0x0  }
0x12c: {  	s17 =	simm.s32 @!p2 $0x4;
	[sflag:s29] =	ssyncadd.s32 $0xFFFFC800  }
0x12d: {  	[spmem:s1] =	stream.indirect.scatter.add.f32 [tilespmem:s30], [sflag:$0x3], $0x80, s24, s25, $0xb8;
	[tilespmem:$0x1D340] =	vst v63  }
0x12e: {  	_ =	swait.ge @!p2 [sflag:s17], $0x3800  }
0x12f: {  	[sflag:s17] =	ssyncset.done @!p2 $0x0  }
0x130: {  	[sflag:s17] =	ssyncadd.s32 @!p2 $0xFFFFC800  }
0x131: {  	_ =	swait.ge [sflag:s31], $0x80  }
0x132: {  	s17 =	sadd.s32 $0xFFFFFE00, s10;
	[sflag:s31] =	ssyncset.done $0x0  }
0x133: {  	s18 =	sand.u32 $0xFC00, s17;
	[sflag:s31] =	ssyncadd.s32 $0xFFFFFF80  }
0x134: {  	s17 =	sand.u32 $0x300, s17;
	s18 =	sadd.s32 s12, s18;
	_ =	swait.ge [sflag:s31], $0x80  }
0x135: {  	s17 =	sor.u32 s17, s18;
	[sflag:s31] =	ssyncset.done $0x0  }
0x136: {  	s17 =	sshrl.u32 s17, $0x3;
	[sflag:s31] =	ssyncadd.s32 $0xFFFFFF80  }
0x137: {  	[tilespmem:s0], [sflag:$0x2] =	stream.indirect.gather [hbm4b:s4+s25], $0x80, s26, s25, $0xb8;
	[tilespmem:$0x1D340] =	vst v63  }
0x138: {  	s18 =	sadd.s32 s5, s17  }
0x139: {  	[tilespmem:s3], [sflag:$0x5] =	stream.linear.gather [hbm4b:s18+s2], $0x80, $0x38;
	[tilespmem:$0x1D340] =	vst v63  }
0x13a: {  	s17 =	sadd.s32 s6, s17  }
0x13b: {  	[tilespmem:s13], [sflag:$0x5] =	stream.linear.gather [hbm4b:s17+s2], $0x80, $0x38;
	[tilespmem:$0x1D340] =	vst v63  }
0x13c: {  	v1 =	vld [tilespmem:$0x200];
	_ =	sdelay $0x7  }
0x13d: {  	[tilespmem:v1+s22+$0x0] =	vst.idx.add.f32.msk $0xffff, v0  }
0x13e: {  	v1 =	vld [tilespmem:$0x210];
	_ =	sdelay $0x7  }
0x13f: {  	[tilespmem:v1+s22+$0x0] =	vst.idx.add.f32.msk $0xffff, v0  }
0x140: {  	v1 =	vld [tilespmem:$0x220];
	_ =	sdelay $0x7  }
0x141: {  	[tilespmem:v1+s22+$0x0] =	vst.idx.add.f32.msk $0xffff, v0  }
0x142: {  	v1 =	vld [tilespmem:$0x230];
	_ =	sdelay $0x7  }
0x143: {  	[tilespmem:v1+s22+$0x0] =	vst.idx.add.f32.msk $0xffff, v0  }
0x144: {  	v1 =	vld [tilespmem:$0x240];
	_ =	sdelay $0x7  }
0x145: {  	[tilespmem:v1+s22+$0x0] =	vst.idx.add.f32.msk $0xffff, v0  }
0x146: {  	v1 =	vld [tilespmem:$0x250];
	_ =	sdelay $0x7  }
0x147: {  	[tilespmem:v1+s22+$0x0] =	vst.idx.add.f32.msk $0xffff, v0  }
0x148: {  	v1 =	vld [tilespmem:$0x260];
	_ =	sdelay $0x7  }
0x149: {  	[tilespmem:v1+s22+$0x0] =	vst.idx.add.f32.msk $0xffff, v0  }
0x14a: {  	_ =	swait.ge [sflag:s14], $0x3800  }
0x14b: {  	[sflag:s14] =	ssyncset.done $0x0  }
0x14c: {  	[sflag:s14] =	ssyncadd.s32 $0xFFFFC800  }
0x14d: {  	[spmem:s1] =	stream.indirect.scatter.add.f32 [tilespmem:s0], [sflag:$0x4], $0x80, s28, s25, $0xb8;
	[tilespmem:$0x1D340] =	vst v63  }
0x14e: {  	_ =	swait.ge [sflag:s15], $0x3800  }
0x14f: {  	[sflag:s15] =	ssyncset.done $0x0  }
0x150: {  	[sflag:s15] =	ssyncadd.s32 $0xFFFFC800  }
0x151: {  	_ =	swait.ge [sflag:s31], $0x80  }
0x152: {  	s17 =	sadd.s32 $0xFFFFFE80, s10;
	[sflag:s31] =	ssyncset.done $0x0  }
0x153: {  	s18 =	sand.u32 $0xFC00, s17;
	[sflag:s31] =	ssyncadd.s32 $0xFFFFFF80  }
0x154: {  	s17 =	sand.u32 $0x380, s17;
	s18 =	sadd.s32 s12, s18;
	_ =	swait.ge [sflag:s31], $0x80  }
0x155: {  	s17 =	sor.u32 s17, s18;
	[sflag:s31] =	ssyncset.done $0x0  }
0x156: {  	s17 =	sshrl.u32 s17, $0x3;
	[sflag:s31] =	ssyncadd.s32 $0xFFFFFF80  }
0x157: {  	[tilespmem:s30], [sflag:$0x1] =	stream.indirect.gather [hbm4b:s4+s25], $0x80, s3, s25, $0xb8;
	[tilespmem:$0x1D340] =	vst v63  }
0x158: {  	s18 =	sadd.s32 s5, s17  }
0x159: {  	[tilespmem:s2], [sflag:$0x5] =	stream.linear.gather [hbm4b:s18+s2], $0x80, $0x38;
	[tilespmem:$0x1D340] =	vst v63  }
0x15a: {  	s17 =	sadd.s32 s6, s17  }
0x15b: {  	[tilespmem:s24], [sflag:$0x5] =	stream.linear.gather [hbm4b:s17+s2], $0x80, $0x38;
	[tilespmem:$0x1D340] =	vst v63  }
0x15c: {  	v1 =	vld [tilespmem:$0x280];
	_ =	sdelay $0x7  }
0x15d: {  	[tilespmem:v1+s22+$0x0] =	vst.idx.add.f32.msk $0xffff, v0  }
0x15e: {  	v1 =	vld [tilespmem:$0x290];
	_ =	sdelay $0x7  }
0x15f: {  	[tilespmem:v1+s22+$0x0] =	vst.idx.add.f32.msk $0xffff, v0  }
0x160: {  	v1 =	vld [tilespmem:$0x2A0];
	_ =	sdelay $0x7  }
0x161: {  	[tilespmem:v1+s22+$0x0] =	vst.idx.add.f32.msk $0xffff, v0  }
0x162: {  	v1 =	vld [tilespmem:$0x2B0];
	_ =	sdelay $0x7  }
0x163: {  	[tilespmem:v1+s22+$0x0] =	vst.idx.add.f32.msk $0xffff, v0  }
0x164: {  	v1 =	vld [tilespmem:$0x2C0];
	_ =	sdelay $0x7  }
0x165: {  	[tilespmem:v1+s22+$0x0] =	vst.idx.add.f32.msk $0xffff, v0  }
0x166: {  	v1 =	vld [tilespmem:$0x2D0];
	_ =	sdelay $0x7  }
0x167: {  	[tilespmem:v1+s22+$0x0] =	vst.idx.add.f32.msk $0xffff, v0  }
0x168: {  	v1 =	vld [tilespmem:$0x2E0];
	_ =	sdelay $0x7  }
0x169: {  	[tilespmem:v1+s22+$0x0] =	vst.idx.add.f32.msk $0xffff, v0  }
0x16a: {  	_ =	swait.ge [sflag:s29], $0x3800  }
0x16b: {  	[sflag:s29] =	ssyncset.done $0x0  }
0x16c: {  	[sflag:s29] =	ssyncadd.s32 $0xFFFFC800  }
0x16d: {  	[spmem:s1] =	stream.indirect.scatter.add.f32 [tilespmem:s30], [sflag:$0x3], $0x80, s13, s25, $0xb8;
	[tilespmem:$0x1D340] =	vst v63  }
0x16e: {  	_ =	swait.ge [sflag:s16], $0x3800  }
0x16f: {  	[sflag:s16] =	ssyncset.done $0x0  }
0x170: {  	[sflag:s16] =	ssyncadd.s32 $0xFFFFC800  }
0x171: {  	_ =	swait.ge [sflag:s31], $0x80  }
0x172: {  	s17 =	sadd.s32 $0xFFFFFF00, s10;
	[sflag:s31] =	ssyncset.done $0x0  }
0x173: {  	s18 =	sand.u32 $0xFC00, s17;
	[sflag:s31] =	ssyncadd.s32 $0xFFFFFF80  }
0x174: {  	s17 =	sand.u32 $0x300, s17;
	s18 =	sadd.s32 s12, s18;
	_ =	swait.ge [sflag:s31], $0x80  }
0x175: {  	s17 =	sor.u32 s17, s18;
	[sflag:s31] =	ssyncset.done $0x0  }
0x176: {  	s17 =	sshrl.u32 s17, $0x3;
	[sflag:s31] =	ssyncadd.s32 $0xFFFFFF80  }
0x177: {  	[tilespmem:s0], [sflag:$0x2] =	stream.indirect.gather [hbm4b:s4+s25], $0x80, s2, s25, $0xb8;
	[tilespmem:$0x1D340] =	vst v63  }
0x178: {  	s18 =	sadd.s32 s5, s17  }
0x179: {  	[tilespmem:s26], [sflag:$0x5] =	stream.linear.gather [hbm4b:s18+s2], $0x80, $0x38;
	[tilespmem:$0x1D340] =	vst v63  }
0x17a: {  	s17 =	sadd.s32 s6, s17  }
0x17b: {  	[tilespmem:s28], [sflag:$0x5] =	stream.linear.gather [hbm4b:s17+s2], $0x80, $0x38;
	[tilespmem:$0x1D340] =	vst v63  }
0x17c: {  	v1 =	vld [tilespmem:$0x180];
	_ =	sdelay $0x7  }
0x17d: {  	[tilespmem:v1+s22+$0x0] =	vst.idx.add.f32.msk $0xffff, v0  }
0x17e: {  	v1 =	vld [tilespmem:$0x190];
	_ =	sdelay $0x7  }
0x17f: {  	[tilespmem:v1+s22+$0x0] =	vst.idx.add.f32.msk $0xffff, v0  }
0x180: {  	v1 =	vld [tilespmem:$0x1A0];
	_ =	sdelay $0x7  }
0x181: {  	[tilespmem:v1+s22+$0x0] =	vst.idx.add.f32.msk $0xffff, v0  }
0x182: {  	v1 =	vld [tilespmem:$0x1B0];
	_ =	sdelay $0x7  }
0x183: {  	[tilespmem:v1+s22+$0x0] =	vst.idx.add.f32.msk $0xffff, v0  }
0x184: {  	v1 =	vld [tilespmem:$0x1C0];
	_ =	sdelay $0x7  }
0x185: {  	[tilespmem:v1+s22+$0x0] =	vst.idx.add.f32.msk $0xffff, v0  }
0x186: {  	v1 =	vld [tilespmem:$0x1D0];
	_ =	sdelay $0x7  }
0x187: {  	[tilespmem:v1+s22+$0x0] =	vst.idx.add.f32.msk $0xffff, v0  }
0x188: {  	v1 =	vld [tilespmem:$0x1E0];
	_ =	sdelay $0x7  }
0x189: {  	[tilespmem:v1+s22+$0x0] =	vst.idx.add.f32.msk $0xffff, v0  }
0x18a: {  	_ =	swait.ge [sflag:s14], $0x3800  }
0x18b: {  	[sflag:s14] =	ssyncset.done $0x0  }
0x18c: {  	[sflag:s14] =	ssyncadd.s32 $0xFFFFC800  }
0x18d: {  	[spmem:s1] =	stream.indirect.scatter.add.f32 [tilespmem:s0], [sflag:$0x4], $0x80, s24, s25, $0xb8;
	[tilespmem:$0x1D340] =	vst v63  }
0x18e: {  	_ =	swait.ge [sflag:s15], $0x3800  }
0x18f: {  	[sflag:s15] =	ssyncset.done $0x0  }
0x190: {  	[sflag:s15] =	ssyncadd.s32 $0xFFFFC800  }
0x191: {  	_ =	swait.ge [sflag:s31], $0x80  }
0x192: {  	s17 =	sadd.s32 $0xFFFFFF80, s10;
	[sflag:s31] =	ssyncset.done $0x0  }
0x193: {  	s18 =	sand.u32 $0xFC00, s17;
	[sflag:s31] =	ssyncadd.s32 $0xFFFFFF80  }
0x194: {  	s17 =	sand.u32 $0x380, s17;
	s18 =	sadd.s32 s12, s18;
	_ =	swait.ge [sflag:s31], $0x80  }
0x195: {  	s17 =	sor.u32 s17, s18;
	[sflag:s31] =	ssyncset.done $0x0  }
0x196: {  	s17 =	sshrl.u32 s17, $0x3;
	[sflag:s31] =	ssyncadd.s32 $0xFFFFFF80  }
0x197: {  	[tilespmem:s30], [sflag:$0x1] =	stream.indirect.gather [hbm4b:s4+s25], $0x80, s26, s25, $0xb8;
	[tilespmem:$0x1D340] =	vst v63  }
0x198: {  	s18 =	sadd.s32 s5, s17  }
0x199: {  	[tilespmem:s3], [sflag:$0x5] =	stream.linear.gather [hbm4b:s18+s2], $0x80, $0x38;
	[tilespmem:$0x1D340] =	vst v63  }
0x19a: {  	s17 =	sadd.s32 s6, s17  }
0x19b: {  	[tilespmem:s13], [sflag:$0x5] =	stream.linear.gather [hbm4b:s17+s2], $0x80, $0x38;
	[tilespmem:$0x1D340] =	vst v63  }
0x19c: {  	v1 =	vld [tilespmem:$0x200];
	_ =	sdelay $0x7  }
0x19d: {  	[tilespmem:v1+s22+$0x0] =	vst.idx.add.f32.msk $0xffff, v0  }
0x19e: {  	v1 =	vld [tilespmem:$0x210];
	_ =	sdelay $0x7  }
0x19f: {  	[tilespmem:v1+s22+$0x0] =	vst.idx.add.f32.msk $0xffff, v0  }
0x1a0: {  	v1 =	vld [tilespmem:$0x220];
	_ =	sdelay $0x7  }
0x1a1: {  	[tilespmem:v1+s22+$0x0] =	vst.idx.add.f32.msk $0xffff, v0  }
0x1a2: {  	v1 =	vld [tilespmem:$0x230];
	_ =	sdelay $0x7  }
0x1a3: {  	[tilespmem:v1+s22+$0x0] =	vst.idx.add.f32.msk $0xffff, v0  }
0x1a4: {  	v1 =	vld [tilespmem:$0x240];
	_ =	sdelay $0x7  }
0x1a5: {  	[tilespmem:v1+s22+$0x0] =	vst.idx.add.f32.msk $0xffff, v0  }
0x1a6: {  	v1 =	vld [tilespmem:$0x250];
	_ =	sdelay $0x7  }
0x1a7: {  	[tilespmem:v1+s22+$0x0] =	vst.idx.add.f32.msk $0xffff, v0  }
0x1a8: {  	v1 =	vld [tilespmem:$0x260];
	_ =	sdelay $0x7  }
0x1a9: {  	[tilespmem:v1+s22+$0x0] =	vst.idx.add.f32.msk $0xffff, v0  }
0x1aa: {  	_ =	swait.ge [sflag:s29], $0x3800  }
0x1ab: {  	[sflag:s29] =	ssyncset.done $0x0  }
0x1ac: {  	[sflag:s29] =	ssyncadd.s32 $0xFFFFC800  }
0x1ad: {  	[spmem:s1] =	stream.indirect.scatter.add.f32 [tilespmem:s30], [sflag:$0x3], $0x80, s28, s25, $0xb8;
	[tilespmem:$0x1D340] =	vst v63  }
0x1ae: {  	_ =	swait.ge [sflag:s16], $0x3800  }
0x1af: {  	[sflag:s16] =	ssyncset.done $0x0  }
0x1b0: {  	[sflag:s16] =	ssyncadd.s32 $0xFFFFC800  }
0x1b1: {  	_ =	swait.ge [sflag:s31], $0x80  }
0x1b2: {  	[sflag:s31] =	ssyncset.done $0x0  }
0x1b3: {  	[sflag:s31] =	ssyncadd.s32 $0xFFFFFF80  }
0x1b4: {  	_ =	swait.ge [sflag:s31], $0x80  }
0x1b5: {  	[sflag:s31] =	ssyncset.done $0x0  }
0x1b6: {  	[sflag:s31] =	ssyncadd.s32 $0xFFFFFF80  }
0x1b7: {  	[tilespmem:s0], [sflag:$0x2] =	stream.indirect.gather [hbm4b:s4+s25], $0x80, s3, s25, $0xb8;
	[tilespmem:$0x1D340] =	vst v63  }
0x1b8: {  	v1 =	vld [tilespmem:$0x280];
	_ =	sdelay $0x7  }
0x1b9: {  	[tilespmem:v1+s22+$0x0] =	vst.idx.add.f32.msk $0xffff, v0  }
0x1ba: {  	v1 =	vld [tilespmem:$0x290];
	_ =	sdelay $0x7  }
0x1bb: {  	[tilespmem:v1+s22+$0x0] =	vst.idx.add.f32.msk $0xffff, v0  }
0x1bc: {  	v1 =	vld [tilespmem:$0x2A0];
	_ =	sdelay $0x7  }
0x1bd: {  	[tilespmem:v1+s22+$0x0] =	vst.idx.add.f32.msk $0xffff, v0  }
0x1be: {  	v1 =	vld [tilespmem:$0x2B0];
	_ =	sdelay $0x7  }
0x1bf: {  	[tilespmem:v1+s22+$0x0] =	vst.idx.add.f32.msk $0xffff, v0  }
0x1c0: {  	v1 =	vld [tilespmem:$0x2C0];
	_ =	sdelay $0x7  }
0x1c1: {  	[tilespmem:v1+s22+$0x0] =	vst.idx.add.f32.msk $0xffff, v0  }
0x1c2: {  	v1 =	vld [tilespmem:$0x2D0];
	_ =	sdelay $0x7  }
0x1c3: {  	[tilespmem:v1+s22+$0x0] =	vst.idx.add.f32.msk $0xffff, v0  }
0x1c4: {  	v1 =	vld [tilespmem:$0x2E0];
	_ =	sdelay $0x7  }
0x1c5: {  	[tilespmem:v1+s22+$0x0] =	vst.idx.add.f32.msk $0xffff, v0  }
0x1c6: {  	_ =	swait.ge [sflag:s14], $0x3800  }
0x1c7: {  	p2 =	seq.s32 s10, $0x3F00;
	[sflag:s14] =	ssyncset.done $0x0  }
.Ltmp5:
0x1c8: {  	[sflag:s14] =	ssyncadd.s32 $0xFFFFC800;
	(pc) =	sbr.rel @p2 .LBB2_8-.Ltmp5, $4  }
0x1c9: {  	[spmem:s1] =	stream.indirect.scatter.add.f32 [tilespmem:s0], [sflag:$0x4], $0x80, s13, s25, $0xb8;
	[tilespmem:$0x1D340] =	vst v63  }
0x1ca: {  	_ =	swait.ge [sflag:s15], $0x3800  }
0x1cb: {  	[sflag:s15] =	ssyncset.done $0x0  }
0x1cc: {  	[sflag:s15] =	ssyncadd.s32 $0xFFFFC800  }
0x1cd: {  	s17 =	sand.u32 $0xFC00, s10  }
0x1ce: {  	s18 =	sand.u32 $0x300, s10;
	s17 =	sadd.s32 s12, s17  }
0x1cf: {  	s17 =	sor.u32 s18, s17  }
0x1d0: {  	s17 =	sshrl.u32 s17, $0x3  }
0x1d1: {  	s18 =	sadd.s32 s5, s17  }
0x1d2: {  	[tilespmem:s2], [sflag:$0x5] =	stream.linear.gather [hbm4b:s18+s2], $0x80, $0x38;
	[tilespmem:$0x1D340] =	vst v63  }
0x1d3: {  	_ =	swait.ge [sflag:s31], $0x80  }
0x1d4: {  	[sflag:s31] =	ssyncset.done $0x0  }
0x1d5: {  	s17 =	sadd.s32 s6, s17;
	[sflag:s31] =	ssyncadd.s32 $0xFFFFFF80  }
0x1d6: {  	[tilespmem:s24], [sflag:$0x5] =	stream.linear.gather [hbm4b:s17+s2], $0x80, $0x38;
	[tilespmem:$0x1D340] =	vst v63  }
.Ltmp6:
0x1d7: {  	_ = 	snop;
	(pc) =	sbr.rel .LBB2_3-.Ltmp6, $4  }
0x1d8: {  	_ =	swait.ge [sflag:s31], $0x80  }
0x1d9: {  	[sflag:s31] =	ssyncset.done $0x0  }
0x1da: {  	s10 =	sadd.s32 $0x300, s10;
	[sflag:s31] =	ssyncadd.s32 $0xFFFFFF80  }
0x1db: {  	[tilespmem:s30], [sflag:$0x1] =	stream.indirect.gather [hbm4b:s4+s25], $0x80, s2, s25, $0xb8;
	[tilespmem:$0x1D340] =	vst v63  }
.LBB2_9:
0x1dc: {  	_ =	sfence.sel $0x180000  }
0x1dd: {  	[bflag:$0x0] =	sbarrier.arrive $0xFFFF  }
0x1de: {  	_ =	strace $0x9000004A  }
0x1df: {  	s0 =	stileid.u32;
	[bflag:$0x2] =	sbarrier.arrive $0xFFFF  }
0x1e0: {  	p0 =	sne.s32 s0, $0x0;
	s0 =	rddreg [dreg:$0x2]  }
0x1e1: {  	s0 =	sadd.s32 @!p0 $0x100000, s0  }
0x1e2: {  	[sflag:s0] =	ssyncadd.tile.s32 @!p0 $0x1;
	_ =	shalt  }
.Lfunc_end2:
_tile_overlayer_lowered:
.L_overlay_start_2:
0x1e3: {  	(tag) =	ssettag $0x2  }
0x1e4: {  	s0 =	rddreg [dreg:$0x0];
	s2 =	stileid.u32  }
0x1e5: {  	s1 =	rddreg [dreg:$0x1];
	p0 =	sne.s32 s2, $0x0  }
0x1e6: {  	s3 =	rddreg [dreg:$0x2];
	[bflag:$0x3] =	sbarrier.arrive $0xFFFF;
	s2 =	simm.s32 @!p0 $0x1C06  }
0x1e7: {  	[timem:s3], [sflag:s2] =	dma.local @!p0 [hbm:s0], s1  }
0x1e8: {  	s0 =	simm.s32 @!p0 $0x6  }
0x1e9: {  	_ =	swait.ge @!p0 [sflag:s0], s1  }
0x1ea: {  	s1 =	ssub.s32 @!p0 $0x0, s1;
	[sflag:s0] =	ssyncset.done @!p0 $0x0  }
0x1eb: {  	[sflag:s0] =	ssyncadd.s32 @!p0 s1  }
0x1ec: {  	[bflag:$0x3] =	sbarrier.arrive $0xFFFF  }
0x1ed: {  	_ =	shalt  }

// kernel: kernel.7.cloned.1.call-start
scs
__scs_entry_jumppad:
0x0: {  	(pc) =	sbr.rel $0x88, $3  }
0x1: {  	(tag) =	ssettag $0x0;
	lr =	simm.s32 $0x1  }
0x2: {  	[smem:$0x3F93] =	sst lr;
	_ =	strace $0xD0000000  }
0x3: {  	_ = 	snop  }
0x4: {  	_ = 	snop  }
0x5: {  	_ = 	snop  }
0x6: {  	_ = 	snop  }
0x7: {  	_ = 	snop  }
__scs_overlays_trampoline_lowered:
0x8: {  	[smem:$0x3FA2] =	sst s0  }
0x9: {  	[smem:$0x3FA3] =	sst s1  }
0xa: {  	[smem:$0x3FA4] =	sst s2  }
0xb: {  	[smem:$0x3FA5] =	sst s3  }
0xc: {  	[smem:$0x3FA6] =	sst s4  }
0xd: {  	[smem:$0x3FA7] =	sst s5  }
0xe: {  	[smem:$0x3FA8] =	sst s6  }
0xf: {  	[smem:$0x3FA9] =	sst s7  }
0x10: {  	[smem:$0x3FAA] =	sst s8  }
0x11: {  	[smem:$0x3FAB] =	sst s9;
	s0 =	simm.s32 @!p0 $0x0  }
0x12: {  	s1 =	sld [smem:$0x3F91];
	s0 =	simm.s32 @p0 $0x1  }
0x13: {  	[smem:$0x3FAC] =	sst s0;
	s0 =	simm.s32 @!p1 $0x0  }
0x14: {  	s2 =	sld [smem:$0x3F90];
	s0 =	simm.s32 @p1 $0x1  }
0x15: {  	[smem:$0x3FAD] =	sst s0;
	s0 =	simm.s32 @!p2 $0x0  }
0x16: {  	s3 =	sld [smem:$0x3FDB];
	s0 =	simm.s32 @p2 $0x1  }
0x17: {  	s4 =	simm.s32 $0x1BF5;
	[smem:$0x3FAF] =	sst s0  }
0x18: {  	s0 =	sld [smem:$0x3F92];
	_ =	swait.ge [sflag:s4], $0x0  }
0x19: {  	s7 =	sld [smem:$0x3F93]  }
0x1a: {  	s8 =	sadd.s32 $0xFFFFE003, lr  }
0x1b: {  	s9 =	sadd.s32 $0xFFFFFEF7, lr;
	s5 =	simm.s32 $0xFFFFFFFF;
	p2 =	slt.u32 s8, $0xFFFFF086  }
0x1c: {  	p1 =	slt.u32 s9, $0xF7A;
	s5 =	simm.s32 @!p2 $0x0  }
0x1d: {  	s5 =	simm.s32 @p1 $0x1;
	p0 =	seq.s32 s7, s2  }
0x1e: {  	s7 =	smul.u32 @!p0 $0xF7A, s2;
	p2 =	seq.s32 @!p0 s5, $0x0  }
0x1f: {  	s9 =	smul.u32 $0xF7A, s1;
	s8 =	simm.s32 @!p0 $0x1BF5;
	p2 =	por !p2, p0  }
0x20: {  	[sflag:s8] =	ssyncset.s32 @!p0 $0xFFFFF086;
	s6 =	sadd.s32 @!p0 s3, s7;
	s7 =	simm.s32 @!p0 $0x108  }
0x21: {  	s3 =	sadd.s32 s3, s9;
	s6 =	sadd.s32 @!p0 $0x88, s6;
	s7 =	simm.s32 @p2 $0x1082  }
0x22: {  	[simem:s7], [sflag:s8] =	dma.local @!p0 [hbm:s6], $0xF7A  }
0x23: {  	s9 =	sor.u32 $0xD0000000, s2;
	s6 =	simm.s32 $0x108;
	_ =	swait.ge @!p0 [sflag:s8], $0x0  }
0x24: {  	s3 =	sadd.s32 $0x88, s3;
	s6 =	simm.s32 @!p1 $0x1082;
	[sflag:s4] =	ssyncset.s32 $0xFFFFF086  }
0x25: {  	[simem:s6], [sflag:s4] =	dma.local [hbm:s3], $0xF7A  }
0x26: {  	[smem:$0x3F93] =	sst s1;
	(tag) =	ssettag s2;
	_ =	strace s9  }
0x27: {  	s1 =	sld [smem:$0x3FA3]  }
0x28: {  	s2 =	sld [smem:$0x3FA4]  }
0x29: {  	s4 =	sld [smem:$0x3FA6]  }
0x2a: {  	p0 =	seq.s32 s5, $0x0;
	s5 =	sld [smem:$0x3FA7]  }
0x2b: {  	s6 =	sld [smem:$0x3FA8]  }
0x2c: {  	s7 =	sld [smem:$0x3FA9]  }
0x2d: {  	s3 =	simm.s32 $0x108;
	s8 =	sld [smem:$0x3FAA]  }
0x2e: {  	s3 =	simm.s32 @!p0 $0x1082;
	s9 =	sld [smem:$0x3FAB]  }
0x2f: {  	lr =	sadd.s32 s0, s3;
	s0 =	sld [smem:$0x3FA2]  }
0x30: {  	s3 =	sld [smem:$0x3FA5]  }
0x31: {  	[smem:$0x3FAE] =	sst s10  }
0x32: {  	s10 =	sld [smem:$0x3FAC];
	_ =	sdelay $0x3  }
0x33: {  	p0 =	seq.s32 s10, $0x1;
	s10 =	sld [smem:$0x3FAE];
	_ =	sdelay $0x3  }
0x34: {  	[smem:$0x3FAE] =	sst s10  }
0x35: {  	s10 =	sld [smem:$0x3FAD];
	_ =	sdelay $0x3  }
0x36: {  	p1 =	seq.s32 s10, $0x1;
	s10 =	sld [smem:$0x3FAE];
	_ =	sdelay $0x3  }
0x37: {  	[smem:$0x3FAE] =	sst s10  }
0x38: {  	s10 =	sld [smem:$0x3FAF]  }
0x39: {  	_ = 	snop;
	(pc) =	sbr.ind lr, $3  }
0x3a: {  	_ = 	snop  }
0x3b: {  	_ = 	snop  }
0x3c: {  	p2 =	seq.s32 s10, $0x1;
	s10 =	sld [smem:$0x3FAE]  }
0x3d: {  	_ =	shalt  }
0x3e: {  	_ =	shalt  }
0x3f: {  	_ =	shalt  }
0x40: {  	_ =	shalt  }
0x41: {  	_ =	shalt  }
0x42: {  	_ =	shalt  }
0x43: {  	_ =	shalt  }
0x44: {  	_ =	shalt  }
0x45: {  	_ =	shalt  }
0x46: {  	_ =	shalt  }
0x47: {  	_ =	shalt  }
0x48: {  	_ =	shalt  }
0x49: {  	_ =	shalt  }
0x4a: {  	_ =	shalt  }
0x4b: {  	_ =	shalt  }
0x4c: {  	_ =	shalt  }
0x4d: {  	_ =	shalt  }
0x4e: {  	_ =	shalt  }
0x4f: {  	_ =	shalt  }
0x50: {  	_ =	shalt  }
0x51: {  	_ =	shalt  }
0x52: {  	_ =	shalt  }
0x53: {  	_ =	shalt  }
0x54: {  	_ =	shalt  }
0x55: {  	_ =	shalt  }
0x56: {  	_ =	shalt  }
0x57: {  	_ =	shalt  }
0x58: {  	_ =	shalt  }
0x59: {  	_ =	shalt  }
0x5a: {  	_ =	shalt  }
0x5b: {  	_ =	shalt  }
0x5c: {  	_ =	shalt  }
0x5d: {  	_ =	shalt  }
0x5e: {  	_ =	shalt  }
0x5f: {  	_ =	shalt  }
0x60: {  	_ =	shalt  }
0x61: {  	_ =	shalt  }
0x62: {  	_ =	shalt  }
0x63: {  	_ =	shalt  }
0x64: {  	_ =	shalt  }
0x65: {  	_ =	shalt  }
0x66: {  	_ =	shalt  }
0x67: {  	_ =	shalt  }
0x68: {  	_ =	shalt  }
0x69: {  	_ =	shalt  }
0x6a: {  	_ =	shalt  }
0x6b: {  	_ =	shalt  }
0x6c: {  	_ =	shalt  }
0x6d: {  	_ =	shalt  }
0x6e: {  	_ =	shalt  }
0x6f: {  	_ =	shalt  }
0x70: {  	_ =	shalt  }
0x71: {  	_ =	shalt  }
0x72: {  	_ =	shalt  }
0x73: {  	_ =	shalt  }
0x74: {  	_ =	shalt  }
0x75: {  	_ =	shalt  }
0x76: {  	_ =	shalt  }
0x77: {  	_ =	shalt  }
0x78: {  	_ =	shalt  }
0x79: {  	_ =	shalt  }
0x7a: {  	_ =	shalt  }
0x7b: {  	_ =	shalt  }
0x7c: {  	_ =	shalt  }
0x7d: {  	_ =	shalt  }
0x7e: {  	_ =	shalt  }
0x7f: {  	_ =	shalt  }
0x80: {  	_ =	shalt  }
0x81: {  	_ =	shalt  }
0x82: {  	_ =	shalt  }
0x83: {  	_ =	shalt  }
0x84: {  	_ =	shalt  }
0x85: {  	_ =	shalt  }
0x86: {  	_ =	shalt  }
0x87: {  	_ =	shalt  }
.Lfunc_end0:
.L_simem_size_0:
called_computation_lowered:
.L_overlay_start_0:
0x88: {  	s2 =	sld [smem:$0x3FD9]  }
0x89: {  	s3 =	sld [smem:$0x3FFE];
	_ =	sdelay $0x1  }
0x8a: {  	s1 =	srdreg.scid  }
0x8b: {  	s0 =	sand.u32 $0x1, s1  }
0x8c: {  	s16 =	sshll.u32 s0, $0xA;
	s2 =	sadd.s32 s3, s2  }
0x8d: {  	s2 =	sadd.s32 s2, s16  }
0x8e: {  	[smem:$0x3FBA] =	sst s2  }
0x8f: {  	_ = 	snop  }
0x90: {  	(tm) =	ssettm $0x1  }
0x91: {  	s17 =	sld [smem:$0x3FFB];
	_ =	sdelay $0x3  }
0x92: {  	_ =	strace s17  }
0x93: {  	s2 =	sld [smem:$0x3FFC];
	_ =	sdelay $0x3  }
0x94: {  	_ =	strace s2  }
0x95: {  	s2 =	sld [smem:$0x3FFD];
	_ =	sdelay $0x3  }
0x96: {  	_ =	strace s2  }
0x97: {  	_ =	strace $0x8FFFFFFF  }
0x98: {  	s18 =	sld [smem:$0x3FDB];
	_ =	sdelay $0x1  }
0x99: {  	s19 =	simm.s32 $_scs_section_size  }
0x9a: {  	s4 =	simm.s32 $_size__tile_overlayer_lowered;
	s5 =	simm.s32 $_tile_overlayer_lowered  }
0x9b: {  	s22 =	simm.s32 $0x1BFF;
	s21 =	sshll.u32 s5, $0x1;
	s2 =	sadd.s32 s19, s18  }
0x9c: {  	s6 =	simm.s32 $0x0;
	s20 =	sshll.u32 s4, $0x1;
	s4 =	sadd.s32 s21, s2  }
0x9d: {  	[timem:s6], [sflag:s22] =	dma.local [hbm:s4], s20  }
0x9e: {  	_ =	swait.ge [sflag:s22], s20  }
0x9f: {  	s3 =	ssub.s32 $0x0, s20;
	[sflag:s22] =	ssyncset.done $0x0  }
0xa0: {  	[sflag:s22] =	ssyncadd.s32 s3;
	_ =	sdelay $0x1  }
0xa1: {  	s23 =	simm.s32 $0x1B8B  }
0xa2: {  	_ =	swait.ge [sflag:s23], $0x1  }
0xa3: {  	[sflag:s23] =	ssyncset.done $0x0  }
0xa4: {  	s25 =	simm.s32 $0x1B8E;
	s24 =	sld [smem:$0x3FFE];
	[sflag:s23] =	ssyncadd.s32 $0xFFFFFFFF  }
0xa5: {  	s26 =	simm.s32 $execute0_lowered;
	[smem:$0x3FD2] =	sst s25  }
0xa6: {  	s4 =	sshll.u32 s26, $0x1;
	_ =	strace $0x80000046;
	[dreg:$0x1] =	wrdreg $0xFFFFFFFF  }
0xa7: {  	s28 =	simm.s32 $_size_execute0_lowered;
	s2 =	sadd.s32 s2, s4;
	[dreg:$0x0] =	wrdreg $0x0  }
0xa8: {  	s4 =	sshll.u32 s28, $0x1;
	[dreg:$0x2] =	wrdreg s2  }
0xa9: {  	[dreg:$0x3] =	wrdreg s4  }
0xaa: {  	[dreg:$0x4] =	wrdreg $0xC0  }
0xab: {  	_ =	task [dreg:s6], $0x5FFFF  }
0xac: {  	[dreg:$0x1] =	wrdreg $0xFFFFFFFF  }
0xad: {  	[dreg:$0x0] =	wrdreg $0x60  }
0xae: {  	[dreg:$0x2] =	wrdreg s24  }
0xaf: {  	[dreg:$0x3] =	wrdreg $0x9A800  }
0xb0: {  	[dreg:$0x4] =	wrdreg $0x9  }
0xb1: {  	_ =	task.clear_ibuf [dreg:s6], $0x5FFFF;
	_ =	strace $0x90000046  }
0xb2: {  	s29 =	simm.s32 $0x9;
	_ =	strace $0x80000048  }
0xb3: {  	_ =	swait.ge [sflag:s29], $0x1  }
0xb4: {  	[sflag:s29] =	ssyncadd.s32 $0xFFFFFFFF  }
0xb5: {  	_ =	strace $0x90000048  }
0xb6: {  	_ =	sfence  }
0xb7: {  	s30 =	sld [smem:$0x0];
	_ =	sdelay $0x2  }
0xb8: {  	s31 =	sshll.u32 s1, $0xD;
	s1 =	sshrl.u32 s1, $0x2  }
0xb9: {  	s3 =	sand.u32 $0x4000, s31;
	s1 =	sadd.s32 s1, s30  }
0xba: {  	s0 =	sor.u32 s3, s0;
	s1 =	sshll.u32 s1, $0x11  }
0xbb: {  	s0 =	sor.u32 s1, s0  }
0xbc: {  	s0 =	sadd.s32 $0x8F2B, s0  }
0xbd: {  	[sflag:s0] =	ssyncadd.remote.s32 $0x1  }
0xbe: {  	_ =	sfence.sel $0xFFFF  }
0xbf: {  	[dreg:$0x0] =	wrdreg $0xFFFFFFFF;
	(pc) =	sbr.abs _section_cstart, $3  }
0xc0: {  	[dreg:$0x1] =	wrdreg $0xFFFFFFFF  }
0xc1: {  	_ =	task.clear_ibuf [dreg:s6], $0x2FFFF;
	_ =	strace $0x9FFFFFFF  }
0xc2: {  	(tm) =	ssettm $0x7FFFFFFF  }
0xc3: {  	_ =	shalt  }
tec
execute0_lowered:
.L_overlay_start_1:
0x0: {  	(tag) =	ssettag $0x1  }
0x1: {  	s0 =	rddreg [dreg:$0x0]  }
0x2: {  	s1 =	rddreg [dreg:$0x1];
	s2 =	simm.s32 $0x0;
	s3 =	srdreg.scid  }
0x3: {  	s15 =	stileid.u32;
	s28 =	simm.s32 $0x200;
	s29 =	simm.s32 $0x1  }
0x4: {  	s30 =	simm.s32 $0x300;
	s31 =	simm.s32 $0x5;
	s16 =	simm.s32 $0x4  }
0x5: {  	[smem:$0x7FF] =	sst s2;
	s4 =	sadd.s32 $0x18400, s0;
	s3 =	sand.u32 $0x1, s3  }
0x6: {  	s5 =	sadd.s32 $0x8400, s0;
	s6 =	sadd.s32 $0x10400, s0;
	s10 =	smul.u32 $0x1F400, s15  }
0x7: {  	s12 =	sshll.u32 s15, $0x7;
	s13 =	sadd.s32 $0x3F600, s0;
	s18 =	sadd.s32 $0x43600, s0  }
0x8: {  	s20 =	smul.u32 $0x7D000, s15;
	s22 =	sshll.u32 s15, $0xB;
	p1 =	sgt.u32 s15, $0x9  }
0x9: {  	_ =	strace $0x80000047;
	s7 =	sshll.u32 s3, $0x4;
	[dreg:$0x3] =	wrdreg s13  }
0xa: {  	s9 =	smul.u32 $0x138800, s3;
	s17 =	sand.u32 $0x380, s12;
	[dreg:$0x4] =	wrdreg s18  }
0xb: {  	s19 =	ssub.s32 $0x2, s3;
	p0 =	seq.s32 s3, $0x1;
	s14 =	sadd.s32 s5, s22  }
0xc: {  	s3 =	sadd.s32 s6, s22;
	s22 =	simm.s32 $0x7300;
	s8 =	sor.u32 s15, s7  }
0xd: {  	s7 =	sadd.s32 $0x1400, s0;
	s21 =	sshrl.u32 s19, $0x1;
	[dreg:$0x5] =	wrdreg s14  }
0xe: {  	s12 =	sshrl.u32 s20, $0x2;
	[dreg:$0x6] =	wrdreg s3;
	s3 =	sshll.u32 @!p1 s15, $0x6  }
0xf: {  	s14 =	simm.s32 $0x2;
	s11 =	sshrl.u32 s8, $0x3;
	s8 =	sadd.s32 $0x4C00, s0  }
0x10: {  	s9 =	sadd.s32 s10, s9;
	s13 =	sadd.s32 s12, s1;
	s11 =	smul.u32 $0x13C00, s11  }
0x11: {  	s12 =	sshll.u32 s15, $0xE;
	s20 =	sor.u32 @!p1 $0x1C06, s3;
	s9 =	sshrl.u32 s9, $0x3  }
0x12: {  	s3 =	simm.s32 $0x100;
	s9 =	sadd.s32 s9, s0;
	s10 =	sor.u32 s17, s11  }
0x13: {  	s11 =	smul.u32 $0x1C00, s15;
	s26 =	sadd.s32 $0x4DA00, s9;
	s15 =	simm.s32 $0x3  }
0x14: {  	s9 =	simm.s32 $0x0;
	s10 =	sshrl.u32 s10, $0x3;
	[dreg:$0x9] =	wrdreg s26  }
0x15: {  	s26 =	simm.s32 $0x80;
	s0 =	sadd.s32 s10, s0;
	s23 =	sshrl.u32 s11, $0x3  }
.Ltmp0:
0x16: {  	s10 =	ssub.s32 s19, s21;
	s24 =	sadd.s32 s7, s23;
	(pc) =	sbr.rel .LBB2_1-.Ltmp0, $4  }
0x17: {  	s21 =	sshrl.u32 @!p1 s13, $0x3;
	s25 =	sadd.s32 s8, s23;
	[dreg:$0x7] =	wrdreg s24  }
0x18: {  	s13 =	simm.s32 $0x280;
	s0 =	sadd.s32 $0x43C00, s0;
	[dreg:$0x8] =	wrdreg s25  }
0x19: {  	s19 =	smax.u32 s10, $0x1;
	s23 =	simm.s32 $0x6;
	[dreg:$0xa] =	wrdreg s0  }
0x1a: {  	v0 =	vimm.f32 $1.000000000e+00;
	s24 =	simm.s32 $0x180;
	s25 =	simm.s32 $0x70;
	s0 =	simm.s32 $0x3B00  }
.LBB2_8:
0x1b: {  	_ =	swait.ge [sflag:s16], $0x3800  }
0x1c: {  	[sflag:s16] =	ssyncset.done $0x0  }
0x1d: {  	[sflag:s16] =	ssyncadd.s32 $0xFFFFC800  }
0x1e: {  	[bflag:$0x0] =	sbarrier.arrive $0xFFFF  }
0x1f: {  	s10 =	rddreg [dreg:$0x9]  }
0x20: {  	[hbm:s10], [sflag:s20] =	dma.local @!p1 [spmem:s21], $0x3E80  }
0x21: {  	s10 =	simm.s32 @!p1 $0x6  }
0x22: {  	s9 =	sadd.s32 $0x1, s9;
	_ =	swait.ge @!p1 [sflag:s10], $0x3E80  }
0x23: {  	s17 =	simm.s32 $0x400;
	p2 =	sne.s32 s9, s19;
	[sflag:s10] =	ssyncset.done @!p1 $0x0  }
.Ltmp1:
0x24: {  	s18 =	rddreg [dreg:$0xa];
	[sflag:s10] =	ssyncadd.s32 @!p1 $0xFFFFC180;
	(pc) =	sbr.rel @!p2 .LBB2_9-.Ltmp1, $4  }
0x25: {  	[hbm4b:s18+s26] =	stream.strided.scatter [tilespmem:s22], [sflag:$0x6], $0x2780, s17, s26, $0x38;
	[tilespmem:$0x1D340] =	vst v63  }
0x26: {  	_ =	swait.ge [sflag:s23], $0x2780  }
0x27: {  	[sflag:s23] =	ssyncset.done $0x0  }
0x28: {  	[sflag:s23] =	ssyncadd.s32 $0xFFFFD880  }
.LBB2_1:
0x29: {  	s10 =	rddreg [dreg:$0x3]  }
0x2a: {  	[spmem:s21], [sflag:s20] =	dma.local @!p1 [hbm:s10], $0x3E80  }
0x2b: {  	s10 =	simm.s32 @!p1 $0x6  }
0x2c: {  	_ =	swait.ge @!p1 [sflag:s10], $0x3E80  }
0x2d: {  	[sflag:s10] =	ssyncset.done @!p1 $0x0  }
0x2e: {  	s18 =	rddreg [dreg:$0x4];
	[sflag:s10] =	ssyncadd.s32 @!p1 $0xFFFFC180  }
0x2f: {  	[tilespmem:s22], [sflag:$0x6] =	stream.linear.gather [hbm4b:s18+s2], $0x2780, $0x38;
	[tilespmem:$0x1D340] =	vst v63  }
.Ltmp2:
0x30: {  	_ =	swait.ge [sflag:s23], $0x2780;
	(pc) =	sbr.rel @!p0 .LBB2_2-.Ltmp2, $3  }
0x31: {  	[sflag:s23] =	ssyncset.done $0x0  }
0x32: {  	[sflag:s23] =	ssyncadd.s32 $0xFFFFD880  }
0x33: {  	[bflag:$0x0] =	sbarrier.arrive $0xFFFF;
	_ =	sdelay $0x1  }
0x34: {  	s10 =	rddreg [dreg:$0x7]  }
0x35: {  	[tilespmem:s2], [sflag:$0x6] =	stream.linear.gather [hbm4b:s10+s2], $0x80, $0x38;
	[tilespmem:$0x1D340] =	vst v63  }
0x36: {  	_ =	swait.ge [sflag:s23], $0x80  }
0x37: {  	[sflag:s23] =	ssyncset.done $0x0  }
0x38: {  	s18 =	rddreg [dreg:$0x8];
	[sflag:s23] =	ssyncadd.s32 $0xFFFFFF80  }
0x39: {  	[tilespmem:s24], [sflag:$0x6] =	stream.linear.gather [hbm4b:s18+s2], $0x80, $0x38;
	[tilespmem:$0x1D340] =	vst v63  }
0x3a: {  	_ =	swait.ge [sflag:s23], $0x80  }
0x3b: {  	[sflag:s23] =	ssyncset.done $0x0  }
0x3c: {  	s10 =	simm.s32 $0x300;
	[sflag:s23] =	ssyncadd.s32 $0xFFFFFF80  }
0x3d: {  	[tilespmem:s10], [sflag:$0x1] =	stream.indirect.gather [hbm4b:s4+s25], $0x80, s2, s25, $0xb8;
	[tilespmem:$0x1D340] =	vst v63  }
.LBB2_6:
0x3e: {  	s17 =	sadd.s32 $0xFFFFFD00, s10  }
0x3f: {  	s18 =	sand.u32 $0x3C00, s17  }
0x40: {  	s17 =	sand.u32 $0x300, s17;
	s18 =	sadd.s32 s11, s18  }
0x41: {  	s17 =	sor.u32 s18, s17  }
0x42: {  	s17 =	sor.u32 $0x80, s17  }
0x43: {  	s17 =	sshrl.u32 s17, $0x3  }
0x44: {  	s18 =	sadd.s32 s7, s17  }
0x45: {  	[tilespmem:s26], [sflag:$0x5] =	stream.linear.gather [hbm4b:s18+s2], $0x80, $0x38;
	[tilespmem:$0x1D340] =	vst v63  }
0x46: {  	s17 =	sadd.s32 s8, s17  }
0x47: {  	[tilespmem:s28], [sflag:$0x5] =	stream.linear.gather [hbm4b:s17+s2], $0x80, $0x38;
	[tilespmem:$0x1D340] =	vst v63  }
0x48: {  	v1 =	vld [tilespmem:$0x180];
	_ =	sdelay $0x7  }
0x49: {  	[tilespmem:v1+s22+$0x0] =	vst.idx.add.f32.msk $0xffff, v0  }
0x4a: {  	v1 =	vld [tilespmem:$0x190];
	_ =	sdelay $0x7  }
0x4b: {  	[tilespmem:v1+s22+$0x0] =	vst.idx.add.f32.msk $0xffff, v0  }
0x4c: {  	v1 =	vld [tilespmem:$0x1A0];
	_ =	sdelay $0x7  }
0x4d: {  	[tilespmem:v1+s22+$0x0] =	vst.idx.add.f32.msk $0xffff, v0  }
0x4e: {  	v1 =	vld [tilespmem:$0x1B0];
	_ =	sdelay $0x7  }
0x4f: {  	[tilespmem:v1+s22+$0x0] =	vst.idx.add.f32.msk $0xffff, v0  }
0x50: {  	v1 =	vld [tilespmem:$0x1C0];
	_ =	sdelay $0x7  }
0x51: {  	[tilespmem:v1+s22+$0x0] =	vst.idx.add.f32.msk $0xffff, v0  }
0x52: {  	v1 =	vld [tilespmem:$0x1D0];
	_ =	sdelay $0x7  }
0x53: {  	[tilespmem:v1+s22+$0x0] =	vst.idx.add.f32.msk $0xffff, v0  }
0x54: {  	v1 =	vld [tilespmem:$0x1E0];
	_ =	sdelay $0x7  }
0x55: {  	[tilespmem:v1+s22+$0x0] =	vst.idx.add.f32.msk $0xffff, v0  }
0x56: {  	_ =	swait.ge [sflag:s29], $0x3800  }
0x57: {  	p2 =	seq.s32 s10, $0x300;
	[sflag:s29] =	ssyncset.done $0x0  }
0x58: {  	s17 =	simm.s32 @!p2 $0x4;
	[sflag:s29] =	ssyncadd.s32 $0xFFFFC800  }
0x59: {  	[spmem:s1] =	stream.indirect.scatter.add.f32 [tilespmem:s30], [sflag:$0x3], $0x80, s24, s25, $0xb8;
	[tilespmem:$0x1D340] =	vst v63  }
0x5a: {  	_ =	swait.ge @!p2 [sflag:s17], $0x3800  }
0x5b: {  	[sflag:s17] =	ssyncset.done @!p2 $0x0  }
0x5c: {  	[sflag:s17] =	ssyncadd.s32 @!p2 $0xFFFFC800  }
0x5d: {  	_ =	swait.ge [sflag:s31], $0x80  }
0x5e: {  	s17 =	sadd.s32 $0xFFFFFE00, s10;
	[sflag:s31] =	ssyncset.done $0x0  }
0x5f: {  	s18 =	sand.u32 $0x7C00, s17;
	[sflag:s31] =	ssyncadd.s32 $0xFFFFFF80  }
0x60: {  	s17 =	sand.u32 $0x300, s17;
	s18 =	sadd.s32 s11, s18;
	_ =	swait.ge [sflag:s31], $0x80  }
0x61: {  	s17 =	sor.u32 s17, s18;
	[sflag:s31] =	ssyncset.done $0x0  }
0x62: {  	s17 =	sshrl.u32 s17, $0x3;
	[sflag:s31] =	ssyncadd.s32 $0xFFFFFF80  }
0x63: {  	[tilespmem:s0], [sflag:$0x2] =	stream.indirect.gather [hbm4b:s4+s25], $0x80, s26, s25, $0xb8;
	[tilespmem:$0x1D340] =	vst v63  }
0x64: {  	s18 =	sadd.s32 s7, s17  }
0x65: {  	[tilespmem:s3], [sflag:$0x5] =	stream.linear.gather [hbm4b:s18+s2], $0x80, $0x38;
	[tilespmem:$0x1D340] =	vst v63  }
0x66: {  	s17 =	sadd.s32 s8, s17  }
0x67: {  	[tilespmem:s13], [sflag:$0x5] =	stream.linear.gather [hbm4b:s17+s2], $0x80, $0x38;
	[tilespmem:$0x1D340] =	vst v63  }
0x68: {  	v1 =	vld [tilespmem:$0x200];
	_ =	sdelay $0x7  }
0x69: {  	[tilespmem:v1+s22+$0x0] =	vst.idx.add.f32.msk $0xffff, v0  }
0x6a: {  	v1 =	vld [tilespmem:$0x210];
	_ =	sdelay $0x7  }
0x6b: {  	[tilespmem:v1+s22+$0x0] =	vst.idx.add.f32.msk $0xffff, v0  }
0x6c: {  	v1 =	vld [tilespmem:$0x220];
	_ =	sdelay $0x7  }
0x6d: {  	[tilespmem:v1+s22+$0x0] =	vst.idx.add.f32.msk $0xffff, v0  }
0x6e: {  	v1 =	vld [tilespmem:$0x230];
	_ =	sdelay $0x7  }
0x6f: {  	[tilespmem:v1+s22+$0x0] =	vst.idx.add.f32.msk $0xffff, v0  }
0x70: {  	v1 =	vld [tilespmem:$0x240];
	_ =	sdelay $0x7  }
0x71: {  	[tilespmem:v1+s22+$0x0] =	vst.idx.add.f32.msk $0xffff, v0  }
0x72: {  	v1 =	vld [tilespmem:$0x250];
	_ =	sdelay $0x7  }
0x73: {  	[tilespmem:v1+s22+$0x0] =	vst.idx.add.f32.msk $0xffff, v0  }
0x74: {  	v1 =	vld [tilespmem:$0x260];
	_ =	sdelay $0x7  }
0x75: {  	[tilespmem:v1+s22+$0x0] =	vst.idx.add.f32.msk $0xffff, v0  }
0x76: {  	_ =	swait.ge [sflag:s14], $0x3800  }
0x77: {  	[sflag:s14] =	ssyncset.done $0x0  }
0x78: {  	[sflag:s14] =	ssyncadd.s32 $0xFFFFC800  }
0x79: {  	[spmem:s1] =	stream.indirect.scatter.add.f32 [tilespmem:s0], [sflag:$0x4], $0x80, s28, s25, $0xb8;
	[tilespmem:$0x1D340] =	vst v63  }
0x7a: {  	_ =	swait.ge [sflag:s15], $0x3800  }
0x7b: {  	[sflag:s15] =	ssyncset.done $0x0  }
0x7c: {  	[sflag:s15] =	ssyncadd.s32 $0xFFFFC800  }
0x7d: {  	_ =	swait.ge [sflag:s31], $0x80  }
0x7e: {  	s17 =	sadd.s32 $0xFFFFFE80, s10;
	[sflag:s31] =	ssyncset.done $0x0  }
0x7f: {  	s18 =	sand.u32 $0x7C00, s17;
	[sflag:s31] =	ssyncadd.s32 $0xFFFFFF80  }
0x80: {  	s17 =	sand.u32 $0x380, s17;
	s18 =	sadd.s32 s11, s18;
	_ =	swait.ge [sflag:s31], $0x80  }
0x81: {  	s17 =	sor.u32 s17, s18;
	[sflag:s31] =	ssyncset.done $0x0  }
0x82: {  	s17 =	sshrl.u32 s17, $0x3;
	[sflag:s31] =	ssyncadd.s32 $0xFFFFFF80  }
0x83: {  	[tilespmem:s30], [sflag:$0x1] =	stream.indirect.gather [hbm4b:s4+s25], $0x80, s3, s25, $0xb8;
	[tilespmem:$0x1D340] =	vst v63  }
0x84: {  	s18 =	sadd.s32 s7, s17  }
0x85: {  	[tilespmem:s2], [sflag:$0x5] =	stream.linear.gather [hbm4b:s18+s2], $0x80, $0x38;
	[tilespmem:$0x1D340] =	vst v63  }
0x86: {  	s17 =	sadd.s32 s8, s17  }
0x87: {  	[tilespmem:s24], [sflag:$0x5] =	stream.linear.gather [hbm4b:s17+s2], $0x80, $0x38;
	[tilespmem:$0x1D340] =	vst v63  }
0x88: {  	v1 =	vld [tilespmem:$0x280];
	_ =	sdelay $0x7  }
0x89: {  	[tilespmem:v1+s22+$0x0] =	vst.idx.add.f32.msk $0xffff, v0  }
0x8a: {  	v1 =	vld [tilespmem:$0x290];
	_ =	sdelay $0x7  }
0x8b: {  	[tilespmem:v1+s22+$0x0] =	vst.idx.add.f32.msk $0xffff, v0  }
0x8c: {  	v1 =	vld [tilespmem:$0x2A0];
	_ =	sdelay $0x7  }
0x8d: {  	[tilespmem:v1+s22+$0x0] =	vst.idx.add.f32.msk $0xffff, v0  }
0x8e: {  	v1 =	vld [tilespmem:$0x2B0];
	_ =	sdelay $0x7  }
0x8f: {  	[tilespmem:v1+s22+$0x0] =	vst.idx.add.f32.msk $0xffff, v0  }
0x90: {  	v1 =	vld [tilespmem:$0x2C0];
	_ =	sdelay $0x7  }
0x91: {  	[tilespmem:v1+s22+$0x0] =	vst.idx.add.f32.msk $0xffff, v0  }
0x92: {  	v1 =	vld [tilespmem:$0x2D0];
	_ =	sdelay $0x7  }
0x93: {  	[tilespmem:v1+s22+$0x0] =	vst.idx.add.f32.msk $0xffff, v0  }
0x94: {  	v1 =	vld [tilespmem:$0x2E0];
	_ =	sdelay $0x7  }
0x95: {  	[tilespmem:v1+s22+$0x0] =	vst.idx.add.f32.msk $0xffff, v0  }
0x96: {  	_ =	swait.ge [sflag:s29], $0x3800  }
0x97: {  	[sflag:s29] =	ssyncset.done $0x0  }
0x98: {  	[sflag:s29] =	ssyncadd.s32 $0xFFFFC800  }
0x99: {  	[spmem:s1] =	stream.indirect.scatter.add.f32 [tilespmem:s30], [sflag:$0x3], $0x80, s13, s25, $0xb8;
	[tilespmem:$0x1D340] =	vst v63  }
0x9a: {  	_ =	swait.ge [sflag:s16], $0x3800  }
0x9b: {  	[sflag:s16] =	ssyncset.done $0x0  }
0x9c: {  	[sflag:s16] =	ssyncadd.s32 $0xFFFFC800  }
0x9d: {  	_ =	swait.ge [sflag:s31], $0x80  }
0x9e: {  	s17 =	sadd.s32 $0xFFFFFF00, s10;
	[sflag:s31] =	ssyncset.done $0x0  }
0x9f: {  	s18 =	sand.u32 $0x7C00, s17;
	[sflag:s31] =	ssyncadd.s32 $0xFFFFFF80  }
0xa0: {  	s17 =	sand.u32 $0x300, s17;
	s18 =	sadd.s32 s11, s18;
	_ =	swait.ge [sflag:s31], $0x80  }
0xa1: {  	s17 =	sor.u32 s17, s18;
	[sflag:s31] =	ssyncset.done $0x0  }
0xa2: {  	s17 =	sshrl.u32 s17, $0x3;
	[sflag:s31] =	ssyncadd.s32 $0xFFFFFF80  }
0xa3: {  	[tilespmem:s0], [sflag:$0x2] =	stream.indirect.gather [hbm4b:s4+s25], $0x80, s2, s25, $0xb8;
	[tilespmem:$0x1D340] =	vst v63  }
0xa4: {  	s18 =	sadd.s32 s7, s17  }
0xa5: {  	[tilespmem:s26], [sflag:$0x5] =	stream.linear.gather [hbm4b:s18+s2], $0x80, $0x38;
	[tilespmem:$0x1D340] =	vst v63  }
0xa6: {  	s17 =	sadd.s32 s8, s17  }
0xa7: {  	[tilespmem:s28], [sflag:$0x5] =	stream.linear.gather [hbm4b:s17+s2], $0x80, $0x38;
	[tilespmem:$0x1D340] =	vst v63  }
0xa8: {  	v1 =	vld [tilespmem:$0x180];
	_ =	sdelay $0x7  }
0xa9: {  	[tilespmem:v1+s22+$0x0] =	vst.idx.add.f32.msk $0xffff, v0  }
0xaa: {  	v1 =	vld [tilespmem:$0x190];
	_ =	sdelay $0x7  }
0xab: {  	[tilespmem:v1+s22+$0x0] =	vst.idx.add.f32.msk $0xffff, v0  }
0xac: {  	v1 =	vld [tilespmem:$0x1A0];
	_ =	sdelay $0x7  }
0xad: {  	[tilespmem:v1+s22+$0x0] =	vst.idx.add.f32.msk $0xffff, v0  }
0xae: {  	v1 =	vld [tilespmem:$0x1B0];
	_ =	sdelay $0x7  }
0xaf: {  	[tilespmem:v1+s22+$0x0] =	vst.idx.add.f32.msk $0xffff, v0  }
0xb0: {  	v1 =	vld [tilespmem:$0x1C0];
	_ =	sdelay $0x7  }
0xb1: {  	[tilespmem:v1+s22+$0x0] =	vst.idx.add.f32.msk $0xffff, v0  }
0xb2: {  	v1 =	vld [tilespmem:$0x1D0];
	_ =	sdelay $0x7  }
0xb3: {  	[tilespmem:v1+s22+$0x0] =	vst.idx.add.f32.msk $0xffff, v0  }
0xb4: {  	v1 =	vld [tilespmem:$0x1E0];
	_ =	sdelay $0x7  }
0xb5: {  	[tilespmem:v1+s22+$0x0] =	vst.idx.add.f32.msk $0xffff, v0  }
0xb6: {  	_ =	swait.ge [sflag:s14], $0x3800  }
0xb7: {  	[sflag:s14] =	ssyncset.done $0x0  }
0xb8: {  	[sflag:s14] =	ssyncadd.s32 $0xFFFFC800  }
0xb9: {  	[spmem:s1] =	stream.indirect.scatter.add.f32 [tilespmem:s0], [sflag:$0x4], $0x80, s24, s25, $0xb8;
	[tilespmem:$0x1D340] =	vst v63  }
0xba: {  	_ =	swait.ge [sflag:s15], $0x3800  }
0xbb: {  	[sflag:s15] =	ssyncset.done $0x0  }
0xbc: {  	[sflag:s15] =	ssyncadd.s32 $0xFFFFC800  }
0xbd: {  	_ =	swait.ge [sflag:s31], $0x80  }
0xbe: {  	s17 =	sadd.s32 $0xFFFFFF80, s10;
	[sflag:s31] =	ssyncset.done $0x0  }
0xbf: {  	s18 =	sand.u32 $0x7C00, s17;
	[sflag:s31] =	ssyncadd.s32 $0xFFFFFF80  }
0xc0: {  	s17 =	sand.u32 $0x380, s17;
	s18 =	sadd.s32 s11, s18;
	_ =	swait.ge [sflag:s31], $0x80  }
0xc1: {  	s17 =	sor.u32 s17, s18;
	[sflag:s31] =	ssyncset.done $0x0  }
0xc2: {  	s17 =	sshrl.u32 s17, $0x3;
	[sflag:s31] =	ssyncadd.s32 $0xFFFFFF80  }
0xc3: {  	[tilespmem:s30], [sflag:$0x1] =	stream.indirect.gather [hbm4b:s4+s25], $0x80, s26, s25, $0xb8;
	[tilespmem:$0x1D340] =	vst v63  }
0xc4: {  	s18 =	sadd.s32 s7, s17  }
0xc5: {  	[tilespmem:s3], [sflag:$0x5] =	stream.linear.gather [hbm4b:s18+s2], $0x80, $0x38;
	[tilespmem:$0x1D340] =	vst v63  }
0xc6: {  	s17 =	sadd.s32 s8, s17  }
0xc7: {  	[tilespmem:s13], [sflag:$0x5] =	stream.linear.gather [hbm4b:s17+s2], $0x80, $0x38;
	[tilespmem:$0x1D340] =	vst v63  }
0xc8: {  	v1 =	vld [tilespmem:$0x200];
	_ =	sdelay $0x7  }
0xc9: {  	[tilespmem:v1+s22+$0x0] =	vst.idx.add.f32.msk $0xffff, v0  }
0xca: {  	v1 =	vld [tilespmem:$0x210];
	_ =	sdelay $0x7  }
0xcb: {  	[tilespmem:v1+s22+$0x0] =	vst.idx.add.f32.msk $0xffff, v0  }
0xcc: {  	v1 =	vld [tilespmem:$0x220];
	_ =	sdelay $0x7  }
0xcd: {  	[tilespmem:v1+s22+$0x0] =	vst.idx.add.f32.msk $0xffff, v0  }
0xce: {  	v1 =	vld [tilespmem:$0x230];
	_ =	sdelay $0x7  }
0xcf: {  	[tilespmem:v1+s22+$0x0] =	vst.idx.add.f32.msk $0xffff, v0  }
0xd0: {  	v1 =	vld [tilespmem:$0x240];
	_ =	sdelay $0x7  }
0xd1: {  	[tilespmem:v1+s22+$0x0] =	vst.idx.add.f32.msk $0xffff, v0  }
0xd2: {  	v1 =	vld [tilespmem:$0x250];
	_ =	sdelay $0x7  }
0xd3: {  	[tilespmem:v1+s22+$0x0] =	vst.idx.add.f32.msk $0xffff, v0  }
0xd4: {  	v1 =	vld [tilespmem:$0x260];
	_ =	sdelay $0x7  }
0xd5: {  	[tilespmem:v1+s22+$0x0] =	vst.idx.add.f32.msk $0xffff, v0  }
0xd6: {  	_ =	swait.ge [sflag:s29], $0x3800  }
0xd7: {  	[sflag:s29] =	ssyncset.done $0x0  }
0xd8: {  	[sflag:s29] =	ssyncadd.s32 $0xFFFFC800  }
0xd9: {  	[spmem:s1] =	stream.indirect.scatter.add.f32 [tilespmem:s30], [sflag:$0x3], $0x80, s28, s25, $0xb8;
	[tilespmem:$0x1D340] =	vst v63  }
0xda: {  	_ =	swait.ge [sflag:s16], $0x3800  }
0xdb: {  	[sflag:s16] =	ssyncset.done $0x0  }
0xdc: {  	[sflag:s16] =	ssyncadd.s32 $0xFFFFC800  }
0xdd: {  	_ =	swait.ge [sflag:s31], $0x80  }
0xde: {  	[sflag:s31] =	ssyncset.done $0x0  }
0xdf: {  	[sflag:s31] =	ssyncadd.s32 $0xFFFFFF80  }
0xe0: {  	_ =	swait.ge [sflag:s31], $0x80  }
0xe1: {  	[sflag:s31] =	ssyncset.done $0x0  }
0xe2: {  	[sflag:s31] =	ssyncadd.s32 $0xFFFFFF80  }
0xe3: {  	[tilespmem:s0], [sflag:$0x2] =	stream.indirect.gather [hbm4b:s4+s25], $0x80, s3, s25, $0xb8;
	[tilespmem:$0x1D340] =	vst v63  }
0xe4: {  	v1 =	vld [tilespmem:$0x280];
	_ =	sdelay $0x7  }
0xe5: {  	[tilespmem:v1+s22+$0x0] =	vst.idx.add.f32.msk $0xffff, v0  }
0xe6: {  	v1 =	vld [tilespmem:$0x290];
	_ =	sdelay $0x7  }
0xe7: {  	[tilespmem:v1+s22+$0x0] =	vst.idx.add.f32.msk $0xffff, v0  }
0xe8: {  	v1 =	vld [tilespmem:$0x2A0];
	_ =	sdelay $0x7  }
0xe9: {  	[tilespmem:v1+s22+$0x0] =	vst.idx.add.f32.msk $0xffff, v0  }
0xea: {  	v1 =	vld [tilespmem:$0x2B0];
	_ =	sdelay $0x7  }
0xeb: {  	[tilespmem:v1+s22+$0x0] =	vst.idx.add.f32.msk $0xffff, v0  }
0xec: {  	v1 =	vld [tilespmem:$0x2C0];
	_ =	sdelay $0x7  }
0xed: {  	[tilespmem:v1+s22+$0x0] =	vst.idx.add.f32.msk $0xffff, v0  }
0xee: {  	v1 =	vld [tilespmem:$0x2D0];
	_ =	sdelay $0x7  }
0xef: {  	[tilespmem:v1+s22+$0x0] =	vst.idx.add.f32.msk $0xffff, v0  }
0xf0: {  	v1 =	vld [tilespmem:$0x2E0];
	_ =	sdelay $0x7  }
0xf1: {  	[tilespmem:v1+s22+$0x0] =	vst.idx.add.f32.msk $0xffff, v0  }
0xf2: {  	_ =	swait.ge [sflag:s14], $0x3800  }
0xf3: {  	p2 =	seq.s32 s10, $0x1B00;
	[sflag:s14] =	ssyncset.done $0x0  }
.Ltmp3:
0xf4: {  	[sflag:s14] =	ssyncadd.s32 $0xFFFFC800;
	(pc) =	sbr.rel @p2 .LBB2_8-.Ltmp3, $4  }
0xf5: {  	[spmem:s1] =	stream.indirect.scatter.add.f32 [tilespmem:s0], [sflag:$0x4], $0x80, s13, s25, $0xb8;
	[tilespmem:$0x1D340] =	vst v63  }
0xf6: {  	_ =	swait.ge [sflag:s15], $0x3800  }
0xf7: {  	[sflag:s15] =	ssyncset.done $0x0  }
0xf8: {  	[sflag:s15] =	ssyncadd.s32 $0xFFFFC800  }
0xf9: {  	s17 =	sand.u32 $0x7C00, s10  }
0xfa: {  	s18 =	sand.u32 $0x300, s10;
	s17 =	sadd.s32 s11, s17  }
0xfb: {  	s17 =	sor.u32 s18, s17  }
0xfc: {  	s17 =	sshrl.u32 s17, $0x3  }
0xfd: {  	s18 =	sadd.s32 s7, s17  }
0xfe: {  	[tilespmem:s2], [sflag:$0x5] =	stream.linear.gather [hbm4b:s18+s2], $0x80, $0x38;
	[tilespmem:$0x1D340] =	vst v63  }
0xff: {  	_ =	swait.ge [sflag:s31], $0x80  }
0x100: {  	[sflag:s31] =	ssyncset.done $0x0  }
0x101: {  	s17 =	sadd.s32 s8, s17;
	[sflag:s31] =	ssyncadd.s32 $0xFFFFFF80  }
0x102: {  	[tilespmem:s24], [sflag:$0x5] =	stream.linear.gather [hbm4b:s17+s2], $0x80, $0x38;
	[tilespmem:$0x1D340] =	vst v63  }
.Ltmp4:
0x103: {  	_ = 	snop;
	(pc) =	sbr.rel .LBB2_6-.Ltmp4, $4  }
0x104: {  	_ =	swait.ge [sflag:s31], $0x80  }
0x105: {  	[sflag:s31] =	ssyncset.done $0x0  }
0x106: {  	s10 =	sadd.s32 $0x300, s10;
	[sflag:s31] =	ssyncadd.s32 $0xFFFFFF80  }
0x107: {  	[tilespmem:s30], [sflag:$0x1] =	stream.indirect.gather [hbm4b:s4+s25], $0x80, s2, s25, $0xb8;
	[tilespmem:$0x1D340] =	vst v63  }
.LBB2_2:
0x108: {  	s10 =	rddreg [dreg:$0x5]  }
0x109: {  	[tilespmem:s2], [sflag:$0x6] =	stream.linear.gather [hbm4b:s10+s2], $0x80, $0x38;
	[tilespmem:$0x1D340] =	vst v63  }
0x10a: {  	_ =	swait.ge [sflag:s23], $0x80  }
0x10b: {  	[sflag:s23] =	ssyncset.done $0x0  }
0x10c: {  	s18 =	rddreg [dreg:$0x6];
	[sflag:s23] =	ssyncadd.s32 $0xFFFFFF80  }
0x10d: {  	[tilespmem:s24], [sflag:$0x6] =	stream.linear.gather [hbm4b:s18+s2], $0x80, $0x38;
	[tilespmem:$0x1D340] =	vst v63  }
0x10e: {  	_ =	swait.ge [sflag:s23], $0x80  }
0x10f: {  	[sflag:s23] =	ssyncset.done $0x0  }
0x110: {  	s10 =	simm.s32 $0x300;
	[sflag:s23] =	ssyncadd.s32 $0xFFFFFF80  }
0x111: {  	[tilespmem:s10], [sflag:$0x1] =	stream.indirect.gather [hbm4b:s4+s25], $0x80, s2, s25, $0xb8;
	[tilespmem:$0x1D340] =	vst v63  }
.LBB2_3:
0x112: {  	s17 =	sadd.s32 $0xFFFFFD00, s10  }
0x113: {  	s18 =	sand.u32 $0x7C00, s17  }
0x114: {  	s17 =	sand.u32 $0x300, s17;
	s18 =	sadd.s32 s12, s18  }
0x115: {  	s17 =	sor.u32 s18, s17  }
0x116: {  	s17 =	sor.u32 $0x80, s17  }
0x117: {  	s17 =	sshrl.u32 s17, $0x3  }
0x118: {  	s18 =	sadd.s32 s5, s17  }
0x119: {  	[tilespmem:s26], [sflag:$0x5] =	stream.linear.gather [hbm4b:s18+s2], $0x80, $0x38;
	[tilespmem:$0x1D340] =	vst v63  }
0x11a: {  	s17 =	sadd.s32 s6, s17  }
0x11b: {  	[tilespmem:s28], [sflag:$0x5] =	stream.linear.gather [hbm4b:s17+s2], $0x80, $0x38;
	[tilespmem:$0x1D340] =	vst v63  }
0x11c: {  	v1 =	vld [tilespmem:$0x180];
	_ =	sdelay $0x7  }
0x11d: {  	[tilespmem:v1+s22+$0x0] =	vst.idx.add.f32.msk $0xffff, v0  }
0x11e: {  	v1 =	vld [tilespmem:$0x190];
	_ =	sdelay $0x7  }
0x11f: {  	[tilespmem:v1+s22+$0x0] =	vst.idx.add.f32.msk $0xffff, v0  }
0x120: {  	v1 =	vld [tilespmem:$0x1A0];
	_ =	sdelay $0x7  }
0x121: {  	[tilespmem:v1+s22+$0x0] =	vst.idx.add.f32.msk $0xffff, v0  }
0x122: {  	v1 =	vld [tilespmem:$0x1B0];
	_ =	sdelay $0x7  }
0x123: {  	[tilespmem:v1+s22+$0x0] =	vst.idx.add.f32.msk $0xffff, v0  }
0x124: {  	v1 =	vld [tilespmem:$0x1C0];
	_ =	sdelay $0x7  }
0x125: {  	[tilespmem:v1+s22+$0x0] =	vst.idx.add.f32.msk $0xffff, v0  }
0x126: {  	v1 =	vld [tilespmem:$0x1D0];
	_ =	sdelay $0x7  }
0x127: {  	[tilespmem:v1+s22+$0x0] =	vst.idx.add.f32.msk $0xffff, v0  }
0x128: {  	v1 =	vld [tilespmem:$0x1E0];
	_ =	sdelay $0x7  }
0x129: {  	[tilespmem:v1+s22+$0x0] =	vst.idx.add.f32.msk $0xffff, v0  }
0x12a: {  	_ =	swait.ge [sflag:s29], $0x3800  }
0x12b: {  	p2 =	seq.s32 s10, $0x300;
	[sflag:s29] =	ssyncset.done $0x0  }
0x12c: {  	s17 =	simm.s32 @!p2 $0x4;
	[sflag:s29] =	ssyncadd.s32 $0xFFFFC800  }
0x12d: {  	[spmem:s1] =	stream.indirect.scatter.add.f32 [tilespmem:s30], [sflag:$0x3], $0x80, s24, s25, $0xb8;
	[tilespmem:$0x1D340] =	vst v63  }
0x12e: {  	_ =	swait.ge @!p2 [sflag:s17], $0x3800  }
0x12f: {  	[sflag:s17] =	ssyncset.done @!p2 $0x0  }
0x130: {  	[sflag:s17] =	ssyncadd.s32 @!p2 $0xFFFFC800  }
0x131: {  	_ =	swait.ge [sflag:s31], $0x80  }
0x132: {  	s17 =	sadd.s32 $0xFFFFFE00, s10;
	[sflag:s31] =	ssyncset.done $0x0  }
0x133: {  	s18 =	sand.u32 $0xFC00, s17;
	[sflag:s31] =	ssyncadd.s32 $0xFFFFFF80  }
0x134: {  	s17 =	sand.u32 $0x300, s17;
	s18 =	sadd.s32 s12, s18;
	_ =	swait.ge [sflag:s31], $0x80  }
0x135: {  	s17 =	sor.u32 s17, s18;
	[sflag:s31] =	ssyncset.done $0x0  }
0x136: {  	s17 =	sshrl.u32 s17, $0x3;
	[sflag:s31] =	ssyncadd.s32 $0xFFFFFF80  }
0x137: {  	[tilespmem:s0], [sflag:$0x2] =	stream.indirect.gather [hbm4b:s4+s25], $0x80, s26, s25, $0xb8;
	[tilespmem:$0x1D340] =	vst v63  }
0x138: {  	s18 =	sadd.s32 s5, s17  }
0x139: {  	[tilespmem:s3], [sflag:$0x5] =	stream.linear.gather [hbm4b:s18+s2], $0x80, $0x38;
	[tilespmem:$0x1D340] =	vst v63  }
0x13a: {  	s17 =	sadd.s32 s6, s17  }
0x13b: {  	[tilespmem:s13], [sflag:$0x5] =	stream.linear.gather [hbm4b:s17+s2], $0x80, $0x38;
	[tilespmem:$0x1D340] =	vst v63  }
0x13c: {  	v1 =	vld [tilespmem:$0x200];
	_ =	sdelay $0x7  }
0x13d: {  	[tilespmem:v1+s22+$0x0] =	vst.idx.add.f32.msk $0xffff, v0  }
0x13e: {  	v1 =	vld [tilespmem:$0x210];
	_ =	sdelay $0x7  }
0x13f: {  	[tilespmem:v1+s22+$0x0] =	vst.idx.add.f32.msk $0xffff, v0  }
0x140: {  	v1 =	vld [tilespmem:$0x220];
	_ =	sdelay $0x7  }
0x141: {  	[tilespmem:v1+s22+$0x0] =	vst.idx.add.f32.msk $0xffff, v0  }
0x142: {  	v1 =	vld [tilespmem:$0x230];
	_ =	sdelay $0x7  }
0x143: {  	[tilespmem:v1+s22+$0x0] =	vst.idx.add.f32.msk $0xffff, v0  }
0x144: {  	v1 =	vld [tilespmem:$0x240];
	_ =	sdelay $0x7  }
0x145: {  	[tilespmem:v1+s22+$0x0] =	vst.idx.add.f32.msk $0xffff, v0  }
0x146: {  	v1 =	vld [tilespmem:$0x250];
	_ =	sdelay $0x7  }
0x147: {  	[tilespmem:v1+s22+$0x0] =	vst.idx.add.f32.msk $0xffff, v0  }
0x148: {  	v1 =	vld [tilespmem:$0x260];
	_ =	sdelay $0x7  }
0x149: {  	[tilespmem:v1+s22+$0x0] =	vst.idx.add.f32.msk $0xffff, v0  }
0x14a: {  	_ =	swait.ge [sflag:s14], $0x3800  }
0x14b: {  	[sflag:s14] =	ssyncset.done $0x0  }
0x14c: {  	[sflag:s14] =	ssyncadd.s32 $0xFFFFC800  }
0x14d: {  	[spmem:s1] =	stream.indirect.scatter.add.f32 [tilespmem:s0], [sflag:$0x4], $0x80, s28, s25, $0xb8;
	[tilespmem:$0x1D340] =	vst v63  }
0x14e: {  	_ =	swait.ge [sflag:s15], $0x3800  }
0x14f: {  	[sflag:s15] =	ssyncset.done $0x0  }
0x150: {  	[sflag:s15] =	ssyncadd.s32 $0xFFFFC800  }
0x151: {  	_ =	swait.ge [sflag:s31], $0x80  }
0x152: {  	s17 =	sadd.s32 $0xFFFFFE80, s10;
	[sflag:s31] =	ssyncset.done $0x0  }
0x153: {  	s18 =	sand.u32 $0xFC00, s17;
	[sflag:s31] =	ssyncadd.s32 $0xFFFFFF80  }
0x154: {  	s17 =	sand.u32 $0x380, s17;
	s18 =	sadd.s32 s12, s18;
	_ =	swait.ge [sflag:s31], $0x80  }
0x155: {  	s17 =	sor.u32 s17, s18;
	[sflag:s31] =	ssyncset.done $0x0  }
0x156: {  	s17 =	sshrl.u32 s17, $0x3;
	[sflag:s31] =	ssyncadd.s32 $0xFFFFFF80  }
0x157: {  	[tilespmem:s30], [sflag:$0x1] =	stream.indirect.gather [hbm4b:s4+s25], $0x80, s3, s25, $0xb8;
	[tilespmem:$0x1D340] =	vst v63  }
0x158: {  	s18 =	sadd.s32 s5, s17  }
0x159: {  	[tilespmem:s2], [sflag:$0x5] =	stream.linear.gather [hbm4b:s18+s2], $0x80, $0x38;
	[tilespmem:$0x1D340] =	vst v63  }
0x15a: {  	s17 =	sadd.s32 s6, s17  }
0x15b: {  	[tilespmem:s24], [sflag:$0x5] =	stream.linear.gather [hbm4b:s17+s2], $0x80, $0x38;
	[tilespmem:$0x1D340] =	vst v63  }
0x15c: {  	v1 =	vld [tilespmem:$0x280];
	_ =	sdelay $0x7  }
0x15d: {  	[tilespmem:v1+s22+$0x0] =	vst.idx.add.f32.msk $0xffff, v0  }
0x15e: {  	v1 =	vld [tilespmem:$0x290];
	_ =	sdelay $0x7  }
0x15f: {  	[tilespmem:v1+s22+$0x0] =	vst.idx.add.f32.msk $0xffff, v0  }
0x160: {  	v1 =	vld [tilespmem:$0x2A0];
	_ =	sdelay $0x7  }
0x161: {  	[tilespmem:v1+s22+$0x0] =	vst.idx.add.f32.msk $0xffff, v0  }
0x162: {  	v1 =	vld [tilespmem:$0x2B0];
	_ =	sdelay $0x7  }
0x163: {  	[tilespmem:v1+s22+$0x0] =	vst.idx.add.f32.msk $0xffff, v0  }
0x164: {  	v1 =	vld [tilespmem:$0x2C0];
	_ =	sdelay $0x7  }
0x165: {  	[tilespmem:v1+s22+$0x0] =	vst.idx.add.f32.msk $0xffff, v0  }
0x166: {  	v1 =	vld [tilespmem:$0x2D0];
	_ =	sdelay $0x7  }
0x167: {  	[tilespmem:v1+s22+$0x0] =	vst.idx.add.f32.msk $0xffff, v0  }
0x168: {  	v1 =	vld [tilespmem:$0x2E0];
	_ =	sdelay $0x7  }
0x169: {  	[tilespmem:v1+s22+$0x0] =	vst.idx.add.f32.msk $0xffff, v0  }
0x16a: {  	_ =	swait.ge [sflag:s29], $0x3800  }
0x16b: {  	[sflag:s29] =	ssyncset.done $0x0  }
0x16c: {  	[sflag:s29] =	ssyncadd.s32 $0xFFFFC800  }
0x16d: {  	[spmem:s1] =	stream.indirect.scatter.add.f32 [tilespmem:s30], [sflag:$0x3], $0x80, s13, s25, $0xb8;
	[tilespmem:$0x1D340] =	vst v63  }
0x16e: {  	_ =	swait.ge [sflag:s16], $0x3800  }
0x16f: {  	[sflag:s16] =	ssyncset.done $0x0  }
0x170: {  	[sflag:s16] =	ssyncadd.s32 $0xFFFFC800  }
0x171: {  	_ =	swait.ge [sflag:s31], $0x80  }
0x172: {  	s17 =	sadd.s32 $0xFFFFFF00, s10;
	[sflag:s31] =	ssyncset.done $0x0  }
0x173: {  	s18 =	sand.u32 $0xFC00, s17;
	[sflag:s31] =	ssyncadd.s32 $0xFFFFFF80  }
0x174: {  	s17 =	sand.u32 $0x300, s17;
	s18 =	sadd.s32 s12, s18;
	_ =	swait.ge [sflag:s31], $0x80  }
0x175: {  	s17 =	sor.u32 s17, s18;
	[sflag:s31] =	ssyncset.done $0x0  }
0x176: {  	s17 =	sshrl.u32 s17, $0x3;
	[sflag:s31] =	ssyncadd.s32 $0xFFFFFF80  }
0x177: {  	[tilespmem:s0], [sflag:$0x2] =	stream.indirect.gather [hbm4b:s4+s25], $0x80, s2, s25, $0xb8;
	[tilespmem:$0x1D340] =	vst v63  }
0x178: {  	s18 =	sadd.s32 s5, s17  }
0x179: {  	[tilespmem:s26], [sflag:$0x5] =	stream.linear.gather [hbm4b:s18+s2], $0x80, $0x38;
	[tilespmem:$0x1D340] =	vst v63  }
0x17a: {  	s17 =	sadd.s32 s6, s17  }
0x17b: {  	[tilespmem:s28], [sflag:$0x5] =	stream.linear.gather [hbm4b:s17+s2], $0x80, $0x38;
	[tilespmem:$0x1D340] =	vst v63  }
0x17c: {  	v1 =	vld [tilespmem:$0x180];
	_ =	sdelay $0x7  }
0x17d: {  	[tilespmem:v1+s22+$0x0] =	vst.idx.add.f32.msk $0xffff, v0  }
0x17e: {  	v1 =	vld [tilespmem:$0x190];
	_ =	sdelay $0x7  }
0x17f: {  	[tilespmem:v1+s22+$0x0] =	vst.idx.add.f32.msk $0xffff, v0  }
0x180: {  	v1 =	vld [tilespmem:$0x1A0];
	_ =	sdelay $0x7  }
0x181: {  	[tilespmem:v1+s22+$0x0] =	vst.idx.add.f32.msk $0xffff, v0  }
0x182: {  	v1 =	vld [tilespmem:$0x1B0];
	_ =	sdelay $0x7  }
0x183: {  	[tilespmem:v1+s22+$0x0] =	vst.idx.add.f32.msk $0xffff, v0  }
0x184: {  	v1 =	vld [tilespmem:$0x1C0];
	_ =	sdelay $0x7  }
0x185: {  	[tilespmem:v1+s22+$0x0] =	vst.idx.add.f32.msk $0xffff, v0  }
0x186: {  	v1 =	vld [tilespmem:$0x1D0];
	_ =	sdelay $0x7  }
0x187: {  	[tilespmem:v1+s22+$0x0] =	vst.idx.add.f32.msk $0xffff, v0  }
0x188: {  	v1 =	vld [tilespmem:$0x1E0];
	_ =	sdelay $0x7  }
0x189: {  	[tilespmem:v1+s22+$0x0] =	vst.idx.add.f32.msk $0xffff, v0  }
0x18a: {  	_ =	swait.ge [sflag:s14], $0x3800  }
0x18b: {  	[sflag:s14] =	ssyncset.done $0x0  }
0x18c: {  	[sflag:s14] =	ssyncadd.s32 $0xFFFFC800  }
0x18d: {  	[spmem:s1] =	stream.indirect.scatter.add.f32 [tilespmem:s0], [sflag:$0x4], $0x80, s24, s25, $0xb8;
	[tilespmem:$0x1D340] =	vst v63  }
0x18e: {  	_ =	swait.ge [sflag:s15], $0x3800  }
0x18f: {  	[sflag:s15] =	ssyncset.done $0x0  }
0x190: {  	[sflag:s15] =	ssyncadd.s32 $0xFFFFC800  }
0x191: {  	_ =	swait.ge [sflag:s31], $0x80  }
0x192: {  	s17 =	sadd.s32 $0xFFFFFF80, s10;
	[sflag:s31] =	ssyncset.done $0x0  }
0x193: {  	s18 =	sand.u32 $0xFC00, s17;
	[sflag:s31] =	ssyncadd.s32 $0xFFFFFF80  }
0x194: {  	s17 =	sand.u32 $0x380, s17;
	s18 =	sadd.s32 s12, s18;
	_ =	swait.ge [sflag:s31], $0x80  }
0x195: {  	s17 =	sor.u32 s17, s18;
	[sflag:s31] =	ssyncset.done $0x0  }
0x196: {  	s17 =	sshrl.u32 s17, $0x3;
	[sflag:s31] =	ssyncadd.s32 $0xFFFFFF80  }
0x197: {  	[tilespmem:s30], [sflag:$0x1] =	stream.indirect.gather [hbm4b:s4+s25], $0x80, s26, s25, $0xb8;
	[tilespmem:$0x1D340] =	vst v63  }
0x198: {  	s18 =	sadd.s32 s5, s17  }
0x199: {  	[tilespmem:s3], [sflag:$0x5] =	stream.linear.gather [hbm4b:s18+s2], $0x80, $0x38;
	[tilespmem:$0x1D340] =	vst v63  }
0x19a: {  	s17 =	sadd.s32 s6, s17  }
0x19b: {  	[tilespmem:s13], [sflag:$0x5] =	stream.linear.gather [hbm4b:s17+s2], $0x80, $0x38;
	[tilespmem:$0x1D340] =	vst v63  }
0x19c: {  	v1 =	vld [tilespmem:$0x200];
	_ =	sdelay $0x7  }
0x19d: {  	[tilespmem:v1+s22+$0x0] =	vst.idx.add.f32.msk $0xffff, v0  }
0x19e: {  	v1 =	vld [tilespmem:$0x210];
	_ =	sdelay $0x7  }
0x19f: {  	[tilespmem:v1+s22+$0x0] =	vst.idx.add.f32.msk $0xffff, v0  }
0x1a0: {  	v1 =	vld [tilespmem:$0x220];
	_ =	sdelay $0x7  }
0x1a1: {  	[tilespmem:v1+s22+$0x0] =	vst.idx.add.f32.msk $0xffff, v0  }
0x1a2: {  	v1 =	vld [tilespmem:$0x230];
	_ =	sdelay $0x7  }
0x1a3: {  	[tilespmem:v1+s22+$0x0] =	vst.idx.add.f32.msk $0xffff, v0  }
0x1a4: {  	v1 =	vld [tilespmem:$0x240];
	_ =	sdelay $0x7  }
0x1a5: {  	[tilespmem:v1+s22+$0x0] =	vst.idx.add.f32.msk $0xffff, v0  }
0x1a6: {  	v1 =	vld [tilespmem:$0x250];
	_ =	sdelay $0x7  }
0x1a7: {  	[tilespmem:v1+s22+$0x0] =	vst.idx.add.f32.msk $0xffff, v0  }
0x1a8: {  	v1 =	vld [tilespmem:$0x260];
	_ =	sdelay $0x7  }
0x1a9: {  	[tilespmem:v1+s22+$0x0] =	vst.idx.add.f32.msk $0xffff, v0  }
0x1aa: {  	_ =	swait.ge [sflag:s29], $0x3800  }
0x1ab: {  	[sflag:s29] =	ssyncset.done $0x0  }
0x1ac: {  	[sflag:s29] =	ssyncadd.s32 $0xFFFFC800  }
0x1ad: {  	[spmem:s1] =	stream.indirect.scatter.add.f32 [tilespmem:s30], [sflag:$0x3], $0x80, s28, s25, $0xb8;
	[tilespmem:$0x1D340] =	vst v63  }
0x1ae: {  	_ =	swait.ge [sflag:s16], $0x3800  }
0x1af: {  	[sflag:s16] =	ssyncset.done $0x0  }
0x1b0: {  	[sflag:s16] =	ssyncadd.s32 $0xFFFFC800  }
0x1b1: {  	_ =	swait.ge [sflag:s31], $0x80  }
0x1b2: {  	[sflag:s31] =	ssyncset.done $0x0  }
0x1b3: {  	[sflag:s31] =	ssyncadd.s32 $0xFFFFFF80  }
0x1b4: {  	_ =	swait.ge [sflag:s31], $0x80  }
0x1b5: {  	[sflag:s31] =	ssyncset.done $0x0  }
0x1b6: {  	[sflag:s31] =	ssyncadd.s32 $0xFFFFFF80  }
0x1b7: {  	[tilespmem:s0], [sflag:$0x2] =	stream.indirect.gather [hbm4b:s4+s25], $0x80, s3, s25, $0xb8;
	[tilespmem:$0x1D340] =	vst v63  }
0x1b8: {  	v1 =	vld [tilespmem:$0x280];
	_ =	sdelay $0x7  }
0x1b9: {  	[tilespmem:v1+s22+$0x0] =	vst.idx.add.f32.msk $0xffff, v0  }
0x1ba: {  	v1 =	vld [tilespmem:$0x290];
	_ =	sdelay $0x7  }
0x1bb: {  	[tilespmem:v1+s22+$0x0] =	vst.idx.add.f32.msk $0xffff, v0  }
0x1bc: {  	v1 =	vld [tilespmem:$0x2A0];
	_ =	sdelay $0x7  }
0x1bd: {  	[tilespmem:v1+s22+$0x0] =	vst.idx.add.f32.msk $0xffff, v0  }
0x1be: {  	v1 =	vld [tilespmem:$0x2B0];
	_ =	sdelay $0x7  }
0x1bf: {  	[tilespmem:v1+s22+$0x0] =	vst.idx.add.f32.msk $0xffff, v0  }
0x1c0: {  	v1 =	vld [tilespmem:$0x2C0];
	_ =	sdelay $0x7  }
0x1c1: {  	[tilespmem:v1+s22+$0x0] =	vst.idx.add.f32.msk $0xffff, v0  }
0x1c2: {  	v1 =	vld [tilespmem:$0x2D0];
	_ =	sdelay $0x7  }
0x1c3: {  	[tilespmem:v1+s22+$0x0] =	vst.idx.add.f32.msk $0xffff, v0  }
0x1c4: {  	v1 =	vld [tilespmem:$0x2E0];
	_ =	sdelay $0x7  }
0x1c5: {  	[tilespmem:v1+s22+$0x0] =	vst.idx.add.f32.msk $0xffff, v0  }
0x1c6: {  	_ =	swait.ge [sflag:s14], $0x3800  }
0x1c7: {  	p2 =	seq.s32 s10, $0x3F00;
	[sflag:s14] =	ssyncset.done $0x0  }
.Ltmp5:
0x1c8: {  	[sflag:s14] =	ssyncadd.s32 $0xFFFFC800;
	(pc) =	sbr.rel @p2 .LBB2_8-.Ltmp5, $4  }
0x1c9: {  	[spmem:s1] =	stream.indirect.scatter.add.f32 [tilespmem:s0], [sflag:$0x4], $0x80, s13, s25, $0xb8;
	[tilespmem:$0x1D340] =	vst v63  }
0x1ca: {  	_ =	swait.ge [sflag:s15], $0x3800  }
0x1cb: {  	[sflag:s15] =	ssyncset.done $0x0  }
0x1cc: {  	[sflag:s15] =	ssyncadd.s32 $0xFFFFC800  }
0x1cd: {  	s17 =	sand.u32 $0xFC00, s10  }
0x1ce: {  	s18 =	sand.u32 $0x300, s10;
	s17 =	sadd.s32 s12, s17  }
0x1cf: {  	s17 =	sor.u32 s18, s17  }
0x1d0: {  	s17 =	sshrl.u32 s17, $0x3  }
0x1d1: {  	s18 =	sadd.s32 s5, s17  }
0x1d2: {  	[tilespmem:s2], [sflag:$0x5] =	stream.linear.gather [hbm4b:s18+s2], $0x80, $0x38;
	[tilespmem:$0x1D340] =	vst v63  }
0x1d3: {  	_ =	swait.ge [sflag:s31], $0x80  }
0x1d4: {  	[sflag:s31] =	ssyncset.done $0x0  }
0x1d5: {  	s17 =	sadd.s32 s6, s17;
	[sflag:s31] =	ssyncadd.s32 $0xFFFFFF80  }
0x1d6: {  	[tilespmem:s24], [sflag:$0x5] =	stream.linear.gather [hbm4b:s17+s2], $0x80, $0x38;
	[tilespmem:$0x1D340] =	vst v63  }
.Ltmp6:
0x1d7: {  	_ = 	snop;
	(pc) =	sbr.rel .LBB2_3-.Ltmp6, $4  }
0x1d8: {  	_ =	swait.ge [sflag:s31], $0x80  }
0x1d9: {  	[sflag:s31] =	ssyncset.done $0x0  }
0x1da: {  	s10 =	sadd.s32 $0x300, s10;
	[sflag:s31] =	ssyncadd.s32 $0xFFFFFF80  }
0x1db: {  	[tilespmem:s30], [sflag:$0x1] =	stream.indirect.gather [hbm4b:s4+s25], $0x80, s2, s25, $0xb8;
	[tilespmem:$0x1D340] =	vst v63  }
.LBB2_9:
0x1dc: {  	_ =	sfence.sel $0x180000  }
0x1dd: {  	[bflag:$0x0] =	sbarrier.arrive $0xFFFF  }
0x1de: {  	_ =	strace $0x90000047  }
0x1df: {  	s0 =	stileid.u32;
	[bflag:$0x2] =	sbarrier.arrive $0xFFFF  }
0x1e0: {  	p0 =	sne.s32 s0, $0x0;
	s0 =	rddreg [dreg:$0x2]  }
0x1e1: {  	s0 =	sadd.s32 @!p0 $0x100000, s0  }
0x1e2: {  	[sflag:s0] =	ssyncadd.tile.s32 @!p0 $0x1;
	_ =	shalt  }
.Lfunc_end2:
_tile_overlayer_lowered:
.L_overlay_start_2:
0x1e3: {  	(tag) =	ssettag $0x2  }
0x1e4: {  	s0 =	rddreg [dreg:$0x0];
	s2 =	stileid.u32  }
0x1e5: {  	s1 =	rddreg [dreg:$0x1];
	p0 =	sne.s32 s2, $0x0  }
0x1e6: {  	s3 =	rddreg [dreg:$0x2];
	[bflag:$0x3] =	sbarrier.arrive $0xFFFF;
	s2 =	simm.s32 @!p0 $0x1C06  }
0x1e7: {  	[timem:s3], [sflag:s2] =	dma.local @!p0 [hbm:s0], s1  }
0x1e8: {  	s0 =	simm.s32 @!p0 $0x6  }
0x1e9: {  	_ =	swait.ge @!p0 [sflag:s0], s1  }
0x1ea: {  	s1 =	ssub.s32 @!p0 $0x0, s1;
	[sflag:s0] =	ssyncset.done @!p0 $0x0  }
0x1eb: {  	[sflag:s0] =	ssyncadd.s32 @!p0 s1  }
0x1ec: {  	[bflag:$0x3] =	sbarrier.arrive $0xFFFF  }
0x1ed: {  	_ =	shalt  }

</sc_bundles>
